<compile_context>
chip_gen: v7x
topology: tpu7x:2x2x1
jax: 0.10.2.dev20260603
libtpu: 0.0.44.dev20260713+nightly
codegen_flags: <defaults>
</compile_context>

<pallas_src>
import functools

import jax
import jax.numpy as jnp
from jax import lax
from jax.experimental import pallas as pl
from jax.experimental.pallas import tpu as pltpu
from jax.experimental.pallas import tpu_sc as plsc

VOCAB = 100000
EMBED_DIM = 64
BATCH = 4096
HIST_LEN = 50
NC, NS = 2, 16
NW = NC * NS
BT = BATCH // NW
TPAD = BT + 1

_mesh = plsc.VectorSubcoreMesh(core_axis_name="c", subcore_axis_name="s")


@functools.partial(
    pl.kernel,
    out_type=jax.ShapeDtypeStruct((HIST_LEN, 8, NW, 8, BT), jnp.float32),
    mesh=_mesh,
    scratch_types=[
        pltpu.VMEM((BT, HIST_LEN), jnp.int32),
        pltpu.VMEM((HIST_LEN, BT), jnp.int32),
        pltpu.VMEM((6, BT, EMBED_DIM), jnp.float32),
        pltpu.VMEM((6, 8, 8, TPAD), jnp.float32),
        [pltpu.SemaphoreType.DMA] * 6,
        [pltpu.SemaphoreType.DMA] * 6,
    ],
    compiler_params=pltpu.CompilerParams(
        use_tc_tiling_on_sc=False, needs_layout_passes=False),
)
def _sc_gather(table_hbm, idx_hbm, out_hbm, idx_raw_v, idx_v, rows_v, tr_v,
               gsems, osems):
    wid = lax.axis_index("s") * NC + lax.axis_index("c")
    pltpu.sync_copy(idx_hbm.at[pl.ds(wid * BT, BT)], idx_raw_v)
    iota = jnp.arange(16, dtype=jnp.int32)
    egvecs = [(iota + 16 * c) // 8 for c in range(4)]
    esvecs = [(iota + 16 * c) % 8 for c in range(4)]

    @plsc.parallel_loop(0, HIST_LEN, unroll=2)
    def _idx_transpose(h):
        hv = jnp.full((16,), h, jnp.int32)
        for bg in range(8):
            v = plsc.load_gather(idx_raw_v, [iota + 16 * bg, hv])
            idx_v[h, pl.ds(16 * bg, 16)] = v + v

    for j in range(6):
        pltpu.async_copy(table_hbm.at[idx_v.at[j]], rows_v.at[j], gsems[j])

    def step(h, j, static_tail=False):
        pltpu.make_async_copy(
            table_hbm.at[idx_v.at[h]], rows_v.at[j], gsems[j]).wait()

        def _wait_out():
            pltpu.make_async_copy(
                tr_v.at[j, :, :, pl.ds(0, BT)],
                out_hbm.at[0, :, wid], osems[j]).wait()

        if static_tail:
            _wait_out()
        else:
            pl.when(h >= 6)(_wait_out)

        rows_j = rows_v.at[j]

        @plsc.parallel_loop(0, BT, unroll=4)
        def _transpose(r):
            rv = jnp.full((16,), r, jnp.int32)
            for c in range(4):
                v = rows_j[r, pl.ds(16 * c, 16)]
                plsc.store_scatter(
                    tr_v.at[j], [egvecs[c], esvecs[c], rv], v)

        pltpu.async_copy(
            tr_v.at[j, :, :, pl.ds(0, BT)],
            out_hbm.at[h, :, wid], osems[j])

        if not static_tail:
            @pl.when(h < HIST_LEN - 6)
            def _prefetch():
                pltpu.async_copy(
                    table_hbm.at[idx_v.at[h + 6]], rows_v.at[j], gsems[j])

    def block(b, carry):
        for j in range(6):
            step(b * 6 + j, j)
        return carry

    lax.fori_loop(0, (HIST_LEN // 6), block, None)
    for j in range(2):
        step(HIST_LEN - 2 + j, j, static_tail=True)
    for j in range(6):
        pltpu.make_async_copy(
            tr_v.at[j, :, :, pl.ds(0, BT)],
            out_hbm.at[0, :, wid], osems[j]).wait()


def kernel(X, table):
    table_p = jnp.pad(table, ((0, 0), (0, EMBED_DIM))).reshape(
        2 * VOCAB, EMBED_DIM)
    q = _sc_gather(table_p, X.astype(jnp.int32))
    return q.transpose(2, 4, 0, 1, 3).reshape(BATCH, HIST_LEN, EMBED_DIM)

# --- scband reference (transcript-rebuilt; emitter-appended) ---
"""Pipeline reference for scband-embedding-layer-17145509445734 (READ-ONLY COPY).

The authoritative reference and input builder live on the scoring server;
editing this copy changes nothing except your own understanding.
"""

import jax, jax.numpy as jnp
import numpy as np

VOCAB = 100000
EMBED_DIM = 64
BATCH = 4096
HIST_LEN = 50


def setup_inputs(seed: int = 0) -> dict:
    key = jax.random.key(seed)
    k1, k2 = jax.random.split(key)
    # indices: [batch, hist_len], values in [0, vocab)
    X = jax.random.randint(k1, (BATCH, HIST_LEN), 0, VOCAB)
    # learned embedding table, corresponds to embedding_weights in __init__
    table = jax.random.normal(k2, (VOCAB, EMBED_DIM), dtype=jnp.float32) * 0.02
    # padding_idx=0 row conventionally zero
    table = table.at[0].set(0.0)
    return {"X": X, "table": table}


def reference(X, table):
    # nn.Embedding forward: pure row gather from the table
    return jnp.take(table, X, axis=0)

if __name__ == "__main__":
    import jax
    _d = setup_inputs()
    print(jax.jit(kernel)(*tuple(_d.values())))

</pallas_src>

<mosaic_0001>
#map = affine_map<(d0, d1) -> (0, 0)>
#map1 = affine_map<(d0, d1) -> (0, 0, 0, 0, 0)>
module attributes {stable_mosaic.version = 14 : i64} {
  func.func @_sc_gather(%arg0: i32, %arg1: i32, %arg2: memref<200000x64xf32, #tpu.memory_space<hbm>>, %arg3: memref<4096x50xi32, #tpu.memory_space<hbm>>, %arg4: memref<50x8x32x8x128xf32, #tpu.memory_space<hbm>>, %arg5: memref<128x50xi32, #tpu.memory_space<vmem>>, %arg6: memref<50x128xi32, #tpu.memory_space<vmem>>, %arg7: memref<6x128x64xf32, #tpu.memory_space<vmem>>, %arg8: memref<6x8x8x129xf32, #tpu.memory_space<vmem>>, %arg9: memref<!tpu.dma_semaphore, #tpu.memory_space<semaphore_mem>>, %arg10: memref<!tpu.dma_semaphore, #tpu.memory_space<semaphore_mem>>, %arg11: memref<!tpu.dma_semaphore, #tpu.memory_space<semaphore_mem>>, %arg12: memref<!tpu.dma_semaphore, #tpu.memory_space<semaphore_mem>>, %arg13: memref<!tpu.dma_semaphore, #tpu.memory_space<semaphore_mem>>, %arg14: memref<!tpu.dma_semaphore, #tpu.memory_space<semaphore_mem>>, %arg15: memref<!tpu.dma_semaphore, #tpu.memory_space<semaphore_mem>>, %arg16: memref<!tpu.dma_semaphore, #tpu.memory_space<semaphore_mem>>, %arg17: memref<!tpu.dma_semaphore, #tpu.memory_space<semaphore_mem>>, %arg18: memref<!tpu.dma_semaphore, #tpu.memory_space<semaphore_mem>>, %arg19: memref<!tpu.dma_semaphore, #tpu.memory_space<semaphore_mem>>, %arg20: memref<!tpu.dma_semaphore, #tpu.memory_space<semaphore_mem>>) attributes {dimension_semantics = [#tpu.dimension_semantics<core_parallel>, #tpu.dimension_semantics<subcore_parallel>], iteration_bounds = array<i64: 2, 16>, scalar_prefetch = 0 : i64, scratch_operands = 16 : i64, tpu.core_type = #tpu.core_type<sc_vector_subcore>, window_params = [{transform_indices = #map}, {transform_indices = #map}, {transform_indices = #map1}]} {
    %mul3A = arith.constant 2 : i32
    %mul3A_0 = arith.muli %arg1, %mul3A : i32
    %add3A = arith.addi %mul3A_0, %arg0 : i32
    %mul3A_1 = arith.constant 128 : i32
    %mul3A_2 = arith.muli %add3A, %mul3A_1 : i32
    "tpu.region"() ({
      %run_scoped3A = tpu.sem_alloc : memref<!tpu.dma_semaphore, #tpu.memory_space<semaphore_mem>>
      %dma_start3A_557 = arith.constant 0 : i32
      %dma_start3A_558 = tpu.memref_slice %arg3[%mul3A_2, %dma_start3A_557] : memref<4096x50xi32, #tpu.memory_space<hbm>> -> memref<128x50xi32, #tpu.memory_space<hbm>>
      %dma_start3A_559 = arith.constant 0 : i32
      %dma_start3A_560 = tpu.memref_slice %arg3[%mul3A_2, %dma_start3A_559] : memref<4096x50xi32, #tpu.memory_space<hbm>> -> memref<128x50xi32, #tpu.memory_space<hbm>>
      tpu.enqueue_dma source(%dma_start3A_560 : memref<128x50xi32, #tpu.memory_space<hbm>>) target(%arg5 : memref<128x50xi32, #tpu.memory_space<vmem>>) target_semaphore(%run_scoped3A : memref<!tpu.dma_semaphore, #tpu.memory_space<semaphore_mem>>)
      %dma_wait3A_561 = arith.constant 0 : i32
      %dma_wait3A_562 = tpu.memref_slice %arg3[%mul3A_2, %dma_wait3A_561] : memref<4096x50xi32, #tpu.memory_space<hbm>> -> memref<128x50xi32, #tpu.memory_space<hbm>>
      %dma_wait3A_563 = arith.constant 0 : i32
      %dma_wait3A_564 = tpu.memref_slice %arg3[%mul3A_2, %dma_wait3A_563] : memref<4096x50xi32, #tpu.memory_space<hbm>> -> memref<128x50xi32, #tpu.memory_space<hbm>>
      tpu.wait_dma2 semaphore(%run_scoped3A : memref<!tpu.dma_semaphore, #tpu.memory_space<semaphore_mem>>) src(%dma_wait3A_564 : memref<128x50xi32, #tpu.memory_space<hbm>>) dst(%arg5 : memref<128x50xi32, #tpu.memory_space<vmem>>)
      tpu.yield
    }) : () -> ()
    %iota3A = tpu.iota {dimensions = array<i32: 0>} : vector<16xi32>
    %add3A_3 = arith.constant 0 : i32
    %add3A_4 = vector.broadcast %add3A_3 : i32 to vector<16xi32>
    %add3A_5 = arith.addi %iota3A, %add3A_4 : vector<16xi32>
    %jit3A = arith.constant 8 : i32
    %div3A = vector.broadcast %jit3A : i32 to vector<16xi32>
    %div3A_6 = arith.divsi %add3A_5, %div3A : vector<16xi32>
    %sign3A = arith.constant 0 : i32
    %sign3A_7 = vector.broadcast %sign3A : i32 to vector<16xi32>
    %sign3A_8 = arith.cmpi sgt, %add3A_5, %sign3A_7 : vector<16xi32>
    %sign3A_9 = arith.extui %sign3A_8 : vector<16xi1> to vector<16xi32>
    %sign3A_10 = arith.constant 0 : i32
    %sign3A_11 = vector.broadcast %sign3A_10 : i32 to vector<16xi32>
    %sign3A_12 = arith.cmpi slt, %add3A_5, %sign3A_11 : vector<16xi32>
    %sign3A_13 = arith.extui %sign3A_12 : vector<16xi1> to vector<16xi32>
    %sign3A_14 = arith.subi %sign3A_9, %sign3A_13 : vector<16xi32>
    %sign3A_15 = arith.constant 0 : i32
    %sign3A_16 = arith.cmpi sgt, %jit3A, %sign3A_15 : i32
    %sign3A_17 = arith.extui %sign3A_16 : i1 to i32
    %sign3A_18 = arith.constant 0 : i32
    %sign3A_19 = arith.cmpi slt, %jit3A, %sign3A_18 : i32
    %sign3A_20 = arith.extui %sign3A_19 : i1 to i32
    %sign3A_21 = arith.subi %sign3A_17, %sign3A_20 : i32
    %ne3A = vector.broadcast %sign3A_21 : i32 to vector<16xi32>
    %ne3A_22 = arith.cmpi ne, %sign3A_14, %ne3A : vector<16xi32>
    %rem3A = vector.broadcast %jit3A : i32 to vector<16xi32>
    %rem3A_23 = arith.remsi %add3A_5, %rem3A : vector<16xi32>
    %ne3A_24 = arith.constant 0 : i32
    %ne3A_25 = vector.broadcast %ne3A_24 : i32 to vector<16xi32>
    %ne3A_26 = arith.cmpi ne, %rem3A_23, %ne3A_25 : vector<16xi32>
    %and3A = arith.andi %ne3A_22, %ne3A_26 : vector<16xi1>
    %sub3A = arith.constant 1 : i32
    %sub3A_27 = vector.broadcast %sub3A : i32 to vector<16xi32>
    %sub3A_28 = arith.subi %div3A_6, %sub3A_27 : vector<16xi32>
    %select_n3A = arith.select %and3A, %sub3A_28, %div3A_6 : vector<16xi1>, vector<16xi32>
    %add3A_29 = arith.constant 16 : i32
    %add3A_30 = vector.broadcast %add3A_29 : i32 to vector<16xi32>
    %add3A_31 = arith.addi %iota3A, %add3A_30 : vector<16xi32>
    %jit3A_32 = arith.constant 8 : i32
    %div3A_33 = vector.broadcast %jit3A_32 : i32 to vector<16xi32>
    %div3A_34 = arith.divsi %add3A_31, %div3A_33 : vector<16xi32>
    %sign3A_35 = arith.constant 0 : i32
    %sign3A_36 = vector.broadcast %sign3A_35 : i32 to vector<16xi32>
    %sign3A_37 = arith.cmpi sgt, %add3A_31, %sign3A_36 : vector<16xi32>
    %sign3A_38 = arith.extui %sign3A_37 : vector<16xi1> to vector<16xi32>
    %sign3A_39 = arith.constant 0 : i32
    %sign3A_40 = vector.broadcast %sign3A_39 : i32 to vector<16xi32>
    %sign3A_41 = arith.cmpi slt, %add3A_31, %sign3A_40 : vector<16xi32>
    %sign3A_42 = arith.extui %sign3A_41 : vector<16xi1> to vector<16xi32>
    %sign3A_43 = arith.subi %sign3A_38, %sign3A_42 : vector<16xi32>
    %sign3A_44 = arith.constant 0 : i32
    %sign3A_45 = arith.cmpi sgt, %jit3A_32, %sign3A_44 : i32
    %sign3A_46 = arith.extui %sign3A_45 : i1 to i32
    %sign3A_47 = arith.constant 0 : i32
    %sign3A_48 = arith.cmpi slt, %jit3A_32, %sign3A_47 : i32
    %sign3A_49 = arith.extui %sign3A_48 : i1 to i32
    %sign3A_50 = arith.subi %sign3A_46, %sign3A_49 : i32
    %ne3A_51 = vector.broadcast %sign3A_50 : i32 to vector<16xi32>
    %ne3A_52 = arith.cmpi ne, %sign3A_43, %ne3A_51 : vector<16xi32>
    %rem3A_53 = vector.broadcast %jit3A_32 : i32 to vector<16xi32>
    %rem3A_54 = arith.remsi %add3A_31, %rem3A_53 : vector<16xi32>
    %ne3A_55 = arith.constant 0 : i32
    %ne3A_56 = vector.broadcast %ne3A_55 : i32 to vector<16xi32>
    %ne3A_57 = arith.cmpi ne, %rem3A_54, %ne3A_56 : vector<16xi32>
    %and3A_58 = arith.andi %ne3A_52, %ne3A_57 : vector<16xi1>
    %sub3A_59 = arith.constant 1 : i32
    %sub3A_60 = vector.broadcast %sub3A_59 : i32 to vector<16xi32>
    %sub3A_61 = arith.subi %div3A_34, %sub3A_60 : vector<16xi32>
    %select_n3A_62 = arith.select %and3A_58, %sub3A_61, %div3A_34 : vector<16xi1>, vector<16xi32>
    %add3A_63 = arith.constant 32 : i32
    %add3A_64 = vector.broadcast %add3A_63 : i32 to vector<16xi32>
    %add3A_65 = arith.addi %iota3A, %add3A_64 : vector<16xi32>
    %jit3A_66 = arith.constant 8 : i32
    %div3A_67 = vector.broadcast %jit3A_66 : i32 to vector<16xi32>
    %div3A_68 = arith.divsi %add3A_65, %div3A_67 : vector<16xi32>
    %sign3A_69 = arith.constant 0 : i32
    %sign3A_70 = vector.broadcast %sign3A_69 : i32 to vector<16xi32>
    %sign3A_71 = arith.cmpi sgt, %add3A_65, %sign3A_70 : vector<16xi32>
    %sign3A_72 = arith.extui %sign3A_71 : vector<16xi1> to vector<16xi32>
    %sign3A_73 = arith.constant 0 : i32
    %sign3A_74 = vector.broadcast %sign3A_73 : i32 to vector<16xi32>
    %sign3A_75 = arith.cmpi slt, %add3A_65, %sign3A_74 : vector<16xi32>
    %sign3A_76 = arith.extui %sign3A_75 : vector<16xi1> to vector<16xi32>
    %sign3A_77 = arith.subi %sign3A_72, %sign3A_76 : vector<16xi32>
    %sign3A_78 = arith.constant 0 : i32
    %sign3A_79 = arith.cmpi sgt, %jit3A_66, %sign3A_78 : i32
    %sign3A_80 = arith.extui %sign3A_79 : i1 to i32
    %sign3A_81 = arith.constant 0 : i32
    %sign3A_82 = arith.cmpi slt, %jit3A_66, %sign3A_81 : i32
    %sign3A_83 = arith.extui %sign3A_82 : i1 to i32
    %sign3A_84 = arith.subi %sign3A_80, %sign3A_83 : i32
    %ne3A_85 = vector.broadcast %sign3A_84 : i32 to vector<16xi32>
    %ne3A_86 = arith.cmpi ne, %sign3A_77, %ne3A_85 : vector<16xi32>
    %rem3A_87 = vector.broadcast %jit3A_66 : i32 to vector<16xi32>
    %rem3A_88 = arith.remsi %add3A_65, %rem3A_87 : vector<16xi32>
    %ne3A_89 = arith.constant 0 : i32
    %ne3A_90 = vector.broadcast %ne3A_89 : i32 to vector<16xi32>
    %ne3A_91 = arith.cmpi ne, %rem3A_88, %ne3A_90 : vector<16xi32>
    %and3A_92 = arith.andi %ne3A_86, %ne3A_91 : vector<16xi1>
    %sub3A_93 = arith.constant 1 : i32
    %sub3A_94 = vector.broadcast %sub3A_93 : i32 to vector<16xi32>
    %sub3A_95 = arith.subi %div3A_68, %sub3A_94 : vector<16xi32>
    %select_n3A_96 = arith.select %and3A_92, %sub3A_95, %div3A_68 : vector<16xi1>, vector<16xi32>
    %add3A_97 = arith.constant 48 : i32
    %add3A_98 = vector.broadcast %add3A_97 : i32 to vector<16xi32>
    %add3A_99 = arith.addi %iota3A, %add3A_98 : vector<16xi32>
    %jit3A_100 = arith.constant 8 : i32
    %div3A_101 = vector.broadcast %jit3A_100 : i32 to vector<16xi32>
    %div3A_102 = arith.divsi %add3A_99, %div3A_101 : vector<16xi32>
    %sign3A_103 = arith.constant 0 : i32
    %sign3A_104 = vector.broadcast %sign3A_103 : i32 to vector<16xi32>
    %sign3A_105 = arith.cmpi sgt, %add3A_99, %sign3A_104 : vector<16xi32>
    %sign3A_106 = arith.extui %sign3A_105 : vector<16xi1> to vector<16xi32>
    %sign3A_107 = arith.constant 0 : i32
    %sign3A_108 = vector.broadcast %sign3A_107 : i32 to vector<16xi32>
    %sign3A_109 = arith.cmpi slt, %add3A_99, %sign3A_108 : vector<16xi32>
    %sign3A_110 = arith.extui %sign3A_109 : vector<16xi1> to vector<16xi32>
    %sign3A_111 = arith.subi %sign3A_106, %sign3A_110 : vector<16xi32>
    %sign3A_112 = arith.constant 0 : i32
    %sign3A_113 = arith.cmpi sgt, %jit3A_100, %sign3A_112 : i32
    %sign3A_114 = arith.extui %sign3A_113 : i1 to i32
    %sign3A_115 = arith.constant 0 : i32
    %sign3A_116 = arith.cmpi slt, %jit3A_100, %sign3A_115 : i32
    %sign3A_117 = arith.extui %sign3A_116 : i1 to i32
    %sign3A_118 = arith.subi %sign3A_114, %sign3A_117 : i32
    %ne3A_119 = vector.broadcast %sign3A_118 : i32 to vector<16xi32>
    %ne3A_120 = arith.cmpi ne, %sign3A_111, %ne3A_119 : vector<16xi32>
    %rem3A_121 = vector.broadcast %jit3A_100 : i32 to vector<16xi32>
    %rem3A_122 = arith.remsi %add3A_99, %rem3A_121 : vector<16xi32>
    %ne3A_123 = arith.constant 0 : i32
    %ne3A_124 = vector.broadcast %ne3A_123 : i32 to vector<16xi32>
    %ne3A_125 = arith.cmpi ne, %rem3A_122, %ne3A_124 : vector<16xi32>
    %and3A_126 = arith.andi %ne3A_120, %ne3A_125 : vector<16xi1>
    %sub3A_127 = arith.constant 1 : i32
    %sub3A_128 = vector.broadcast %sub3A_127 : i32 to vector<16xi32>
    %sub3A_129 = arith.subi %div3A_102, %sub3A_128 : vector<16xi32>
    %select_n3A_130 = arith.select %and3A_126, %sub3A_129, %div3A_102 : vector<16xi1>, vector<16xi32>
    %add3A_131 = arith.constant 0 : i32
    %add3A_132 = vector.broadcast %add3A_131 : i32 to vector<16xi32>
    %add3A_133 = arith.addi %iota3A, %add3A_132 : vector<16xi32>
    %jit3A_134 = arith.constant 8 : i32
    %eq3A = arith.constant 0 : i32
    %eq3A_135 = arith.cmpi eq, %jit3A_134, %eq3A : i32
    %jit3A_136 = arith.constant 1 : i32
    %select_n3A_137 = arith.select %eq3A_135, %jit3A_136, %jit3A_134 : i32
    %rem3A_138 = vector.broadcast %select_n3A_137 : i32 to vector<16xi32>
    %rem3A_139 = arith.remsi %add3A_133, %rem3A_138 : vector<16xi32>
    %ne3A_140 = arith.constant 0 : i32
    %ne3A_141 = vector.broadcast %ne3A_140 : i32 to vector<16xi32>
    %ne3A_142 = arith.cmpi ne, %rem3A_139, %ne3A_141 : vector<16xi32>
    %lt3A = arith.constant 0 : i32
    %lt3A_143 = vector.broadcast %lt3A : i32 to vector<16xi32>
    %lt3A_144 = arith.cmpi slt, %rem3A_139, %lt3A_143 : vector<16xi32>
    %lt3A_145 = arith.constant 0 : i32
    %lt3A_146 = arith.cmpi slt, %select_n3A_137, %lt3A_145 : i32
    %ne3A_147 = vector.broadcast %lt3A_146 : i1 to vector<16xi1>
    %ne3A_148 = vector.broadcast %ne3A_147 : vector<16xi1> to vector<16xi1>
    %ne3A_149 = arith.xori %lt3A_144, %ne3A_148 : vector<16xi1>
    %and3A_150 = arith.andi %ne3A_149, %ne3A_142 : vector<16xi1>
    %add3A_151 = vector.broadcast %select_n3A_137 : i32 to vector<16xi32>
    %add3A_152 = arith.addi %rem3A_139, %add3A_151 : vector<16xi32>
    %select_n3A_153 = arith.select %and3A_150, %add3A_152, %rem3A_139 : vector<16xi1>, vector<16xi32>
    %add3A_154 = arith.constant 16 : i32
    %add3A_155 = vector.broadcast %add3A_154 : i32 to vector<16xi32>
    %add3A_156 = arith.addi %iota3A, %add3A_155 : vector<16xi32>
    %jit3A_157 = arith.constant 8 : i32
    %eq3A_158 = arith.constant 0 : i32
    %eq3A_159 = arith.cmpi eq, %jit3A_157, %eq3A_158 : i32
    %jit3A_160 = arith.constant 1 : i32
    %select_n3A_161 = arith.select %eq3A_159, %jit3A_160, %jit3A_157 : i32
    %rem3A_162 = vector.broadcast %select_n3A_161 : i32 to vector<16xi32>
    %rem3A_163 = arith.remsi %add3A_156, %rem3A_162 : vector<16xi32>
    %ne3A_164 = arith.constant 0 : i32
    %ne3A_165 = vector.broadcast %ne3A_164 : i32 to vector<16xi32>
    %ne3A_166 = arith.cmpi ne, %rem3A_163, %ne3A_165 : vector<16xi32>
    %lt3A_167 = arith.constant 0 : i32
    %lt3A_168 = vector.broadcast %lt3A_167 : i32 to vector<16xi32>
    %lt3A_169 = arith.cmpi slt, %rem3A_163, %lt3A_168 : vector<16xi32>
    %lt3A_170 = arith.constant 0 : i32
    %lt3A_171 = arith.cmpi slt, %select_n3A_161, %lt3A_170 : i32
    %ne3A_172 = vector.broadcast %lt3A_171 : i1 to vector<16xi1>
    %ne3A_173 = vector.broadcast %ne3A_172 : vector<16xi1> to vector<16xi1>
    %ne3A_174 = arith.xori %lt3A_169, %ne3A_173 : vector<16xi1>
    %and3A_175 = arith.andi %ne3A_174, %ne3A_166 : vector<16xi1>
    %add3A_176 = vector.broadcast %select_n3A_161 : i32 to vector<16xi32>
    %add3A_177 = arith.addi %rem3A_163, %add3A_176 : vector<16xi32>
    %select_n3A_178 = arith.select %and3A_175, %add3A_177, %rem3A_163 : vector<16xi1>, vector<16xi32>
    %add3A_179 = arith.constant 32 : i32
    %add3A_180 = vector.broadcast %add3A_179 : i32 to vector<16xi32>
    %add3A_181 = arith.addi %iota3A, %add3A_180 : vector<16xi32>
    %jit3A_182 = arith.constant 8 : i32
    %eq3A_183 = arith.constant 0 : i32
    %eq3A_184 = arith.cmpi eq, %jit3A_182, %eq3A_183 : i32
    %jit3A_185 = arith.constant 1 : i32
    %select_n3A_186 = arith.select %eq3A_184, %jit3A_185, %jit3A_182 : i32
    %rem3A_187 = vector.broadcast %select_n3A_186 : i32 to vector<16xi32>
    %rem3A_188 = arith.remsi %add3A_181, %rem3A_187 : vector<16xi32>
    %ne3A_189 = arith.constant 0 : i32
    %ne3A_190 = vector.broadcast %ne3A_189 : i32 to vector<16xi32>
    %ne3A_191 = arith.cmpi ne, %rem3A_188, %ne3A_190 : vector<16xi32>
    %lt3A_192 = arith.constant 0 : i32
    %lt3A_193 = vector.broadcast %lt3A_192 : i32 to vector<16xi32>
    %lt3A_194 = arith.cmpi slt, %rem3A_188, %lt3A_193 : vector<16xi32>
    %lt3A_195 = arith.constant 0 : i32
    %lt3A_196 = arith.cmpi slt, %select_n3A_186, %lt3A_195 : i32
    %ne3A_197 = vector.broadcast %lt3A_196 : i1 to vector<16xi1>
    %ne3A_198 = vector.broadcast %ne3A_197 : vector<16xi1> to vector<16xi1>
    %ne3A_199 = arith.xori %lt3A_194, %ne3A_198 : vector<16xi1>
    %and3A_200 = arith.andi %ne3A_199, %ne3A_191 : vector<16xi1>
    %add3A_201 = vector.broadcast %select_n3A_186 : i32 to vector<16xi32>
    %add3A_202 = arith.addi %rem3A_188, %add3A_201 : vector<16xi32>
    %select_n3A_203 = arith.select %and3A_200, %add3A_202, %rem3A_188 : vector<16xi1>, vector<16xi32>
    %add3A_204 = arith.constant 48 : i32
    %add3A_205 = vector.broadcast %add3A_204 : i32 to vector<16xi32>
    %add3A_206 = arith.addi %iota3A, %add3A_205 : vector<16xi32>
    %jit3A_207 = arith.constant 8 : i32
    %eq3A_208 = arith.constant 0 : i32
    %eq3A_209 = arith.cmpi eq, %jit3A_207, %eq3A_208 : i32
    %jit3A_210 = arith.constant 1 : i32
    %select_n3A_211 = arith.select %eq3A_209, %jit3A_210, %jit3A_207 : i32
    %rem3A_212 = vector.broadcast %select_n3A_211 : i32 to vector<16xi32>
    %rem3A_213 = arith.remsi %add3A_206, %rem3A_212 : vector<16xi32>
    %ne3A_214 = arith.constant 0 : i32
    %ne3A_215 = vector.broadcast %ne3A_214 : i32 to vector<16xi32>
    %ne3A_216 = arith.cmpi ne, %rem3A_213, %ne3A_215 : vector<16xi32>
    %lt3A_217 = arith.constant 0 : i32
    %lt3A_218 = vector.broadcast %lt3A_217 : i32 to vector<16xi32>
    %lt3A_219 = arith.cmpi slt, %rem3A_213, %lt3A_218 : vector<16xi32>
    %lt3A_220 = arith.constant 0 : i32
    %lt3A_221 = arith.cmpi slt, %select_n3A_211, %lt3A_220 : i32
    %ne3A_222 = vector.broadcast %lt3A_221 : i1 to vector<16xi1>
    %ne3A_223 = vector.broadcast %ne3A_222 : vector<16xi1> to vector<16xi1>
    %ne3A_224 = arith.xori %lt3A_219, %ne3A_223 : vector<16xi1>
    %and3A_225 = arith.andi %ne3A_224, %ne3A_216 : vector<16xi1>
    %add3A_226 = vector.broadcast %select_n3A_211 : i32 to vector<16xi32>
    %add3A_227 = arith.addi %rem3A_213, %add3A_226 : vector<16xi32>
    %select_n3A_228 = arith.select %and3A_225, %add3A_227, %rem3A_213 : vector<16xi1>, vector<16xi32>
    %parallel_loop3A = arith.constant 0 : i32
    %parallel_loop3A_229 = arith.constant 50 : i32
    %parallel_loop3A_230 = arith.constant 1 : i32
    scf.for %parallel_loop3A_557 = %parallel_loop3A to %parallel_loop3A_229 step %parallel_loop3A_230  : i32 {
      %parallel_loop3A_558 = vector.broadcast %parallel_loop3A_557 : i32 to vector<16xi32>
      %parallel_loop3A_559 = arith.constant 0 : i32
      %parallel_loop3A_560 = vector.broadcast %parallel_loop3A_559 : i32 to vector<16xi32>
      %parallel_loop3A_561 = arith.addi %iota3A, %parallel_loop3A_560 : vector<16xi32>
      %parallel_loop3A_562 = tpu.vector_load_idx %arg5[%parallel_loop3A_561, %parallel_loop3A_558] : memref<128x50xi32, #tpu.memory_space<vmem>>[vector<16xi32>, vector<16xi32>], vector<16xi32>,
      %parallel_loop3A_563 = arith.addi %parallel_loop3A_562, %parallel_loop3A_562 : vector<16xi32>
      %parallel_loop3A_564 = arith.index_cast %parallel_loop3A_557 : i32 to index
      %parallel_loop3A_565 = arith.constant 0 : index
      %parallel_loop3A_566 = tpu.vector_load %arg6[%parallel_loop3A_564, %parallel_loop3A_565] {strides = array<i32>} : memref<50x128xi32, #tpu.memory_space<vmem>>, vector<16xi32>,
      tpu.vector_store %arg6[%parallel_loop3A_564, %parallel_loop3A_565], %parallel_loop3A_563 {strides = array<i32>} : memref<50x128xi32, #tpu.memory_space<vmem>>, vector<16xi32>,
      %parallel_loop3A_567 = arith.constant 16 : i32
      %parallel_loop3A_568 = vector.broadcast %parallel_loop3A_567 : i32 to vector<16xi32>
      %parallel_loop3A_569 = arith.addi %iota3A, %parallel_loop3A_568 : vector<16xi32>
      %parallel_loop3A_570 = tpu.vector_load_idx %arg5[%parallel_loop3A_569, %parallel_loop3A_558] : memref<128x50xi32, #tpu.memory_space<vmem>>[vector<16xi32>, vector<16xi32>], vector<16xi32>,
      %parallel_loop3A_571 = arith.addi %parallel_loop3A_570, %parallel_loop3A_570 : vector<16xi32>
      %parallel_loop3A_572 = arith.index_cast %parallel_loop3A_557 : i32 to index
      %parallel_loop3A_573 = arith.constant 16 : index
      %parallel_loop3A_574 = tpu.vector_load %arg6[%parallel_loop3A_572, %parallel_loop3A_573] {strides = array<i32>} : memref<50x128xi32, #tpu.memory_space<vmem>>, vector<16xi32>,
      tpu.vector_store %arg6[%parallel_loop3A_572, %parallel_loop3A_573], %parallel_loop3A_571 {strides = array<i32>} : memref<50x128xi32, #tpu.memory_space<vmem>>, vector<16xi32>,
      %parallel_loop3A_575 = arith.constant 32 : i32
      %parallel_loop3A_576 = vector.broadcast %parallel_loop3A_575 : i32 to vector<16xi32>
      %parallel_loop3A_577 = arith.addi %iota3A, %parallel_loop3A_576 : vector<16xi32>
      %parallel_loop3A_578 = tpu.vector_load_idx %arg5[%parallel_loop3A_577, %parallel_loop3A_558] : memref<128x50xi32, #tpu.memory_space<vmem>>[vector<16xi32>, vector<16xi32>], vector<16xi32>,
      %parallel_loop3A_579 = arith.addi %parallel_loop3A_578, %parallel_loop3A_578 : vector<16xi32>
      %parallel_loop3A_580 = arith.index_cast %parallel_loop3A_557 : i32 to index
      %parallel_loop3A_581 = arith.constant 32 : index
      %parallel_loop3A_582 = tpu.vector_load %arg6[%parallel_loop3A_580, %parallel_loop3A_581] {strides = array<i32>} : memref<50x128xi32, #tpu.memory_space<vmem>>, vector<16xi32>,
      tpu.vector_store %arg6[%parallel_loop3A_580, %parallel_loop3A_581], %parallel_loop3A_579 {strides = array<i32>} : memref<50x128xi32, #tpu.memory_space<vmem>>, vector<16xi32>,
      %parallel_loop3A_583 = arith.constant 48 : i32
      %parallel_loop3A_584 = vector.broadcast %parallel_loop3A_583 : i32 to vector<16xi32>
      %parallel_loop3A_585 = arith.addi %iota3A, %parallel_loop3A_584 : vector<16xi32>
      %parallel_loop3A_586 = tpu.vector_load_idx %arg5[%parallel_loop3A_585, %parallel_loop3A_558] : memref<128x50xi32, #tpu.memory_space<vmem>>[vector<16xi32>, vector<16xi32>], vector<16xi32>,
      %parallel_loop3A_587 = arith.addi %parallel_loop3A_586, %parallel_loop3A_586 : vector<16xi32>
      %parallel_loop3A_588 = arith.index_cast %parallel_loop3A_557 : i32 to index
      %parallel_loop3A_589 = arith.constant 48 : index
      %parallel_loop3A_590 = tpu.vector_load %arg6[%parallel_loop3A_588, %parallel_loop3A_589] {strides = array<i32>} : memref<50x128xi32, #tpu.memory_space<vmem>>, vector<16xi32>,
      tpu.vector_store %arg6[%parallel_loop3A_588, %parallel_loop3A_589], %parallel_loop3A_587 {strides = array<i32>} : memref<50x128xi32, #tpu.memory_space<vmem>>, vector<16xi32>,
      %parallel_loop3A_591 = arith.constant 64 : i32
      %parallel_loop3A_592 = vector.broadcast %parallel_loop3A_591 : i32 to vector<16xi32>
      %parallel_loop3A_593 = arith.addi %iota3A, %parallel_loop3A_592 : vector<16xi32>
      %parallel_loop3A_594 = tpu.vector_load_idx %arg5[%parallel_loop3A_593, %parallel_loop3A_558] : memref<128x50xi32, #tpu.memory_space<vmem>>[vector<16xi32>, vector<16xi32>], vector<16xi32>,
      %parallel_loop3A_595 = arith.addi %parallel_loop3A_594, %parallel_loop3A_594 : vector<16xi32>
      %parallel_loop3A_596 = arith.index_cast %parallel_loop3A_557 : i32 to index
      %parallel_loop3A_597 = arith.constant 64 : index
      %parallel_loop3A_598 = tpu.vector_load %arg6[%parallel_loop3A_596, %parallel_loop3A_597] {strides = array<i32>} : memref<50x128xi32, #tpu.memory_space<vmem>>, vector<16xi32>,
      tpu.vector_store %arg6[%parallel_loop3A_596, %parallel_loop3A_597], %parallel_loop3A_595 {strides = array<i32>} : memref<50x128xi32, #tpu.memory_space<vmem>>, vector<16xi32>,
      %parallel_loop3A_599 = arith.constant 80 : i32
      %parallel_loop3A_600 = vector.broadcast %parallel_loop3A_599 : i32 to vector<16xi32>
      %parallel_loop3A_601 = arith.addi %iota3A, %parallel_loop3A_600 : vector<16xi32>
      %parallel_loop3A_602 = tpu.vector_load_idx %arg5[%parallel_loop3A_601, %parallel_loop3A_558] : memref<128x50xi32, #tpu.memory_space<vmem>>[vector<16xi32>, vector<16xi32>], vector<16xi32>,
      %parallel_loop3A_603 = arith.addi %parallel_loop3A_602, %parallel_loop3A_602 : vector<16xi32>
      %parallel_loop3A_604 = arith.index_cast %parallel_loop3A_557 : i32 to index
      %parallel_loop3A_605 = arith.constant 80 : index
      %parallel_loop3A_606 = tpu.vector_load %arg6[%parallel_loop3A_604, %parallel_loop3A_605] {strides = array<i32>} : memref<50x128xi32, #tpu.memory_space<vmem>>, vector<16xi32>,
      tpu.vector_store %arg6[%parallel_loop3A_604, %parallel_loop3A_605], %parallel_loop3A_603 {strides = array<i32>} : memref<50x128xi32, #tpu.memory_space<vmem>>, vector<16xi32>,
      %parallel_loop3A_607 = arith.constant 96 : i32
      %parallel_loop3A_608 = vector.broadcast %parallel_loop3A_607 : i32 to vector<16xi32>
      %parallel_loop3A_609 = arith.addi %iota3A, %parallel_loop3A_608 : vector<16xi32>
      %parallel_loop3A_610 = tpu.vector_load_idx %arg5[%parallel_loop3A_609, %parallel_loop3A_558] : memref<128x50xi32, #tpu.memory_space<vmem>>[vector<16xi32>, vector<16xi32>], vector<16xi32>,
      %parallel_loop3A_611 = arith.addi %parallel_loop3A_610, %parallel_loop3A_610 : vector<16xi32>
      %parallel_loop3A_612 = arith.index_cast %parallel_loop3A_557 : i32 to index
      %parallel_loop3A_613 = arith.constant 96 : index
      %parallel_loop3A_614 = tpu.vector_load %arg6[%parallel_loop3A_612, %parallel_loop3A_613] {strides = array<i32>} : memref<50x128xi32, #tpu.memory_space<vmem>>, vector<16xi32>,
      tpu.vector_store %arg6[%parallel_loop3A_612, %parallel_loop3A_613], %parallel_loop3A_611 {strides = array<i32>} : memref<50x128xi32, #tpu.memory_space<vmem>>, vector<16xi32>,
      %parallel_loop3A_615 = arith.constant 112 : i32
      %parallel_loop3A_616 = vector.broadcast %parallel_loop3A_615 : i32 to vector<16xi32>
      %parallel_loop3A_617 = arith.addi %iota3A, %parallel_loop3A_616 : vector<16xi32>
      %parallel_loop3A_618 = tpu.vector_load_idx %arg5[%parallel_loop3A_617, %parallel_loop3A_558] : memref<128x50xi32, #tpu.memory_space<vmem>>[vector<16xi32>, vector<16xi32>], vector<16xi32>,
      %parallel_loop3A_619 = arith.addi %parallel_loop3A_618, %parallel_loop3A_618 : vector<16xi32>
      %parallel_loop3A_620 = arith.index_cast %parallel_loop3A_557 : i32 to index
      %parallel_loop3A_621 = arith.constant 112 : index
      %parallel_loop3A_622 = tpu.vector_load %arg6[%parallel_loop3A_620, %parallel_loop3A_621] {strides = array<i32>} : memref<50x128xi32, #tpu.memory_space<vmem>>, vector<16xi32>,
      tpu.vector_store %arg6[%parallel_loop3A_620, %parallel_loop3A_621], %parallel_loop3A_619 {strides = array<i32>} : memref<50x128xi32, #tpu.memory_space<vmem>>, vector<16xi32>,
    } {sc.loop_unroll_factor = 2 : i64, sc.parallel_access}
    %dma_start3A = arith.constant 0 : i32
    %dma_start3A_231 = arith.constant 0 : i32
    %dma_start3A_232 = arith.constant 0 : i32
    %dma_start3A_233 = arith.constant 0 : i32
    %dma_start3A_234 = tpu.memref_slice %arg7[%dma_start3A_231, %dma_start3A_232, %dma_start3A_233] : memref<6x128x64xf32, #tpu.memory_space<vmem>> -> memref<1x128x64xf32, #tpu.memory_space<vmem>>
    %dma_start3A_235 = tpu.memref_squeeze %dma_start3A_234 : memref<1x128x64xf32, #tpu.memory_space<vmem>> -> memref<128x64xf32, #tpu.memory_space<vmem>>
    %dma_start3A_236 = arith.constant 0 : i32
    %dma_start3A_237 = tpu.memref_slice %arg6[%dma_start3A, %dma_start3A_236] : memref<50x128xi32, #tpu.memory_space<vmem>> -> memref<1x128xi32, #tpu.memory_space<vmem>>
    %dma_start3A_238 = tpu.memref_squeeze %dma_start3A_237 : memref<1x128xi32, #tpu.memory_space<vmem>> -> memref<128xi32, #tpu.memory_space<vmem>>
    %dma_start3A_239 = arith.constant 0 : i32
    %dma_start3A_240 = arith.constant 0 : i32
    %dma_start3A_241 = tpu.memref_slice %arg2[%dma_start3A_239, %dma_start3A_240] : memref<200000x64xf32, #tpu.memory_space<hbm>> -> memref<200000x64xf32, #tpu.memory_space<hbm>>
    tpu.enqueue_indirect_dma source(%dma_start3A_241 : memref<200000x64xf32, #tpu.memory_space<hbm>>) target(%dma_start3A_235 : memref<128x64xf32, #tpu.memory_space<vmem>>) offsets(%dma_start3A_238 : memref<128xi32, #tpu.memory_space<vmem>>) semaphore(%arg9 : memref<!tpu.dma_semaphore, #tpu.memory_space<semaphore_mem>>)
    %dma_start3A_242 = arith.constant 1 : i32
    %dma_start3A_243 = arith.constant 1 : i32
    %dma_start3A_244 = arith.constant 0 : i32
    %dma_start3A_245 = arith.constant 0 : i32
    %dma_start3A_246 = tpu.memref_slice %arg7[%dma_start3A_243, %dma_start3A_244, %dma_start3A_245] : memref<6x128x64xf32, #tpu.memory_space<vmem>> -> memref<1x128x64xf32, #tpu.memory_space<vmem>>
    %dma_start3A_247 = tpu.memref_squeeze %dma_start3A_246 : memref<1x128x64xf32, #tpu.memory_space<vmem>> -> memref<128x64xf32, #tpu.memory_space<vmem>>
    %dma_start3A_248 = arith.constant 0 : i32
    %dma_start3A_249 = tpu.memref_slice %arg6[%dma_start3A_242, %dma_start3A_248] : memref<50x128xi32, #tpu.memory_space<vmem>> -> memref<1x128xi32, #tpu.memory_space<vmem>>
    %dma_start3A_250 = tpu.memref_squeeze %dma_start3A_249 : memref<1x128xi32, #tpu.memory_space<vmem>> -> memref<128xi32, #tpu.memory_space<vmem>>
    %dma_start3A_251 = arith.constant 0 : i32
    %dma_start3A_252 = arith.constant 0 : i32
    %dma_start3A_253 = tpu.memref_slice %arg2[%dma_start3A_251, %dma_start3A_252] : memref<200000x64xf32, #tpu.memory_space<hbm>> -> memref<200000x64xf32, #tpu.memory_space<hbm>>
    tpu.enqueue_indirect_dma source(%dma_start3A_253 : memref<200000x64xf32, #tpu.memory_space<hbm>>) target(%dma_start3A_247 : memref<128x64xf32, #tpu.memory_space<vmem>>) offsets(%dma_start3A_250 : memref<128xi32, #tpu.memory_space<vmem>>) semaphore(%arg10 : memref<!tpu.dma_semaphore, #tpu.memory_space<semaphore_mem>>)
    %dma_start3A_254 = arith.constant 2 : i32
    %dma_start3A_255 = arith.constant 2 : i32
    %dma_start3A_256 = arith.constant 0 : i32
    %dma_start3A_257 = arith.constant 0 : i32
    %dma_start3A_258 = tpu.memref_slice %arg7[%dma_start3A_255, %dma_start3A_256, %dma_start3A_257] : memref<6x128x64xf32, #tpu.memory_space<vmem>> -> memref<1x128x64xf32, #tpu.memory_space<vmem>>
    %dma_start3A_259 = tpu.memref_squeeze %dma_start3A_258 : memref<1x128x64xf32, #tpu.memory_space<vmem>> -> memref<128x64xf32, #tpu.memory_space<vmem>>
    %dma_start3A_260 = arith.constant 0 : i32
    %dma_start3A_261 = tpu.memref_slice %arg6[%dma_start3A_254, %dma_start3A_260] : memref<50x128xi32, #tpu.memory_space<vmem>> -> memref<1x128xi32, #tpu.memory_space<vmem>>
    %dma_start3A_262 = tpu.memref_squeeze %dma_start3A_261 : memref<1x128xi32, #tpu.memory_space<vmem>> -> memref<128xi32, #tpu.memory_space<vmem>>
    %dma_start3A_263 = arith.constant 0 : i32
    %dma_start3A_264 = arith.constant 0 : i32
    %dma_start3A_265 = tpu.memref_slice %arg2[%dma_start3A_263, %dma_start3A_264] : memref<200000x64xf32, #tpu.memory_space<hbm>> -> memref<200000x64xf32, #tpu.memory_space<hbm>>
    tpu.enqueue_indirect_dma source(%dma_start3A_265 : memref<200000x64xf32, #tpu.memory_space<hbm>>) target(%dma_start3A_259 : memref<128x64xf32, #tpu.memory_space<vmem>>) offsets(%dma_start3A_262 : memref<128xi32, #tpu.memory_space<vmem>>) semaphore(%arg11 : memref<!tpu.dma_semaphore, #tpu.memory_space<semaphore_mem>>)
    %dma_start3A_266 = arith.constant 3 : i32
    %dma_start3A_267 = arith.constant 3 : i32
    %dma_start3A_268 = arith.constant 0 : i32
    %dma_start3A_269 = arith.constant 0 : i32
    %dma_start3A_270 = tpu.memref_slice %arg7[%dma_start3A_267, %dma_start3A_268, %dma_start3A_269] : memref<6x128x64xf32, #tpu.memory_space<vmem>> -> memref<1x128x64xf32, #tpu.memory_space<vmem>>
    %dma_start3A_271 = tpu.memref_squeeze %dma_start3A_270 : memref<1x128x64xf32, #tpu.memory_space<vmem>> -> memref<128x64xf32, #tpu.memory_space<vmem>>
    %dma_start3A_272 = arith.constant 0 : i32
    %dma_start3A_273 = tpu.memref_slice %arg6[%dma_start3A_266, %dma_start3A_272] : memref<50x128xi32, #tpu.memory_space<vmem>> -> memref<1x128xi32, #tpu.memory_space<vmem>>
    %dma_start3A_274 = tpu.memref_squeeze %dma_start3A_273 : memref<1x128xi32, #tpu.memory_space<vmem>> -> memref<128xi32, #tpu.memory_space<vmem>>
    %dma_start3A_275 = arith.constant 0 : i32
    %dma_start3A_276 = arith.constant 0 : i32
    %dma_start3A_277 = tpu.memref_slice %arg2[%dma_start3A_275, %dma_start3A_276] : memref<200000x64xf32, #tpu.memory_space<hbm>> -> memref<200000x64xf32, #tpu.memory_space<hbm>>
    tpu.enqueue_indirect_dma source(%dma_start3A_277 : memref<200000x64xf32, #tpu.memory_space<hbm>>) target(%dma_start3A_271 : memref<128x64xf32, #tpu.memory_space<vmem>>) offsets(%dma_start3A_274 : memref<128xi32, #tpu.memory_space<vmem>>) semaphore(%arg12 : memref<!tpu.dma_semaphore, #tpu.memory_space<semaphore_mem>>)
    %dma_start3A_278 = arith.constant 4 : i32
    %dma_start3A_279 = arith.constant 4 : i32
    %dma_start3A_280 = arith.constant 0 : i32
    %dma_start3A_281 = arith.constant 0 : i32
    %dma_start3A_282 = tpu.memref_slice %arg7[%dma_start3A_279, %dma_start3A_280, %dma_start3A_281] : memref<6x128x64xf32, #tpu.memory_space<vmem>> -> memref<1x128x64xf32, #tpu.memory_space<vmem>>
    %dma_start3A_283 = tpu.memref_squeeze %dma_start3A_282 : memref<1x128x64xf32, #tpu.memory_space<vmem>> -> memref<128x64xf32, #tpu.memory_space<vmem>>
    %dma_start3A_284 = arith.constant 0 : i32
    %dma_start3A_285 = tpu.memref_slice %arg6[%dma_start3A_278, %dma_start3A_284] : memref<50x128xi32, #tpu.memory_space<vmem>> -> memref<1x128xi32, #tpu.memory_space<vmem>>
    %dma_start3A_286 = tpu.memref_squeeze %dma_start3A_285 : memref<1x128xi32, #tpu.memory_space<vmem>> -> memref<128xi32, #tpu.memory_space<vmem>>
    %dma_start3A_287 = arith.constant 0 : i32
    %dma_start3A_288 = arith.constant 0 : i32
    %dma_start3A_289 = tpu.memref_slice %arg2[%dma_start3A_287, %dma_start3A_288] : memref<200000x64xf32, #tpu.memory_space<hbm>> -> memref<200000x64xf32, #tpu.memory_space<hbm>>
    tpu.enqueue_indirect_dma source(%dma_start3A_289 : memref<200000x64xf32, #tpu.memory_space<hbm>>) target(%dma_start3A_283 : memref<128x64xf32, #tpu.memory_space<vmem>>) offsets(%dma_start3A_286 : memref<128xi32, #tpu.memory_space<vmem>>) semaphore(%arg13 : memref<!tpu.dma_semaphore, #tpu.memory_space<semaphore_mem>>)
    %dma_start3A_290 = arith.constant 5 : i32
    %dma_start3A_291 = arith.constant 5 : i32
    %dma_start3A_292 = arith.constant 0 : i32
    %dma_start3A_293 = arith.constant 0 : i32
    %dma_start3A_294 = tpu.memref_slice %arg7[%dma_start3A_291, %dma_start3A_292, %dma_start3A_293] : memref<6x128x64xf32, #tpu.memory_space<vmem>> -> memref<1x128x64xf32, #tpu.memory_space<vmem>>
    %dma_start3A_295 = tpu.memref_squeeze %dma_start3A_294 : memref<1x128x64xf32, #tpu.memory_space<vmem>> -> memref<128x64xf32, #tpu.memory_space<vmem>>
    %dma_start3A_296 = arith.constant 0 : i32
    %dma_start3A_297 = tpu.memref_slice %arg6[%dma_start3A_290, %dma_start3A_296] : memref<50x128xi32, #tpu.memory_space<vmem>> -> memref<1x128xi32, #tpu.memory_space<vmem>>
    %dma_start3A_298 = tpu.memref_squeeze %dma_start3A_297 : memref<1x128xi32, #tpu.memory_space<vmem>> -> memref<128xi32, #tpu.memory_space<vmem>>
    %dma_start3A_299 = arith.constant 0 : i32
    %dma_start3A_300 = arith.constant 0 : i32
    %dma_start3A_301 = tpu.memref_slice %arg2[%dma_start3A_299, %dma_start3A_300] : memref<200000x64xf32, #tpu.memory_space<hbm>> -> memref<200000x64xf32, #tpu.memory_space<hbm>>
    tpu.enqueue_indirect_dma source(%dma_start3A_301 : memref<200000x64xf32, #tpu.memory_space<hbm>>) target(%dma_start3A_295 : memref<128x64xf32, #tpu.memory_space<vmem>>) offsets(%dma_start3A_298 : memref<128xi32, #tpu.memory_space<vmem>>) semaphore(%arg14 : memref<!tpu.dma_semaphore, #tpu.memory_space<semaphore_mem>>)
    %scan3A = arith.constant 0 : i32
    %scan3A_302 = arith.constant 8 : i32
    %scan3A_303 = arith.addi %scan3A, %scan3A_302 : i32
    %scan3A_304 = arith.constant 1 : i32
    scf.for %scan3A_557 = %scan3A to %scan3A_303 step %scan3A_304  : i32 {
      %mul3A_558 = arith.constant 6 : i32
      %mul3A_559 = arith.muli %scan3A_557, %mul3A_558 : i32
      %add3A_560 = arith.constant 0 : i32
      %add3A_561 = arith.addi %mul3A_559, %add3A_560 : i32
      %dma_wait3A_562 = arith.constant 0 : i32
      %dma_wait3A_563 = arith.constant 0 : i32
      %dma_wait3A_564 = arith.constant 0 : i32
      %dma_wait3A_565 = tpu.memref_slice %arg7[%dma_wait3A_562, %dma_wait3A_563, %dma_wait3A_564] : memref<6x128x64xf32, #tpu.memory_space<vmem>> -> memref<1x128x64xf32, #tpu.memory_space<vmem>>
      %dma_wait3A_566 = tpu.memref_squeeze %dma_wait3A_565 : memref<1x128x64xf32, #tpu.memory_space<vmem>> -> memref<128x64xf32, #tpu.memory_space<vmem>>
      %dma_wait3A_567 = arith.constant 0 : i32
      %dma_wait3A_568 = tpu.memref_slice %arg6[%add3A_561, %dma_wait3A_567] : memref<50x128xi32, #tpu.memory_space<vmem>> -> memref<1x128xi32, #tpu.memory_space<vmem>>
      %dma_wait3A_569 = tpu.memref_squeeze %dma_wait3A_568 : memref<1x128xi32, #tpu.memory_space<vmem>> -> memref<128xi32, #tpu.memory_space<vmem>>
      %dma_wait3A_570 = arith.constant 0 : i32
      %dma_wait3A_571 = arith.constant 0 : i32
      %dma_wait3A_572 = tpu.memref_slice %arg2[%dma_wait3A_570, %dma_wait3A_571] : memref<200000x64xf32, #tpu.memory_space<hbm>> -> memref<200000x64xf32, #tpu.memory_space<hbm>>
      tpu.wait_indirect_dma semaphore(%arg9 : memref<!tpu.dma_semaphore, #tpu.memory_space<semaphore_mem>>) src(%dma_wait3A_572 : memref<200000x64xf32, #tpu.memory_space<hbm>>) dst(%dma_wait3A_566 : memref<128x64xf32, #tpu.memory_space<vmem>>)
      %ge3A = arith.constant 6 : i32
      %ge3A_573 = arith.cmpi sge, %add3A_561, %ge3A : i32
      %convert_element_type3A = arith.extui %ge3A_573 : i1 to i32
      %cond3A = arith.constant 0 : i32
      %cond3A_574 = arith.cmpi ne, %convert_element_type3A, %cond3A : i32
      scf.if %cond3A_574 {
        %dma_wait3A_855 = arith.constant 0 : i32
        %dma_wait3A_856 = arith.constant 0 : i32
        %dma_wait3A_857 = arith.constant 0 : i32
        %dma_wait3A_858 = arith.constant 0 : i32
        %dma_wait3A_859 = arith.constant 0 : i32
        %dma_wait3A_860 = tpu.memref_slice %arg8[%dma_wait3A_855, %dma_wait3A_857, %dma_wait3A_858, %dma_wait3A_859] : memref<6x8x8x129xf32, #tpu.memory_space<vmem>> -> memref<1x8x8x128xf32, #tpu.memory_space<vmem>>
        %dma_wait3A_861 = tpu.memref_squeeze %dma_wait3A_860 : memref<1x8x8x128xf32, #tpu.memory_space<vmem>> -> memref<8x8x128xf32, #tpu.memory_space<vmem>>
        %dma_wait3A_862 = arith.constant 0 : i32
        %dma_wait3A_863 = arith.constant 0 : i32
        %dma_wait3A_864 = arith.constant 0 : i32
        %dma_wait3A_865 = tpu.memref_slice %arg4[%dma_wait3A_856, %dma_wait3A_862, %add3A, %dma_wait3A_863, %dma_wait3A_864] : memref<50x8x32x8x128xf32, #tpu.memory_space<hbm>> -> memref<1x8x1x8x128xf32, #tpu.memory_space<hbm>>
        %dma_wait3A_866 = tpu.memref_squeeze %dma_wait3A_865 : memref<1x8x1x8x128xf32, #tpu.memory_space<hbm>> -> memref<8x8x128xf32, #tpu.memory_space<hbm>>
        %dma_wait3A_867 = arith.constant 0 : i32
        %dma_wait3A_868 = arith.constant 0 : i32
        %dma_wait3A_869 = arith.constant 0 : i32
        %dma_wait3A_870 = tpu.memref_slice %arg4[%dma_wait3A_856, %dma_wait3A_867, %add3A, %dma_wait3A_868, %dma_wait3A_869] : memref<50x8x32x8x128xf32, #tpu.memory_space<hbm>> -> memref<1x8x1x8x128xf32, #tpu.memory_space<hbm>>
        %dma_wait3A_871 = tpu.memref_squeeze %dma_wait3A_870 : memref<1x8x1x8x128xf32, #tpu.memory_space<hbm>> -> memref<8x8x128xf32, #tpu.memory_space<hbm>>
        %dma_wait3A_872 = arith.constant 0 : i32
        %dma_wait3A_873 = arith.constant 0 : i32
        %dma_wait3A_874 = arith.constant 0 : i32
        %dma_wait3A_875 = tpu.memref_slice %arg8[%dma_wait3A_855, %dma_wait3A_872, %dma_wait3A_873, %dma_wait3A_874] : memref<6x8x8x129xf32, #tpu.memory_space<vmem>> -> memref<1x8x8x128xf32, #tpu.memory_space<vmem>>
        %dma_wait3A_876 = tpu.memref_squeeze %dma_wait3A_875 : memref<1x8x8x128xf32, #tpu.memory_space<vmem>> -> memref<8x8x128xf32, #tpu.memory_space<vmem>>
        tpu.wait_dma2 semaphore(%arg15 : memref<!tpu.dma_semaphore, #tpu.memory_space<semaphore_mem>>) src(%dma_wait3A_876 : memref<8x8x128xf32, #tpu.memory_space<vmem>>) dst(%dma_wait3A_871 : memref<8x8x128xf32, #tpu.memory_space<hbm>>)
      } else {
      }
      %parallel_loop3A_575 = arith.constant 0 : i32
      %parallel_loop3A_576 = arith.constant 128 : i32
      %parallel_loop3A_577 = arith.constant 1 : i32
      %parallel_loop3A_578 = arith.constant 0 : i32
      scf.for %parallel_loop3A_855 = %parallel_loop3A_575 to %parallel_loop3A_576 step %parallel_loop3A_577  : i32 {
        %parallel_loop3A_856 = vector.broadcast %parallel_loop3A_855 : i32 to vector<16xi32>
        %parallel_loop3A_857 = arith.constant 0 : i32
        %parallel_loop3A_858 = arith.constant 0 : i32
        %parallel_loop3A_859 = tpu.memref_slice %arg7[%parallel_loop3A_578, %parallel_loop3A_857, %parallel_loop3A_858] : memref<6x128x64xf32, #tpu.memory_space<vmem>> -> memref<1x128x64xf32, #tpu.memory_space<vmem>>
        %parallel_loop3A_860 = tpu.memref_squeeze %parallel_loop3A_859 : memref<1x128x64xf32, #tpu.memory_space<vmem>> -> memref<128x64xf32, #tpu.memory_space<vmem>>
        %parallel_loop3A_861 = arith.index_cast %parallel_loop3A_855 : i32 to index
        %parallel_loop3A_862 = arith.constant 0 : index
        %parallel_loop3A_863 = tpu.vector_load %parallel_loop3A_860[%parallel_loop3A_861, %parallel_loop3A_862] {strides = array<i32>} : memref<128x64xf32, #tpu.memory_space<vmem>>, vector<16xf32>,
        %parallel_loop3A_864 = arith.constant 0 : i32
        %parallel_loop3A_865 = arith.constant 0 : i32
        %parallel_loop3A_866 = arith.constant 0 : i32
        %parallel_loop3A_867 = arith.constant 0 : i32
        %parallel_loop3A_868 = tpu.memref_slice %arg8[%parallel_loop3A_864, %parallel_loop3A_865, %parallel_loop3A_866, %parallel_loop3A_867] : memref<6x8x8x129xf32, #tpu.memory_space<vmem>> -> memref<1x8x8x129xf32, #tpu.memory_space<vmem>>
        %parallel_loop3A_869 = tpu.memref_squeeze %parallel_loop3A_868 : memref<1x8x8x129xf32, #tpu.memory_space<vmem>> -> memref<8x8x129xf32, #tpu.memory_space<vmem>>
        tpu.vector_store_idx %parallel_loop3A_869[%select_n3A, %select_n3A_153, %parallel_loop3A_856], %parallel_loop3A_863 : memref<8x8x129xf32, #tpu.memory_space<vmem>>[vector<16xi32>, vector<16xi32>, vector<16xi32>], vector<16xf32>,
        %parallel_loop3A_870 = arith.constant 0 : i32
        %parallel_loop3A_871 = arith.constant 0 : i32
        %parallel_loop3A_872 = tpu.memref_slice %arg7[%parallel_loop3A_578, %parallel_loop3A_870, %parallel_loop3A_871] : memref<6x128x64xf32, #tpu.memory_space<vmem>> -> memref<1x128x64xf32, #tpu.memory_space<vmem>>
        %parallel_loop3A_873 = tpu.memref_squeeze %parallel_loop3A_872 : memref<1x128x64xf32, #tpu.memory_space<vmem>> -> memref<128x64xf32, #tpu.memory_space<vmem>>
        %parallel_loop3A_874 = arith.index_cast %parallel_loop3A_855 : i32 to index
        %parallel_loop3A_875 = arith.constant 16 : index
        %parallel_loop3A_876 = tpu.vector_load %parallel_loop3A_873[%parallel_loop3A_874, %parallel_loop3A_875] {strides = array<i32>} : memref<128x64xf32, #tpu.memory_space<vmem>>, vector<16xf32>,
        %parallel_loop3A_877 = arith.constant 0 : i32
        %parallel_loop3A_878 = arith.constant 0 : i32
        %parallel_loop3A_879 = arith.constant 0 : i32
        %parallel_loop3A_880 = arith.constant 0 : i32
        %parallel_loop3A_881 = tpu.memref_slice %arg8[%parallel_loop3A_877, %parallel_loop3A_878, %parallel_loop3A_879, %parallel_loop3A_880] : memref<6x8x8x129xf32, #tpu.memory_space<vmem>> -> memref<1x8x8x129xf32, #tpu.memory_space<vmem>>
        %parallel_loop3A_882 = tpu.memref_squeeze %parallel_loop3A_881 : memref<1x8x8x129xf32, #tpu.memory_space<vmem>> -> memref<8x8x129xf32, #tpu.memory_space<vmem>>
        tpu.vector_store_idx %parallel_loop3A_882[%select_n3A_62, %select_n3A_178, %parallel_loop3A_856], %parallel_loop3A_876 : memref<8x8x129xf32, #tpu.memory_space<vmem>>[vector<16xi32>, vector<16xi32>, vector<16xi32>], vector<16xf32>,
        %parallel_loop3A_883 = arith.constant 0 : i32
        %parallel_loop3A_884 = arith.constant 0 : i32
        %parallel_loop3A_885 = tpu.memref_slice %arg7[%parallel_loop3A_578, %parallel_loop3A_883, %parallel_loop3A_884] : memref<6x128x64xf32, #tpu.memory_space<vmem>> -> memref<1x128x64xf32, #tpu.memory_space<vmem>>
        %parallel_loop3A_886 = tpu.memref_squeeze %parallel_loop3A_885 : memref<1x128x64xf32, #tpu.memory_space<vmem>> -> memref<128x64xf32, #tpu.memory_space<vmem>>
        %parallel_loop3A_887 = arith.index_cast %parallel_loop3A_855 : i32 to index
        %parallel_loop3A_888 = arith.constant 32 : index
        %parallel_loop3A_889 = tpu.vector_load %parallel_loop3A_886[%parallel_loop3A_887, %parallel_loop3A_888] {strides = array<i32>} : memref<128x64xf32, #tpu.memory_space<vmem>>, vector<16xf32>,
        %parallel_loop3A_890 = arith.constant 0 : i32
        %parallel_loop3A_891 = arith.constant 0 : i32
        %parallel_loop3A_892 = arith.constant 0 : i32
        %parallel_loop3A_893 = arith.constant 0 : i32
        %parallel_loop3A_894 = tpu.memref_slice %arg8[%parallel_loop3A_890, %parallel_loop3A_891, %parallel_loop3A_892, %parallel_loop3A_893] : memref<6x8x8x129xf32, #tpu.memory_space<vmem>> -> memref<1x8x8x129xf32, #tpu.memory_space<vmem>>
        %parallel_loop3A_895 = tpu.memref_squeeze %parallel_loop3A_894 : memref<1x8x8x129xf32, #tpu.memory_space<vmem>> -> memref<8x8x129xf32, #tpu.memory_space<vmem>>
        tpu.vector_store_idx %parallel_loop3A_895[%select_n3A_96, %select_n3A_203, %parallel_loop3A_856], %parallel_loop3A_889 : memref<8x8x129xf32, #tpu.memory_space<vmem>>[vector<16xi32>, vector<16xi32>, vector<16xi32>], vector<16xf32>,
        %parallel_loop3A_896 = arith.constant 0 : i32
        %parallel_loop3A_897 = arith.constant 0 : i32
        %parallel_loop3A_898 = tpu.memref_slice %arg7[%parallel_loop3A_578, %parallel_loop3A_896, %parallel_loop3A_897] : memref<6x128x64xf32, #tpu.memory_space<vmem>> -> memref<1x128x64xf32, #tpu.memory_space<vmem>>
        %parallel_loop3A_899 = tpu.memref_squeeze %parallel_loop3A_898 : memref<1x128x64xf32, #tpu.memory_space<vmem>> -> memref<128x64xf32, #tpu.memory_space<vmem>>
        %parallel_loop3A_900 = arith.index_cast %parallel_loop3A_855 : i32 to index
        %parallel_loop3A_901 = arith.constant 48 : index
        %parallel_loop3A_902 = tpu.vector_load %parallel_loop3A_899[%parallel_loop3A_900, %parallel_loop3A_901] {strides = array<i32>} : memref<128x64xf32, #tpu.memory_space<vmem>>, vector<16xf32>,
        %parallel_loop3A_903 = arith.constant 0 : i32
        %parallel_loop3A_904 = arith.constant 0 : i32
        %parallel_loop3A_905 = arith.constant 0 : i32
        %parallel_loop3A_906 = arith.constant 0 : i32
        %parallel_loop3A_907 = tpu.memref_slice %arg8[%parallel_loop3A_903, %parallel_loop3A_904, %parallel_loop3A_905, %parallel_loop3A_906] : memref<6x8x8x129xf32, #tpu.memory_space<vmem>> -> memref<1x8x8x129xf32, #tpu.memory_space<vmem>>
        %parallel_loop3A_908 = tpu.memref_squeeze %parallel_loop3A_907 : memref<1x8x8x129xf32, #tpu.memory_space<vmem>> -> memref<8x8x129xf32, #tpu.memory_space<vmem>>
        tpu.vector_store_idx %parallel_loop3A_908[%select_n3A_130, %select_n3A_228, %parallel_loop3A_856], %parallel_loop3A_902 : memref<8x8x129xf32, #tpu.memory_space<vmem>>[vector<16xi32>, vector<16xi32>, vector<16xi32>], vector<16xf32>,
      } {sc.loop_unroll_factor = 4 : i64, sc.parallel_access}
      %dma_start3A_579 = arith.constant 0 : i32
      %dma_start3A_580 = arith.constant 0 : i32
      %dma_start3A_581 = arith.constant 0 : i32
      %dma_start3A_582 = arith.constant 0 : i32
      %dma_start3A_583 = tpu.memref_slice %arg8[%dma_start3A_579, %dma_start3A_580, %dma_start3A_581, %dma_start3A_582] : memref<6x8x8x129xf32, #tpu.memory_space<vmem>> -> memref<1x8x8x128xf32, #tpu.memory_space<vmem>>
      %dma_start3A_584 = tpu.memref_squeeze %dma_start3A_583 : memref<1x8x8x128xf32, #tpu.memory_space<vmem>> -> memref<8x8x128xf32, #tpu.memory_space<vmem>>
      %dma_start3A_585 = arith.constant 0 : i32
      %dma_start3A_586 = arith.constant 0 : i32
      %dma_start3A_587 = arith.constant 0 : i32
      %dma_start3A_588 = tpu.memref_slice %arg4[%add3A_561, %dma_start3A_585, %add3A, %dma_start3A_586, %dma_start3A_587] : memref<50x8x32x8x128xf32, #tpu.memory_space<hbm>> -> memref<1x8x1x8x128xf32, #tpu.memory_space<hbm>>
      %dma_start3A_589 = tpu.memref_squeeze %dma_start3A_588 : memref<1x8x1x8x128xf32, #tpu.memory_space<hbm>> -> memref<8x8x128xf32, #tpu.memory_space<hbm>>
      %dma_start3A_590 = arith.constant 0 : i32
      %dma_start3A_591 = arith.constant 0 : i32
      %dma_start3A_592 = arith.constant 0 : i32
      %dma_start3A_593 = tpu.memref_slice %arg4[%add3A_561, %dma_start3A_590, %add3A, %dma_start3A_591, %dma_start3A_592] : memref<50x8x32x8x128xf32, #tpu.memory_space<hbm>> -> memref<1x8x1x8x128xf32, #tpu.memory_space<hbm>>
      %dma_start3A_594 = tpu.memref_squeeze %dma_start3A_593 : memref<1x8x1x8x128xf32, #tpu.memory_space<hbm>> -> memref<8x8x128xf32, #tpu.memory_space<hbm>>
      %dma_start3A_595 = arith.constant 0 : i32
      %dma_start3A_596 = arith.constant 0 : i32
      %dma_start3A_597 = arith.constant 0 : i32
      %dma_start3A_598 = tpu.memref_slice %arg8[%dma_start3A_579, %dma_start3A_595, %dma_start3A_596, %dma_start3A_597] : memref<6x8x8x129xf32, #tpu.memory_space<vmem>> -> memref<1x8x8x128xf32, #tpu.memory_space<vmem>>
      %dma_start3A_599 = tpu.memref_squeeze %dma_start3A_598 : memref<1x8x8x128xf32, #tpu.memory_space<vmem>> -> memref<8x8x128xf32, #tpu.memory_space<vmem>>
      tpu.enqueue_dma source(%dma_start3A_599 : memref<8x8x128xf32, #tpu.memory_space<vmem>>) target(%dma_start3A_594 : memref<8x8x128xf32, #tpu.memory_space<hbm>>) target_semaphore(%arg15 : memref<!tpu.dma_semaphore, #tpu.memory_space<semaphore_mem>>)
      %lt3A_600 = arith.constant 44 : i32
      %lt3A_601 = arith.cmpi slt, %add3A_561, %lt3A_600 : i32
      %convert_element_type3A_602 = arith.extui %lt3A_601 : i1 to i32
      %cond3A_603 = arith.constant 0 : i32
      %cond3A_604 = arith.cmpi ne, %convert_element_type3A_602, %cond3A_603 : i32
      scf.if %cond3A_604 {
        %add3A_855 = arith.constant 6 : i32
        %add3A_856 = arith.addi %add3A_561, %add3A_855 : i32
        %dma_start3A_857 = arith.constant 0 : i32
        %dma_start3A_858 = arith.constant 0 : i32
        %dma_start3A_859 = arith.constant 0 : i32
        %dma_start3A_860 = tpu.memref_slice %arg7[%dma_start3A_857, %dma_start3A_858, %dma_start3A_859] : memref<6x128x64xf32, #tpu.memory_space<vmem>> -> memref<1x128x64xf32, #tpu.memory_space<vmem>>
        %dma_start3A_861 = tpu.memref_squeeze %dma_start3A_860 : memref<1x128x64xf32, #tpu.memory_space<vmem>> -> memref<128x64xf32, #tpu.memory_space<vmem>>
        %dma_start3A_862 = arith.constant 0 : i32
        %dma_start3A_863 = tpu.memref_slice %arg6[%add3A_856, %dma_start3A_862] : memref<50x128xi32, #tpu.memory_space<vmem>> -> memref<1x128xi32, #tpu.memory_space<vmem>>
        %dma_start3A_864 = tpu.memref_squeeze %dma_start3A_863 : memref<1x128xi32, #tpu.memory_space<vmem>> -> memref<128xi32, #tpu.memory_space<vmem>>
        %dma_start3A_865 = arith.constant 0 : i32
        %dma_start3A_866 = arith.constant 0 : i32
        %dma_start3A_867 = tpu.memref_slice %arg2[%dma_start3A_865, %dma_start3A_866] : memref<200000x64xf32, #tpu.memory_space<hbm>> -> memref<200000x64xf32, #tpu.memory_space<hbm>>
        tpu.enqueue_indirect_dma source(%dma_start3A_867 : memref<200000x64xf32, #tpu.memory_space<hbm>>) target(%dma_start3A_861 : memref<128x64xf32, #tpu.memory_space<vmem>>) offsets(%dma_start3A_864 : memref<128xi32, #tpu.memory_space<vmem>>) semaphore(%arg9 : memref<!tpu.dma_semaphore, #tpu.memory_space<semaphore_mem>>)
      } else {
      }
      %mul3A_605 = arith.constant 6 : i32
      %mul3A_606 = arith.muli %scan3A_557, %mul3A_605 : i32
      %add3A_607 = arith.constant 1 : i32
      %add3A_608 = arith.addi %mul3A_606, %add3A_607 : i32
      %dma_wait3A_609 = arith.constant 1 : i32
      %dma_wait3A_610 = arith.constant 0 : i32
      %dma_wait3A_611 = arith.constant 0 : i32
      %dma_wait3A_612 = tpu.memref_slice %arg7[%dma_wait3A_609, %dma_wait3A_610, %dma_wait3A_611] : memref<6x128x64xf32, #tpu.memory_space<vmem>> -> memref<1x128x64xf32, #tpu.memory_space<vmem>>
      %dma_wait3A_613 = tpu.memref_squeeze %dma_wait3A_612 : memref<1x128x64xf32, #tpu.memory_space<vmem>> -> memref<128x64xf32, #tpu.memory_space<vmem>>
      %dma_wait3A_614 = arith.constant 0 : i32
      %dma_wait3A_615 = tpu.memref_slice %arg6[%add3A_608, %dma_wait3A_614] : memref<50x128xi32, #tpu.memory_space<vmem>> -> memref<1x128xi32, #tpu.memory_space<vmem>>
      %dma_wait3A_616 = tpu.memref_squeeze %dma_wait3A_615 : memref<1x128xi32, #tpu.memory_space<vmem>> -> memref<128xi32, #tpu.memory_space<vmem>>
      %dma_wait3A_617 = arith.constant 0 : i32
      %dma_wait3A_618 = arith.constant 0 : i32
      %dma_wait3A_619 = tpu.memref_slice %arg2[%dma_wait3A_617, %dma_wait3A_618] : memref<200000x64xf32, #tpu.memory_space<hbm>> -> memref<200000x64xf32, #tpu.memory_space<hbm>>
      tpu.wait_indirect_dma semaphore(%arg10 : memref<!tpu.dma_semaphore, #tpu.memory_space<semaphore_mem>>) src(%dma_wait3A_619 : memref<200000x64xf32, #tpu.memory_space<hbm>>) dst(%dma_wait3A_613 : memref<128x64xf32, #tpu.memory_space<vmem>>)
      %ge3A_620 = arith.constant 6 : i32
      %ge3A_621 = arith.cmpi sge, %add3A_608, %ge3A_620 : i32
      %convert_element_type3A_622 = arith.extui %ge3A_621 : i1 to i32
      %cond3A_623 = arith.constant 0 : i32
      %cond3A_624 = arith.cmpi ne, %convert_element_type3A_622, %cond3A_623 : i32
      scf.if %cond3A_624 {
        %dma_wait3A_855 = arith.constant 1 : i32
        %dma_wait3A_856 = arith.constant 0 : i32
        %dma_wait3A_857 = arith.constant 0 : i32
        %dma_wait3A_858 = arith.constant 0 : i32
        %dma_wait3A_859 = arith.constant 0 : i32
        %dma_wait3A_860 = tpu.memref_slice %arg8[%dma_wait3A_855, %dma_wait3A_857, %dma_wait3A_858, %dma_wait3A_859] : memref<6x8x8x129xf32, #tpu.memory_space<vmem>> -> memref<1x8x8x128xf32, #tpu.memory_space<vmem>>
        %dma_wait3A_861 = tpu.memref_squeeze %dma_wait3A_860 : memref<1x8x8x128xf32, #tpu.memory_space<vmem>> -> memref<8x8x128xf32, #tpu.memory_space<vmem>>
        %dma_wait3A_862 = arith.constant 0 : i32
        %dma_wait3A_863 = arith.constant 0 : i32
        %dma_wait3A_864 = arith.constant 0 : i32
        %dma_wait3A_865 = tpu.memref_slice %arg4[%dma_wait3A_856, %dma_wait3A_862, %add3A, %dma_wait3A_863, %dma_wait3A_864] : memref<50x8x32x8x128xf32, #tpu.memory_space<hbm>> -> memref<1x8x1x8x128xf32, #tpu.memory_space<hbm>>
        %dma_wait3A_866 = tpu.memref_squeeze %dma_wait3A_865 : memref<1x8x1x8x128xf32, #tpu.memory_space<hbm>> -> memref<8x8x128xf32, #tpu.memory_space<hbm>>
        %dma_wait3A_867 = arith.constant 0 : i32
        %dma_wait3A_868 = arith.constant 0 : i32
        %dma_wait3A_869 = arith.constant 0 : i32
        %dma_wait3A_870 = tpu.memref_slice %arg4[%dma_wait3A_856, %dma_wait3A_867, %add3A, %dma_wait3A_868, %dma_wait3A_869] : memref<50x8x32x8x128xf32, #tpu.memory_space<hbm>> -> memref<1x8x1x8x128xf32, #tpu.memory_space<hbm>>
        %dma_wait3A_871 = tpu.memref_squeeze %dma_wait3A_870 : memref<1x8x1x8x128xf32, #tpu.memory_space<hbm>> -> memref<8x8x128xf32, #tpu.memory_space<hbm>>
        %dma_wait3A_872 = arith.constant 0 : i32
        %dma_wait3A_873 = arith.constant 0 : i32
        %dma_wait3A_874 = arith.constant 0 : i32
        %dma_wait3A_875 = tpu.memref_slice %arg8[%dma_wait3A_855, %dma_wait3A_872, %dma_wait3A_873, %dma_wait3A_874] : memref<6x8x8x129xf32, #tpu.memory_space<vmem>> -> memref<1x8x8x128xf32, #tpu.memory_space<vmem>>
        %dma_wait3A_876 = tpu.memref_squeeze %dma_wait3A_875 : memref<1x8x8x128xf32, #tpu.memory_space<vmem>> -> memref<8x8x128xf32, #tpu.memory_space<vmem>>
        tpu.wait_dma2 semaphore(%arg16 : memref<!tpu.dma_semaphore, #tpu.memory_space<semaphore_mem>>) src(%dma_wait3A_876 : memref<8x8x128xf32, #tpu.memory_space<vmem>>) dst(%dma_wait3A_871 : memref<8x8x128xf32, #tpu.memory_space<hbm>>)
      } else {
      }
      %parallel_loop3A_625 = arith.constant 0 : i32
      %parallel_loop3A_626 = arith.constant 128 : i32
      %parallel_loop3A_627 = arith.constant 1 : i32
      %parallel_loop3A_628 = arith.constant 1 : i32
      scf.for %parallel_loop3A_855 = %parallel_loop3A_625 to %parallel_loop3A_626 step %parallel_loop3A_627  : i32 {
        %parallel_loop3A_856 = vector.broadcast %parallel_loop3A_855 : i32 to vector<16xi32>
        %parallel_loop3A_857 = arith.constant 0 : i32
        %parallel_loop3A_858 = arith.constant 0 : i32
        %parallel_loop3A_859 = tpu.memref_slice %arg7[%parallel_loop3A_628, %parallel_loop3A_857, %parallel_loop3A_858] : memref<6x128x64xf32, #tpu.memory_space<vmem>> -> memref<1x128x64xf32, #tpu.memory_space<vmem>>
        %parallel_loop3A_860 = tpu.memref_squeeze %parallel_loop3A_859 : memref<1x128x64xf32, #tpu.memory_space<vmem>> -> memref<128x64xf32, #tpu.memory_space<vmem>>
        %parallel_loop3A_861 = arith.index_cast %parallel_loop3A_855 : i32 to index
        %parallel_loop3A_862 = arith.constant 0 : index
        %parallel_loop3A_863 = tpu.vector_load %parallel_loop3A_860[%parallel_loop3A_861, %parallel_loop3A_862] {strides = array<i32>} : memref<128x64xf32, #tpu.memory_space<vmem>>, vector<16xf32>,
        %parallel_loop3A_864 = arith.constant 1 : i32
        %parallel_loop3A_865 = arith.constant 0 : i32
        %parallel_loop3A_866 = arith.constant 0 : i32
        %parallel_loop3A_867 = arith.constant 0 : i32
        %parallel_loop3A_868 = tpu.memref_slice %arg8[%parallel_loop3A_864, %parallel_loop3A_865, %parallel_loop3A_866, %parallel_loop3A_867] : memref<6x8x8x129xf32, #tpu.memory_space<vmem>> -> memref<1x8x8x129xf32, #tpu.memory_space<vmem>>
        %parallel_loop3A_869 = tpu.memref_squeeze %parallel_loop3A_868 : memref<1x8x8x129xf32, #tpu.memory_space<vmem>> -> memref<8x8x129xf32, #tpu.memory_space<vmem>>
        tpu.vector_store_idx %parallel_loop3A_869[%select_n3A, %select_n3A_153, %parallel_loop3A_856], %parallel_loop3A_863 : memref<8x8x129xf32, #tpu.memory_space<vmem>>[vector<16xi32>, vector<16xi32>, vector<16xi32>], vector<16xf32>,
        %parallel_loop3A_870 = arith.constant 0 : i32
        %parallel_loop3A_871 = arith.constant 0 : i32
        %parallel_loop3A_872 = tpu.memref_slice %arg7[%parallel_loop3A_628, %parallel_loop3A_870, %parallel_loop3A_871] : memref<6x128x64xf32, #tpu.memory_space<vmem>> -> memref<1x128x64xf32, #tpu.memory_space<vmem>>
        %parallel_loop3A_873 = tpu.memref_squeeze %parallel_loop3A_872 : memref<1x128x64xf32, #tpu.memory_space<vmem>> -> memref<128x64xf32, #tpu.memory_space<vmem>>
        %parallel_loop3A_874 = arith.index_cast %parallel_loop3A_855 : i32 to index
        %parallel_loop3A_875 = arith.constant 16 : index
        %parallel_loop3A_876 = tpu.vector_load %parallel_loop3A_873[%parallel_loop3A_874, %parallel_loop3A_875] {strides = array<i32>} : memref<128x64xf32, #tpu.memory_space<vmem>>, vector<16xf32>,
        %parallel_loop3A_877 = arith.constant 1 : i32
        %parallel_loop3A_878 = arith.constant 0 : i32
        %parallel_loop3A_879 = arith.constant 0 : i32
        %parallel_loop3A_880 = arith.constant 0 : i32
        %parallel_loop3A_881 = tpu.memref_slice %arg8[%parallel_loop3A_877, %parallel_loop3A_878, %parallel_loop3A_879, %parallel_loop3A_880] : memref<6x8x8x129xf32, #tpu.memory_space<vmem>> -> memref<1x8x8x129xf32, #tpu.memory_space<vmem>>
        %parallel_loop3A_882 = tpu.memref_squeeze %parallel_loop3A_881 : memref<1x8x8x129xf32, #tpu.memory_space<vmem>> -> memref<8x8x129xf32, #tpu.memory_space<vmem>>
        tpu.vector_store_idx %parallel_loop3A_882[%select_n3A_62, %select_n3A_178, %parallel_loop3A_856], %parallel_loop3A_876 : memref<8x8x129xf32, #tpu.memory_space<vmem>>[vector<16xi32>, vector<16xi32>, vector<16xi32>], vector<16xf32>,
        %parallel_loop3A_883 = arith.constant 0 : i32
        %parallel_loop3A_884 = arith.constant 0 : i32
        %parallel_loop3A_885 = tpu.memref_slice %arg7[%parallel_loop3A_628, %parallel_loop3A_883, %parallel_loop3A_884] : memref<6x128x64xf32, #tpu.memory_space<vmem>> -> memref<1x128x64xf32, #tpu.memory_space<vmem>>
        %parallel_loop3A_886 = tpu.memref_squeeze %parallel_loop3A_885 : memref<1x128x64xf32, #tpu.memory_space<vmem>> -> memref<128x64xf32, #tpu.memory_space<vmem>>
        %parallel_loop3A_887 = arith.index_cast %parallel_loop3A_855 : i32 to index
        %parallel_loop3A_888 = arith.constant 32 : index
        %parallel_loop3A_889 = tpu.vector_load %parallel_loop3A_886[%parallel_loop3A_887, %parallel_loop3A_888] {strides = array<i32>} : memref<128x64xf32, #tpu.memory_space<vmem>>, vector<16xf32>,
        %parallel_loop3A_890 = arith.constant 1 : i32
        %parallel_loop3A_891 = arith.constant 0 : i32
        %parallel_loop3A_892 = arith.constant 0 : i32
        %parallel_loop3A_893 = arith.constant 0 : i32
        %parallel_loop3A_894 = tpu.memref_slice %arg8[%parallel_loop3A_890, %parallel_loop3A_891, %parallel_loop3A_892, %parallel_loop3A_893] : memref<6x8x8x129xf32, #tpu.memory_space<vmem>> -> memref<1x8x8x129xf32, #tpu.memory_space<vmem>>
        %parallel_loop3A_895 = tpu.memref_squeeze %parallel_loop3A_894 : memref<1x8x8x129xf32, #tpu.memory_space<vmem>> -> memref<8x8x129xf32, #tpu.memory_space<vmem>>
        tpu.vector_store_idx %parallel_loop3A_895[%select_n3A_96, %select_n3A_203, %parallel_loop3A_856], %parallel_loop3A_889 : memref<8x8x129xf32, #tpu.memory_space<vmem>>[vector<16xi32>, vector<16xi32>, vector<16xi32>], vector<16xf32>,
        %parallel_loop3A_896 = arith.constant 0 : i32
        %parallel_loop3A_897 = arith.constant 0 : i32
        %parallel_loop3A_898 = tpu.memref_slice %arg7[%parallel_loop3A_628, %parallel_loop3A_896, %parallel_loop3A_897] : memref<6x128x64xf32, #tpu.memory_space<vmem>> -> memref<1x128x64xf32, #tpu.memory_space<vmem>>
        %parallel_loop3A_899 = tpu.memref_squeeze %parallel_loop3A_898 : memref<1x128x64xf32, #tpu.memory_space<vmem>> -> memref<128x64xf32, #tpu.memory_space<vmem>>
        %parallel_loop3A_900 = arith.index_cast %parallel_loop3A_855 : i32 to index
        %parallel_loop3A_901 = arith.constant 48 : index
        %parallel_loop3A_902 = tpu.vector_load %parallel_loop3A_899[%parallel_loop3A_900, %parallel_loop3A_901] {strides = array<i32>} : memref<128x64xf32, #tpu.memory_space<vmem>>, vector<16xf32>,
        %parallel_loop3A_903 = arith.constant 1 : i32
        %parallel_loop3A_904 = arith.constant 0 : i32
        %parallel_loop3A_905 = arith.constant 0 : i32
        %parallel_loop3A_906 = arith.constant 0 : i32
        %parallel_loop3A_907 = tpu.memref_slice %arg8[%parallel_loop3A_903, %parallel_loop3A_904, %parallel_loop3A_905, %parallel_loop3A_906] : memref<6x8x8x129xf32, #tpu.memory_space<vmem>> -> memref<1x8x8x129xf32, #tpu.memory_space<vmem>>
        %parallel_loop3A_908 = tpu.memref_squeeze %parallel_loop3A_907 : memref<1x8x8x129xf32, #tpu.memory_space<vmem>> -> memref<8x8x129xf32, #tpu.memory_space<vmem>>
        tpu.vector_store_idx %parallel_loop3A_908[%select_n3A_130, %select_n3A_228, %parallel_loop3A_856], %parallel_loop3A_902 : memref<8x8x129xf32, #tpu.memory_space<vmem>>[vector<16xi32>, vector<16xi32>, vector<16xi32>], vector<16xf32>,
      } {sc.loop_unroll_factor = 4 : i64, sc.parallel_access}
      %dma_start3A_629 = arith.constant 1 : i32
      %dma_start3A_630 = arith.constant 0 : i32
      %dma_start3A_631 = arith.constant 0 : i32
      %dma_start3A_632 = arith.constant 0 : i32
      %dma_start3A_633 = tpu.memref_slice %arg8[%dma_start3A_629, %dma_start3A_630, %dma_start3A_631, %dma_start3A_632] : memref<6x8x8x129xf32, #tpu.memory_space<vmem>> -> memref<1x8x8x128xf32, #tpu.memory_space<vmem>>
      %dma_start3A_634 = tpu.memref_squeeze %dma_start3A_633 : memref<1x8x8x128xf32, #tpu.memory_space<vmem>> -> memref<8x8x128xf32, #tpu.memory_space<vmem>>
      %dma_start3A_635 = arith.constant 0 : i32
      %dma_start3A_636 = arith.constant 0 : i32
      %dma_start3A_637 = arith.constant 0 : i32
      %dma_start3A_638 = tpu.memref_slice %arg4[%add3A_608, %dma_start3A_635, %add3A, %dma_start3A_636, %dma_start3A_637] : memref<50x8x32x8x128xf32, #tpu.memory_space<hbm>> -> memref<1x8x1x8x128xf32, #tpu.memory_space<hbm>>
      %dma_start3A_639 = tpu.memref_squeeze %dma_start3A_638 : memref<1x8x1x8x128xf32, #tpu.memory_space<hbm>> -> memref<8x8x128xf32, #tpu.memory_space<hbm>>
      %dma_start3A_640 = arith.constant 0 : i32
      %dma_start3A_641 = arith.constant 0 : i32
      %dma_start3A_642 = arith.constant 0 : i32
      %dma_start3A_643 = tpu.memref_slice %arg4[%add3A_608, %dma_start3A_640, %add3A, %dma_start3A_641, %dma_start3A_642] : memref<50x8x32x8x128xf32, #tpu.memory_space<hbm>> -> memref<1x8x1x8x128xf32, #tpu.memory_space<hbm>>
      %dma_start3A_644 = tpu.memref_squeeze %dma_start3A_643 : memref<1x8x1x8x128xf32, #tpu.memory_space<hbm>> -> memref<8x8x128xf32, #tpu.memory_space<hbm>>
      %dma_start3A_645 = arith.constant 0 : i32
      %dma_start3A_646 = arith.constant 0 : i32
      %dma_start3A_647 = arith.constant 0 : i32
      %dma_start3A_648 = tpu.memref_slice %arg8[%dma_start3A_629, %dma_start3A_645, %dma_start3A_646, %dma_start3A_647] : memref<6x8x8x129xf32, #tpu.memory_space<vmem>> -> memref<1x8x8x128xf32, #tpu.memory_space<vmem>>
      %dma_start3A_649 = tpu.memref_squeeze %dma_start3A_648 : memref<1x8x8x128xf32, #tpu.memory_space<vmem>> -> memref<8x8x128xf32, #tpu.memory_space<vmem>>
      tpu.enqueue_dma source(%dma_start3A_649 : memref<8x8x128xf32, #tpu.memory_space<vmem>>) target(%dma_start3A_644 : memref<8x8x128xf32, #tpu.memory_space<hbm>>) target_semaphore(%arg16 : memref<!tpu.dma_semaphore, #tpu.memory_space<semaphore_mem>>)
      %lt3A_650 = arith.constant 44 : i32
      %lt3A_651 = arith.cmpi slt, %add3A_608, %lt3A_650 : i32
      %convert_element_type3A_652 = arith.extui %lt3A_651 : i1 to i32
      %cond3A_653 = arith.constant 0 : i32
      %cond3A_654 = arith.cmpi ne, %convert_element_type3A_652, %cond3A_653 : i32
      scf.if %cond3A_654 {
        %add3A_855 = arith.constant 6 : i32
        %add3A_856 = arith.addi %add3A_608, %add3A_855 : i32
        %dma_start3A_857 = arith.constant 1 : i32
        %dma_start3A_858 = arith.constant 0 : i32
        %dma_start3A_859 = arith.constant 0 : i32
        %dma_start3A_860 = tpu.memref_slice %arg7[%dma_start3A_857, %dma_start3A_858, %dma_start3A_859] : memref<6x128x64xf32, #tpu.memory_space<vmem>> -> memref<1x128x64xf32, #tpu.memory_space<vmem>>
        %dma_start3A_861 = tpu.memref_squeeze %dma_start3A_860 : memref<1x128x64xf32, #tpu.memory_space<vmem>> -> memref<128x64xf32, #tpu.memory_space<vmem>>
        %dma_start3A_862 = arith.constant 0 : i32
        %dma_start3A_863 = tpu.memref_slice %arg6[%add3A_856, %dma_start3A_862] : memref<50x128xi32, #tpu.memory_space<vmem>> -> memref<1x128xi32, #tpu.memory_space<vmem>>
        %dma_start3A_864 = tpu.memref_squeeze %dma_start3A_863 : memref<1x128xi32, #tpu.memory_space<vmem>> -> memref<128xi32, #tpu.memory_space<vmem>>
        %dma_start3A_865 = arith.constant 0 : i32
        %dma_start3A_866 = arith.constant 0 : i32
        %dma_start3A_867 = tpu.memref_slice %arg2[%dma_start3A_865, %dma_start3A_866] : memref<200000x64xf32, #tpu.memory_space<hbm>> -> memref<200000x64xf32, #tpu.memory_space<hbm>>
        tpu.enqueue_indirect_dma source(%dma_start3A_867 : memref<200000x64xf32, #tpu.memory_space<hbm>>) target(%dma_start3A_861 : memref<128x64xf32, #tpu.memory_space<vmem>>) offsets(%dma_start3A_864 : memref<128xi32, #tpu.memory_space<vmem>>) semaphore(%arg10 : memref<!tpu.dma_semaphore, #tpu.memory_space<semaphore_mem>>)
      } else {
      }
      %mul3A_655 = arith.constant 6 : i32
      %mul3A_656 = arith.muli %scan3A_557, %mul3A_655 : i32
      %add3A_657 = arith.constant 2 : i32
      %add3A_658 = arith.addi %mul3A_656, %add3A_657 : i32
      %dma_wait3A_659 = arith.constant 2 : i32
      %dma_wait3A_660 = arith.constant 0 : i32
      %dma_wait3A_661 = arith.constant 0 : i32
      %dma_wait3A_662 = tpu.memref_slice %arg7[%dma_wait3A_659, %dma_wait3A_660, %dma_wait3A_661] : memref<6x128x64xf32, #tpu.memory_space<vmem>> -> memref<1x128x64xf32, #tpu.memory_space<vmem>>
      %dma_wait3A_663 = tpu.memref_squeeze %dma_wait3A_662 : memref<1x128x64xf32, #tpu.memory_space<vmem>> -> memref<128x64xf32, #tpu.memory_space<vmem>>
      %dma_wait3A_664 = arith.constant 0 : i32
      %dma_wait3A_665 = tpu.memref_slice %arg6[%add3A_658, %dma_wait3A_664] : memref<50x128xi32, #tpu.memory_space<vmem>> -> memref<1x128xi32, #tpu.memory_space<vmem>>
      %dma_wait3A_666 = tpu.memref_squeeze %dma_wait3A_665 : memref<1x128xi32, #tpu.memory_space<vmem>> -> memref<128xi32, #tpu.memory_space<vmem>>
      %dma_wait3A_667 = arith.constant 0 : i32
      %dma_wait3A_668 = arith.constant 0 : i32
      %dma_wait3A_669 = tpu.memref_slice %arg2[%dma_wait3A_667, %dma_wait3A_668] : memref<200000x64xf32, #tpu.memory_space<hbm>> -> memref<200000x64xf32, #tpu.memory_space<hbm>>
      tpu.wait_indirect_dma semaphore(%arg11 : memref<!tpu.dma_semaphore, #tpu.memory_space<semaphore_mem>>) src(%dma_wait3A_669 : memref<200000x64xf32, #tpu.memory_space<hbm>>) dst(%dma_wait3A_663 : memref<128x64xf32, #tpu.memory_space<vmem>>)
      %ge3A_670 = arith.constant 6 : i32
      %ge3A_671 = arith.cmpi sge, %add3A_658, %ge3A_670 : i32
      %convert_element_type3A_672 = arith.extui %ge3A_671 : i1 to i32
      %cond3A_673 = arith.constant 0 : i32
      %cond3A_674 = arith.cmpi ne, %convert_element_type3A_672, %cond3A_673 : i32
      scf.if %cond3A_674 {
        %dma_wait3A_855 = arith.constant 2 : i32
        %dma_wait3A_856 = arith.constant 0 : i32
        %dma_wait3A_857 = arith.constant 0 : i32
        %dma_wait3A_858 = arith.constant 0 : i32
        %dma_wait3A_859 = arith.constant 0 : i32
        %dma_wait3A_860 = tpu.memref_slice %arg8[%dma_wait3A_855, %dma_wait3A_857, %dma_wait3A_858, %dma_wait3A_859] : memref<6x8x8x129xf32, #tpu.memory_space<vmem>> -> memref<1x8x8x128xf32, #tpu.memory_space<vmem>>
        %dma_wait3A_861 = tpu.memref_squeeze %dma_wait3A_860 : memref<1x8x8x128xf32, #tpu.memory_space<vmem>> -> memref<8x8x128xf32, #tpu.memory_space<vmem>>
        %dma_wait3A_862 = arith.constant 0 : i32
        %dma_wait3A_863 = arith.constant 0 : i32
        %dma_wait3A_864 = arith.constant 0 : i32
        %dma_wait3A_865 = tpu.memref_slice %arg4[%dma_wait3A_856, %dma_wait3A_862, %add3A, %dma_wait3A_863, %dma_wait3A_864] : memref<50x8x32x8x128xf32, #tpu.memory_space<hbm>> -> memref<1x8x1x8x128xf32, #tpu.memory_space<hbm>>
        %dma_wait3A_866 = tpu.memref_squeeze %dma_wait3A_865 : memref<1x8x1x8x128xf32, #tpu.memory_space<hbm>> -> memref<8x8x128xf32, #tpu.memory_space<hbm>>
        %dma_wait3A_867 = arith.constant 0 : i32
        %dma_wait3A_868 = arith.constant 0 : i32
        %dma_wait3A_869 = arith.constant 0 : i32
        %dma_wait3A_870 = tpu.memref_slice %arg4[%dma_wait3A_856, %dma_wait3A_867, %add3A, %dma_wait3A_868, %dma_wait3A_869] : memref<50x8x32x8x128xf32, #tpu.memory_space<hbm>> -> memref<1x8x1x8x128xf32, #tpu.memory_space<hbm>>
        %dma_wait3A_871 = tpu.memref_squeeze %dma_wait3A_870 : memref<1x8x1x8x128xf32, #tpu.memory_space<hbm>> -> memref<8x8x128xf32, #tpu.memory_space<hbm>>
        %dma_wait3A_872 = arith.constant 0 : i32
        %dma_wait3A_873 = arith.constant 0 : i32
        %dma_wait3A_874 = arith.constant 0 : i32
        %dma_wait3A_875 = tpu.memref_slice %arg8[%dma_wait3A_855, %dma_wait3A_872, %dma_wait3A_873, %dma_wait3A_874] : memref<6x8x8x129xf32, #tpu.memory_space<vmem>> -> memref<1x8x8x128xf32, #tpu.memory_space<vmem>>
        %dma_wait3A_876 = tpu.memref_squeeze %dma_wait3A_875 : memref<1x8x8x128xf32, #tpu.memory_space<vmem>> -> memref<8x8x128xf32, #tpu.memory_space<vmem>>
        tpu.wait_dma2 semaphore(%arg17 : memref<!tpu.dma_semaphore, #tpu.memory_space<semaphore_mem>>) src(%dma_wait3A_876 : memref<8x8x128xf32, #tpu.memory_space<vmem>>) dst(%dma_wait3A_871 : memref<8x8x128xf32, #tpu.memory_space<hbm>>)
      } else {
      }
      %parallel_loop3A_675 = arith.constant 0 : i32
      %parallel_loop3A_676 = arith.constant 128 : i32
      %parallel_loop3A_677 = arith.constant 1 : i32
      %parallel_loop3A_678 = arith.constant 2 : i32
      scf.for %parallel_loop3A_855 = %parallel_loop3A_675 to %parallel_loop3A_676 step %parallel_loop3A_677  : i32 {
        %parallel_loop3A_856 = vector.broadcast %parallel_loop3A_855 : i32 to vector<16xi32>
        %parallel_loop3A_857 = arith.constant 0 : i32
        %parallel_loop3A_858 = arith.constant 0 : i32
        %parallel_loop3A_859 = tpu.memref_slice %arg7[%parallel_loop3A_678, %parallel_loop3A_857, %parallel_loop3A_858] : memref<6x128x64xf32, #tpu.memory_space<vmem>> -> memref<1x128x64xf32, #tpu.memory_space<vmem>>
        %parallel_loop3A_860 = tpu.memref_squeeze %parallel_loop3A_859 : memref<1x128x64xf32, #tpu.memory_space<vmem>> -> memref<128x64xf32, #tpu.memory_space<vmem>>
        %parallel_loop3A_861 = arith.index_cast %parallel_loop3A_855 : i32 to index
        %parallel_loop3A_862 = arith.constant 0 : index
        %parallel_loop3A_863 = tpu.vector_load %parallel_loop3A_860[%parallel_loop3A_861, %parallel_loop3A_862] {strides = array<i32>} : memref<128x64xf32, #tpu.memory_space<vmem>>, vector<16xf32>,
        %parallel_loop3A_864 = arith.constant 2 : i32
        %parallel_loop3A_865 = arith.constant 0 : i32
        %parallel_loop3A_866 = arith.constant 0 : i32
        %parallel_loop3A_867 = arith.constant 0 : i32
        %parallel_loop3A_868 = tpu.memref_slice %arg8[%parallel_loop3A_864, %parallel_loop3A_865, %parallel_loop3A_866, %parallel_loop3A_867] : memref<6x8x8x129xf32, #tpu.memory_space<vmem>> -> memref<1x8x8x129xf32, #tpu.memory_space<vmem>>
        %parallel_loop3A_869 = tpu.memref_squeeze %parallel_loop3A_868 : memref<1x8x8x129xf32, #tpu.memory_space<vmem>> -> memref<8x8x129xf32, #tpu.memory_space<vmem>>
        tpu.vector_store_idx %parallel_loop3A_869[%select_n3A, %select_n3A_153, %parallel_loop3A_856], %parallel_loop3A_863 : memref<8x8x129xf32, #tpu.memory_space<vmem>>[vector<16xi32>, vector<16xi32>, vector<16xi32>], vector<16xf32>,
        %parallel_loop3A_870 = arith.constant 0 : i32
        %parallel_loop3A_871 = arith.constant 0 : i32
        %parallel_loop3A_872 = tpu.memref_slice %arg7[%parallel_loop3A_678, %parallel_loop3A_870, %parallel_loop3A_871] : memref<6x128x64xf32, #tpu.memory_space<vmem>> -> memref<1x128x64xf32, #tpu.memory_space<vmem>>
        %parallel_loop3A_873 = tpu.memref_squeeze %parallel_loop3A_872 : memref<1x128x64xf32, #tpu.memory_space<vmem>> -> memref<128x64xf32, #tpu.memory_space<vmem>>
        %parallel_loop3A_874 = arith.index_cast %parallel_loop3A_855 : i32 to index
        %parallel_loop3A_875 = arith.constant 16 : index
        %parallel_loop3A_876 = tpu.vector_load %parallel_loop3A_873[%parallel_loop3A_874, %parallel_loop3A_875] {strides = array<i32>} : memref<128x64xf32, #tpu.memory_space<vmem>>, vector<16xf32>,
        %parallel_loop3A_877 = arith.constant 2 : i32
        %parallel_loop3A_878 = arith.constant 0 : i32
        %parallel_loop3A_879 = arith.constant 0 : i32
        %parallel_loop3A_880 = arith.constant 0 : i32
        %parallel_loop3A_881 = tpu.memref_slice %arg8[%parallel_loop3A_877, %parallel_loop3A_878, %parallel_loop3A_879, %parallel_loop3A_880] : memref<6x8x8x129xf32, #tpu.memory_space<vmem>> -> memref<1x8x8x129xf32, #tpu.memory_space<vmem>>
        %parallel_loop3A_882 = tpu.memref_squeeze %parallel_loop3A_881 : memref<1x8x8x129xf32, #tpu.memory_space<vmem>> -> memref<8x8x129xf32, #tpu.memory_space<vmem>>
        tpu.vector_store_idx %parallel_loop3A_882[%select_n3A_62, %select_n3A_178, %parallel_loop3A_856], %parallel_loop3A_876 : memref<8x8x129xf32, #tpu.memory_space<vmem>>[vector<16xi32>, vector<16xi32>, vector<16xi32>], vector<16xf32>,
        %parallel_loop3A_883 = arith.constant 0 : i32
        %parallel_loop3A_884 = arith.constant 0 : i32
        %parallel_loop3A_885 = tpu.memref_slice %arg7[%parallel_loop3A_678, %parallel_loop3A_883, %parallel_loop3A_884] : memref<6x128x64xf32, #tpu.memory_space<vmem>> -> memref<1x128x64xf32, #tpu.memory_space<vmem>>
        %parallel_loop3A_886 = tpu.memref_squeeze %parallel_loop3A_885 : memref<1x128x64xf32, #tpu.memory_space<vmem>> -> memref<128x64xf32, #tpu.memory_space<vmem>>
        %parallel_loop3A_887 = arith.index_cast %parallel_loop3A_855 : i32 to index
        %parallel_loop3A_888 = arith.constant 32 : index
        %parallel_loop3A_889 = tpu.vector_load %parallel_loop3A_886[%parallel_loop3A_887, %parallel_loop3A_888] {strides = array<i32>} : memref<128x64xf32, #tpu.memory_space<vmem>>, vector<16xf32>,
        %parallel_loop3A_890 = arith.constant 2 : i32
        %parallel_loop3A_891 = arith.constant 0 : i32
        %parallel_loop3A_892 = arith.constant 0 : i32
        %parallel_loop3A_893 = arith.constant 0 : i32
        %parallel_loop3A_894 = tpu.memref_slice %arg8[%parallel_loop3A_890, %parallel_loop3A_891, %parallel_loop3A_892, %parallel_loop3A_893] : memref<6x8x8x129xf32, #tpu.memory_space<vmem>> -> memref<1x8x8x129xf32, #tpu.memory_space<vmem>>
        %parallel_loop3A_895 = tpu.memref_squeeze %parallel_loop3A_894 : memref<1x8x8x129xf32, #tpu.memory_space<vmem>> -> memref<8x8x129xf32, #tpu.memory_space<vmem>>
        tpu.vector_store_idx %parallel_loop3A_895[%select_n3A_96, %select_n3A_203, %parallel_loop3A_856], %parallel_loop3A_889 : memref<8x8x129xf32, #tpu.memory_space<vmem>>[vector<16xi32>, vector<16xi32>, vector<16xi32>], vector<16xf32>,
        %parallel_loop3A_896 = arith.constant 0 : i32
        %parallel_loop3A_897 = arith.constant 0 : i32
        %parallel_loop3A_898 = tpu.memref_slice %arg7[%parallel_loop3A_678, %parallel_loop3A_896, %parallel_loop3A_897] : memref<6x128x64xf32, #tpu.memory_space<vmem>> -> memref<1x128x64xf32, #tpu.memory_space<vmem>>
        %parallel_loop3A_899 = tpu.memref_squeeze %parallel_loop3A_898 : memref<1x128x64xf32, #tpu.memory_space<vmem>> -> memref<128x64xf32, #tpu.memory_space<vmem>>
        %parallel_loop3A_900 = arith.index_cast %parallel_loop3A_855 : i32 to index
        %parallel_loop3A_901 = arith.constant 48 : index
        %parallel_loop3A_902 = tpu.vector_load %parallel_loop3A_899[%parallel_loop3A_900, %parallel_loop3A_901] {strides = array<i32>} : memref<128x64xf32, #tpu.memory_space<vmem>>, vector<16xf32>,
        %parallel_loop3A_903 = arith.constant 2 : i32
        %parallel_loop3A_904 = arith.constant 0 : i32
        %parallel_loop3A_905 = arith.constant 0 : i32
        %parallel_loop3A_906 = arith.constant 0 : i32
        %parallel_loop3A_907 = tpu.memref_slice %arg8[%parallel_loop3A_903, %parallel_loop3A_904, %parallel_loop3A_905, %parallel_loop3A_906] : memref<6x8x8x129xf32, #tpu.memory_space<vmem>> -> memref<1x8x8x129xf32, #tpu.memory_space<vmem>>
        %parallel_loop3A_908 = tpu.memref_squeeze %parallel_loop3A_907 : memref<1x8x8x129xf32, #tpu.memory_space<vmem>> -> memref<8x8x129xf32, #tpu.memory_space<vmem>>
        tpu.vector_store_idx %parallel_loop3A_908[%select_n3A_130, %select_n3A_228, %parallel_loop3A_856], %parallel_loop3A_902 : memref<8x8x129xf32, #tpu.memory_space<vmem>>[vector<16xi32>, vector<16xi32>, vector<16xi32>], vector<16xf32>,
      } {sc.loop_unroll_factor = 4 : i64, sc.parallel_access}
      %dma_start3A_679 = arith.constant 2 : i32
      %dma_start3A_680 = arith.constant 0 : i32
      %dma_start3A_681 = arith.constant 0 : i32
      %dma_start3A_682 = arith.constant 0 : i32
      %dma_start3A_683 = tpu.memref_slice %arg8[%dma_start3A_679, %dma_start3A_680, %dma_start3A_681, %dma_start3A_682] : memref<6x8x8x129xf32, #tpu.memory_space<vmem>> -> memref<1x8x8x128xf32, #tpu.memory_space<vmem>>
      %dma_start3A_684 = tpu.memref_squeeze %dma_start3A_683 : memref<1x8x8x128xf32, #tpu.memory_space<vmem>> -> memref<8x8x128xf32, #tpu.memory_space<vmem>>
      %dma_start3A_685 = arith.constant 0 : i32
      %dma_start3A_686 = arith.constant 0 : i32
      %dma_start3A_687 = arith.constant 0 : i32
      %dma_start3A_688 = tpu.memref_slice %arg4[%add3A_658, %dma_start3A_685, %add3A, %dma_start3A_686, %dma_start3A_687] : memref<50x8x32x8x128xf32, #tpu.memory_space<hbm>> -> memref<1x8x1x8x128xf32, #tpu.memory_space<hbm>>
      %dma_start3A_689 = tpu.memref_squeeze %dma_start3A_688 : memref<1x8x1x8x128xf32, #tpu.memory_space<hbm>> -> memref<8x8x128xf32, #tpu.memory_space<hbm>>
      %dma_start3A_690 = arith.constant 0 : i32
      %dma_start3A_691 = arith.constant 0 : i32
      %dma_start3A_692 = arith.constant 0 : i32
      %dma_start3A_693 = tpu.memref_slice %arg4[%add3A_658, %dma_start3A_690, %add3A, %dma_start3A_691, %dma_start3A_692] : memref<50x8x32x8x128xf32, #tpu.memory_space<hbm>> -> memref<1x8x1x8x128xf32, #tpu.memory_space<hbm>>
      %dma_start3A_694 = tpu.memref_squeeze %dma_start3A_693 : memref<1x8x1x8x128xf32, #tpu.memory_space<hbm>> -> memref<8x8x128xf32, #tpu.memory_space<hbm>>
      %dma_start3A_695 = arith.constant 0 : i32
      %dma_start3A_696 = arith.constant 0 : i32
      %dma_start3A_697 = arith.constant 0 : i32
      %dma_start3A_698 = tpu.memref_slice %arg8[%dma_start3A_679, %dma_start3A_695, %dma_start3A_696, %dma_start3A_697] : memref<6x8x8x129xf32, #tpu.memory_space<vmem>> -> memref<1x8x8x128xf32, #tpu.memory_space<vmem>>
      %dma_start3A_699 = tpu.memref_squeeze %dma_start3A_698 : memref<1x8x8x128xf32, #tpu.memory_space<vmem>> -> memref<8x8x128xf32, #tpu.memory_space<vmem>>
      tpu.enqueue_dma source(%dma_start3A_699 : memref<8x8x128xf32, #tpu.memory_space<vmem>>) target(%dma_start3A_694 : memref<8x8x128xf32, #tpu.memory_space<hbm>>) target_semaphore(%arg17 : memref<!tpu.dma_semaphore, #tpu.memory_space<semaphore_mem>>)
      %lt3A_700 = arith.constant 44 : i32
      %lt3A_701 = arith.cmpi slt, %add3A_658, %lt3A_700 : i32
      %convert_element_type3A_702 = arith.extui %lt3A_701 : i1 to i32
      %cond3A_703 = arith.constant 0 : i32
      %cond3A_704 = arith.cmpi ne, %convert_element_type3A_702, %cond3A_703 : i32
      scf.if %cond3A_704 {
        %add3A_855 = arith.constant 6 : i32
        %add3A_856 = arith.addi %add3A_658, %add3A_855 : i32
        %dma_start3A_857 = arith.constant 2 : i32
        %dma_start3A_858 = arith.constant 0 : i32
        %dma_start3A_859 = arith.constant 0 : i32
        %dma_start3A_860 = tpu.memref_slice %arg7[%dma_start3A_857, %dma_start3A_858, %dma_start3A_859] : memref<6x128x64xf32, #tpu.memory_space<vmem>> -> memref<1x128x64xf32, #tpu.memory_space<vmem>>
        %dma_start3A_861 = tpu.memref_squeeze %dma_start3A_860 : memref<1x128x64xf32, #tpu.memory_space<vmem>> -> memref<128x64xf32, #tpu.memory_space<vmem>>
        %dma_start3A_862 = arith.constant 0 : i32
        %dma_start3A_863 = tpu.memref_slice %arg6[%add3A_856, %dma_start3A_862] : memref<50x128xi32, #tpu.memory_space<vmem>> -> memref<1x128xi32, #tpu.memory_space<vmem>>
        %dma_start3A_864 = tpu.memref_squeeze %dma_start3A_863 : memref<1x128xi32, #tpu.memory_space<vmem>> -> memref<128xi32, #tpu.memory_space<vmem>>
        %dma_start3A_865 = arith.constant 0 : i32
        %dma_start3A_866 = arith.constant 0 : i32
        %dma_start3A_867 = tpu.memref_slice %arg2[%dma_start3A_865, %dma_start3A_866] : memref<200000x64xf32, #tpu.memory_space<hbm>> -> memref<200000x64xf32, #tpu.memory_space<hbm>>
        tpu.enqueue_indirect_dma source(%dma_start3A_867 : memref<200000x64xf32, #tpu.memory_space<hbm>>) target(%dma_start3A_861 : memref<128x64xf32, #tpu.memory_space<vmem>>) offsets(%dma_start3A_864 : memref<128xi32, #tpu.memory_space<vmem>>) semaphore(%arg11 : memref<!tpu.dma_semaphore, #tpu.memory_space<semaphore_mem>>)
      } else {
      }
      %mul3A_705 = arith.constant 6 : i32
      %mul3A_706 = arith.muli %scan3A_557, %mul3A_705 : i32
      %add3A_707 = arith.constant 3 : i32
      %add3A_708 = arith.addi %mul3A_706, %add3A_707 : i32
      %dma_wait3A_709 = arith.constant 3 : i32
      %dma_wait3A_710 = arith.constant 0 : i32
      %dma_wait3A_711 = arith.constant 0 : i32
      %dma_wait3A_712 = tpu.memref_slice %arg7[%dma_wait3A_709, %dma_wait3A_710, %dma_wait3A_711] : memref<6x128x64xf32, #tpu.memory_space<vmem>> -> memref<1x128x64xf32, #tpu.memory_space<vmem>>
      %dma_wait3A_713 = tpu.memref_squeeze %dma_wait3A_712 : memref<1x128x64xf32, #tpu.memory_space<vmem>> -> memref<128x64xf32, #tpu.memory_space<vmem>>
      %dma_wait3A_714 = arith.constant 0 : i32
      %dma_wait3A_715 = tpu.memref_slice %arg6[%add3A_708, %dma_wait3A_714] : memref<50x128xi32, #tpu.memory_space<vmem>> -> memref<1x128xi32, #tpu.memory_space<vmem>>
      %dma_wait3A_716 = tpu.memref_squeeze %dma_wait3A_715 : memref<1x128xi32, #tpu.memory_space<vmem>> -> memref<128xi32, #tpu.memory_space<vmem>>
      %dma_wait3A_717 = arith.constant 0 : i32
      %dma_wait3A_718 = arith.constant 0 : i32
      %dma_wait3A_719 = tpu.memref_slice %arg2[%dma_wait3A_717, %dma_wait3A_718] : memref<200000x64xf32, #tpu.memory_space<hbm>> -> memref<200000x64xf32, #tpu.memory_space<hbm>>
      tpu.wait_indirect_dma semaphore(%arg12 : memref<!tpu.dma_semaphore, #tpu.memory_space<semaphore_mem>>) src(%dma_wait3A_719 : memref<200000x64xf32, #tpu.memory_space<hbm>>) dst(%dma_wait3A_713 : memref<128x64xf32, #tpu.memory_space<vmem>>)
      %ge3A_720 = arith.constant 6 : i32
      %ge3A_721 = arith.cmpi sge, %add3A_708, %ge3A_720 : i32
      %convert_element_type3A_722 = arith.extui %ge3A_721 : i1 to i32
      %cond3A_723 = arith.constant 0 : i32
      %cond3A_724 = arith.cmpi ne, %convert_element_type3A_722, %cond3A_723 : i32
      scf.if %cond3A_724 {
        %dma_wait3A_855 = arith.constant 3 : i32
        %dma_wait3A_856 = arith.constant 0 : i32
        %dma_wait3A_857 = arith.constant 0 : i32
        %dma_wait3A_858 = arith.constant 0 : i32
        %dma_wait3A_859 = arith.constant 0 : i32
        %dma_wait3A_860 = tpu.memref_slice %arg8[%dma_wait3A_855, %dma_wait3A_857, %dma_wait3A_858, %dma_wait3A_859] : memref<6x8x8x129xf32, #tpu.memory_space<vmem>> -> memref<1x8x8x128xf32, #tpu.memory_space<vmem>>
        %dma_wait3A_861 = tpu.memref_squeeze %dma_wait3A_860 : memref<1x8x8x128xf32, #tpu.memory_space<vmem>> -> memref<8x8x128xf32, #tpu.memory_space<vmem>>
        %dma_wait3A_862 = arith.constant 0 : i32
        %dma_wait3A_863 = arith.constant 0 : i32
        %dma_wait3A_864 = arith.constant 0 : i32
        %dma_wait3A_865 = tpu.memref_slice %arg4[%dma_wait3A_856, %dma_wait3A_862, %add3A, %dma_wait3A_863, %dma_wait3A_864] : memref<50x8x32x8x128xf32, #tpu.memory_space<hbm>> -> memref<1x8x1x8x128xf32, #tpu.memory_space<hbm>>
        %dma_wait3A_866 = tpu.memref_squeeze %dma_wait3A_865 : memref<1x8x1x8x128xf32, #tpu.memory_space<hbm>> -> memref<8x8x128xf32, #tpu.memory_space<hbm>>
        %dma_wait3A_867 = arith.constant 0 : i32
        %dma_wait3A_868 = arith.constant 0 : i32
        %dma_wait3A_869 = arith.constant 0 : i32
        %dma_wait3A_870 = tpu.memref_slice %arg4[%dma_wait3A_856, %dma_wait3A_867, %add3A, %dma_wait3A_868, %dma_wait3A_869] : memref<50x8x32x8x128xf32, #tpu.memory_space<hbm>> -> memref<1x8x1x8x128xf32, #tpu.memory_space<hbm>>
        %dma_wait3A_871 = tpu.memref_squeeze %dma_wait3A_870 : memref<1x8x1x8x128xf32, #tpu.memory_space<hbm>> -> memref<8x8x128xf32, #tpu.memory_space<hbm>>
        %dma_wait3A_872 = arith.constant 0 : i32
        %dma_wait3A_873 = arith.constant 0 : i32
        %dma_wait3A_874 = arith.constant 0 : i32
        %dma_wait3A_875 = tpu.memref_slice %arg8[%dma_wait3A_855, %dma_wait3A_872, %dma_wait3A_873, %dma_wait3A_874] : memref<6x8x8x129xf32, #tpu.memory_space<vmem>> -> memref<1x8x8x128xf32, #tpu.memory_space<vmem>>
        %dma_wait3A_876 = tpu.memref_squeeze %dma_wait3A_875 : memref<1x8x8x128xf32, #tpu.memory_space<vmem>> -> memref<8x8x128xf32, #tpu.memory_space<vmem>>
        tpu.wait_dma2 semaphore(%arg18 : memref<!tpu.dma_semaphore, #tpu.memory_space<semaphore_mem>>) src(%dma_wait3A_876 : memref<8x8x128xf32, #tpu.memory_space<vmem>>) dst(%dma_wait3A_871 : memref<8x8x128xf32, #tpu.memory_space<hbm>>)
      } else {
      }
      %parallel_loop3A_725 = arith.constant 0 : i32
      %parallel_loop3A_726 = arith.constant 128 : i32
      %parallel_loop3A_727 = arith.constant 1 : i32
      %parallel_loop3A_728 = arith.constant 3 : i32
      scf.for %parallel_loop3A_855 = %parallel_loop3A_725 to %parallel_loop3A_726 step %parallel_loop3A_727  : i32 {
        %parallel_loop3A_856 = vector.broadcast %parallel_loop3A_855 : i32 to vector<16xi32>
        %parallel_loop3A_857 = arith.constant 0 : i32
        %parallel_loop3A_858 = arith.constant 0 : i32
        %parallel_loop3A_859 = tpu.memref_slice %arg7[%parallel_loop3A_728, %parallel_loop3A_857, %parallel_loop3A_858] : memref<6x128x64xf32, #tpu.memory_space<vmem>> -> memref<1x128x64xf32, #tpu.memory_space<vmem>>
        %parallel_loop3A_860 = tpu.memref_squeeze %parallel_loop3A_859 : memref<1x128x64xf32, #tpu.memory_space<vmem>> -> memref<128x64xf32, #tpu.memory_space<vmem>>
        %parallel_loop3A_861 = arith.index_cast %parallel_loop3A_855 : i32 to index
        %parallel_loop3A_862 = arith.constant 0 : index
        %parallel_loop3A_863 = tpu.vector_load %parallel_loop3A_860[%parallel_loop3A_861, %parallel_loop3A_862] {strides = array<i32>} : memref<128x64xf32, #tpu.memory_space<vmem>>, vector<16xf32>,
        %parallel_loop3A_864 = arith.constant 3 : i32
        %parallel_loop3A_865 = arith.constant 0 : i32
        %parallel_loop3A_866 = arith.constant 0 : i32
        %parallel_loop3A_867 = arith.constant 0 : i32
        %parallel_loop3A_868 = tpu.memref_slice %arg8[%parallel_loop3A_864, %parallel_loop3A_865, %parallel_loop3A_866, %parallel_loop3A_867] : memref<6x8x8x129xf32, #tpu.memory_space<vmem>> -> memref<1x8x8x129xf32, #tpu.memory_space<vmem>>
        %parallel_loop3A_869 = tpu.memref_squeeze %parallel_loop3A_868 : memref<1x8x8x129xf32, #tpu.memory_space<vmem>> -> memref<8x8x129xf32, #tpu.memory_space<vmem>>
        tpu.vector_store_idx %parallel_loop3A_869[%select_n3A, %select_n3A_153, %parallel_loop3A_856], %parallel_loop3A_863 : memref<8x8x129xf32, #tpu.memory_space<vmem>>[vector<16xi32>, vector<16xi32>, vector<16xi32>], vector<16xf32>,
        %parallel_loop3A_870 = arith.constant 0 : i32
        %parallel_loop3A_871 = arith.constant 0 : i32
        %parallel_loop3A_872 = tpu.memref_slice %arg7[%parallel_loop3A_728, %parallel_loop3A_870, %parallel_loop3A_871] : memref<6x128x64xf32, #tpu.memory_space<vmem>> -> memref<1x128x64xf32, #tpu.memory_space<vmem>>
        %parallel_loop3A_873 = tpu.memref_squeeze %parallel_loop3A_872 : memref<1x128x64xf32, #tpu.memory_space<vmem>> -> memref<128x64xf32, #tpu.memory_space<vmem>>
        %parallel_loop3A_874 = arith.index_cast %parallel_loop3A_855 : i32 to index
        %parallel_loop3A_875 = arith.constant 16 : index
        %parallel_loop3A_876 = tpu.vector_load %parallel_loop3A_873[%parallel_loop3A_874, %parallel_loop3A_875] {strides = array<i32>} : memref<128x64xf32, #tpu.memory_space<vmem>>, vector<16xf32>,
        %parallel_loop3A_877 = arith.constant 3 : i32
        %parallel_loop3A_878 = arith.constant 0 : i32
        %parallel_loop3A_879 = arith.constant 0 : i32
        %parallel_loop3A_880 = arith.constant 0 : i32
        %parallel_loop3A_881 = tpu.memref_slice %arg8[%parallel_loop3A_877, %parallel_loop3A_878, %parallel_loop3A_879, %parallel_loop3A_880] : memref<6x8x8x129xf32, #tpu.memory_space<vmem>> -> memref<1x8x8x129xf32, #tpu.memory_space<vmem>>
        %parallel_loop3A_882 = tpu.memref_squeeze %parallel_loop3A_881 : memref<1x8x8x129xf32, #tpu.memory_space<vmem>> -> memref<8x8x129xf32, #tpu.memory_space<vmem>>
        tpu.vector_store_idx %parallel_loop3A_882[%select_n3A_62, %select_n3A_178, %parallel_loop3A_856], %parallel_loop3A_876 : memref<8x8x129xf32, #tpu.memory_space<vmem>>[vector<16xi32>, vector<16xi32>, vector<16xi32>], vector<16xf32>,
        %parallel_loop3A_883 = arith.constant 0 : i32
        %parallel_loop3A_884 = arith.constant 0 : i32
        %parallel_loop3A_885 = tpu.memref_slice %arg7[%parallel_loop3A_728, %parallel_loop3A_883, %parallel_loop3A_884] : memref<6x128x64xf32, #tpu.memory_space<vmem>> -> memref<1x128x64xf32, #tpu.memory_space<vmem>>
        %parallel_loop3A_886 = tpu.memref_squeeze %parallel_loop3A_885 : memref<1x128x64xf32, #tpu.memory_space<vmem>> -> memref<128x64xf32, #tpu.memory_space<vmem>>
        %parallel_loop3A_887 = arith.index_cast %parallel_loop3A_855 : i32 to index
        %parallel_loop3A_888 = arith.constant 32 : index
        %parallel_loop3A_889 = tpu.vector_load %parallel_loop3A_886[%parallel_loop3A_887, %parallel_loop3A_888] {strides = array<i32>} : memref<128x64xf32, #tpu.memory_space<vmem>>, vector<16xf32>,
        %parallel_loop3A_890 = arith.constant 3 : i32
        %parallel_loop3A_891 = arith.constant 0 : i32
        %parallel_loop3A_892 = arith.constant 0 : i32
        %parallel_loop3A_893 = arith.constant 0 : i32
        %parallel_loop3A_894 = tpu.memref_slice %arg8[%parallel_loop3A_890, %parallel_loop3A_891, %parallel_loop3A_892, %parallel_loop3A_893] : memref<6x8x8x129xf32, #tpu.memory_space<vmem>> -> memref<1x8x8x129xf32, #tpu.memory_space<vmem>>
        %parallel_loop3A_895 = tpu.memref_squeeze %parallel_loop3A_894 : memref<1x8x8x129xf32, #tpu.memory_space<vmem>> -> memref<8x8x129xf32, #tpu.memory_space<vmem>>
        tpu.vector_store_idx %parallel_loop3A_895[%select_n3A_96, %select_n3A_203, %parallel_loop3A_856], %parallel_loop3A_889 : memref<8x8x129xf32, #tpu.memory_space<vmem>>[vector<16xi32>, vector<16xi32>, vector<16xi32>], vector<16xf32>,
        %parallel_loop3A_896 = arith.constant 0 : i32
        %parallel_loop3A_897 = arith.constant 0 : i32
        %parallel_loop3A_898 = tpu.memref_slice %arg7[%parallel_loop3A_728, %parallel_loop3A_896, %parallel_loop3A_897] : memref<6x128x64xf32, #tpu.memory_space<vmem>> -> memref<1x128x64xf32, #tpu.memory_space<vmem>>
        %parallel_loop3A_899 = tpu.memref_squeeze %parallel_loop3A_898 : memref<1x128x64xf32, #tpu.memory_space<vmem>> -> memref<128x64xf32, #tpu.memory_space<vmem>>
        %parallel_loop3A_900 = arith.index_cast %parallel_loop3A_855 : i32 to index
        %parallel_loop3A_901 = arith.constant 48 : index
        %parallel_loop3A_902 = tpu.vector_load %parallel_loop3A_899[%parallel_loop3A_900, %parallel_loop3A_901] {strides = array<i32>} : memref<128x64xf32, #tpu.memory_space<vmem>>, vector<16xf32>,
        %parallel_loop3A_903 = arith.constant 3 : i32
        %parallel_loop3A_904 = arith.constant 0 : i32
        %parallel_loop3A_905 = arith.constant 0 : i32
        %parallel_loop3A_906 = arith.constant 0 : i32
        %parallel_loop3A_907 = tpu.memref_slice %arg8[%parallel_loop3A_903, %parallel_loop3A_904, %parallel_loop3A_905, %parallel_loop3A_906] : memref<6x8x8x129xf32, #tpu.memory_space<vmem>> -> memref<1x8x8x129xf32, #tpu.memory_space<vmem>>
        %parallel_loop3A_908 = tpu.memref_squeeze %parallel_loop3A_907 : memref<1x8x8x129xf32, #tpu.memory_space<vmem>> -> memref<8x8x129xf32, #tpu.memory_space<vmem>>
        tpu.vector_store_idx %parallel_loop3A_908[%select_n3A_130, %select_n3A_228, %parallel_loop3A_856], %parallel_loop3A_902 : memref<8x8x129xf32, #tpu.memory_space<vmem>>[vector<16xi32>, vector<16xi32>, vector<16xi32>], vector<16xf32>,
      } {sc.loop_unroll_factor = 4 : i64, sc.parallel_access}
      %dma_start3A_729 = arith.constant 3 : i32
      %dma_start3A_730 = arith.constant 0 : i32
      %dma_start3A_731 = arith.constant 0 : i32
      %dma_start3A_732 = arith.constant 0 : i32
      %dma_start3A_733 = tpu.memref_slice %arg8[%dma_start3A_729, %dma_start3A_730, %dma_start3A_731, %dma_start3A_732] : memref<6x8x8x129xf32, #tpu.memory_space<vmem>> -> memref<1x8x8x128xf32, #tpu.memory_space<vmem>>
      %dma_start3A_734 = tpu.memref_squeeze %dma_start3A_733 : memref<1x8x8x128xf32, #tpu.memory_space<vmem>> -> memref<8x8x128xf32, #tpu.memory_space<vmem>>
      %dma_start3A_735 = arith.constant 0 : i32
      %dma_start3A_736 = arith.constant 0 : i32
      %dma_start3A_737 = arith.constant 0 : i32
      %dma_start3A_738 = tpu.memref_slice %arg4[%add3A_708, %dma_start3A_735, %add3A, %dma_start3A_736, %dma_start3A_737] : memref<50x8x32x8x128xf32, #tpu.memory_space<hbm>> -> memref<1x8x1x8x128xf32, #tpu.memory_space<hbm>>
      %dma_start3A_739 = tpu.memref_squeeze %dma_start3A_738 : memref<1x8x1x8x128xf32, #tpu.memory_space<hbm>> -> memref<8x8x128xf32, #tpu.memory_space<hbm>>
      %dma_start3A_740 = arith.constant 0 : i32
      %dma_start3A_741 = arith.constant 0 : i32
      %dma_start3A_742 = arith.constant 0 : i32
      %dma_start3A_743 = tpu.memref_slice %arg4[%add3A_708, %dma_start3A_740, %add3A, %dma_start3A_741, %dma_start3A_742] : memref<50x8x32x8x128xf32, #tpu.memory_space<hbm>> -> memref<1x8x1x8x128xf32, #tpu.memory_space<hbm>>
      %dma_start3A_744 = tpu.memref_squeeze %dma_start3A_743 : memref<1x8x1x8x128xf32, #tpu.memory_space<hbm>> -> memref<8x8x128xf32, #tpu.memory_space<hbm>>
      %dma_start3A_745 = arith.constant 0 : i32
      %dma_start3A_746 = arith.constant 0 : i32
      %dma_start3A_747 = arith.constant 0 : i32
      %dma_start3A_748 = tpu.memref_slice %arg8[%dma_start3A_729, %dma_start3A_745, %dma_start3A_746, %dma_start3A_747] : memref<6x8x8x129xf32, #tpu.memory_space<vmem>> -> memref<1x8x8x128xf32, #tpu.memory_space<vmem>>
      %dma_start3A_749 = tpu.memref_squeeze %dma_start3A_748 : memref<1x8x8x128xf32, #tpu.memory_space<vmem>> -> memref<8x8x128xf32, #tpu.memory_space<vmem>>
      tpu.enqueue_dma source(%dma_start3A_749 : memref<8x8x128xf32, #tpu.memory_space<vmem>>) target(%dma_start3A_744 : memref<8x8x128xf32, #tpu.memory_space<hbm>>) target_semaphore(%arg18 : memref<!tpu.dma_semaphore, #tpu.memory_space<semaphore_mem>>)
      %lt3A_750 = arith.constant 44 : i32
      %lt3A_751 = arith.cmpi slt, %add3A_708, %lt3A_750 : i32
      %convert_element_type3A_752 = arith.extui %lt3A_751 : i1 to i32
      %cond3A_753 = arith.constant 0 : i32
      %cond3A_754 = arith.cmpi ne, %convert_element_type3A_752, %cond3A_753 : i32
      scf.if %cond3A_754 {
        %add3A_855 = arith.constant 6 : i32
        %add3A_856 = arith.addi %add3A_708, %add3A_855 : i32
        %dma_start3A_857 = arith.constant 3 : i32
        %dma_start3A_858 = arith.constant 0 : i32
        %dma_start3A_859 = arith.constant 0 : i32
        %dma_start3A_860 = tpu.memref_slice %arg7[%dma_start3A_857, %dma_start3A_858, %dma_start3A_859] : memref<6x128x64xf32, #tpu.memory_space<vmem>> -> memref<1x128x64xf32, #tpu.memory_space<vmem>>
        %dma_start3A_861 = tpu.memref_squeeze %dma_start3A_860 : memref<1x128x64xf32, #tpu.memory_space<vmem>> -> memref<128x64xf32, #tpu.memory_space<vmem>>
        %dma_start3A_862 = arith.constant 0 : i32
        %dma_start3A_863 = tpu.memref_slice %arg6[%add3A_856, %dma_start3A_862] : memref<50x128xi32, #tpu.memory_space<vmem>> -> memref<1x128xi32, #tpu.memory_space<vmem>>
        %dma_start3A_864 = tpu.memref_squeeze %dma_start3A_863 : memref<1x128xi32, #tpu.memory_space<vmem>> -> memref<128xi32, #tpu.memory_space<vmem>>
        %dma_start3A_865 = arith.constant 0 : i32
        %dma_start3A_866 = arith.constant 0 : i32
        %dma_start3A_867 = tpu.memref_slice %arg2[%dma_start3A_865, %dma_start3A_866] : memref<200000x64xf32, #tpu.memory_space<hbm>> -> memref<200000x64xf32, #tpu.memory_space<hbm>>
        tpu.enqueue_indirect_dma source(%dma_start3A_867 : memref<200000x64xf32, #tpu.memory_space<hbm>>) target(%dma_start3A_861 : memref<128x64xf32, #tpu.memory_space<vmem>>) offsets(%dma_start3A_864 : memref<128xi32, #tpu.memory_space<vmem>>) semaphore(%arg12 : memref<!tpu.dma_semaphore, #tpu.memory_space<semaphore_mem>>)
      } else {
      }
      %mul3A_755 = arith.constant 6 : i32
      %mul3A_756 = arith.muli %scan3A_557, %mul3A_755 : i32
      %add3A_757 = arith.constant 4 : i32
      %add3A_758 = arith.addi %mul3A_756, %add3A_757 : i32
      %dma_wait3A_759 = arith.constant 4 : i32
      %dma_wait3A_760 = arith.constant 0 : i32
      %dma_wait3A_761 = arith.constant 0 : i32
      %dma_wait3A_762 = tpu.memref_slice %arg7[%dma_wait3A_759, %dma_wait3A_760, %dma_wait3A_761] : memref<6x128x64xf32, #tpu.memory_space<vmem>> -> memref<1x128x64xf32, #tpu.memory_space<vmem>>
      %dma_wait3A_763 = tpu.memref_squeeze %dma_wait3A_762 : memref<1x128x64xf32, #tpu.memory_space<vmem>> -> memref<128x64xf32, #tpu.memory_space<vmem>>
      %dma_wait3A_764 = arith.constant 0 : i32
      %dma_wait3A_765 = tpu.memref_slice %arg6[%add3A_758, %dma_wait3A_764] : memref<50x128xi32, #tpu.memory_space<vmem>> -> memref<1x128xi32, #tpu.memory_space<vmem>>
      %dma_wait3A_766 = tpu.memref_squeeze %dma_wait3A_765 : memref<1x128xi32, #tpu.memory_space<vmem>> -> memref<128xi32, #tpu.memory_space<vmem>>
      %dma_wait3A_767 = arith.constant 0 : i32
      %dma_wait3A_768 = arith.constant 0 : i32
      %dma_wait3A_769 = tpu.memref_slice %arg2[%dma_wait3A_767, %dma_wait3A_768] : memref<200000x64xf32, #tpu.memory_space<hbm>> -> memref<200000x64xf32, #tpu.memory_space<hbm>>
      tpu.wait_indirect_dma semaphore(%arg13 : memref<!tpu.dma_semaphore, #tpu.memory_space<semaphore_mem>>) src(%dma_wait3A_769 : memref<200000x64xf32, #tpu.memory_space<hbm>>) dst(%dma_wait3A_763 : memref<128x64xf32, #tpu.memory_space<vmem>>)
      %ge3A_770 = arith.constant 6 : i32
      %ge3A_771 = arith.cmpi sge, %add3A_758, %ge3A_770 : i32
      %convert_element_type3A_772 = arith.extui %ge3A_771 : i1 to i32
      %cond3A_773 = arith.constant 0 : i32
      %cond3A_774 = arith.cmpi ne, %convert_element_type3A_772, %cond3A_773 : i32
      scf.if %cond3A_774 {
        %dma_wait3A_855 = arith.constant 4 : i32
        %dma_wait3A_856 = arith.constant 0 : i32
        %dma_wait3A_857 = arith.constant 0 : i32
        %dma_wait3A_858 = arith.constant 0 : i32
        %dma_wait3A_859 = arith.constant 0 : i32
        %dma_wait3A_860 = tpu.memref_slice %arg8[%dma_wait3A_855, %dma_wait3A_857, %dma_wait3A_858, %dma_wait3A_859] : memref<6x8x8x129xf32, #tpu.memory_space<vmem>> -> memref<1x8x8x128xf32, #tpu.memory_space<vmem>>
        %dma_wait3A_861 = tpu.memref_squeeze %dma_wait3A_860 : memref<1x8x8x128xf32, #tpu.memory_space<vmem>> -> memref<8x8x128xf32, #tpu.memory_space<vmem>>
        %dma_wait3A_862 = arith.constant 0 : i32
        %dma_wait3A_863 = arith.constant 0 : i32
        %dma_wait3A_864 = arith.constant 0 : i32
        %dma_wait3A_865 = tpu.memref_slice %arg4[%dma_wait3A_856, %dma_wait3A_862, %add3A, %dma_wait3A_863, %dma_wait3A_864] : memref<50x8x32x8x128xf32, #tpu.memory_space<hbm>> -> memref<1x8x1x8x128xf32, #tpu.memory_space<hbm>>
        %dma_wait3A_866 = tpu.memref_squeeze %dma_wait3A_865 : memref<1x8x1x8x128xf32, #tpu.memory_space<hbm>> -> memref<8x8x128xf32, #tpu.memory_space<hbm>>
        %dma_wait3A_867 = arith.constant 0 : i32
        %dma_wait3A_868 = arith.constant 0 : i32
        %dma_wait3A_869 = arith.constant 0 : i32
        %dma_wait3A_870 = tpu.memref_slice %arg4[%dma_wait3A_856, %dma_wait3A_867, %add3A, %dma_wait3A_868, %dma_wait3A_869] : memref<50x8x32x8x128xf32, #tpu.memory_space<hbm>> -> memref<1x8x1x8x128xf32, #tpu.memory_space<hbm>>
        %dma_wait3A_871 = tpu.memref_squeeze %dma_wait3A_870 : memref<1x8x1x8x128xf32, #tpu.memory_space<hbm>> -> memref<8x8x128xf32, #tpu.memory_space<hbm>>
        %dma_wait3A_872 = arith.constant 0 : i32
        %dma_wait3A_873 = arith.constant 0 : i32
        %dma_wait3A_874 = arith.constant 0 : i32
        %dma_wait3A_875 = tpu.memref_slice %arg8[%dma_wait3A_855, %dma_wait3A_872, %dma_wait3A_873, %dma_wait3A_874] : memref<6x8x8x129xf32, #tpu.memory_space<vmem>> -> memref<1x8x8x128xf32, #tpu.memory_space<vmem>>
        %dma_wait3A_876 = tpu.memref_squeeze %dma_wait3A_875 : memref<1x8x8x128xf32, #tpu.memory_space<vmem>> -> memref<8x8x128xf32, #tpu.memory_space<vmem>>
        tpu.wait_dma2 semaphore(%arg19 : memref<!tpu.dma_semaphore, #tpu.memory_space<semaphore_mem>>) src(%dma_wait3A_876 : memref<8x8x128xf32, #tpu.memory_space<vmem>>) dst(%dma_wait3A_871 : memref<8x8x128xf32, #tpu.memory_space<hbm>>)
      } else {
      }
      %parallel_loop3A_775 = arith.constant 0 : i32
      %parallel_loop3A_776 = arith.constant 128 : i32
      %parallel_loop3A_777 = arith.constant 1 : i32
      %parallel_loop3A_778 = arith.constant 4 : i32
      scf.for %parallel_loop3A_855 = %parallel_loop3A_775 to %parallel_loop3A_776 step %parallel_loop3A_777  : i32 {
        %parallel_loop3A_856 = vector.broadcast %parallel_loop3A_855 : i32 to vector<16xi32>
        %parallel_loop3A_857 = arith.constant 0 : i32
        %parallel_loop3A_858 = arith.constant 0 : i32
        %parallel_loop3A_859 = tpu.memref_slice %arg7[%parallel_loop3A_778, %parallel_loop3A_857, %parallel_loop3A_858] : memref<6x128x64xf32, #tpu.memory_space<vmem>> -> memref<1x128x64xf32, #tpu.memory_space<vmem>>
        %parallel_loop3A_860 = tpu.memref_squeeze %parallel_loop3A_859 : memref<1x128x64xf32, #tpu.memory_space<vmem>> -> memref<128x64xf32, #tpu.memory_space<vmem>>
        %parallel_loop3A_861 = arith.index_cast %parallel_loop3A_855 : i32 to index
        %parallel_loop3A_862 = arith.constant 0 : index
        %parallel_loop3A_863 = tpu.vector_load %parallel_loop3A_860[%parallel_loop3A_861, %parallel_loop3A_862] {strides = array<i32>} : memref<128x64xf32, #tpu.memory_space<vmem>>, vector<16xf32>,
        %parallel_loop3A_864 = arith.constant 4 : i32
        %parallel_loop3A_865 = arith.constant 0 : i32
        %parallel_loop3A_866 = arith.constant 0 : i32
        %parallel_loop3A_867 = arith.constant 0 : i32
        %parallel_loop3A_868 = tpu.memref_slice %arg8[%parallel_loop3A_864, %parallel_loop3A_865, %parallel_loop3A_866, %parallel_loop3A_867] : memref<6x8x8x129xf32, #tpu.memory_space<vmem>> -> memref<1x8x8x129xf32, #tpu.memory_space<vmem>>
        %parallel_loop3A_869 = tpu.memref_squeeze %parallel_loop3A_868 : memref<1x8x8x129xf32, #tpu.memory_space<vmem>> -> memref<8x8x129xf32, #tpu.memory_space<vmem>>
        tpu.vector_store_idx %parallel_loop3A_869[%select_n3A, %select_n3A_153, %parallel_loop3A_856], %parallel_loop3A_863 : memref<8x8x129xf32, #tpu.memory_space<vmem>>[vector<16xi32>, vector<16xi32>, vector<16xi32>], vector<16xf32>,
        %parallel_loop3A_870 = arith.constant 0 : i32
        %parallel_loop3A_871 = arith.constant 0 : i32
        %parallel_loop3A_872 = tpu.memref_slice %arg7[%parallel_loop3A_778, %parallel_loop3A_870, %parallel_loop3A_871] : memref<6x128x64xf32, #tpu.memory_space<vmem>> -> memref<1x128x64xf32, #tpu.memory_space<vmem>>
        %parallel_loop3A_873 = tpu.memref_squeeze %parallel_loop3A_872 : memref<1x128x64xf32, #tpu.memory_space<vmem>> -> memref<128x64xf32, #tpu.memory_space<vmem>>
        %parallel_loop3A_874 = arith.index_cast %parallel_loop3A_855 : i32 to index
        %parallel_loop3A_875 = arith.constant 16 : index
        %parallel_loop3A_876 = tpu.vector_load %parallel_loop3A_873[%parallel_loop3A_874, %parallel_loop3A_875] {strides = array<i32>} : memref<128x64xf32, #tpu.memory_space<vmem>>, vector<16xf32>,
        %parallel_loop3A_877 = arith.constant 4 : i32
        %parallel_loop3A_878 = arith.constant 0 : i32
        %parallel_loop3A_879 = arith.constant 0 : i32
        %parallel_loop3A_880 = arith.constant 0 : i32
        %parallel_loop3A_881 = tpu.memref_slice %arg8[%parallel_loop3A_877, %parallel_loop3A_878, %parallel_loop3A_879, %parallel_loop3A_880] : memref<6x8x8x129xf32, #tpu.memory_space<vmem>> -> memref<1x8x8x129xf32, #tpu.memory_space<vmem>>
        %parallel_loop3A_882 = tpu.memref_squeeze %parallel_loop3A_881 : memref<1x8x8x129xf32, #tpu.memory_space<vmem>> -> memref<8x8x129xf32, #tpu.memory_space<vmem>>
        tpu.vector_store_idx %parallel_loop3A_882[%select_n3A_62, %select_n3A_178, %parallel_loop3A_856], %parallel_loop3A_876 : memref<8x8x129xf32, #tpu.memory_space<vmem>>[vector<16xi32>, vector<16xi32>, vector<16xi32>], vector<16xf32>,
        %parallel_loop3A_883 = arith.constant 0 : i32
        %parallel_loop3A_884 = arith.constant 0 : i32
        %parallel_loop3A_885 = tpu.memref_slice %arg7[%parallel_loop3A_778, %parallel_loop3A_883, %parallel_loop3A_884] : memref<6x128x64xf32, #tpu.memory_space<vmem>> -> memref<1x128x64xf32, #tpu.memory_space<vmem>>
        %parallel_loop3A_886 = tpu.memref_squeeze %parallel_loop3A_885 : memref<1x128x64xf32, #tpu.memory_space<vmem>> -> memref<128x64xf32, #tpu.memory_space<vmem>>
        %parallel_loop3A_887 = arith.index_cast %parallel_loop3A_855 : i32 to index
        %parallel_loop3A_888 = arith.constant 32 : index
        %parallel_loop3A_889 = tpu.vector_load %parallel_loop3A_886[%parallel_loop3A_887, %parallel_loop3A_888] {strides = array<i32>} : memref<128x64xf32, #tpu.memory_space<vmem>>, vector<16xf32>,
        %parallel_loop3A_890 = arith.constant 4 : i32
        %parallel_loop3A_891 = arith.constant 0 : i32
        %parallel_loop3A_892 = arith.constant 0 : i32
        %parallel_loop3A_893 = arith.constant 0 : i32
        %parallel_loop3A_894 = tpu.memref_slice %arg8[%parallel_loop3A_890, %parallel_loop3A_891, %parallel_loop3A_892, %parallel_loop3A_893] : memref<6x8x8x129xf32, #tpu.memory_space<vmem>> -> memref<1x8x8x129xf32, #tpu.memory_space<vmem>>
        %parallel_loop3A_895 = tpu.memref_squeeze %parallel_loop3A_894 : memref<1x8x8x129xf32, #tpu.memory_space<vmem>> -> memref<8x8x129xf32, #tpu.memory_space<vmem>>
        tpu.vector_store_idx %parallel_loop3A_895[%select_n3A_96, %select_n3A_203, %parallel_loop3A_856], %parallel_loop3A_889 : memref<8x8x129xf32, #tpu.memory_space<vmem>>[vector<16xi32>, vector<16xi32>, vector<16xi32>], vector<16xf32>,
        %parallel_loop3A_896 = arith.constant 0 : i32
        %parallel_loop3A_897 = arith.constant 0 : i32
        %parallel_loop3A_898 = tpu.memref_slice %arg7[%parallel_loop3A_778, %parallel_loop3A_896, %parallel_loop3A_897] : memref<6x128x64xf32, #tpu.memory_space<vmem>> -> memref<1x128x64xf32, #tpu.memory_space<vmem>>
        %parallel_loop3A_899 = tpu.memref_squeeze %parallel_loop3A_898 : memref<1x128x64xf32, #tpu.memory_space<vmem>> -> memref<128x64xf32, #tpu.memory_space<vmem>>
        %parallel_loop3A_900 = arith.index_cast %parallel_loop3A_855 : i32 to index
        %parallel_loop3A_901 = arith.constant 48 : index
        %parallel_loop3A_902 = tpu.vector_load %parallel_loop3A_899[%parallel_loop3A_900, %parallel_loop3A_901] {strides = array<i32>} : memref<128x64xf32, #tpu.memory_space<vmem>>, vector<16xf32>,
        %parallel_loop3A_903 = arith.constant 4 : i32
        %parallel_loop3A_904 = arith.constant 0 : i32
        %parallel_loop3A_905 = arith.constant 0 : i32
        %parallel_loop3A_906 = arith.constant 0 : i32
        %parallel_loop3A_907 = tpu.memref_slice %arg8[%parallel_loop3A_903, %parallel_loop3A_904, %parallel_loop3A_905, %parallel_loop3A_906] : memref<6x8x8x129xf32, #tpu.memory_space<vmem>> -> memref<1x8x8x129xf32, #tpu.memory_space<vmem>>
        %parallel_loop3A_908 = tpu.memref_squeeze %parallel_loop3A_907 : memref<1x8x8x129xf32, #tpu.memory_space<vmem>> -> memref<8x8x129xf32, #tpu.memory_space<vmem>>
        tpu.vector_store_idx %parallel_loop3A_908[%select_n3A_130, %select_n3A_228, %parallel_loop3A_856], %parallel_loop3A_902 : memref<8x8x129xf32, #tpu.memory_space<vmem>>[vector<16xi32>, vector<16xi32>, vector<16xi32>], vector<16xf32>,
      } {sc.loop_unroll_factor = 4 : i64, sc.parallel_access}
      %dma_start3A_779 = arith.constant 4 : i32
      %dma_start3A_780 = arith.constant 0 : i32
      %dma_start3A_781 = arith.constant 0 : i32
      %dma_start3A_782 = arith.constant 0 : i32
      %dma_start3A_783 = tpu.memref_slice %arg8[%dma_start3A_779, %dma_start3A_780, %dma_start3A_781, %dma_start3A_782] : memref<6x8x8x129xf32, #tpu.memory_space<vmem>> -> memref<1x8x8x128xf32, #tpu.memory_space<vmem>>
      %dma_start3A_784 = tpu.memref_squeeze %dma_start3A_783 : memref<1x8x8x128xf32, #tpu.memory_space<vmem>> -> memref<8x8x128xf32, #tpu.memory_space<vmem>>
      %dma_start3A_785 = arith.constant 0 : i32
      %dma_start3A_786 = arith.constant 0 : i32
      %dma_start3A_787 = arith.constant 0 : i32
      %dma_start3A_788 = tpu.memref_slice %arg4[%add3A_758, %dma_start3A_785, %add3A, %dma_start3A_786, %dma_start3A_787] : memref<50x8x32x8x128xf32, #tpu.memory_space<hbm>> -> memref<1x8x1x8x128xf32, #tpu.memory_space<hbm>>
      %dma_start3A_789 = tpu.memref_squeeze %dma_start3A_788 : memref<1x8x1x8x128xf32, #tpu.memory_space<hbm>> -> memref<8x8x128xf32, #tpu.memory_space<hbm>>
      %dma_start3A_790 = arith.constant 0 : i32
      %dma_start3A_791 = arith.constant 0 : i32
      %dma_start3A_792 = arith.constant 0 : i32
      %dma_start3A_793 = tpu.memref_slice %arg4[%add3A_758, %dma_start3A_790, %add3A, %dma_start3A_791, %dma_start3A_792] : memref<50x8x32x8x128xf32, #tpu.memory_space<hbm>> -> memref<1x8x1x8x128xf32, #tpu.memory_space<hbm>>
      %dma_start3A_794 = tpu.memref_squeeze %dma_start3A_793 : memref<1x8x1x8x128xf32, #tpu.memory_space<hbm>> -> memref<8x8x128xf32, #tpu.memory_space<hbm>>
      %dma_start3A_795 = arith.constant 0 : i32
      %dma_start3A_796 = arith.constant 0 : i32
      %dma_start3A_797 = arith.constant 0 : i32
      %dma_start3A_798 = tpu.memref_slice %arg8[%dma_start3A_779, %dma_start3A_795, %dma_start3A_796, %dma_start3A_797] : memref<6x8x8x129xf32, #tpu.memory_space<vmem>> -> memref<1x8x8x128xf32, #tpu.memory_space<vmem>>
      %dma_start3A_799 = tpu.memref_squeeze %dma_start3A_798 : memref<1x8x8x128xf32, #tpu.memory_space<vmem>> -> memref<8x8x128xf32, #tpu.memory_space<vmem>>
      tpu.enqueue_dma source(%dma_start3A_799 : memref<8x8x128xf32, #tpu.memory_space<vmem>>) target(%dma_start3A_794 : memref<8x8x128xf32, #tpu.memory_space<hbm>>) target_semaphore(%arg19 : memref<!tpu.dma_semaphore, #tpu.memory_space<semaphore_mem>>)
      %lt3A_800 = arith.constant 44 : i32
      %lt3A_801 = arith.cmpi slt, %add3A_758, %lt3A_800 : i32
      %convert_element_type3A_802 = arith.extui %lt3A_801 : i1 to i32
      %cond3A_803 = arith.constant 0 : i32
      %cond3A_804 = arith.cmpi ne, %convert_element_type3A_802, %cond3A_803 : i32
      scf.if %cond3A_804 {
        %add3A_855 = arith.constant 6 : i32
        %add3A_856 = arith.addi %add3A_758, %add3A_855 : i32
        %dma_start3A_857 = arith.constant 4 : i32
        %dma_start3A_858 = arith.constant 0 : i32
        %dma_start3A_859 = arith.constant 0 : i32
        %dma_start3A_860 = tpu.memref_slice %arg7[%dma_start3A_857, %dma_start3A_858, %dma_start3A_859] : memref<6x128x64xf32, #tpu.memory_space<vmem>> -> memref<1x128x64xf32, #tpu.memory_space<vmem>>
        %dma_start3A_861 = tpu.memref_squeeze %dma_start3A_860 : memref<1x128x64xf32, #tpu.memory_space<vmem>> -> memref<128x64xf32, #tpu.memory_space<vmem>>
        %dma_start3A_862 = arith.constant 0 : i32
        %dma_start3A_863 = tpu.memref_slice %arg6[%add3A_856, %dma_start3A_862] : memref<50x128xi32, #tpu.memory_space<vmem>> -> memref<1x128xi32, #tpu.memory_space<vmem>>
        %dma_start3A_864 = tpu.memref_squeeze %dma_start3A_863 : memref<1x128xi32, #tpu.memory_space<vmem>> -> memref<128xi32, #tpu.memory_space<vmem>>
        %dma_start3A_865 = arith.constant 0 : i32
        %dma_start3A_866 = arith.constant 0 : i32
        %dma_start3A_867 = tpu.memref_slice %arg2[%dma_start3A_865, %dma_start3A_866] : memref<200000x64xf32, #tpu.memory_space<hbm>> -> memref<200000x64xf32, #tpu.memory_space<hbm>>
        tpu.enqueue_indirect_dma source(%dma_start3A_867 : memref<200000x64xf32, #tpu.memory_space<hbm>>) target(%dma_start3A_861 : memref<128x64xf32, #tpu.memory_space<vmem>>) offsets(%dma_start3A_864 : memref<128xi32, #tpu.memory_space<vmem>>) semaphore(%arg13 : memref<!tpu.dma_semaphore, #tpu.memory_space<semaphore_mem>>)
      } else {
      }
      %mul3A_805 = arith.constant 6 : i32
      %mul3A_806 = arith.muli %scan3A_557, %mul3A_805 : i32
      %add3A_807 = arith.constant 5 : i32
      %add3A_808 = arith.addi %mul3A_806, %add3A_807 : i32
      %dma_wait3A_809 = arith.constant 5 : i32
      %dma_wait3A_810 = arith.constant 0 : i32
      %dma_wait3A_811 = arith.constant 0 : i32
      %dma_wait3A_812 = tpu.memref_slice %arg7[%dma_wait3A_809, %dma_wait3A_810, %dma_wait3A_811] : memref<6x128x64xf32, #tpu.memory_space<vmem>> -> memref<1x128x64xf32, #tpu.memory_space<vmem>>
      %dma_wait3A_813 = tpu.memref_squeeze %dma_wait3A_812 : memref<1x128x64xf32, #tpu.memory_space<vmem>> -> memref<128x64xf32, #tpu.memory_space<vmem>>
      %dma_wait3A_814 = arith.constant 0 : i32
      %dma_wait3A_815 = tpu.memref_slice %arg6[%add3A_808, %dma_wait3A_814] : memref<50x128xi32, #tpu.memory_space<vmem>> -> memref<1x128xi32, #tpu.memory_space<vmem>>
      %dma_wait3A_816 = tpu.memref_squeeze %dma_wait3A_815 : memref<1x128xi32, #tpu.memory_space<vmem>> -> memref<128xi32, #tpu.memory_space<vmem>>
      %dma_wait3A_817 = arith.constant 0 : i32
      %dma_wait3A_818 = arith.constant 0 : i32
      %dma_wait3A_819 = tpu.memref_slice %arg2[%dma_wait3A_817, %dma_wait3A_818] : memref<200000x64xf32, #tpu.memory_space<hbm>> -> memref<200000x64xf32, #tpu.memory_space<hbm>>
      tpu.wait_indirect_dma semaphore(%arg14 : memref<!tpu.dma_semaphore, #tpu.memory_space<semaphore_mem>>) src(%dma_wait3A_819 : memref<200000x64xf32, #tpu.memory_space<hbm>>) dst(%dma_wait3A_813 : memref<128x64xf32, #tpu.memory_space<vmem>>)
      %ge3A_820 = arith.constant 6 : i32
      %ge3A_821 = arith.cmpi sge, %add3A_808, %ge3A_820 : i32
      %convert_element_type3A_822 = arith.extui %ge3A_821 : i1 to i32
      %cond3A_823 = arith.constant 0 : i32
      %cond3A_824 = arith.cmpi ne, %convert_element_type3A_822, %cond3A_823 : i32
      scf.if %cond3A_824 {
        %dma_wait3A_855 = arith.constant 5 : i32
        %dma_wait3A_856 = arith.constant 0 : i32
        %dma_wait3A_857 = arith.constant 0 : i32
        %dma_wait3A_858 = arith.constant 0 : i32
        %dma_wait3A_859 = arith.constant 0 : i32
        %dma_wait3A_860 = tpu.memref_slice %arg8[%dma_wait3A_855, %dma_wait3A_857, %dma_wait3A_858, %dma_wait3A_859] : memref<6x8x8x129xf32, #tpu.memory_space<vmem>> -> memref<1x8x8x128xf32, #tpu.memory_space<vmem>>
        %dma_wait3A_861 = tpu.memref_squeeze %dma_wait3A_860 : memref<1x8x8x128xf32, #tpu.memory_space<vmem>> -> memref<8x8x128xf32, #tpu.memory_space<vmem>>
        %dma_wait3A_862 = arith.constant 0 : i32
        %dma_wait3A_863 = arith.constant 0 : i32
        %dma_wait3A_864 = arith.constant 0 : i32
        %dma_wait3A_865 = tpu.memref_slice %arg4[%dma_wait3A_856, %dma_wait3A_862, %add3A, %dma_wait3A_863, %dma_wait3A_864] : memref<50x8x32x8x128xf32, #tpu.memory_space<hbm>> -> memref<1x8x1x8x128xf32, #tpu.memory_space<hbm>>
        %dma_wait3A_866 = tpu.memref_squeeze %dma_wait3A_865 : memref<1x8x1x8x128xf32, #tpu.memory_space<hbm>> -> memref<8x8x128xf32, #tpu.memory_space<hbm>>
        %dma_wait3A_867 = arith.constant 0 : i32
        %dma_wait3A_868 = arith.constant 0 : i32
        %dma_wait3A_869 = arith.constant 0 : i32
        %dma_wait3A_870 = tpu.memref_slice %arg4[%dma_wait3A_856, %dma_wait3A_867, %add3A, %dma_wait3A_868, %dma_wait3A_869] : memref<50x8x32x8x128xf32, #tpu.memory_space<hbm>> -> memref<1x8x1x8x128xf32, #tpu.memory_space<hbm>>
        %dma_wait3A_871 = tpu.memref_squeeze %dma_wait3A_870 : memref<1x8x1x8x128xf32, #tpu.memory_space<hbm>> -> memref<8x8x128xf32, #tpu.memory_space<hbm>>
        %dma_wait3A_872 = arith.constant 0 : i32
        %dma_wait3A_873 = arith.constant 0 : i32
        %dma_wait3A_874 = arith.constant 0 : i32
        %dma_wait3A_875 = tpu.memref_slice %arg8[%dma_wait3A_855, %dma_wait3A_872, %dma_wait3A_873, %dma_wait3A_874] : memref<6x8x8x129xf32, #tpu.memory_space<vmem>> -> memref<1x8x8x128xf32, #tpu.memory_space<vmem>>
        %dma_wait3A_876 = tpu.memref_squeeze %dma_wait3A_875 : memref<1x8x8x128xf32, #tpu.memory_space<vmem>> -> memref<8x8x128xf32, #tpu.memory_space<vmem>>
        tpu.wait_dma2 semaphore(%arg20 : memref<!tpu.dma_semaphore, #tpu.memory_space<semaphore_mem>>) src(%dma_wait3A_876 : memref<8x8x128xf32, #tpu.memory_space<vmem>>) dst(%dma_wait3A_871 : memref<8x8x128xf32, #tpu.memory_space<hbm>>)
      } else {
      }
      %parallel_loop3A_825 = arith.constant 0 : i32
      %parallel_loop3A_826 = arith.constant 128 : i32
      %parallel_loop3A_827 = arith.constant 1 : i32
      %parallel_loop3A_828 = arith.constant 5 : i32
      scf.for %parallel_loop3A_855 = %parallel_loop3A_825 to %parallel_loop3A_826 step %parallel_loop3A_827  : i32 {
        %parallel_loop3A_856 = vector.broadcast %parallel_loop3A_855 : i32 to vector<16xi32>
        %parallel_loop3A_857 = arith.constant 0 : i32
        %parallel_loop3A_858 = arith.constant 0 : i32
        %parallel_loop3A_859 = tpu.memref_slice %arg7[%parallel_loop3A_828, %parallel_loop3A_857, %parallel_loop3A_858] : memref<6x128x64xf32, #tpu.memory_space<vmem>> -> memref<1x128x64xf32, #tpu.memory_space<vmem>>
        %parallel_loop3A_860 = tpu.memref_squeeze %parallel_loop3A_859 : memref<1x128x64xf32, #tpu.memory_space<vmem>> -> memref<128x64xf32, #tpu.memory_space<vmem>>
        %parallel_loop3A_861 = arith.index_cast %parallel_loop3A_855 : i32 to index
        %parallel_loop3A_862 = arith.constant 0 : index
        %parallel_loop3A_863 = tpu.vector_load %parallel_loop3A_860[%parallel_loop3A_861, %parallel_loop3A_862] {strides = array<i32>} : memref<128x64xf32, #tpu.memory_space<vmem>>, vector<16xf32>,
        %parallel_loop3A_864 = arith.constant 5 : i32
        %parallel_loop3A_865 = arith.constant 0 : i32
        %parallel_loop3A_866 = arith.constant 0 : i32
        %parallel_loop3A_867 = arith.constant 0 : i32
        %parallel_loop3A_868 = tpu.memref_slice %arg8[%parallel_loop3A_864, %parallel_loop3A_865, %parallel_loop3A_866, %parallel_loop3A_867] : memref<6x8x8x129xf32, #tpu.memory_space<vmem>> -> memref<1x8x8x129xf32, #tpu.memory_space<vmem>>
        %parallel_loop3A_869 = tpu.memref_squeeze %parallel_loop3A_868 : memref<1x8x8x129xf32, #tpu.memory_space<vmem>> -> memref<8x8x129xf32, #tpu.memory_space<vmem>>
        tpu.vector_store_idx %parallel_loop3A_869[%select_n3A, %select_n3A_153, %parallel_loop3A_856], %parallel_loop3A_863 : memref<8x8x129xf32, #tpu.memory_space<vmem>>[vector<16xi32>, vector<16xi32>, vector<16xi32>], vector<16xf32>,
        %parallel_loop3A_870 = arith.constant 0 : i32
        %parallel_loop3A_871 = arith.constant 0 : i32
        %parallel_loop3A_872 = tpu.memref_slice %arg7[%parallel_loop3A_828, %parallel_loop3A_870, %parallel_loop3A_871] : memref<6x128x64xf32, #tpu.memory_space<vmem>> -> memref<1x128x64xf32, #tpu.memory_space<vmem>>
        %parallel_loop3A_873 = tpu.memref_squeeze %parallel_loop3A_872 : memref<1x128x64xf32, #tpu.memory_space<vmem>> -> memref<128x64xf32, #tpu.memory_space<vmem>>
        %parallel_loop3A_874 = arith.index_cast %parallel_loop3A_855 : i32 to index
        %parallel_loop3A_875 = arith.constant 16 : index
        %parallel_loop3A_876 = tpu.vector_load %parallel_loop3A_873[%parallel_loop3A_874, %parallel_loop3A_875] {strides = array<i32>} : memref<128x64xf32, #tpu.memory_space<vmem>>, vector<16xf32>,
        %parallel_loop3A_877 = arith.constant 5 : i32
        %parallel_loop3A_878 = arith.constant 0 : i32
        %parallel_loop3A_879 = arith.constant 0 : i32
        %parallel_loop3A_880 = arith.constant 0 : i32
        %parallel_loop3A_881 = tpu.memref_slice %arg8[%parallel_loop3A_877, %parallel_loop3A_878, %parallel_loop3A_879, %parallel_loop3A_880] : memref<6x8x8x129xf32, #tpu.memory_space<vmem>> -> memref<1x8x8x129xf32, #tpu.memory_space<vmem>>
        %parallel_loop3A_882 = tpu.memref_squeeze %parallel_loop3A_881 : memref<1x8x8x129xf32, #tpu.memory_space<vmem>> -> memref<8x8x129xf32, #tpu.memory_space<vmem>>
        tpu.vector_store_idx %parallel_loop3A_882[%select_n3A_62, %select_n3A_178, %parallel_loop3A_856], %parallel_loop3A_876 : memref<8x8x129xf32, #tpu.memory_space<vmem>>[vector<16xi32>, vector<16xi32>, vector<16xi32>], vector<16xf32>,
        %parallel_loop3A_883 = arith.constant 0 : i32
        %parallel_loop3A_884 = arith.constant 0 : i32
        %parallel_loop3A_885 = tpu.memref_slice %arg7[%parallel_loop3A_828, %parallel_loop3A_883, %parallel_loop3A_884] : memref<6x128x64xf32, #tpu.memory_space<vmem>> -> memref<1x128x64xf32, #tpu.memory_space<vmem>>
        %parallel_loop3A_886 = tpu.memref_squeeze %parallel_loop3A_885 : memref<1x128x64xf32, #tpu.memory_space<vmem>> -> memref<128x64xf32, #tpu.memory_space<vmem>>
        %parallel_loop3A_887 = arith.index_cast %parallel_loop3A_855 : i32 to index
        %parallel_loop3A_888 = arith.constant 32 : index
        %parallel_loop3A_889 = tpu.vector_load %parallel_loop3A_886[%parallel_loop3A_887, %parallel_loop3A_888] {strides = array<i32>} : memref<128x64xf32, #tpu.memory_space<vmem>>, vector<16xf32>,
        %parallel_loop3A_890 = arith.constant 5 : i32
        %parallel_loop3A_891 = arith.constant 0 : i32
        %parallel_loop3A_892 = arith.constant 0 : i32
        %parallel_loop3A_893 = arith.constant 0 : i32
        %parallel_loop3A_894 = tpu.memref_slice %arg8[%parallel_loop3A_890, %parallel_loop3A_891, %parallel_loop3A_892, %parallel_loop3A_893] : memref<6x8x8x129xf32, #tpu.memory_space<vmem>> -> memref<1x8x8x129xf32, #tpu.memory_space<vmem>>
        %parallel_loop3A_895 = tpu.memref_squeeze %parallel_loop3A_894 : memref<1x8x8x129xf32, #tpu.memory_space<vmem>> -> memref<8x8x129xf32, #tpu.memory_space<vmem>>
        tpu.vector_store_idx %parallel_loop3A_895[%select_n3A_96, %select_n3A_203, %parallel_loop3A_856], %parallel_loop3A_889 : memref<8x8x129xf32, #tpu.memory_space<vmem>>[vector<16xi32>, vector<16xi32>, vector<16xi32>], vector<16xf32>,
        %parallel_loop3A_896 = arith.constant 0 : i32
        %parallel_loop3A_897 = arith.constant 0 : i32
        %parallel_loop3A_898 = tpu.memref_slice %arg7[%parallel_loop3A_828, %parallel_loop3A_896, %parallel_loop3A_897] : memref<6x128x64xf32, #tpu.memory_space<vmem>> -> memref<1x128x64xf32, #tpu.memory_space<vmem>>
        %parallel_loop3A_899 = tpu.memref_squeeze %parallel_loop3A_898 : memref<1x128x64xf32, #tpu.memory_space<vmem>> -> memref<128x64xf32, #tpu.memory_space<vmem>>
        %parallel_loop3A_900 = arith.index_cast %parallel_loop3A_855 : i32 to index
        %parallel_loop3A_901 = arith.constant 48 : index
        %parallel_loop3A_902 = tpu.vector_load %parallel_loop3A_899[%parallel_loop3A_900, %parallel_loop3A_901] {strides = array<i32>} : memref<128x64xf32, #tpu.memory_space<vmem>>, vector<16xf32>,
        %parallel_loop3A_903 = arith.constant 5 : i32
        %parallel_loop3A_904 = arith.constant 0 : i32
        %parallel_loop3A_905 = arith.constant 0 : i32
        %parallel_loop3A_906 = arith.constant 0 : i32
        %parallel_loop3A_907 = tpu.memref_slice %arg8[%parallel_loop3A_903, %parallel_loop3A_904, %parallel_loop3A_905, %parallel_loop3A_906] : memref<6x8x8x129xf32, #tpu.memory_space<vmem>> -> memref<1x8x8x129xf32, #tpu.memory_space<vmem>>
        %parallel_loop3A_908 = tpu.memref_squeeze %parallel_loop3A_907 : memref<1x8x8x129xf32, #tpu.memory_space<vmem>> -> memref<8x8x129xf32, #tpu.memory_space<vmem>>
        tpu.vector_store_idx %parallel_loop3A_908[%select_n3A_130, %select_n3A_228, %parallel_loop3A_856], %parallel_loop3A_902 : memref<8x8x129xf32, #tpu.memory_space<vmem>>[vector<16xi32>, vector<16xi32>, vector<16xi32>], vector<16xf32>,
      } {sc.loop_unroll_factor = 4 : i64, sc.parallel_access}
      %dma_start3A_829 = arith.constant 5 : i32
      %dma_start3A_830 = arith.constant 0 : i32
      %dma_start3A_831 = arith.constant 0 : i32
      %dma_start3A_832 = arith.constant 0 : i32
      %dma_start3A_833 = tpu.memref_slice %arg8[%dma_start3A_829, %dma_start3A_830, %dma_start3A_831, %dma_start3A_832] : memref<6x8x8x129xf32, #tpu.memory_space<vmem>> -> memref<1x8x8x128xf32, #tpu.memory_space<vmem>>
      %dma_start3A_834 = tpu.memref_squeeze %dma_start3A_833 : memref<1x8x8x128xf32, #tpu.memory_space<vmem>> -> memref<8x8x128xf32, #tpu.memory_space<vmem>>
      %dma_start3A_835 = arith.constant 0 : i32
      %dma_start3A_836 = arith.constant 0 : i32
      %dma_start3A_837 = arith.constant 0 : i32
      %dma_start3A_838 = tpu.memref_slice %arg4[%add3A_808, %dma_start3A_835, %add3A, %dma_start3A_836, %dma_start3A_837] : memref<50x8x32x8x128xf32, #tpu.memory_space<hbm>> -> memref<1x8x1x8x128xf32, #tpu.memory_space<hbm>>
      %dma_start3A_839 = tpu.memref_squeeze %dma_start3A_838 : memref<1x8x1x8x128xf32, #tpu.memory_space<hbm>> -> memref<8x8x128xf32, #tpu.memory_space<hbm>>
      %dma_start3A_840 = arith.constant 0 : i32
      %dma_start3A_841 = arith.constant 0 : i32
      %dma_start3A_842 = arith.constant 0 : i32
      %dma_start3A_843 = tpu.memref_slice %arg4[%add3A_808, %dma_start3A_840, %add3A, %dma_start3A_841, %dma_start3A_842] : memref<50x8x32x8x128xf32, #tpu.memory_space<hbm>> -> memref<1x8x1x8x128xf32, #tpu.memory_space<hbm>>
      %dma_start3A_844 = tpu.memref_squeeze %dma_start3A_843 : memref<1x8x1x8x128xf32, #tpu.memory_space<hbm>> -> memref<8x8x128xf32, #tpu.memory_space<hbm>>
      %dma_start3A_845 = arith.constant 0 : i32
      %dma_start3A_846 = arith.constant 0 : i32
      %dma_start3A_847 = arith.constant 0 : i32
      %dma_start3A_848 = tpu.memref_slice %arg8[%dma_start3A_829, %dma_start3A_845, %dma_start3A_846, %dma_start3A_847] : memref<6x8x8x129xf32, #tpu.memory_space<vmem>> -> memref<1x8x8x128xf32, #tpu.memory_space<vmem>>
      %dma_start3A_849 = tpu.memref_squeeze %dma_start3A_848 : memref<1x8x8x128xf32, #tpu.memory_space<vmem>> -> memref<8x8x128xf32, #tpu.memory_space<vmem>>
      tpu.enqueue_dma source(%dma_start3A_849 : memref<8x8x128xf32, #tpu.memory_space<vmem>>) target(%dma_start3A_844 : memref<8x8x128xf32, #tpu.memory_space<hbm>>) target_semaphore(%arg20 : memref<!tpu.dma_semaphore, #tpu.memory_space<semaphore_mem>>)
      %lt3A_850 = arith.constant 44 : i32
      %lt3A_851 = arith.cmpi slt, %add3A_808, %lt3A_850 : i32
      %convert_element_type3A_852 = arith.extui %lt3A_851 : i1 to i32
      %cond3A_853 = arith.constant 0 : i32
      %cond3A_854 = arith.cmpi ne, %convert_element_type3A_852, %cond3A_853 : i32
      scf.if %cond3A_854 {
        %add3A_855 = arith.constant 6 : i32
        %add3A_856 = arith.addi %add3A_808, %add3A_855 : i32
        %dma_start3A_857 = arith.constant 5 : i32
        %dma_start3A_858 = arith.constant 0 : i32
        %dma_start3A_859 = arith.constant 0 : i32
        %dma_start3A_860 = tpu.memref_slice %arg7[%dma_start3A_857, %dma_start3A_858, %dma_start3A_859] : memref<6x128x64xf32, #tpu.memory_space<vmem>> -> memref<1x128x64xf32, #tpu.memory_space<vmem>>
        %dma_start3A_861 = tpu.memref_squeeze %dma_start3A_860 : memref<1x128x64xf32, #tpu.memory_space<vmem>> -> memref<128x64xf32, #tpu.memory_space<vmem>>
        %dma_start3A_862 = arith.constant 0 : i32
        %dma_start3A_863 = tpu.memref_slice %arg6[%add3A_856, %dma_start3A_862] : memref<50x128xi32, #tpu.memory_space<vmem>> -> memref<1x128xi32, #tpu.memory_space<vmem>>
        %dma_start3A_864 = tpu.memref_squeeze %dma_start3A_863 : memref<1x128xi32, #tpu.memory_space<vmem>> -> memref<128xi32, #tpu.memory_space<vmem>>
        %dma_start3A_865 = arith.constant 0 : i32
        %dma_start3A_866 = arith.constant 0 : i32
        %dma_start3A_867 = tpu.memref_slice %arg2[%dma_start3A_865, %dma_start3A_866] : memref<200000x64xf32, #tpu.memory_space<hbm>> -> memref<200000x64xf32, #tpu.memory_space<hbm>>
        tpu.enqueue_indirect_dma source(%dma_start3A_867 : memref<200000x64xf32, #tpu.memory_space<hbm>>) target(%dma_start3A_861 : memref<128x64xf32, #tpu.memory_space<vmem>>) offsets(%dma_start3A_864 : memref<128xi32, #tpu.memory_space<vmem>>) semaphore(%arg14 : memref<!tpu.dma_semaphore, #tpu.memory_space<semaphore_mem>>)
      } else {
      }
    }
    %scan3A_305 = arith.constant 8 : i32
    %dma_wait3A = arith.constant 48 : i32
    %dma_wait3A_306 = arith.constant 0 : i32
    %dma_wait3A_307 = arith.constant 0 : i32
    %dma_wait3A_308 = arith.constant 0 : i32
    %dma_wait3A_309 = tpu.memref_slice %arg7[%dma_wait3A_306, %dma_wait3A_307, %dma_wait3A_308] : memref<6x128x64xf32, #tpu.memory_space<vmem>> -> memref<1x128x64xf32, #tpu.memory_space<vmem>>
    %dma_wait3A_310 = tpu.memref_squeeze %dma_wait3A_309 : memref<1x128x64xf32, #tpu.memory_space<vmem>> -> memref<128x64xf32, #tpu.memory_space<vmem>>
    %dma_wait3A_311 = arith.constant 0 : i32
    %dma_wait3A_312 = tpu.memref_slice %arg6[%dma_wait3A, %dma_wait3A_311] : memref<50x128xi32, #tpu.memory_space<vmem>> -> memref<1x128xi32, #tpu.memory_space<vmem>>
    %dma_wait3A_313 = tpu.memref_squeeze %dma_wait3A_312 : memref<1x128xi32, #tpu.memory_space<vmem>> -> memref<128xi32, #tpu.memory_space<vmem>>
    %dma_wait3A_314 = arith.constant 0 : i32
    %dma_wait3A_315 = arith.constant 0 : i32
    %dma_wait3A_316 = tpu.memref_slice %arg2[%dma_wait3A_314, %dma_wait3A_315] : memref<200000x64xf32, #tpu.memory_space<hbm>> -> memref<200000x64xf32, #tpu.memory_space<hbm>>
    tpu.wait_indirect_dma semaphore(%arg9 : memref<!tpu.dma_semaphore, #tpu.memory_space<semaphore_mem>>) src(%dma_wait3A_316 : memref<200000x64xf32, #tpu.memory_space<hbm>>) dst(%dma_wait3A_310 : memref<128x64xf32, #tpu.memory_space<vmem>>)
    %dma_wait3A_317 = arith.constant 0 : i32
    %dma_wait3A_318 = arith.constant 0 : i32
    %dma_wait3A_319 = arith.constant 0 : i32
    %dma_wait3A_320 = arith.constant 0 : i32
    %dma_wait3A_321 = arith.constant 0 : i32
    %dma_wait3A_322 = tpu.memref_slice %arg8[%dma_wait3A_317, %dma_wait3A_319, %dma_wait3A_320, %dma_wait3A_321] : memref<6x8x8x129xf32, #tpu.memory_space<vmem>> -> memref<1x8x8x128xf32, #tpu.memory_space<vmem>>
    %dma_wait3A_323 = tpu.memref_squeeze %dma_wait3A_322 : memref<1x8x8x128xf32, #tpu.memory_space<vmem>> -> memref<8x8x128xf32, #tpu.memory_space<vmem>>
    %dma_wait3A_324 = arith.constant 0 : i32
    %dma_wait3A_325 = arith.constant 0 : i32
    %dma_wait3A_326 = arith.constant 0 : i32
    %dma_wait3A_327 = tpu.memref_slice %arg4[%dma_wait3A_318, %dma_wait3A_324, %add3A, %dma_wait3A_325, %dma_wait3A_326] : memref<50x8x32x8x128xf32, #tpu.memory_space<hbm>> -> memref<1x8x1x8x128xf32, #tpu.memory_space<hbm>>
    %dma_wait3A_328 = tpu.memref_squeeze %dma_wait3A_327 : memref<1x8x1x8x128xf32, #tpu.memory_space<hbm>> -> memref<8x8x128xf32, #tpu.memory_space<hbm>>
    %dma_wait3A_329 = arith.constant 0 : i32
    %dma_wait3A_330 = arith.constant 0 : i32
    %dma_wait3A_331 = arith.constant 0 : i32
    %dma_wait3A_332 = tpu.memref_slice %arg4[%dma_wait3A_318, %dma_wait3A_329, %add3A, %dma_wait3A_330, %dma_wait3A_331] : memref<50x8x32x8x128xf32, #tpu.memory_space<hbm>> -> memref<1x8x1x8x128xf32, #tpu.memory_space<hbm>>
    %dma_wait3A_333 = tpu.memref_squeeze %dma_wait3A_332 : memref<1x8x1x8x128xf32, #tpu.memory_space<hbm>> -> memref<8x8x128xf32, #tpu.memory_space<hbm>>
    %dma_wait3A_334 = arith.constant 0 : i32
    %dma_wait3A_335 = arith.constant 0 : i32
    %dma_wait3A_336 = arith.constant 0 : i32
    %dma_wait3A_337 = tpu.memref_slice %arg8[%dma_wait3A_317, %dma_wait3A_334, %dma_wait3A_335, %dma_wait3A_336] : memref<6x8x8x129xf32, #tpu.memory_space<vmem>> -> memref<1x8x8x128xf32, #tpu.memory_space<vmem>>
    %dma_wait3A_338 = tpu.memref_squeeze %dma_wait3A_337 : memref<1x8x8x128xf32, #tpu.memory_space<vmem>> -> memref<8x8x128xf32, #tpu.memory_space<vmem>>
    tpu.wait_dma2 semaphore(%arg15 : memref<!tpu.dma_semaphore, #tpu.memory_space<semaphore_mem>>) src(%dma_wait3A_338 : memref<8x8x128xf32, #tpu.memory_space<vmem>>) dst(%dma_wait3A_333 : memref<8x8x128xf32, #tpu.memory_space<hbm>>)
    %parallel_loop3A_339 = arith.constant 0 : i32
    %parallel_loop3A_340 = arith.constant 128 : i32
    %parallel_loop3A_341 = arith.constant 1 : i32
    %parallel_loop3A_342 = arith.constant 0 : i32
    scf.for %parallel_loop3A_557 = %parallel_loop3A_339 to %parallel_loop3A_340 step %parallel_loop3A_341  : i32 {
      %parallel_loop3A_558 = vector.broadcast %parallel_loop3A_557 : i32 to vector<16xi32>
      %parallel_loop3A_559 = arith.constant 0 : i32
      %parallel_loop3A_560 = arith.constant 0 : i32
      %parallel_loop3A_561 = tpu.memref_slice %arg7[%parallel_loop3A_342, %parallel_loop3A_559, %parallel_loop3A_560] : memref<6x128x64xf32, #tpu.memory_space<vmem>> -> memref<1x128x64xf32, #tpu.memory_space<vmem>>
      %parallel_loop3A_562 = tpu.memref_squeeze %parallel_loop3A_561 : memref<1x128x64xf32, #tpu.memory_space<vmem>> -> memref<128x64xf32, #tpu.memory_space<vmem>>
      %parallel_loop3A_563 = arith.index_cast %parallel_loop3A_557 : i32 to index
      %parallel_loop3A_564 = arith.constant 0 : index
      %parallel_loop3A_565 = tpu.vector_load %parallel_loop3A_562[%parallel_loop3A_563, %parallel_loop3A_564] {strides = array<i32>} : memref<128x64xf32, #tpu.memory_space<vmem>>, vector<16xf32>,
      %parallel_loop3A_566 = arith.constant 0 : i32
      %parallel_loop3A_567 = arith.constant 0 : i32
      %parallel_loop3A_568 = arith.constant 0 : i32
      %parallel_loop3A_569 = arith.constant 0 : i32
      %parallel_loop3A_570 = tpu.memref_slice %arg8[%parallel_loop3A_566, %parallel_loop3A_567, %parallel_loop3A_568, %parallel_loop3A_569] : memref<6x8x8x129xf32, #tpu.memory_space<vmem>> -> memref<1x8x8x129xf32, #tpu.memory_space<vmem>>
      %parallel_loop3A_571 = tpu.memref_squeeze %parallel_loop3A_570 : memref<1x8x8x129xf32, #tpu.memory_space<vmem>> -> memref<8x8x129xf32, #tpu.memory_space<vmem>>
      tpu.vector_store_idx %parallel_loop3A_571[%select_n3A, %select_n3A_153, %parallel_loop3A_558], %parallel_loop3A_565 : memref<8x8x129xf32, #tpu.memory_space<vmem>>[vector<16xi32>, vector<16xi32>, vector<16xi32>], vector<16xf32>,
      %parallel_loop3A_572 = arith.constant 0 : i32
      %parallel_loop3A_573 = arith.constant 0 : i32
      %parallel_loop3A_574 = tpu.memref_slice %arg7[%parallel_loop3A_342, %parallel_loop3A_572, %parallel_loop3A_573] : memref<6x128x64xf32, #tpu.memory_space<vmem>> -> memref<1x128x64xf32, #tpu.memory_space<vmem>>
      %parallel_loop3A_575 = tpu.memref_squeeze %parallel_loop3A_574 : memref<1x128x64xf32, #tpu.memory_space<vmem>> -> memref<128x64xf32, #tpu.memory_space<vmem>>
      %parallel_loop3A_576 = arith.index_cast %parallel_loop3A_557 : i32 to index
      %parallel_loop3A_577 = arith.constant 16 : index
      %parallel_loop3A_578 = tpu.vector_load %parallel_loop3A_575[%parallel_loop3A_576, %parallel_loop3A_577] {strides = array<i32>} : memref<128x64xf32, #tpu.memory_space<vmem>>, vector<16xf32>,
      %parallel_loop3A_579 = arith.constant 0 : i32
      %parallel_loop3A_580 = arith.constant 0 : i32
      %parallel_loop3A_581 = arith.constant 0 : i32
      %parallel_loop3A_582 = arith.constant 0 : i32
      %parallel_loop3A_583 = tpu.memref_slice %arg8[%parallel_loop3A_579, %parallel_loop3A_580, %parallel_loop3A_581, %parallel_loop3A_582] : memref<6x8x8x129xf32, #tpu.memory_space<vmem>> -> memref<1x8x8x129xf32, #tpu.memory_space<vmem>>
      %parallel_loop3A_584 = tpu.memref_squeeze %parallel_loop3A_583 : memref<1x8x8x129xf32, #tpu.memory_space<vmem>> -> memref<8x8x129xf32, #tpu.memory_space<vmem>>
      tpu.vector_store_idx %parallel_loop3A_584[%select_n3A_62, %select_n3A_178, %parallel_loop3A_558], %parallel_loop3A_578 : memref<8x8x129xf32, #tpu.memory_space<vmem>>[vector<16xi32>, vector<16xi32>, vector<16xi32>], vector<16xf32>,
      %parallel_loop3A_585 = arith.constant 0 : i32
      %parallel_loop3A_586 = arith.constant 0 : i32
      %parallel_loop3A_587 = tpu.memref_slice %arg7[%parallel_loop3A_342, %parallel_loop3A_585, %parallel_loop3A_586] : memref<6x128x64xf32, #tpu.memory_space<vmem>> -> memref<1x128x64xf32, #tpu.memory_space<vmem>>
      %parallel_loop3A_588 = tpu.memref_squeeze %parallel_loop3A_587 : memref<1x128x64xf32, #tpu.memory_space<vmem>> -> memref<128x64xf32, #tpu.memory_space<vmem>>
      %parallel_loop3A_589 = arith.index_cast %parallel_loop3A_557 : i32 to index
      %parallel_loop3A_590 = arith.constant 32 : index
      %parallel_loop3A_591 = tpu.vector_load %parallel_loop3A_588[%parallel_loop3A_589, %parallel_loop3A_590] {strides = array<i32>} : memref<128x64xf32, #tpu.memory_space<vmem>>, vector<16xf32>,
      %parallel_loop3A_592 = arith.constant 0 : i32
      %parallel_loop3A_593 = arith.constant 0 : i32
      %parallel_loop3A_594 = arith.constant 0 : i32
      %parallel_loop3A_595 = arith.constant 0 : i32
      %parallel_loop3A_596 = tpu.memref_slice %arg8[%parallel_loop3A_592, %parallel_loop3A_593, %parallel_loop3A_594, %parallel_loop3A_595] : memref<6x8x8x129xf32, #tpu.memory_space<vmem>> -> memref<1x8x8x129xf32, #tpu.memory_space<vmem>>
      %parallel_loop3A_597 = tpu.memref_squeeze %parallel_loop3A_596 : memref<1x8x8x129xf32, #tpu.memory_space<vmem>> -> memref<8x8x129xf32, #tpu.memory_space<vmem>>
      tpu.vector_store_idx %parallel_loop3A_597[%select_n3A_96, %select_n3A_203, %parallel_loop3A_558], %parallel_loop3A_591 : memref<8x8x129xf32, #tpu.memory_space<vmem>>[vector<16xi32>, vector<16xi32>, vector<16xi32>], vector<16xf32>,
      %parallel_loop3A_598 = arith.constant 0 : i32
      %parallel_loop3A_599 = arith.constant 0 : i32
      %parallel_loop3A_600 = tpu.memref_slice %arg7[%parallel_loop3A_342, %parallel_loop3A_598, %parallel_loop3A_599] : memref<6x128x64xf32, #tpu.memory_space<vmem>> -> memref<1x128x64xf32, #tpu.memory_space<vmem>>
      %parallel_loop3A_601 = tpu.memref_squeeze %parallel_loop3A_600 : memref<1x128x64xf32, #tpu.memory_space<vmem>> -> memref<128x64xf32, #tpu.memory_space<vmem>>
      %parallel_loop3A_602 = arith.index_cast %parallel_loop3A_557 : i32 to index
      %parallel_loop3A_603 = arith.constant 48 : index
      %parallel_loop3A_604 = tpu.vector_load %parallel_loop3A_601[%parallel_loop3A_602, %parallel_loop3A_603] {strides = array<i32>} : memref<128x64xf32, #tpu.memory_space<vmem>>, vector<16xf32>,
      %parallel_loop3A_605 = arith.constant 0 : i32
      %parallel_loop3A_606 = arith.constant 0 : i32
      %parallel_loop3A_607 = arith.constant 0 : i32
      %parallel_loop3A_608 = arith.constant 0 : i32
      %parallel_loop3A_609 = tpu.memref_slice %arg8[%parallel_loop3A_605, %parallel_loop3A_606, %parallel_loop3A_607, %parallel_loop3A_608] : memref<6x8x8x129xf32, #tpu.memory_space<vmem>> -> memref<1x8x8x129xf32, #tpu.memory_space<vmem>>
      %parallel_loop3A_610 = tpu.memref_squeeze %parallel_loop3A_609 : memref<1x8x8x129xf32, #tpu.memory_space<vmem>> -> memref<8x8x129xf32, #tpu.memory_space<vmem>>
      tpu.vector_store_idx %parallel_loop3A_610[%select_n3A_130, %select_n3A_228, %parallel_loop3A_558], %parallel_loop3A_604 : memref<8x8x129xf32, #tpu.memory_space<vmem>>[vector<16xi32>, vector<16xi32>, vector<16xi32>], vector<16xf32>,
    } {sc.loop_unroll_factor = 4 : i64, sc.parallel_access}
    %dma_start3A_343 = arith.constant 0 : i32
    %dma_start3A_344 = arith.constant 48 : i32
    %dma_start3A_345 = arith.constant 0 : i32
    %dma_start3A_346 = arith.constant 0 : i32
    %dma_start3A_347 = arith.constant 0 : i32
    %dma_start3A_348 = tpu.memref_slice %arg8[%dma_start3A_343, %dma_start3A_345, %dma_start3A_346, %dma_start3A_347] : memref<6x8x8x129xf32, #tpu.memory_space<vmem>> -> memref<1x8x8x128xf32, #tpu.memory_space<vmem>>
    %dma_start3A_349 = tpu.memref_squeeze %dma_start3A_348 : memref<1x8x8x128xf32, #tpu.memory_space<vmem>> -> memref<8x8x128xf32, #tpu.memory_space<vmem>>
    %dma_start3A_350 = arith.constant 0 : i32
    %dma_start3A_351 = arith.constant 0 : i32
    %dma_start3A_352 = arith.constant 0 : i32
    %dma_start3A_353 = tpu.memref_slice %arg4[%dma_start3A_344, %dma_start3A_350, %add3A, %dma_start3A_351, %dma_start3A_352] : memref<50x8x32x8x128xf32, #tpu.memory_space<hbm>> -> memref<1x8x1x8x128xf32, #tpu.memory_space<hbm>>
    %dma_start3A_354 = tpu.memref_squeeze %dma_start3A_353 : memref<1x8x1x8x128xf32, #tpu.memory_space<hbm>> -> memref<8x8x128xf32, #tpu.memory_space<hbm>>
    %dma_start3A_355 = arith.constant 0 : i32
    %dma_start3A_356 = arith.constant 0 : i32
    %dma_start3A_357 = arith.constant 0 : i32
    %dma_start3A_358 = tpu.memref_slice %arg4[%dma_start3A_344, %dma_start3A_355, %add3A, %dma_start3A_356, %dma_start3A_357] : memref<50x8x32x8x128xf32, #tpu.memory_space<hbm>> -> memref<1x8x1x8x128xf32, #tpu.memory_space<hbm>>
    %dma_start3A_359 = tpu.memref_squeeze %dma_start3A_358 : memref<1x8x1x8x128xf32, #tpu.memory_space<hbm>> -> memref<8x8x128xf32, #tpu.memory_space<hbm>>
    %dma_start3A_360 = arith.constant 0 : i32
    %dma_start3A_361 = arith.constant 0 : i32
    %dma_start3A_362 = arith.constant 0 : i32
    %dma_start3A_363 = tpu.memref_slice %arg8[%dma_start3A_343, %dma_start3A_360, %dma_start3A_361, %dma_start3A_362] : memref<6x8x8x129xf32, #tpu.memory_space<vmem>> -> memref<1x8x8x128xf32, #tpu.memory_space<vmem>>
    %dma_start3A_364 = tpu.memref_squeeze %dma_start3A_363 : memref<1x8x8x128xf32, #tpu.memory_space<vmem>> -> memref<8x8x128xf32, #tpu.memory_space<vmem>>
    tpu.enqueue_dma source(%dma_start3A_364 : memref<8x8x128xf32, #tpu.memory_space<vmem>>) target(%dma_start3A_359 : memref<8x8x128xf32, #tpu.memory_space<hbm>>) target_semaphore(%arg15 : memref<!tpu.dma_semaphore, #tpu.memory_space<semaphore_mem>>)
    %dma_wait3A_365 = arith.constant 49 : i32
    %dma_wait3A_366 = arith.constant 1 : i32
    %dma_wait3A_367 = arith.constant 0 : i32
    %dma_wait3A_368 = arith.constant 0 : i32
    %dma_wait3A_369 = tpu.memref_slice %arg7[%dma_wait3A_366, %dma_wait3A_367, %dma_wait3A_368] : memref<6x128x64xf32, #tpu.memory_space<vmem>> -> memref<1x128x64xf32, #tpu.memory_space<vmem>>
    %dma_wait3A_370 = tpu.memref_squeeze %dma_wait3A_369 : memref<1x128x64xf32, #tpu.memory_space<vmem>> -> memref<128x64xf32, #tpu.memory_space<vmem>>
    %dma_wait3A_371 = arith.constant 0 : i32
    %dma_wait3A_372 = tpu.memref_slice %arg6[%dma_wait3A_365, %dma_wait3A_371] : memref<50x128xi32, #tpu.memory_space<vmem>> -> memref<1x128xi32, #tpu.memory_space<vmem>>
    %dma_wait3A_373 = tpu.memref_squeeze %dma_wait3A_372 : memref<1x128xi32, #tpu.memory_space<vmem>> -> memref<128xi32, #tpu.memory_space<vmem>>
    %dma_wait3A_374 = arith.constant 0 : i32
    %dma_wait3A_375 = arith.constant 0 : i32
    %dma_wait3A_376 = tpu.memref_slice %arg2[%dma_wait3A_374, %dma_wait3A_375] : memref<200000x64xf32, #tpu.memory_space<hbm>> -> memref<200000x64xf32, #tpu.memory_space<hbm>>
    tpu.wait_indirect_dma semaphore(%arg10 : memref<!tpu.dma_semaphore, #tpu.memory_space<semaphore_mem>>) src(%dma_wait3A_376 : memref<200000x64xf32, #tpu.memory_space<hbm>>) dst(%dma_wait3A_370 : memref<128x64xf32, #tpu.memory_space<vmem>>)
    %dma_wait3A_377 = arith.constant 1 : i32
    %dma_wait3A_378 = arith.constant 0 : i32
    %dma_wait3A_379 = arith.constant 0 : i32
    %dma_wait3A_380 = arith.constant 0 : i32
    %dma_wait3A_381 = arith.constant 0 : i32
    %dma_wait3A_382 = tpu.memref_slice %arg8[%dma_wait3A_377, %dma_wait3A_379, %dma_wait3A_380, %dma_wait3A_381] : memref<6x8x8x129xf32, #tpu.memory_space<vmem>> -> memref<1x8x8x128xf32, #tpu.memory_space<vmem>>
    %dma_wait3A_383 = tpu.memref_squeeze %dma_wait3A_382 : memref<1x8x8x128xf32, #tpu.memory_space<vmem>> -> memref<8x8x128xf32, #tpu.memory_space<vmem>>
    %dma_wait3A_384 = arith.constant 0 : i32
    %dma_wait3A_385 = arith.constant 0 : i32
    %dma_wait3A_386 = arith.constant 0 : i32
    %dma_wait3A_387 = tpu.memref_slice %arg4[%dma_wait3A_378, %dma_wait3A_384, %add3A, %dma_wait3A_385, %dma_wait3A_386] : memref<50x8x32x8x128xf32, #tpu.memory_space<hbm>> -> memref<1x8x1x8x128xf32, #tpu.memory_space<hbm>>
    %dma_wait3A_388 = tpu.memref_squeeze %dma_wait3A_387 : memref<1x8x1x8x128xf32, #tpu.memory_space<hbm>> -> memref<8x8x128xf32, #tpu.memory_space<hbm>>
    %dma_wait3A_389 = arith.constant 0 : i32
    %dma_wait3A_390 = arith.constant 0 : i32
    %dma_wait3A_391 = arith.constant 0 : i32
    %dma_wait3A_392 = tpu.memref_slice %arg4[%dma_wait3A_378, %dma_wait3A_389, %add3A, %dma_wait3A_390, %dma_wait3A_391] : memref<50x8x32x8x128xf32, #tpu.memory_space<hbm>> -> memref<1x8x1x8x128xf32, #tpu.memory_space<hbm>>
    %dma_wait3A_393 = tpu.memref_squeeze %dma_wait3A_392 : memref<1x8x1x8x128xf32, #tpu.memory_space<hbm>> -> memref<8x8x128xf32, #tpu.memory_space<hbm>>
    %dma_wait3A_394 = arith.constant 0 : i32
    %dma_wait3A_395 = arith.constant 0 : i32
    %dma_wait3A_396 = arith.constant 0 : i32
    %dma_wait3A_397 = tpu.memref_slice %arg8[%dma_wait3A_377, %dma_wait3A_394, %dma_wait3A_395, %dma_wait3A_396] : memref<6x8x8x129xf32, #tpu.memory_space<vmem>> -> memref<1x8x8x128xf32, #tpu.memory_space<vmem>>
    %dma_wait3A_398 = tpu.memref_squeeze %dma_wait3A_397 : memref<1x8x8x128xf32, #tpu.memory_space<vmem>> -> memref<8x8x128xf32, #tpu.memory_space<vmem>>
    tpu.wait_dma2 semaphore(%arg16 : memref<!tpu.dma_semaphore, #tpu.memory_space<semaphore_mem>>) src(%dma_wait3A_398 : memref<8x8x128xf32, #tpu.memory_space<vmem>>) dst(%dma_wait3A_393 : memref<8x8x128xf32, #tpu.memory_space<hbm>>)
    %parallel_loop3A_399 = arith.constant 0 : i32
    %parallel_loop3A_400 = arith.constant 128 : i32
    %parallel_loop3A_401 = arith.constant 1 : i32
    %parallel_loop3A_402 = arith.constant 1 : i32
    scf.for %parallel_loop3A_557 = %parallel_loop3A_399 to %parallel_loop3A_400 step %parallel_loop3A_401  : i32 {
      %parallel_loop3A_558 = vector.broadcast %parallel_loop3A_557 : i32 to vector<16xi32>
      %parallel_loop3A_559 = arith.constant 0 : i32
      %parallel_loop3A_560 = arith.constant 0 : i32
      %parallel_loop3A_561 = tpu.memref_slice %arg7[%parallel_loop3A_402, %parallel_loop3A_559, %parallel_loop3A_560] : memref<6x128x64xf32, #tpu.memory_space<vmem>> -> memref<1x128x64xf32, #tpu.memory_space<vmem>>
      %parallel_loop3A_562 = tpu.memref_squeeze %parallel_loop3A_561 : memref<1x128x64xf32, #tpu.memory_space<vmem>> -> memref<128x64xf32, #tpu.memory_space<vmem>>
      %parallel_loop3A_563 = arith.index_cast %parallel_loop3A_557 : i32 to index
      %parallel_loop3A_564 = arith.constant 0 : index
      %parallel_loop3A_565 = tpu.vector_load %parallel_loop3A_562[%parallel_loop3A_563, %parallel_loop3A_564] {strides = array<i32>} : memref<128x64xf32, #tpu.memory_space<vmem>>, vector<16xf32>,
      %parallel_loop3A_566 = arith.constant 1 : i32
      %parallel_loop3A_567 = arith.constant 0 : i32
      %parallel_loop3A_568 = arith.constant 0 : i32
      %parallel_loop3A_569 = arith.constant 0 : i32
      %parallel_loop3A_570 = tpu.memref_slice %arg8[%parallel_loop3A_566, %parallel_loop3A_567, %parallel_loop3A_568, %parallel_loop3A_569] : memref<6x8x8x129xf32, #tpu.memory_space<vmem>> -> memref<1x8x8x129xf32, #tpu.memory_space<vmem>>
      %parallel_loop3A_571 = tpu.memref_squeeze %parallel_loop3A_570 : memref<1x8x8x129xf32, #tpu.memory_space<vmem>> -> memref<8x8x129xf32, #tpu.memory_space<vmem>>
      tpu.vector_store_idx %parallel_loop3A_571[%select_n3A, %select_n3A_153, %parallel_loop3A_558], %parallel_loop3A_565 : memref<8x8x129xf32, #tpu.memory_space<vmem>>[vector<16xi32>, vector<16xi32>, vector<16xi32>], vector<16xf32>,
      %parallel_loop3A_572 = arith.constant 0 : i32
      %parallel_loop3A_573 = arith.constant 0 : i32
      %parallel_loop3A_574 = tpu.memref_slice %arg7[%parallel_loop3A_402, %parallel_loop3A_572, %parallel_loop3A_573] : memref<6x128x64xf32, #tpu.memory_space<vmem>> -> memref<1x128x64xf32, #tpu.memory_space<vmem>>
      %parallel_loop3A_575 = tpu.memref_squeeze %parallel_loop3A_574 : memref<1x128x64xf32, #tpu.memory_space<vmem>> -> memref<128x64xf32, #tpu.memory_space<vmem>>
      %parallel_loop3A_576 = arith.index_cast %parallel_loop3A_557 : i32 to index
      %parallel_loop3A_577 = arith.constant 16 : index
      %parallel_loop3A_578 = tpu.vector_load %parallel_loop3A_575[%parallel_loop3A_576, %parallel_loop3A_577] {strides = array<i32>} : memref<128x64xf32, #tpu.memory_space<vmem>>, vector<16xf32>,
      %parallel_loop3A_579 = arith.constant 1 : i32
      %parallel_loop3A_580 = arith.constant 0 : i32
      %parallel_loop3A_581 = arith.constant 0 : i32
      %parallel_loop3A_582 = arith.constant 0 : i32
      %parallel_loop3A_583 = tpu.memref_slice %arg8[%parallel_loop3A_579, %parallel_loop3A_580, %parallel_loop3A_581, %parallel_loop3A_582] : memref<6x8x8x129xf32, #tpu.memory_space<vmem>> -> memref<1x8x8x129xf32, #tpu.memory_space<vmem>>
      %parallel_loop3A_584 = tpu.memref_squeeze %parallel_loop3A_583 : memref<1x8x8x129xf32, #tpu.memory_space<vmem>> -> memref<8x8x129xf32, #tpu.memory_space<vmem>>
      tpu.vector_store_idx %parallel_loop3A_584[%select_n3A_62, %select_n3A_178, %parallel_loop3A_558], %parallel_loop3A_578 : memref<8x8x129xf32, #tpu.memory_space<vmem>>[vector<16xi32>, vector<16xi32>, vector<16xi32>], vector<16xf32>,
      %parallel_loop3A_585 = arith.constant 0 : i32
      %parallel_loop3A_586 = arith.constant 0 : i32
      %parallel_loop3A_587 = tpu.memref_slice %arg7[%parallel_loop3A_402, %parallel_loop3A_585, %parallel_loop3A_586] : memref<6x128x64xf32, #tpu.memory_space<vmem>> -> memref<1x128x64xf32, #tpu.memory_space<vmem>>
      %parallel_loop3A_588 = tpu.memref_squeeze %parallel_loop3A_587 : memref<1x128x64xf32, #tpu.memory_space<vmem>> -> memref<128x64xf32, #tpu.memory_space<vmem>>
      %parallel_loop3A_589 = arith.index_cast %parallel_loop3A_557 : i32 to index
      %parallel_loop3A_590 = arith.constant 32 : index
      %parallel_loop3A_591 = tpu.vector_load %parallel_loop3A_588[%parallel_loop3A_589, %parallel_loop3A_590] {strides = array<i32>} : memref<128x64xf32, #tpu.memory_space<vmem>>, vector<16xf32>,
      %parallel_loop3A_592 = arith.constant 1 : i32
      %parallel_loop3A_593 = arith.constant 0 : i32
      %parallel_loop3A_594 = arith.constant 0 : i32
      %parallel_loop3A_595 = arith.constant 0 : i32
      %parallel_loop3A_596 = tpu.memref_slice %arg8[%parallel_loop3A_592, %parallel_loop3A_593, %parallel_loop3A_594, %parallel_loop3A_595] : memref<6x8x8x129xf32, #tpu.memory_space<vmem>> -> memref<1x8x8x129xf32, #tpu.memory_space<vmem>>
      %parallel_loop3A_597 = tpu.memref_squeeze %parallel_loop3A_596 : memref<1x8x8x129xf32, #tpu.memory_space<vmem>> -> memref<8x8x129xf32, #tpu.memory_space<vmem>>
      tpu.vector_store_idx %parallel_loop3A_597[%select_n3A_96, %select_n3A_203, %parallel_loop3A_558], %parallel_loop3A_591 : memref<8x8x129xf32, #tpu.memory_space<vmem>>[vector<16xi32>, vector<16xi32>, vector<16xi32>], vector<16xf32>,
      %parallel_loop3A_598 = arith.constant 0 : i32
      %parallel_loop3A_599 = arith.constant 0 : i32
      %parallel_loop3A_600 = tpu.memref_slice %arg7[%parallel_loop3A_402, %parallel_loop3A_598, %parallel_loop3A_599] : memref<6x128x64xf32, #tpu.memory_space<vmem>> -> memref<1x128x64xf32, #tpu.memory_space<vmem>>
      %parallel_loop3A_601 = tpu.memref_squeeze %parallel_loop3A_600 : memref<1x128x64xf32, #tpu.memory_space<vmem>> -> memref<128x64xf32, #tpu.memory_space<vmem>>
      %parallel_loop3A_602 = arith.index_cast %parallel_loop3A_557 : i32 to index
      %parallel_loop3A_603 = arith.constant 48 : index
      %parallel_loop3A_604 = tpu.vector_load %parallel_loop3A_601[%parallel_loop3A_602, %parallel_loop3A_603] {strides = array<i32>} : memref<128x64xf32, #tpu.memory_space<vmem>>, vector<16xf32>,
      %parallel_loop3A_605 = arith.constant 1 : i32
      %parallel_loop3A_606 = arith.constant 0 : i32
      %parallel_loop3A_607 = arith.constant 0 : i32
      %parallel_loop3A_608 = arith.constant 0 : i32
      %parallel_loop3A_609 = tpu.memref_slice %arg8[%parallel_loop3A_605, %parallel_loop3A_606, %parallel_loop3A_607, %parallel_loop3A_608] : memref<6x8x8x129xf32, #tpu.memory_space<vmem>> -> memref<1x8x8x129xf32, #tpu.memory_space<vmem>>
      %parallel_loop3A_610 = tpu.memref_squeeze %parallel_loop3A_609 : memref<1x8x8x129xf32, #tpu.memory_space<vmem>> -> memref<8x8x129xf32, #tpu.memory_space<vmem>>
      tpu.vector_store_idx %parallel_loop3A_610[%select_n3A_130, %select_n3A_228, %parallel_loop3A_558], %parallel_loop3A_604 : memref<8x8x129xf32, #tpu.memory_space<vmem>>[vector<16xi32>, vector<16xi32>, vector<16xi32>], vector<16xf32>,
    } {sc.loop_unroll_factor = 4 : i64, sc.parallel_access}
    %dma_start3A_403 = arith.constant 1 : i32
    %dma_start3A_404 = arith.constant 49 : i32
    %dma_start3A_405 = arith.constant 0 : i32
    %dma_start3A_406 = arith.constant 0 : i32
    %dma_start3A_407 = arith.constant 0 : i32
    %dma_start3A_408 = tpu.memref_slice %arg8[%dma_start3A_403, %dma_start3A_405, %dma_start3A_406, %dma_start3A_407] : memref<6x8x8x129xf32, #tpu.memory_space<vmem>> -> memref<1x8x8x128xf32, #tpu.memory_space<vmem>>
    %dma_start3A_409 = tpu.memref_squeeze %dma_start3A_408 : memref<1x8x8x128xf32, #tpu.memory_space<vmem>> -> memref<8x8x128xf32, #tpu.memory_space<vmem>>
    %dma_start3A_410 = arith.constant 0 : i32
    %dma_start3A_411 = arith.constant 0 : i32
    %dma_start3A_412 = arith.constant 0 : i32
    %dma_start3A_413 = tpu.memref_slice %arg4[%dma_start3A_404, %dma_start3A_410, %add3A, %dma_start3A_411, %dma_start3A_412] : memref<50x8x32x8x128xf32, #tpu.memory_space<hbm>> -> memref<1x8x1x8x128xf32, #tpu.memory_space<hbm>>
    %dma_start3A_414 = tpu.memref_squeeze %dma_start3A_413 : memref<1x8x1x8x128xf32, #tpu.memory_space<hbm>> -> memref<8x8x128xf32, #tpu.memory_space<hbm>>
    %dma_start3A_415 = arith.constant 0 : i32
    %dma_start3A_416 = arith.constant 0 : i32
    %dma_start3A_417 = arith.constant 0 : i32
    %dma_start3A_418 = tpu.memref_slice %arg4[%dma_start3A_404, %dma_start3A_415, %add3A, %dma_start3A_416, %dma_start3A_417] : memref<50x8x32x8x128xf32, #tpu.memory_space<hbm>> -> memref<1x8x1x8x128xf32, #tpu.memory_space<hbm>>
    %dma_start3A_419 = tpu.memref_squeeze %dma_start3A_418 : memref<1x8x1x8x128xf32, #tpu.memory_space<hbm>> -> memref<8x8x128xf32, #tpu.memory_space<hbm>>
    %dma_start3A_420 = arith.constant 0 : i32
    %dma_start3A_421 = arith.constant 0 : i32
    %dma_start3A_422 = arith.constant 0 : i32
    %dma_start3A_423 = tpu.memref_slice %arg8[%dma_start3A_403, %dma_start3A_420, %dma_start3A_421, %dma_start3A_422] : memref<6x8x8x129xf32, #tpu.memory_space<vmem>> -> memref<1x8x8x128xf32, #tpu.memory_space<vmem>>
    %dma_start3A_424 = tpu.memref_squeeze %dma_start3A_423 : memref<1x8x8x128xf32, #tpu.memory_space<vmem>> -> memref<8x8x128xf32, #tpu.memory_space<vmem>>
    tpu.enqueue_dma source(%dma_start3A_424 : memref<8x8x128xf32, #tpu.memory_space<vmem>>) target(%dma_start3A_419 : memref<8x8x128xf32, #tpu.memory_space<hbm>>) target_semaphore(%arg16 : memref<!tpu.dma_semaphore, #tpu.memory_space<semaphore_mem>>)
    %dma_wait3A_425 = arith.constant 0 : i32
    %dma_wait3A_426 = arith.constant 0 : i32
    %dma_wait3A_427 = arith.constant 0 : i32
    %dma_wait3A_428 = arith.constant 0 : i32
    %dma_wait3A_429 = arith.constant 0 : i32
    %dma_wait3A_430 = tpu.memref_slice %arg8[%dma_wait3A_425, %dma_wait3A_427, %dma_wait3A_428, %dma_wait3A_429] : memref<6x8x8x129xf32, #tpu.memory_space<vmem>> -> memref<1x8x8x128xf32, #tpu.memory_space<vmem>>
    %dma_wait3A_431 = tpu.memref_squeeze %dma_wait3A_430 : memref<1x8x8x128xf32, #tpu.memory_space<vmem>> -> memref<8x8x128xf32, #tpu.memory_space<vmem>>
    %dma_wait3A_432 = arith.constant 0 : i32
    %dma_wait3A_433 = arith.constant 0 : i32
    %dma_wait3A_434 = arith.constant 0 : i32
    %dma_wait3A_435 = tpu.memref_slice %arg4[%dma_wait3A_426, %dma_wait3A_432, %add3A, %dma_wait3A_433, %dma_wait3A_434] : memref<50x8x32x8x128xf32, #tpu.memory_space<hbm>> -> memref<1x8x1x8x128xf32, #tpu.memory_space<hbm>>
    %dma_wait3A_436 = tpu.memref_squeeze %dma_wait3A_435 : memref<1x8x1x8x128xf32, #tpu.memory_space<hbm>> -> memref<8x8x128xf32, #tpu.memory_space<hbm>>
    %dma_wait3A_437 = arith.constant 0 : i32
    %dma_wait3A_438 = arith.constant 0 : i32
    %dma_wait3A_439 = arith.constant 0 : i32
    %dma_wait3A_440 = tpu.memref_slice %arg4[%dma_wait3A_426, %dma_wait3A_437, %add3A, %dma_wait3A_438, %dma_wait3A_439] : memref<50x8x32x8x128xf32, #tpu.memory_space<hbm>> -> memref<1x8x1x8x128xf32, #tpu.memory_space<hbm>>
    %dma_wait3A_441 = tpu.memref_squeeze %dma_wait3A_440 : memref<1x8x1x8x128xf32, #tpu.memory_space<hbm>> -> memref<8x8x128xf32, #tpu.memory_space<hbm>>
    %dma_wait3A_442 = arith.constant 0 : i32
    %dma_wait3A_443 = arith.constant 0 : i32
    %dma_wait3A_444 = arith.constant 0 : i32
    %dma_wait3A_445 = tpu.memref_slice %arg8[%dma_wait3A_425, %dma_wait3A_442, %dma_wait3A_443, %dma_wait3A_444] : memref<6x8x8x129xf32, #tpu.memory_space<vmem>> -> memref<1x8x8x128xf32, #tpu.memory_space<vmem>>
    %dma_wait3A_446 = tpu.memref_squeeze %dma_wait3A_445 : memref<1x8x8x128xf32, #tpu.memory_space<vmem>> -> memref<8x8x128xf32, #tpu.memory_space<vmem>>
    tpu.wait_dma2 semaphore(%arg15 : memref<!tpu.dma_semaphore, #tpu.memory_space<semaphore_mem>>) src(%dma_wait3A_446 : memref<8x8x128xf32, #tpu.memory_space<vmem>>) dst(%dma_wait3A_441 : memref<8x8x128xf32, #tpu.memory_space<hbm>>)
    %dma_wait3A_447 = arith.constant 1 : i32
    %dma_wait3A_448 = arith.constant 0 : i32
    %dma_wait3A_449 = arith.constant 0 : i32
    %dma_wait3A_450 = arith.constant 0 : i32
    %dma_wait3A_451 = arith.constant 0 : i32
    %dma_wait3A_452 = tpu.memref_slice %arg8[%dma_wait3A_447, %dma_wait3A_449, %dma_wait3A_450, %dma_wait3A_451] : memref<6x8x8x129xf32, #tpu.memory_space<vmem>> -> memref<1x8x8x128xf32, #tpu.memory_space<vmem>>
    %dma_wait3A_453 = tpu.memref_squeeze %dma_wait3A_452 : memref<1x8x8x128xf32, #tpu.memory_space<vmem>> -> memref<8x8x128xf32, #tpu.memory_space<vmem>>
    %dma_wait3A_454 = arith.constant 0 : i32
    %dma_wait3A_455 = arith.constant 0 : i32
    %dma_wait3A_456 = arith.constant 0 : i32
    %dma_wait3A_457 = tpu.memref_slice %arg4[%dma_wait3A_448, %dma_wait3A_454, %add3A, %dma_wait3A_455, %dma_wait3A_456] : memref<50x8x32x8x128xf32, #tpu.memory_space<hbm>> -> memref<1x8x1x8x128xf32, #tpu.memory_space<hbm>>
    %dma_wait3A_458 = tpu.memref_squeeze %dma_wait3A_457 : memref<1x8x1x8x128xf32, #tpu.memory_space<hbm>> -> memref<8x8x128xf32, #tpu.memory_space<hbm>>
    %dma_wait3A_459 = arith.constant 0 : i32
    %dma_wait3A_460 = arith.constant 0 : i32
    %dma_wait3A_461 = arith.constant 0 : i32
    %dma_wait3A_462 = tpu.memref_slice %arg4[%dma_wait3A_448, %dma_wait3A_459, %add3A, %dma_wait3A_460, %dma_wait3A_461] : memref<50x8x32x8x128xf32, #tpu.memory_space<hbm>> -> memref<1x8x1x8x128xf32, #tpu.memory_space<hbm>>
    %dma_wait3A_463 = tpu.memref_squeeze %dma_wait3A_462 : memref<1x8x1x8x128xf32, #tpu.memory_space<hbm>> -> memref<8x8x128xf32, #tpu.memory_space<hbm>>
    %dma_wait3A_464 = arith.constant 0 : i32
    %dma_wait3A_465 = arith.constant 0 : i32
    %dma_wait3A_466 = arith.constant 0 : i32
    %dma_wait3A_467 = tpu.memref_slice %arg8[%dma_wait3A_447, %dma_wait3A_464, %dma_wait3A_465, %dma_wait3A_466] : memref<6x8x8x129xf32, #tpu.memory_space<vmem>> -> memref<1x8x8x128xf32, #tpu.memory_space<vmem>>
    %dma_wait3A_468 = tpu.memref_squeeze %dma_wait3A_467 : memref<1x8x8x128xf32, #tpu.memory_space<vmem>> -> memref<8x8x128xf32, #tpu.memory_space<vmem>>
    tpu.wait_dma2 semaphore(%arg16 : memref<!tpu.dma_semaphore, #tpu.memory_space<semaphore_mem>>) src(%dma_wait3A_468 : memref<8x8x128xf32, #tpu.memory_space<vmem>>) dst(%dma_wait3A_463 : memref<8x8x128xf32, #tpu.memory_space<hbm>>)
    %dma_wait3A_469 = arith.constant 2 : i32
    %dma_wait3A_470 = arith.constant 0 : i32
    %dma_wait3A_471 = arith.constant 0 : i32
    %dma_wait3A_472 = arith.constant 0 : i32
    %dma_wait3A_473 = arith.constant 0 : i32
    %dma_wait3A_474 = tpu.memref_slice %arg8[%dma_wait3A_469, %dma_wait3A_471, %dma_wait3A_472, %dma_wait3A_473] : memref<6x8x8x129xf32, #tpu.memory_space<vmem>> -> memref<1x8x8x128xf32, #tpu.memory_space<vmem>>
    %dma_wait3A_475 = tpu.memref_squeeze %dma_wait3A_474 : memref<1x8x8x128xf32, #tpu.memory_space<vmem>> -> memref<8x8x128xf32, #tpu.memory_space<vmem>>
    %dma_wait3A_476 = arith.constant 0 : i32
    %dma_wait3A_477 = arith.constant 0 : i32
    %dma_wait3A_478 = arith.constant 0 : i32
    %dma_wait3A_479 = tpu.memref_slice %arg4[%dma_wait3A_470, %dma_wait3A_476, %add3A, %dma_wait3A_477, %dma_wait3A_478] : memref<50x8x32x8x128xf32, #tpu.memory_space<hbm>> -> memref<1x8x1x8x128xf32, #tpu.memory_space<hbm>>
    %dma_wait3A_480 = tpu.memref_squeeze %dma_wait3A_479 : memref<1x8x1x8x128xf32, #tpu.memory_space<hbm>> -> memref<8x8x128xf32, #tpu.memory_space<hbm>>
    %dma_wait3A_481 = arith.constant 0 : i32
    %dma_wait3A_482 = arith.constant 0 : i32
    %dma_wait3A_483 = arith.constant 0 : i32
    %dma_wait3A_484 = tpu.memref_slice %arg4[%dma_wait3A_470, %dma_wait3A_481, %add3A, %dma_wait3A_482, %dma_wait3A_483] : memref<50x8x32x8x128xf32, #tpu.memory_space<hbm>> -> memref<1x8x1x8x128xf32, #tpu.memory_space<hbm>>
    %dma_wait3A_485 = tpu.memref_squeeze %dma_wait3A_484 : memref<1x8x1x8x128xf32, #tpu.memory_space<hbm>> -> memref<8x8x128xf32, #tpu.memory_space<hbm>>
    %dma_wait3A_486 = arith.constant 0 : i32
    %dma_wait3A_487 = arith.constant 0 : i32
    %dma_wait3A_488 = arith.constant 0 : i32
    %dma_wait3A_489 = tpu.memref_slice %arg8[%dma_wait3A_469, %dma_wait3A_486, %dma_wait3A_487, %dma_wait3A_488] : memref<6x8x8x129xf32, #tpu.memory_space<vmem>> -> memref<1x8x8x128xf32, #tpu.memory_space<vmem>>
    %dma_wait3A_490 = tpu.memref_squeeze %dma_wait3A_489 : memref<1x8x8x128xf32, #tpu.memory_space<vmem>> -> memref<8x8x128xf32, #tpu.memory_space<vmem>>
    tpu.wait_dma2 semaphore(%arg17 : memref<!tpu.dma_semaphore, #tpu.memory_space<semaphore_mem>>) src(%dma_wait3A_490 : memref<8x8x128xf32, #tpu.memory_space<vmem>>) dst(%dma_wait3A_485 : memref<8x8x128xf32, #tpu.memory_space<hbm>>)
    %dma_wait3A_491 = arith.constant 3 : i32
    %dma_wait3A_492 = arith.constant 0 : i32
    %dma_wait3A_493 = arith.constant 0 : i32
    %dma_wait3A_494 = arith.constant 0 : i32
    %dma_wait3A_495 = arith.constant 0 : i32
    %dma_wait3A_496 = tpu.memref_slice %arg8[%dma_wait3A_491, %dma_wait3A_493, %dma_wait3A_494, %dma_wait3A_495] : memref<6x8x8x129xf32, #tpu.memory_space<vmem>> -> memref<1x8x8x128xf32, #tpu.memory_space<vmem>>
    %dma_wait3A_497 = tpu.memref_squeeze %dma_wait3A_496 : memref<1x8x8x128xf32, #tpu.memory_space<vmem>> -> memref<8x8x128xf32, #tpu.memory_space<vmem>>
    %dma_wait3A_498 = arith.constant 0 : i32
    %dma_wait3A_499 = arith.constant 0 : i32
    %dma_wait3A_500 = arith.constant 0 : i32
    %dma_wait3A_501 = tpu.memref_slice %arg4[%dma_wait3A_492, %dma_wait3A_498, %add3A, %dma_wait3A_499, %dma_wait3A_500] : memref<50x8x32x8x128xf32, #tpu.memory_space<hbm>> -> memref<1x8x1x8x128xf32, #tpu.memory_space<hbm>>
    %dma_wait3A_502 = tpu.memref_squeeze %dma_wait3A_501 : memref<1x8x1x8x128xf32, #tpu.memory_space<hbm>> -> memref<8x8x128xf32, #tpu.memory_space<hbm>>
    %dma_wait3A_503 = arith.constant 0 : i32
    %dma_wait3A_504 = arith.constant 0 : i32
    %dma_wait3A_505 = arith.constant 0 : i32
    %dma_wait3A_506 = tpu.memref_slice %arg4[%dma_wait3A_492, %dma_wait3A_503, %add3A, %dma_wait3A_504, %dma_wait3A_505] : memref<50x8x32x8x128xf32, #tpu.memory_space<hbm>> -> memref<1x8x1x8x128xf32, #tpu.memory_space<hbm>>
    %dma_wait3A_507 = tpu.memref_squeeze %dma_wait3A_506 : memref<1x8x1x8x128xf32, #tpu.memory_space<hbm>> -> memref<8x8x128xf32, #tpu.memory_space<hbm>>
    %dma_wait3A_508 = arith.constant 0 : i32
    %dma_wait3A_509 = arith.constant 0 : i32
    %dma_wait3A_510 = arith.constant 0 : i32
    %dma_wait3A_511 = tpu.memref_slice %arg8[%dma_wait3A_491, %dma_wait3A_508, %dma_wait3A_509, %dma_wait3A_510] : memref<6x8x8x129xf32, #tpu.memory_space<vmem>> -> memref<1x8x8x128xf32, #tpu.memory_space<vmem>>
    %dma_wait3A_512 = tpu.memref_squeeze %dma_wait3A_511 : memref<1x8x8x128xf32, #tpu.memory_space<vmem>> -> memref<8x8x128xf32, #tpu.memory_space<vmem>>
    tpu.wait_dma2 semaphore(%arg18 : memref<!tpu.dma_semaphore, #tpu.memory_space<semaphore_mem>>) src(%dma_wait3A_512 : memref<8x8x128xf32, #tpu.memory_space<vmem>>) dst(%dma_wait3A_507 : memref<8x8x128xf32, #tpu.memory_space<hbm>>)
    %dma_wait3A_513 = arith.constant 4 : i32
    %dma_wait3A_514 = arith.constant 0 : i32
    %dma_wait3A_515 = arith.constant 0 : i32
    %dma_wait3A_516 = arith.constant 0 : i32
    %dma_wait3A_517 = arith.constant 0 : i32
    %dma_wait3A_518 = tpu.memref_slice %arg8[%dma_wait3A_513, %dma_wait3A_515, %dma_wait3A_516, %dma_wait3A_517] : memref<6x8x8x129xf32, #tpu.memory_space<vmem>> -> memref<1x8x8x128xf32, #tpu.memory_space<vmem>>
    %dma_wait3A_519 = tpu.memref_squeeze %dma_wait3A_518 : memref<1x8x8x128xf32, #tpu.memory_space<vmem>> -> memref<8x8x128xf32, #tpu.memory_space<vmem>>
    %dma_wait3A_520 = arith.constant 0 : i32
    %dma_wait3A_521 = arith.constant 0 : i32
    %dma_wait3A_522 = arith.constant 0 : i32
    %dma_wait3A_523 = tpu.memref_slice %arg4[%dma_wait3A_514, %dma_wait3A_520, %add3A, %dma_wait3A_521, %dma_wait3A_522] : memref<50x8x32x8x128xf32, #tpu.memory_space<hbm>> -> memref<1x8x1x8x128xf32, #tpu.memory_space<hbm>>
    %dma_wait3A_524 = tpu.memref_squeeze %dma_wait3A_523 : memref<1x8x1x8x128xf32, #tpu.memory_space<hbm>> -> memref<8x8x128xf32, #tpu.memory_space<hbm>>
    %dma_wait3A_525 = arith.constant 0 : i32
    %dma_wait3A_526 = arith.constant 0 : i32
    %dma_wait3A_527 = arith.constant 0 : i32
    %dma_wait3A_528 = tpu.memref_slice %arg4[%dma_wait3A_514, %dma_wait3A_525, %add3A, %dma_wait3A_526, %dma_wait3A_527] : memref<50x8x32x8x128xf32, #tpu.memory_space<hbm>> -> memref<1x8x1x8x128xf32, #tpu.memory_space<hbm>>
    %dma_wait3A_529 = tpu.memref_squeeze %dma_wait3A_528 : memref<1x8x1x8x128xf32, #tpu.memory_space<hbm>> -> memref<8x8x128xf32, #tpu.memory_space<hbm>>
    %dma_wait3A_530 = arith.constant 0 : i32
    %dma_wait3A_531 = arith.constant 0 : i32
    %dma_wait3A_532 = arith.constant 0 : i32
    %dma_wait3A_533 = tpu.memref_slice %arg8[%dma_wait3A_513, %dma_wait3A_530, %dma_wait3A_531, %dma_wait3A_532] : memref<6x8x8x129xf32, #tpu.memory_space<vmem>> -> memref<1x8x8x128xf32, #tpu.memory_space<vmem>>
    %dma_wait3A_534 = tpu.memref_squeeze %dma_wait3A_533 : memref<1x8x8x128xf32, #tpu.memory_space<vmem>> -> memref<8x8x128xf32, #tpu.memory_space<vmem>>
    tpu.wait_dma2 semaphore(%arg19 : memref<!tpu.dma_semaphore, #tpu.memory_space<semaphore_mem>>) src(%dma_wait3A_534 : memref<8x8x128xf32, #tpu.memory_space<vmem>>) dst(%dma_wait3A_529 : memref<8x8x128xf32, #tpu.memory_space<hbm>>)
    %dma_wait3A_535 = arith.constant 5 : i32
    %dma_wait3A_536 = arith.constant 0 : i32
    %dma_wait3A_537 = arith.constant 0 : i32
    %dma_wait3A_538 = arith.constant 0 : i32
    %dma_wait3A_539 = arith.constant 0 : i32
    %dma_wait3A_540 = tpu.memref_slice %arg8[%dma_wait3A_535, %dma_wait3A_537, %dma_wait3A_538, %dma_wait3A_539] : memref<6x8x8x129xf32, #tpu.memory_space<vmem>> -> memref<1x8x8x128xf32, #tpu.memory_space<vmem>>
    %dma_wait3A_541 = tpu.memref_squeeze %dma_wait3A_540 : memref<1x8x8x128xf32, #tpu.memory_space<vmem>> -> memref<8x8x128xf32, #tpu.memory_space<vmem>>
    %dma_wait3A_542 = arith.constant 0 : i32
    %dma_wait3A_543 = arith.constant 0 : i32
    %dma_wait3A_544 = arith.constant 0 : i32
    %dma_wait3A_545 = tpu.memref_slice %arg4[%dma_wait3A_536, %dma_wait3A_542, %add3A, %dma_wait3A_543, %dma_wait3A_544] : memref<50x8x32x8x128xf32, #tpu.memory_space<hbm>> -> memref<1x8x1x8x128xf32, #tpu.memory_space<hbm>>
    %dma_wait3A_546 = tpu.memref_squeeze %dma_wait3A_545 : memref<1x8x1x8x128xf32, #tpu.memory_space<hbm>> -> memref<8x8x128xf32, #tpu.memory_space<hbm>>
    %dma_wait3A_547 = arith.constant 0 : i32
    %dma_wait3A_548 = arith.constant 0 : i32
    %dma_wait3A_549 = arith.constant 0 : i32
    %dma_wait3A_550 = tpu.memref_slice %arg4[%dma_wait3A_536, %dma_wait3A_547, %add3A, %dma_wait3A_548, %dma_wait3A_549] : memref<50x8x32x8x128xf32, #tpu.memory_space<hbm>> -> memref<1x8x1x8x128xf32, #tpu.memory_space<hbm>>
    %dma_wait3A_551 = tpu.memref_squeeze %dma_wait3A_550 : memref<1x8x1x8x128xf32, #tpu.memory_space<hbm>> -> memref<8x8x128xf32, #tpu.memory_space<hbm>>
    %dma_wait3A_552 = arith.constant 0 : i32
    %dma_wait3A_553 = arith.constant 0 : i32
    %dma_wait3A_554 = arith.constant 0 : i32
    %dma_wait3A_555 = tpu.memref_slice %arg8[%dma_wait3A_535, %dma_wait3A_552, %dma_wait3A_553, %dma_wait3A_554] : memref<6x8x8x129xf32, #tpu.memory_space<vmem>> -> memref<1x8x8x128xf32, #tpu.memory_space<vmem>>
    %dma_wait3A_556 = tpu.memref_squeeze %dma_wait3A_555 : memref<1x8x8x128xf32, #tpu.memory_space<vmem>> -> memref<8x8x128xf32, #tpu.memory_space<vmem>>
    tpu.wait_dma2 semaphore(%arg20 : memref<!tpu.dma_semaphore, #tpu.memory_space<semaphore_mem>>) src(%dma_wait3A_556 : memref<8x8x128xf32, #tpu.memory_space<vmem>>) dst(%dma_wait3A_551 : memref<8x8x128xf32, #tpu.memory_space<hbm>>)
    return
  }
}

</mosaic_0001>

<sc_bundles>
// kernel: kernel.3.cloned.1.call-start
scs
__scs_entry_jumppad:
0x0: {  	(pc) =	sbr.rel $0x88, $3  }
0x1: {  	(tag) =	ssettag $0x0;
	lr =	simm.s32 $0x1  }
0x2: {  	[smem:$0x3F9F] =	sst lr;
	_ =	strace $0xD0000000  }
0x3: {  	_ = 	snop  }
0x4: {  	_ = 	snop  }
0x5: {  	_ = 	snop  }
0x6: {  	_ = 	snop  }
0x7: {  	_ = 	snop  }
__scs_overlays_trampoline_lowered:
0x8: {  	[smem:$0x3FAE] =	sst s0  }
0x9: {  	[smem:$0x3FAF] =	sst s1  }
0xa: {  	[smem:$0x3FB0] =	sst s2  }
0xb: {  	[smem:$0x3FB1] =	sst s3  }
0xc: {  	[smem:$0x3FB2] =	sst s4  }
0xd: {  	[smem:$0x3FB3] =	sst s5  }
0xe: {  	[smem:$0x3FB4] =	sst s6  }
0xf: {  	[smem:$0x3FB5] =	sst s7  }
0x10: {  	[smem:$0x3FB6] =	sst s8  }
0x11: {  	[smem:$0x3FB7] =	sst s9;
	s0 =	simm.s32 @!p0 $0x0  }
0x12: {  	s1 =	sld [smem:$0x3F9D];
	s0 =	simm.s32 @p0 $0x1  }
0x13: {  	[smem:$0x3FB8] =	sst s0;
	s0 =	simm.s32 @!p1 $0x0  }
0x14: {  	s2 =	sld [smem:$0x3F9C];
	s0 =	simm.s32 @p1 $0x1  }
0x15: {  	[smem:$0x3FB9] =	sst s0;
	s0 =	simm.s32 @!p2 $0x0  }
0x16: {  	s3 =	sld [smem:$0x3FDB];
	s0 =	simm.s32 @p2 $0x1  }
0x17: {  	s4 =	simm.s32 $0x1BF5;
	[smem:$0x3FBB] =	sst s0  }
0x18: {  	s0 =	sld [smem:$0x3F9E];
	_ =	swait.ge [sflag:s4], $0x0  }
0x19: {  	s7 =	sld [smem:$0x3F9F]  }
0x1a: {  	s8 =	sadd.s32 $0xFFFFE003, lr  }
0x1b: {  	s9 =	sadd.s32 $0xFFFFFEF7, lr;
	s5 =	simm.s32 $0xFFFFFFFF;
	p2 =	slt.u32 s8, $0xFFFFF086  }
0x1c: {  	p1 =	slt.u32 s9, $0xF7A;
	s5 =	simm.s32 @!p2 $0x0  }
0x1d: {  	s5 =	simm.s32 @p1 $0x1;
	p0 =	seq.s32 s7, s2  }
0x1e: {  	s7 =	smul.u32 @!p0 $0xF7A, s2;
	p2 =	seq.s32 @!p0 s5, $0x0  }
0x1f: {  	s9 =	smul.u32 $0xF7A, s1;
	s8 =	simm.s32 @!p0 $0x1BF5;
	p2 =	por !p2, p0  }
0x20: {  	[sflag:s8] =	ssyncset.s32 @!p0 $0xFFFFF086;
	s6 =	sadd.s32 @!p0 s3, s7;
	s7 =	simm.s32 @!p0 $0x108  }
0x21: {  	s3 =	sadd.s32 s3, s9;
	s6 =	sadd.s32 @!p0 $0x88, s6;
	s7 =	simm.s32 @p2 $0x1082  }
0x22: {  	[simem:s7], [sflag:s8] =	dma.local @!p0 [hbm:s6], $0xF7A  }
0x23: {  	s9 =	sor.u32 $0xD0000000, s2;
	s6 =	simm.s32 $0x108;
	_ =	swait.ge @!p0 [sflag:s8], $0x0  }
0x24: {  	s3 =	sadd.s32 $0x88, s3;
	s6 =	simm.s32 @!p1 $0x1082;
	[sflag:s4] =	ssyncset.s32 $0xFFFFF086  }
0x25: {  	[simem:s6], [sflag:s4] =	dma.local [hbm:s3], $0xF7A  }
0x26: {  	[smem:$0x3F9F] =	sst s1;
	(tag) =	ssettag s2;
	_ =	strace s9  }
0x27: {  	s1 =	sld [smem:$0x3FAF]  }
0x28: {  	s2 =	sld [smem:$0x3FB0]  }
0x29: {  	s4 =	sld [smem:$0x3FB2]  }
0x2a: {  	p0 =	seq.s32 s5, $0x0;
	s5 =	sld [smem:$0x3FB3]  }
0x2b: {  	s6 =	sld [smem:$0x3FB4]  }
0x2c: {  	s7 =	sld [smem:$0x3FB5]  }
0x2d: {  	s3 =	simm.s32 $0x108;
	s8 =	sld [smem:$0x3FB6]  }
0x2e: {  	s3 =	simm.s32 @!p0 $0x1082;
	s9 =	sld [smem:$0x3FB7]  }
0x2f: {  	lr =	sadd.s32 s0, s3;
	s0 =	sld [smem:$0x3FAE]  }
0x30: {  	s3 =	sld [smem:$0x3FB1]  }
0x31: {  	[smem:$0x3FBA] =	sst s10  }
0x32: {  	s10 =	sld [smem:$0x3FB8];
	_ =	sdelay $0x3  }
0x33: {  	p0 =	seq.s32 s10, $0x1;
	s10 =	sld [smem:$0x3FBA];
	_ =	sdelay $0x3  }
0x34: {  	[smem:$0x3FBA] =	sst s10  }
0x35: {  	s10 =	sld [smem:$0x3FB9];
	_ =	sdelay $0x3  }
0x36: {  	p1 =	seq.s32 s10, $0x1;
	s10 =	sld [smem:$0x3FBA];
	_ =	sdelay $0x3  }
0x37: {  	[smem:$0x3FBA] =	sst s10  }
0x38: {  	s10 =	sld [smem:$0x3FBB]  }
0x39: {  	_ = 	snop;
	(pc) =	sbr.ind lr, $3  }
0x3a: {  	_ = 	snop  }
0x3b: {  	_ = 	snop  }
0x3c: {  	p2 =	seq.s32 s10, $0x1;
	s10 =	sld [smem:$0x3FBA]  }
0x3d: {  	_ =	shalt  }
0x3e: {  	_ =	shalt  }
0x3f: {  	_ =	shalt  }
0x40: {  	_ =	shalt  }
0x41: {  	_ =	shalt  }
0x42: {  	_ =	shalt  }
0x43: {  	_ =	shalt  }
0x44: {  	_ =	shalt  }
0x45: {  	_ =	shalt  }
0x46: {  	_ =	shalt  }
0x47: {  	_ =	shalt  }
0x48: {  	_ =	shalt  }
0x49: {  	_ =	shalt  }
0x4a: {  	_ =	shalt  }
0x4b: {  	_ =	shalt  }
0x4c: {  	_ =	shalt  }
0x4d: {  	_ =	shalt  }
0x4e: {  	_ =	shalt  }
0x4f: {  	_ =	shalt  }
0x50: {  	_ =	shalt  }
0x51: {  	_ =	shalt  }
0x52: {  	_ =	shalt  }
0x53: {  	_ =	shalt  }
0x54: {  	_ =	shalt  }
0x55: {  	_ =	shalt  }
0x56: {  	_ =	shalt  }
0x57: {  	_ =	shalt  }
0x58: {  	_ =	shalt  }
0x59: {  	_ =	shalt  }
0x5a: {  	_ =	shalt  }
0x5b: {  	_ =	shalt  }
0x5c: {  	_ =	shalt  }
0x5d: {  	_ =	shalt  }
0x5e: {  	_ =	shalt  }
0x5f: {  	_ =	shalt  }
0x60: {  	_ =	shalt  }
0x61: {  	_ =	shalt  }
0x62: {  	_ =	shalt  }
0x63: {  	_ =	shalt  }
0x64: {  	_ =	shalt  }
0x65: {  	_ =	shalt  }
0x66: {  	_ =	shalt  }
0x67: {  	_ =	shalt  }
0x68: {  	_ =	shalt  }
0x69: {  	_ =	shalt  }
0x6a: {  	_ =	shalt  }
0x6b: {  	_ =	shalt  }
0x6c: {  	_ =	shalt  }
0x6d: {  	_ =	shalt  }
0x6e: {  	_ =	shalt  }
0x6f: {  	_ =	shalt  }
0x70: {  	_ =	shalt  }
0x71: {  	_ =	shalt  }
0x72: {  	_ =	shalt  }
0x73: {  	_ =	shalt  }
0x74: {  	_ =	shalt  }
0x75: {  	_ =	shalt  }
0x76: {  	_ =	shalt  }
0x77: {  	_ =	shalt  }
0x78: {  	_ =	shalt  }
0x79: {  	_ =	shalt  }
0x7a: {  	_ =	shalt  }
0x7b: {  	_ =	shalt  }
0x7c: {  	_ =	shalt  }
0x7d: {  	_ =	shalt  }
0x7e: {  	_ =	shalt  }
0x7f: {  	_ =	shalt  }
0x80: {  	_ =	shalt  }
0x81: {  	_ =	shalt  }
0x82: {  	_ =	shalt  }
0x83: {  	_ =	shalt  }
0x84: {  	_ =	shalt  }
0x85: {  	_ =	shalt  }
0x86: {  	_ =	shalt  }
0x87: {  	_ =	shalt  }
.Lfunc_end0:
.L_simem_size_0:
called_computation_lowered:
.L_overlay_start_0:
0x88: {  	s2 =	sld [smem:$0x3FD9]  }
0x89: {  	s3 =	sld [smem:$0x3FFE];
	_ =	sdelay $0x1  }
0x8a: {  	s1 =	srdreg.scid  }
0x8b: {  	s0 =	sand.u32 $0x1, s1  }
0x8c: {  	s17 =	sshll.u32 s0, $0xA;
	s2 =	sadd.s32 s3, s2  }
0x8d: {  	s2 =	sadd.s32 s2, s17  }
0x8e: {  	[smem:$0x3FC6] =	sst s2  }
0x8f: {  	_ = 	snop  }
0x90: {  	s2 =	sld [smem:$0x3FD0];
	(tm) =	ssettm $0x1  }
0x91: {  	s18 =	sld [smem:$0x3FFB];
	_ =	sdelay $0x3  }
0x92: {  	_ =	strace s18  }
0x93: {  	s3 =	sld [smem:$0x3FFC];
	_ =	sdelay $0x3  }
0x94: {  	_ =	strace s3  }
0x95: {  	s3 =	sld [smem:$0x3FFD];
	_ =	sdelay $0x3  }
0x96: {  	_ =	strace s3  }
0x97: {  	_ =	strace $0x8FFFFFFF  }
0x98: {  	s19 =	sld [smem:$0x3FDB];
	_ =	sdelay $0x1  }
0x99: {  	s4 =	simm.s32 $_scs_section_size  }
0x9a: {  	s5 =	simm.s32 $_size__tile_overlayer_lowered;
	s6 =	simm.s32 $_tile_overlayer_lowered  }
0x9b: {  	s22 =	simm.s32 $0x1BFF;
	s21 =	sshll.u32 s6, $0x1;
	s3 =	sadd.s32 s4, s19  }
0x9c: {  	s7 =	simm.s32 $0x0;
	s20 =	sshll.u32 s5, $0x1;
	s5 =	sadd.s32 s21, s3  }
0x9d: {  	[timem:s7], [sflag:s22] =	dma.local [hbm:s5], s20  }
0x9e: {  	_ =	swait.ge [sflag:s22], s20  }
0x9f: {  	s4 =	ssub.s32 $0x0, s20;
	[sflag:s22] =	ssyncset.done $0x0  }
0xa0: {  	[sflag:s22] =	ssyncadd.s32 s4;
	_ =	sdelay $0x1  }
0xa1: {  	s23 =	simm.s32 $0x1B8B  }
0xa2: {  	_ =	swait.ge [sflag:s23], $0x1  }
0xa3: {  	[sflag:s23] =	ssyncset.done $0x0  }
0xa4: {  	s25 =	simm.s32 $0x1B8E;
	s24 =	sld [smem:$0x3FFE];
	[sflag:s23] =	ssyncadd.s32 $0xFFFFFFFF  }
0xa5: {  	s26 =	simm.s32 $execute0_lowered;
	[smem:$0x3FD2] =	sst s25  }
0xa6: {  	s5 =	sshll.u32 s26, $0x1;
	_ =	strace $0x80000046;
	[dreg:$0x1] =	wrdreg $0xFFFFFFFF  }
0xa7: {  	s28 =	simm.s32 $_size_execute0_lowered;
	s3 =	sadd.s32 s3, s5;
	[dreg:$0x0] =	wrdreg $0x0  }
0xa8: {  	s5 =	sshll.u32 s28, $0x1;
	[dreg:$0x2] =	wrdreg s3  }
0xa9: {  	[dreg:$0x3] =	wrdreg s5  }
0xaa: {  	[dreg:$0x4] =	wrdreg $0xC0  }
0xab: {  	_ =	task [dreg:s7], $0x5FFFF  }
0xac: {  	[dreg:$0x1] =	wrdreg $0xFFFFFFFF  }
0xad: {  	[dreg:$0x0] =	wrdreg $0x60  }
0xae: {  	[dreg:$0x2] =	wrdreg s24  }
0xaf: {  	[dreg:$0x3] =	wrdreg s2  }
0xb0: {  	[dreg:$0x4] =	wrdreg $0x9  }
0xb1: {  	_ =	task.clear_ibuf [dreg:s7], $0x5FFFF;
	_ =	strace $0x90000046  }
0xb2: {  	s29 =	simm.s32 $0x9;
	_ =	strace $0x80000048  }
0xb3: {  	_ =	swait.ge [sflag:s29], $0x1  }
0xb4: {  	[sflag:s29] =	ssyncadd.s32 $0xFFFFFFFF  }
0xb5: {  	_ =	strace $0x90000048  }
0xb6: {  	_ =	sfence  }
0xb7: {  	s30 =	sld [smem:$0x0];
	_ =	sdelay $0x2  }
0xb8: {  	s31 =	sshll.u32 s1, $0xD;
	s1 =	sshrl.u32 s1, $0x2  }
0xb9: {  	s3 =	sand.u32 $0x4000, s31;
	s1 =	sadd.s32 s1, s30  }
0xba: {  	s0 =	sor.u32 s3, s0;
	s1 =	sshll.u32 s1, $0x11  }
0xbb: {  	s0 =	sor.u32 s1, s0  }
0xbc: {  	s0 =	sadd.s32 $0x8F2B, s0  }
0xbd: {  	[sflag:s0] =	ssyncadd.remote.s32 $0x1  }
0xbe: {  	_ =	sfence.sel $0xFFFF  }
0xbf: {  	[dreg:$0x0] =	wrdreg $0xFFFFFFFF;
	(pc) =	sbr.abs _section_cstart, $3  }
0xc0: {  	[dreg:$0x1] =	wrdreg $0xFFFFFFFF  }
0xc1: {  	_ =	task.clear_ibuf [dreg:s7], $0x2FFFF;
	_ =	strace $0x9FFFFFFF  }
0xc2: {  	(tm) =	ssettm $0x7FFFFFFF  }
0xc3: {  	_ =	shalt  }
tec
execute0_lowered:
.L_overlay_start_1:
0x0: {  	(tag) =	ssettag $0x1  }
0x1: {  	s0 =	rddreg [dreg:$0x0];
	s1 =	srdreg.scid  }
0x2: {  	s3 =	stileid.u32;
	s2 =	rddreg [dreg:$0x1];
	s16 =	simm.s32 $0x80  }
0x3: {  	s9 =	simm.s32 $0x1C80;
	s30 =	simm.s32 $0x1;
	s31 =	simm.s32 $0xF500  }
0x4: {  	s17 =	simm.s32 $0x3;
	s21 =	simm.s32 $0x13900;
	s28 =	simm.s32 $0x15B00  }
0x5: {  	s14 =	simm.s32 $0xB;
	s15 =	simm.s32 $0x17D00;
	s19 =	simm.s32 $0x6  }
0x6: {  	s8 =	simm.s32 $0x0;
	s1 =	sand.u32 $0x1, s1;
	s4 =	sshll.u32 s3, $0x1  }
0x7: {  	s3 =	simm.s32 $0x0;
	s22 =	sadd.s32 $0x8000, s2;
	s5 =	sor.u32 s1, s4  }
0x8: {  	[smem:$0x7FF] =	sst s3;
	s1 =	ssub.s32 $0x2, s1;
	s4 =	sadd.s32 $0x7400, s0  }
0x9: {  	s6 =	smul.u32 $0x380, s5;
	_ =	strace $0x80000047;
	s7 =	sshrl.u32 s1, $0x1  }
0xa: {  	[dreg:$0x4] =	wrdreg s22;
	s25 =	sshll.u32 s5, $0x7;
	s22 =	simm.s32 $0xC  }
0xb: {  	s1 =	ssub.s32 s1, s7;
	s0 =	sadd.s32 s6, s0;
	s6 =	sshll.u32 s5, $0xA  }
0xc: {  	v5 =	vlaneseq.u32;
	s29 =	smax.u32 s1, $0x1;
	s1 =	simm.s32 $0x2;
	s5 =	simm.s32 $0x5  }
0xd: {  	v0 =	vmul.u32 $0x38, v5;
	s0 =	sadd.s32 $0x400, s0;
	s23 =	sor.u32 $0x80000, s6;
	[dreg:$0x9] =	wrdreg s29  }
0xe: {  	s24 =	sor.u32 $0xC0000, s6;
	s10 =	sor.u32 $0x100000, s6;
	[dreg:$0x3] =	wrdreg s0  }
0xf: {  	v5 =	vmul.u32 $0x88, v5;
	v1 =	vadd.s32 $0x380, v0;
	s11 =	sor.u32 $0x140000, s6;
	[dreg:$0x5] =	wrdreg s23;
	s0 =	sadd.s32 s25, s2  }
0x10: {  	v2 =	vadd.s32 $0x700, v0;
	v3 =	vadd.s32 $0xA80, v0;
	v4 =	vadd.s32 $0xE00, v0;
	[dreg:$0x6] =	wrdreg s24;
	s23 =	simm.s32 $0x4;
	s26 =	sadd.s32 $0x180000, s0  }
0x11: {  	v6 =	vadd.s32 $0x1180, v0;
	v7 =	vadd.s32 $0x1500, v0;
	v8 =	vadd.s32 $0x1880, v0;
	s25 =	simm.s32 $0xA;
	s0 =	sadd.s32 $0x188000, s0;
	[dreg:$0x7] =	wrdreg s26  }
0x12: {  	v9 =	vadd.s32 $0x880, v5;
	v10 =	vadd.s32 $0x1100, v5;
	v11 =	vadd.s32 $0x1980, v5;
	s24 =	simm.s32 $0x19F00;
	[dreg:$0x8] =	wrdreg s0;
	s0 =	simm.s32 $0x11700  }
.LBB2_1:
0x13: {  	s7 =	simm.s32 $0x1  }
0x14: {  	v12 =	vmov s7  }
0x15: {  	[dreg:$0xa] =	wrdreg s8;
	v20 =	vand.u32 $0x3F, v12  }
0x16: {  	s12 =	rddreg [dreg:$0x3];
	s13 =	simm.s32 $0xD;
	v12 =	vadd.s32 v0, v20  }
0x17: {  	v13 =	vmov s3;
	[tilespmem:s3], [sflag:$0xD] =	stream.linear.gather [hbm4b:s12+s3], $0x1C00, $0x38;
	[tilespmem:$0x1C100] =	vst v63  }
0x18: {  	v19 =	vand.u32 $0x3E, v13;
	_ =	swait.ge [sflag:s13], $0x1C00  }
0x19: {  	v13 =	vadd.s32 v0, v19;
	[sflag:s13] =	ssyncset.done $0x0  }
0x1a: {  	[sflag:s13] =	ssyncadd.s32 $0xFFFFE400  }
0x1b: {  	v12 =	vld.idx.msk [tilespmem:v12+s3+$0x0], $0xffff;
	_ =	sdelay $0x1  }
0x1c: {  	v14 =	vadd.s32 v1, v20  }
0x1d: {  	v13 =	vld.idx.msk [tilespmem:v13+s3+$0x0], $0xffff;
	_ =	sdelay $0x1  }
0x1e: {  	s18 =	simm.s32 $0x3;
	v15 =	vadd.s32 v1, v19;
	v12 =	vshll.u32 v12, $0x1  }
0x1f: {  	[tilespmem:s9+$0x0] =	vst v12;
	v12 =	vmov s18  }
0x20: {  	v16 =	vld.idx.msk [tilespmem:v14+s3+$0x0], $0xffff;
	v14 =	vand.u32 $0x3F, v12  }
0x21: {  	s20 =	simm.s32 $0x2;
	v12 =	vshll.u32 v13, $0x1;
	v13 =	vadd.s32 v0, v14  }
0x22: {  	v17 =	vmov s20;
	v18 =	vadd.s32 v2, v20;
	[tilespmem:s9+$0xFFFFFF80] =	vst v12  }
0x23: {  	v12 =	vand.u32 $0x3E, v17;
	v15 =	vld.idx.msk [tilespmem:v15+s3+$0x0], $0xffff  }
0x24: {  	v17 =	vadd.s32 v0, v12  }
0x25: {  	v21 =	vadd.s32 v2, v19;
	v16 =	vshll.u32 v16, $0x1  }
0x26: {  	[tilespmem:s9+$0x10] =	vst v16;
	v13 =	vld.idx.msk [tilespmem:v13+s3+$0x0], $0xffff  }
0x27: {  	v16 =	vld.idx.msk [tilespmem:v18+s3+$0x0], $0xffff  }
0x28: {  	v15 =	vshll.u32 v15, $0x1;
	v18 =	vadd.s32 v1, v14  }
0x29: {  	v17 =	vld.idx.msk [tilespmem:v17+s3+$0x0], $0xffff;
	[tilespmem:s9+$0xFFFFFF90] =	vst v15;
	v15 =	vadd.s32 v3, v20  }
0x2a: {  	v21 =	vld.idx.msk [tilespmem:v21+s3+$0x0], $0xffff  }
0x2b: {  	s26 =	simm.s32 $0x5;
	s12 =	simm.s32 $0x1D80;
	v22 =	vadd.s32 v1, v12;
	v13 =	vshll.u32 v13, $0x1  }
0x2c: {  	v23 =	vmov s26;
	[tilespmem:s12+$0x0] =	vst v13;
	v13 =	vshll.u32 v16, $0x1;
	v16 =	vadd.s32 v3, v19  }
0x2d: {  	v18 =	vld.idx.msk [tilespmem:v18+s3+$0x0], $0xffff;
	[tilespmem:s9+$0x20] =	vst v13;
	v13 =	vand.u32 $0x3F, v23  }
0x2e: {  	s8 =	simm.s32 $0x4;
	v23 =	vld.idx.msk [tilespmem:v15+s3+$0x0], $0xffff;
	v15 =	vshll.u32 v17, $0x1;
	v17 =	vadd.s32 v0, v13  }
0x2f: {  	v24 =	vmov s8;
	v25 =	vadd.s32 v2, v14;
	v21 =	vshll.u32 v21, $0x1;
	[tilespmem:s12+$0xFFFFFF80] =	vst v15  }
0x30: {  	v15 =	vand.u32 $0x3E, v24;
	[tilespmem:s9+$0xFFFFFFA0] =	vst v21;
	v21 =	vadd.s32 v4, v20;
	v22 =	vld.idx.msk [tilespmem:v22+s3+$0x0], $0xffff  }
0x31: {  	s13 =	simm.s32 $0x6;
	v24 =	vadd.s32 v0, v15;
	v26 =	vld.idx.msk [tilespmem:v16+s3+$0x0], $0xffff  }
0x32: {  	v27 =	vmov s13;
	v16 =	vshll.u32 v18, $0x1;
	v18 =	vadd.s32 v2, v12  }
0x33: {  	v28 =	vadd.s32 v4, v19;
	[tilespmem:s12+$0x10] =	vst v16;
	v23 =	vshll.u32 v23, $0x1;
	v17 =	vld.idx.msk [tilespmem:v17+s3+$0x0], $0xffff;
	v16 =	vand.u32 $0x3E, v27  }
0x34: {  	[tilespmem:s9+$0x30] =	vst v23;
	v23 =	vld.idx.msk [tilespmem:v25+s3+$0x0], $0xffff;
	v25 =	vadd.s32 v0, v16  }
0x35: {  	v27 =	vadd.s32 v1, v13;
	v22 =	vshll.u32 v22, $0x1;
	v21 =	vld.idx.msk [tilespmem:v21+s3+$0x0], $0xffff  }
0x36: {  	v24 =	vld.idx.msk [tilespmem:v24+s3+$0x0], $0xffff;
	[tilespmem:s12+$0xFFFFFF90] =	vst v22;
	v22 =	vshll.u32 v26, $0x1;
	v26 =	vadd.s32 v3, v14  }
0x37: {  	v18 =	vld.idx.msk [tilespmem:v18+s3+$0x0], $0xffff;
	[tilespmem:s9+$0xFFFFFFB0] =	vst v22;
	v22 =	vadd.s32 v6, v20  }
0x38: {  	s13 =	simm.s32 $0x1E80;
	s18 =	simm.s32 $0x7;
	v29 =	vadd.s32 v1, v15;
	v28 =	vld.idx.msk [tilespmem:v28+s3+$0x0], $0xffff;
	v17 =	vshll.u32 v17, $0x1  }
0x39: {  	v30 =	vld.idx.msk [tilespmem:v25+s3+$0x0], $0xffff;
	[tilespmem:s13+$0x0] =	vst v17;
	v17 =	vshll.u32 v23, $0x1;
	v23 =	vadd.s32 v3, v12;
	v25 =	vmov s18  }
0x3a: {  	v31 =	vadd.s32 v6, v19;
	v27 =	vld.idx.msk [tilespmem:v27+s3+$0x0], $0xffff;
	[tilespmem:s12+$0x20] =	vst v17;
	v21 =	vshll.u32 v21, $0x1;
	v17 =	vand.u32 $0x3F, v25  }
0x3b: {  	v25 =	vld.idx.msk [tilespmem:v26+s3+$0x0], $0xffff;
	[tilespmem:s9+$0x40] =	vst v21;
	v21 =	vshll.u32 v24, $0x1;
	v24 =	vadd.s32 v0, v17  }
0x3c: {  	v18 =	vshll.u32 v18, $0x1;
	v22 =	vld.idx.msk [tilespmem:v22+s3+$0x0], $0xffff;
	[tilespmem:s13+$0xFFFFFF80] =	vst v21;
	v21 =	vadd.s32 v2, v13  }
0x3d: {  	v26 =	vshll.u32 v28, $0x1;
	v28 =	vld.idx.msk [tilespmem:v29+s3+$0x0], $0xffff;
	[tilespmem:s12+$0xFFFFFFA0] =	vst v18;
	v29 =	vadd.s32 v4, v14  }
0x3e: {  	v23 =	vld.idx.msk [tilespmem:v23+s3+$0x0], $0xffff;
	[tilespmem:s9+$0xFFFFFFC0] =	vst v26;
	v26 =	vadd.s32 v7, v20  }
0x3f: {  	s20 =	simm.s32 $0x8;
	v18 =	vshll.u32 v27, $0x1;
	v27 =	vld.idx.msk [tilespmem:v31+s3+$0x0], $0xffff;
	v31 =	vadd.s32 v2, v15  }
0x40: {  	v32 =	vadd.s32 v4, v12;
	[tilespmem:s13+$0x10] =	vst v18;
	v18 =	vshll.u32 v25, $0x1;
	v25 =	vmov s20;
	v24 =	vld.idx.msk [tilespmem:v24+s3+$0x0], $0xffff  }
0x41: {  	[tilespmem:s12+$0x30] =	vst v18;
	v22 =	vshll.u32 v22, $0x1;
	v18 =	vand.u32 $0x3E, v25;
	v33 =	vld.idx.msk [tilespmem:v21+s3+$0x0], $0xffff;
	v21 =	vadd.s32 v7, v19  }
0x42: {  	[tilespmem:s9+$0x50] =	vst v22;
	v22 =	vadd.s32 v0, v18;
	v25 =	vshll.u32 v28, $0x1;
	v34 =	vld.idx.msk [tilespmem:v29+s3+$0x0], $0xffff  }
0x43: {  	v28 =	vadd.s32 v1, v17;
	[tilespmem:s13+$0xFFFFFF90] =	vst v25;
	v23 =	vshll.u32 v23, $0x1;
	v26 =	vld.idx.msk [tilespmem:v26+s3+$0x0], $0xffff  }
0x44: {  	v35 =	vadd.s32 v3, v13;
	v31 =	vld.idx.msk [tilespmem:v31+s3+$0x0], $0xffff;
	[tilespmem:s12+$0xFFFFFFB0] =	vst v23;
	v23 =	vshll.u32 v27, $0x1  }
0x45: {  	v61 =	vadd.s32 v6, v14;
	v27 =	vld.idx.msk [tilespmem:v32+s3+$0x0], $0xffff;
	[tilespmem:s9+$0xFFFFFFD0] =	vst v23  }
0x46: {  	s29 =	simm.s32 $0x1F80;
	v36 =	vadd.s32 v8, v20;
	v23 =	vshll.u32 v24, $0x1;
	v21 =	vld.idx.msk [tilespmem:v21+s3+$0x0], $0xffff  }
0x47: {  	v29 =	vadd.s32 v1, v16;
	[tilespmem:s29+$0x0] =	vst v23;
	v20 =	vshll.u32 v33, $0x1;
	v25 =	vld.idx.msk [tilespmem:v22+s3+$0x0], $0xffff  }
0x48: {  	s26 =	simm.s32 $0x9;
	v28 =	vld.idx.msk [tilespmem:v28+s3+$0x0], $0xffff;
	v22 =	vadd.s32 v3, v15;
	[tilespmem:s13+$0x20] =	vst v20;
	v23 =	vshll.u32 v34, $0x1;
	v20 =	vadd.s32 v8, v19  }
0x49: {  	v19 =	vmov s26;
	v24 =	vld.idx.msk [tilespmem:v35+s3+$0x0], $0xffff;
	[tilespmem:s12+$0x40] =	vst v23;
	v62 =	vshll.u32 v26, $0x1;
	v23 =	vadd.s32 v6, v12  }
0x4a: {  	v63 =	vshll.u32 v30, $0x1;
	v19 =	vand.u32 $0x3F, v19;
	v26 =	vld.idx.msk [tilespmem:v61+s3+$0x0], $0xffff;
	[tilespmem:s9+$0x60] =	vst v62  }
0x4b: {  	s18 =	simm.s32 $0x1F80;
	[tilespmem:s29+$0xFFFFFF80] =	vst v63;
	s20 =	simm.s32 $0xA;
	s26 =	simm.s32 $0x1C80;
	v30 =	vshll.u32 v31, $0x1;
	v32 =	vadd.s32 v0, v19;
	v31 =	vshll.u32 v27, $0x1;
	v27 =	vld.idx.msk [tilespmem:v36+s3+$0x0], $0xffff  }
.LBB2_2:
0x4c: {  	p0 =	slt.u32 s20, $0x30;
	v29 =	vld.idx.msk [tilespmem:v29+s3+$0x0], $0xffff;
	v33 =	vadd.s32 v2, v17;
	[tilespmem:s13+$0xFFFFFFA0] =	vst v30;
	v21 =	vshll.u32 v21, $0x1  }
0x4d: {  	v30 =	vadd.s32 v4, v13;
	v22 =	vld.idx.msk [tilespmem:v22+s3+$0x0], $0xffff;
	[tilespmem:s12+$0xFFFFFFC0] =	vst v31;
	v31 =	vmov v25  }
0x4e: {  	v25 =	vshll.u32 v28, $0x1;
	v28 =	vadd.s32 v7, v14;
	v23 =	vld.idx.msk [tilespmem:v23+s3+$0x0], $0xffff;
	[tilespmem:s26+$0xFFFFFFE0] =	vst v21  }
0x4f: {  	v21 =	vadd.s32 v2, v16;
	v24 =	vshll.u32 v24, $0x1;
	[tilespmem:s29+$0x10] =	vst v25;
	v20 =	vld.idx.msk [tilespmem:v20+s3+$0x0], $0xffff  }
0x50: {  	v34 =	vadd.s32 v4, v15;
	v25 =	vmov s20;
	v32 =	vld.idx.msk [tilespmem:v32+s3+$0x0], $0xffff;
	[tilespmem:s13+$0x30] =	vst v24;
	v24 =	vshll.u32 v26, $0x1  }
0x51: {  	v35 =	vand.u32 $0x3E, v25;
	v25 =	vadd.s32 v7, v12;
	v26 =	vld.idx.msk [tilespmem:v33+s3+$0x0], $0xffff;
	[tilespmem:s12+$0x50] =	vst v24;
	v24 =	vshll.u32 v27, $0x1  }
0x52: {  	v27 =	vadd.s32 v0, v35;
	v29 =	vshll.u32 v29, $0x1;
	v30 =	vld.idx.msk [tilespmem:v30+s3+$0x0], $0xffff;
	[tilespmem:s26+$0x70] =	vst v24  }
0x53: {  	v24 =	vadd.s32 v1, v19;
	v22 =	vshll.u32 v22, $0x1;
	[tilespmem:s29+$0xFFFFFF90] =	vst v29;
	v33 =	vld.idx.msk [tilespmem:v28+s3+$0x0], $0xffff  }
0x54: {  	v37 =	vadd.s32 v3, v17;
	v36 =	vld.idx.msk [tilespmem:v21+s3+$0x0], $0xffff;
	[tilespmem:s13+$0xFFFFFFB0] =	vst v22;
	v21 =	vshll.u32 v23, $0x1  }
0x55: {  	v38 =	vadd.s32 v6, v13;
	v20 =	vshll.u32 v20, $0x1;
	v34 =	vld.idx.msk [tilespmem:v34+s3+$0x0], $0xffff;
	[tilespmem:s12+$0xFFFFFFD0] =	vst v21  }
0x56: {  	v39 =	vadd.s32 v8, v14;
	v14 =	vmovc v13;
	v13 =	vmov v17;
	s29 =	sadd.s32 $0x100, s29;
	v22 =	vshll.u32 v32, $0x1;
	v21 =	vld.idx.msk [tilespmem:v25+s3+$0x0], $0xffff;
	[tilespmem:s26+$0xFFFFFFF0] =	vst v20;
	s26 =	smov.u32 s12;
	s12 =	smov.u32 s13  }
.Ltmp0:
0x57: {  	v17 =	vmov v19;
	v29 =	vadd.s32 v1, v18;
	v20 =	vshll.u32 v26, $0x1;
	s13 =	smov.u32 s18;
	s18 =	smov.u32 s29;
	v25 =	vld.idx.msk [tilespmem:v27+s3+$0x0], $0xffff;
	[tilespmem:s29+$0x0] =	vst v22;
	(pc) =	sbr.rel @p0 .LBB2_2-.Ltmp0, $4  }
0x58: {  	s7 =	sadd.s32 $0x1, s20;
	v22 =	vadd.s32 v3, v16;
	v19 =	vshll.u32 v30, $0x1;
	v28 =	vld.idx.msk [tilespmem:v24+s3+$0x0], $0xffff;
	[tilespmem:s13+$0x20] =	vst v20;
	v20 =	vadd.s32 v8, v12  }
0x59: {  	v23 =	vadd.s32 v6, v15;
	v26 =	vmov s7;
	v27 =	vshll.u32 v33, $0x1;
	v12 =	vmovc v15;
	v15 =	vmovc v16;
	v24 =	vld.idx.msk [tilespmem:v37+s3+$0x0], $0xffff;
	[tilespmem:s12+$0x40] =	vst v19  }
0x5a: {  	v31 =	vshll.u32 v31, $0x1;
	v16 =	vmovc v18;
	v18 =	vmovc v35;
	v19 =	vand.u32 $0x3F, v26;
	v30 =	vshll.u32 v36, $0x1;
	v26 =	vld.idx.msk [tilespmem:v38+s3+$0x0], $0xffff;
	[tilespmem:s26+$0x60] =	vst v27  }
0x5b: {  	s20 =	sadd.s32 $0x2, s20;
	v32 =	vadd.s32 v0, v19;
	[tilespmem:s29+$0xFFFFFF80] =	vst v31;
	v31 =	vshll.u32 v34, $0x1;
	v27 =	vld.idx.msk [tilespmem:v39+s3+$0x0], $0xffff  }
0x5c: {  	_ =	sdelay $0x3  }
0x5d: {  	v32 =	vld.idx.msk [tilespmem:v32+s3+$0x0], $0xffff  }
0x5e: {  	v34 =	vadd.s32 v1, v18  }
0x5f: {  	v33 =	vadd.s32 v1, v19;
	_ =	sdelay $0x1  }
0x60: {  	s20 =	sadd.s32 $0x100, s29;
	v25 =	vshll.u32 v25, $0x1  }
0x61: {  	v29 =	vld.idx.msk [tilespmem:v29+s3+$0x0], $0xffff;
	[tilespmem:s20+$0xFFFFFF80] =	vst v25;
	v32 =	vshll.u32 v32, $0x1  }
0x62: {  	v42 =	vadd.s32 v2, v17;
	v44 =	vld.idx.msk [tilespmem:v34+s3+$0x0], $0xffff;
	[tilespmem:s20+$0x0] =	vst v32  }
0x63: {  	v43 =	vadd.s32 v2, v16;
	[tilespmem:s13+$0xFFFFFFA0] =	vst v30;
	v32 =	vld.idx.msk [tilespmem:v33+s3+$0x0], $0xffff  }
0x64: {  	v46 =	vadd.s32 v2, v18;
	v21 =	vshll.u32 v21, $0x1;
	[tilespmem:s12+$0xFFFFFFC0] =	vst v31  }
0x65: {  	v45 =	vadd.s32 v2, v19;
	v28 =	vshll.u32 v28, $0x1;
	[tilespmem:s26+$0xFFFFFFE0] =	vst v21  }
0x66: {  	[tilespmem:s29+$0x10] =	vst v28;
	v29 =	vshll.u32 v29, $0x1  }
0x67: {  	v47 =	vld.idx.msk [tilespmem:v42+s3+$0x0], $0xffff;
	[tilespmem:s29+$0xFFFFFF90] =	vst v29;
	v49 =	vshll.u32 v44, $0x1  }
0x68: {  	v28 =	vld.idx.msk [tilespmem:v43+s3+$0x0], $0xffff;
	[tilespmem:s20+$0xFFFFFF90] =	vst v49;
	v48 =	vshll.u32 v32, $0x1  }
0x69: {  	v50 =	vadd.s32 v3, v17;
	v24 =	vshll.u32 v24, $0x1;
	v53 =	vld.idx.msk [tilespmem:v46+s3+$0x0], $0xffff;
	[tilespmem:s20+$0x10] =	vst v48  }
0x6a: {  	v52 =	vadd.s32 v3, v16;
	[tilespmem:s13+$0x30] =	vst v24;
	v51 =	vshll.u32 v26, $0x1;
	v29 =	vld.idx.msk [tilespmem:v45+s3+$0x0], $0xffff  }
0x6b: {  	v56 =	vadd.s32 v3, v18;
	v22 =	vld.idx.msk [tilespmem:v22+s3+$0x0], $0xffff;
	[tilespmem:s12+$0x50] =	vst v51;
	v54 =	vshll.u32 v27, $0x1  }
0x6c: {  	v55 =	vadd.s32 v3, v19;
	v23 =	vld.idx.msk [tilespmem:v23+s3+$0x0], $0xffff;
	[tilespmem:s26+$0x70] =	vst v54;
	v21 =	vshll.u32 v47, $0x1  }
0x6d: {  	v57 =	vadd.s32 v4, v13;
	v20 =	vld.idx.msk [tilespmem:v20+s3+$0x0], $0xffff;
	[tilespmem:s18+$0x20] =	vst v21;
	v58 =	vshll.u32 v28, $0x1  }
0x6e: {  	v59 =	vadd.s32 v7, v14;
	v31 =	vld.idx.msk [tilespmem:v50+s3+$0x0], $0xffff;
	[tilespmem:s18+$0xFFFFFFA0] =	vst v58;
	v62 =	vshll.u32 v53, $0x1  }
0x6f: {  	v61 =	vadd.s32 v4, v15;
	v25 =	vld.idx.msk [tilespmem:v52+s3+$0x0], $0xffff;
	[tilespmem:s20+$0xFFFFFFA0] =	vst v62;
	v60 =	vshll.u32 v29, $0x1  }
0x70: {  	v63 =	vadd.s32 v4, v17;
	v22 =	vshll.u32 v22, $0x1;
	v35 =	vld.idx.msk [tilespmem:v56+s3+$0x0], $0xffff;
	[tilespmem:s20+$0x20] =	vst v60  }
0x71: {  	v34 =	vadd.s32 v4, v16;
	[tilespmem:s13+$0xFFFFFFB0] =	vst v22;
	v33 =	vshll.u32 v23, $0x1;
	v27 =	vld.idx.msk [tilespmem:v55+s3+$0x0], $0xffff  }
0x72: {  	v39 =	vadd.s32 v4, v18;
	v36 =	vld.idx.msk [tilespmem:v57+s3+$0x0], $0xffff;
	v20 =	vshll.u32 v20, $0x1;
	[tilespmem:s12+$0xFFFFFFD0] =	vst v33  }
0x73: {  	v37 =	vadd.s32 v4, v19;
	[tilespmem:s26+$0xFFFFFFF0] =	vst v20;
	v28 =	vld.idx.msk [tilespmem:v59+s3+$0x0], $0xffff;
	v38 =	vshll.u32 v31, $0x1  }
0x74: {  	v40 =	vadd.s32 v7, v12;
	[tilespmem:s18+$0x30] =	vst v38;
	v29 =	vld.idx.msk [tilespmem:v61+s3+$0x0], $0xffff;
	v41 =	vshll.u32 v25, $0x1  }
0x75: {  	v42 =	vadd.s32 v6, v13;
	v26 =	vld.idx.msk [tilespmem:v63+s3+$0x0], $0xffff;
	[tilespmem:s18+$0xFFFFFFB0] =	vst v41;
	v45 =	vshll.u32 v35, $0x1  }
0x76: {  	v44 =	vadd.s32 v6, v15;
	v22 =	vld.idx.msk [tilespmem:v34+s3+$0x0], $0xffff;
	[tilespmem:s20+$0xFFFFFFB0] =	vst v45;
	v43 =	vshll.u32 v27, $0x1  }
0x77: {  	v47 =	vadd.s32 v6, v17;
	v46 =	vshll.u32 v36, $0x1;
	v50 =	vld.idx.msk [tilespmem:v39+s3+$0x0], $0xffff;
	[tilespmem:s20+$0x30] =	vst v43  }
0x78: {  	v49 =	vadd.s32 v6, v16;
	[tilespmem:s13+$0x40] =	vst v46;
	v48 =	vshll.u32 v28, $0x1;
	v21 =	vld.idx.msk [tilespmem:v37+s3+$0x0], $0xffff  }
0x79: {  	v51 =	vld.idx.msk [tilespmem:v40+s3+$0x0], $0xffff;
	[tilespmem:s12+$0x60] =	vst v48;
	v55 =	vadd.s32 v6, v18;
	v52 =	vshll.u32 v29, $0x1  }
0x7a: {  	v53 =	vadd.s32 v6, v19;
	v25 =	vld.idx.msk [tilespmem:v42+s3+$0x0], $0xffff;
	v54 =	vshll.u32 v26, $0x1;
	[tilespmem:s13+$0xFFFFFFC0] =	vst v52  }
0x7b: {  	v56 =	vadd.s32 v8, v14;
	[tilespmem:s18+$0x40] =	vst v54;
	v27 =	vld.idx.msk [tilespmem:v44+s3+$0x0], $0xffff;
	v57 =	vshll.u32 v22, $0x1  }
0x7c: {  	v58 =	vadd.s32 v7, v13;
	v24 =	vld.idx.msk [tilespmem:v47+s3+$0x0], $0xffff;
	[tilespmem:s18+$0xFFFFFFC0] =	vst v57;
	v61 =	vshll.u32 v50, $0x1  }
0x7d: {  	v60 =	vadd.s32 v7, v15;
	v23 =	vld.idx.msk [tilespmem:v49+s3+$0x0], $0xffff;
	[tilespmem:s20+$0xFFFFFFC0] =	vst v61;
	v59 =	vshll.u32 v21, $0x1  }
0x7e: {  	v62 =	vshll.u32 v51, $0x1;
	v63 =	vadd.s32 v7, v17;
	v26 =	vld.idx.msk [tilespmem:v55+s3+$0x0], $0xffff;
	[tilespmem:s20+$0x40] =	vst v59  }
0x7f: {  	[tilespmem:s12+$0xFFFFFFE0] =	vst v62;
	v34 =	vadd.s32 v7, v16;
	v33 =	vshll.u32 v25, $0x1;
	v29 =	vld.idx.msk [tilespmem:v53+s3+$0x0], $0xffff  }
0x80: {  	v38 =	vadd.s32 v7, v18;
	v14 =	vld.idx.msk [tilespmem:v56+s3+$0x0], $0xffff;
	[tilespmem:s13+$0x50] =	vst v33;
	v35 =	vshll.u32 v27, $0x1  }
0x81: {  	v36 =	vadd.s32 v7, v19;
	v22 =	vld.idx.msk [tilespmem:v58+s3+$0x0], $0xffff;
	v37 =	vshll.u32 v24, $0x1;
	[tilespmem:s13+$0xFFFFFFD0] =	vst v35  }
0x82: {  	v39 =	vadd.s32 v8, v12;
	[tilespmem:s18+$0x50] =	vst v37;
	v21 =	vld.idx.msk [tilespmem:v60+s3+$0x0], $0xffff;
	v40 =	vshll.u32 v23, $0x1  }
0x83: {  	v41 =	vadd.s32 v8, v13;
	v42 =	vld.idx.msk [tilespmem:v63+s3+$0x0], $0xffff;
	[tilespmem:s18+$0xFFFFFFD0] =	vst v40;
	v45 =	vshll.u32 v26, $0x1  }
0x84: {  	v44 =	vadd.s32 v8, v15;
	v25 =	vld.idx.msk [tilespmem:v34+s3+$0x0], $0xffff;
	[tilespmem:s20+$0xFFFFFFD0] =	vst v45;
	v43 =	vshll.u32 v29, $0x1  }
0x85: {  	v46 =	vadd.s32 v8, v17;
	v14 =	vshll.u32 v14, $0x1;
	v20 =	vld.idx.msk [tilespmem:v38+s3+$0x0], $0xffff;
	[tilespmem:s20+$0x50] =	vst v43  }
0x86: {  	v49 =	vadd.s32 v8, v16;
	[tilespmem:s12+$0x70] =	vst v14;
	v48 =	vshll.u32 v22, $0x1;
	v47 =	vld.idx.msk [tilespmem:v36+s3+$0x0], $0xffff  }
0x87: {  	v12 =	vld.idx.msk [tilespmem:v39+s3+$0x0], $0xffff;
	[tilespmem:s13+$0x60] =	vst v48;
	v53 =	vadd.s32 v8, v18;
	v50 =	vshll.u32 v21, $0x1  }
0x88: {  	v51 =	vadd.s32 v8, v19;
	v13 =	vld.idx.msk [tilespmem:v41+s3+$0x0], $0xffff;
	v52 =	vshll.u32 v42, $0x1;
	[tilespmem:s13+$0xFFFFFFE0] =	vst v50  }
0x89: {  	[tilespmem:s18+$0x60] =	vst v52;
	v15 =	vld.idx.msk [tilespmem:v44+s3+$0x0], $0xffff;
	v54 =	vshll.u32 v25, $0x1  }
0x8a: {  	v17 =	vld.idx.msk [tilespmem:v46+s3+$0x0], $0xffff;
	[tilespmem:s18+$0xFFFFFFE0] =	vst v54;
	v56 =	vshll.u32 v20, $0x1  }
0x8b: {  	v16 =	vld.idx.msk [tilespmem:v49+s3+$0x0], $0xffff;
	[tilespmem:s20+$0xFFFFFFE0] =	vst v56;
	v55 =	vshll.u32 v47, $0x1  }
0x8c: {  	v12 =	vshll.u32 v12, $0x1;
	v58 =	vld.idx.msk [tilespmem:v53+s3+$0x0], $0xffff;
	[tilespmem:s20+$0x60] =	vst v55  }
0x8d: {  	[tilespmem:s12+$0xFFFFFFF0] =	vst v12;
	v57 =	vshll.u32 v13, $0x1;
	v19 =	vld.idx.msk [tilespmem:v51+s3+$0x0], $0xffff  }
0x8e: {  	[tilespmem:s13+$0x70] =	vst v57;
	v59 =	vshll.u32 v15, $0x1  }
0x8f: {  	v60 =	vshll.u32 v17, $0x1;
	[tilespmem:s13+$0xFFFFFFF0] =	vst v59  }
0x90: {  	[tilespmem:s18+$0x70] =	vst v60;
	v61 =	vshll.u32 v16, $0x1  }
0x91: {  	[tilespmem:s18+$0xFFFFFFF0] =	vst v61;
	v63 =	vshll.u32 v58, $0x1  }
0x92: {  	[tilespmem:s20+$0xFFFFFFF0] =	vst v63;
	v62 =	vshll.u32 v19, $0x1  }
0x93: {  	s7 =	simm.s32 $0x1C00;
	s8 =	simm.s32 $0x3500;
	[tilespmem:s20+$0x70] =	vst v62  }
0x94: {  	[tilespmem:s8], [sflag:$0x1] =	stream.indirect.gather [hbm4b:s4+s16], $0x40, s7, s16, $0xb8;
	[tilespmem:$0x1C100] =	vst v63  }
0x95: {  	s29 =	simm.s32 $0x5500  }
0x96: {  	[tilespmem:s29], [sflag:$0x2] =	stream.indirect.gather [hbm4b:s4+s16], $0x40, s9, s16, $0xb8;
	[tilespmem:$0x1C100] =	vst v63  }
0x97: {  	s8 =	simm.s32 $0x1D00;
	s9 =	simm.s32 $0x7500  }
0x98: {  	[tilespmem:s9], [sflag:$0x3] =	stream.indirect.gather [hbm4b:s4+s16], $0x40, s8, s16, $0xb8;
	[tilespmem:$0x1C100] =	vst v63  }
0x99: {  	s12 =	simm.s32 $0x1D80;
	s13 =	simm.s32 $0x9500  }
0x9a: {  	[tilespmem:s13], [sflag:$0x4] =	stream.indirect.gather [hbm4b:s4+s16], $0x40, s12, s16, $0xb8;
	[tilespmem:$0x1C100] =	vst v63  }
0x9b: {  	s18 =	simm.s32 $0x1E00;
	s20 =	simm.s32 $0xB500  }
0x9c: {  	[tilespmem:s20], [sflag:$0x5] =	stream.indirect.gather [hbm4b:s4+s16], $0x40, s18, s16, $0xb8;
	[tilespmem:$0x1C100] =	vst v63  }
0x9d: {  	s26 =	simm.s32 $0x1E80;
	s29 =	simm.s32 $0xD500;
	s12 =	simm.s32 $0x0  }
0x9e: {  	[tilespmem:s29], [sflag:$0x6] =	stream.indirect.gather [hbm4b:s4+s16], $0x40, s26, s16, $0xb8;
	[tilespmem:$0x1C100] =	vst v63  }
.LBB2_4:
0x9f: {  	_ =	swait.ge [sflag:s30], $0x2000  }
0xa0: {  	p0 =	seq.s32 s12, $0x0;
	[sflag:s30] =	ssyncset.done $0x0  }
0xa1: {  	s7 =	simm.s32 @!p0 $0x7;
	[sflag:s30] =	ssyncadd.s32 $0xFFFFE000  }
0xa2: {  	s8 =	simm.s32 $0x3;
	_ =	swait.ge @!p0 [sflag:s7], $0x2000  }
0xa3: {  	s29 =	simm.s32 $0x0;
	v12 =	vmov s8;
	[sflag:s7] =	ssyncset.done @!p0 $0x0  }
0xa4: {  	s18 =	simm.s32 $0x3580;
	s8 =	simm.s32 $0x1;
	v13 =	vand.u32 $0x7F, v12;
	v12 =	vmov s29;
	[sflag:s7] =	ssyncadd.s32 @!p0 $0xFFFFE000  }
0xa5: {  	v16 =	vadd.s32 v5, v13;
	v14 =	vand.u32 $0x7C, v12;
	v12 =	vmov s8;
	v15 =	vld [tilespmem:s18+$0x40]  }
0xa6: {  	v18 =	vadd.s32 v5, v14;
	v19 =	vand.u32 $0x7D, v12;
	v17 =	vld [tilespmem:s18+$0xFFFFFF80]  }
0xa7: {  	s9 =	simm.s32 $0x2;
	v20 =	vadd.s32 v5, v19;
	v12 =	vld [tilespmem:s18+$0xFFFFFFC0]  }
0xa8: {  	v21 =	vmov s9  }
0xa9: {  	v21 =	vand.u32 $0x7E, v21  }
0xaa: {  	v23 =	vadd.s32 v5, v21;
	v22 =	vld [tilespmem:s18+$0x0];
	[tilespmem:v16+s31+$0x0] =	vst.idx.msk $0xffff, v15  }
0xab: {  	v16 =	vadd.s32 v9, v13;
	[tilespmem:v18+s31+$0x0] =	vst.idx.msk $0xffff, v17;
	v15 =	vld [tilespmem:s18+$0x50]  }
0xac: {  	v18 =	vadd.s32 v9, v14;
	[tilespmem:v20+s31+$0x0] =	vst.idx.msk $0xffff, v12;
	v17 =	vld [tilespmem:s18+$0xFFFFFF90]  }
0xad: {  	v20 =	vadd.s32 v9, v19;
	v12 =	vld [tilespmem:s18+$0xFFFFFFD0];
	_ =	sdelay $0x1  }
0xae: {  	[tilespmem:v23+s31+$0x0] =	vst.idx.msk $0xffff, v22  }
0xaf: {  	v24 =	vadd.s32 v9, v21;
	v23 =	vld [tilespmem:s18+$0x10];
	[tilespmem:v16+s31+$0x0] =	vst.idx.msk $0xffff, v15  }
0xb0: {  	s13 =	simm.s32 $0x7;
	v22 =	vadd.s32 v10, v13;
	[tilespmem:v18+s31+$0x0] =	vst.idx.msk $0xffff, v17;
	v15 =	vld [tilespmem:s18+$0x60]  }
0xb1: {  	v18 =	vadd.s32 v10, v14;
	v16 =	vmov s13;
	[tilespmem:v20+s31+$0x0] =	vst.idx.msk $0xffff, v12;
	v17 =	vld [tilespmem:s18+$0xFFFFFFA0]  }
0xb2: {  	v25 =	vadd.s32 v10, v19;
	s13 =	simm.s32 $0x3680;
	v16 =	vand.u32 $0x7F, v16;
	v20 =	vld [tilespmem:s18+$0xFFFFFFE0]  }
0xb3: {  	s20 =	simm.s32 $0x4;
	v26 =	vld [tilespmem:s13+$0x40];
	v27 =	vadd.s32 v5, v16  }
0xb4: {  	s26 =	simm.s32 $0x5;
	v12 =	vmov s20;
	[tilespmem:v24+s31+$0x0] =	vst.idx.msk $0xffff, v23  }
0xb5: {  	v30 =	vmov s26;
	v12 =	vand.u32 $0x7C, v12;
	[tilespmem:v22+s31+$0x0] =	vst.idx.msk $0xffff, v15  }
0xb6: {  	s29 =	simm.s32 $0x6;
	v28 =	vld [tilespmem:s13+$0xFFFFFF80];
	v29 =	vadd.s32 v5, v12;
	v15 =	vand.u32 $0x7D, v30;
	[tilespmem:v18+s31+$0x0] =	vst.idx.msk $0xffff, v17  }
0xb7: {  	v22 =	vmov s29;
	v17 =	vld [tilespmem:s13+$0xFFFFFFC0];
	[tilespmem:v25+s31+$0x0] =	vst.idx.msk $0xffff, v20;
	v18 =	vadd.s32 v5, v15  }
0xb8: {  	v24 =	vadd.s32 v11, v13;
	v20 =	vld [tilespmem:s18+$0x20];
	v13 =	vand.u32 $0x7E, v22;
	[tilespmem:v27+s31+$0x0] =	vst.idx.msk $0xffff, v26;
	v26 =	vadd.s32 v10, v21  }
0xb9: {  	v22 =	vld [tilespmem:s13+$0x0];
	v62 =	vadd.s32 v5, v13  }
0xba: {  	v23 =	vld [tilespmem:s18+$0x70]  }
0xbb: {  	v63 =	vadd.s32 v9, v16;
	[tilespmem:v29+s31+$0x0] =	vst.idx.msk $0xffff, v28;
	v27 =	vld [tilespmem:s13+$0x50]  }
0xbc: {  	v31 =	vadd.s32 v9, v12;
	v29 =	vld [tilespmem:s13+$0xFFFFFF90];
	[tilespmem:v18+s31+$0x0] =	vst.idx.msk $0xffff, v17  }
0xbd: {  	v33 =	vadd.s32 v11, v19;
	v32 =	vld [tilespmem:s18+$0xFFFFFFF0];
	[tilespmem:v26+s31+$0x0] =	vst.idx.msk $0xffff, v20  }
0xbe: {  	v26 =	vadd.s32 v9, v15;
	v25 =	vld [tilespmem:s13+$0xFFFFFFD0];
	[tilespmem:v62+s31+$0x0] =	vst.idx.msk $0xffff, v22  }
0xbf: {  	[tilespmem:v24+s31+$0x0] =	vst.idx.msk $0xffff, v23;
	v24 =	vadd.s32 v9, v13;
	v23 =	vld [tilespmem:s13+$0x10]  }
0xc0: {  	[tilespmem:v63+s31+$0x0] =	vst.idx.msk $0xffff, v27;
	v19 =	vld [tilespmem:s18+$0x30];
	v22 =	vadd.s32 v11, v21  }
0xc1: {  	v20 =	vadd.s32 v10, v16;
	[tilespmem:v31+s31+$0x0] =	vst.idx.msk $0xffff, v29;
	v17 =	vld [tilespmem:s13+$0x60]  }
0xc2: {  	s8 =	simm.s32 $0xB;
	s7 =	simm.s32 $0xC;
	s20 =	simm.s32 $0x8;
	[tilespmem:v33+s31+$0x0] =	vst.idx.msk $0xffff, v32;
	v21 =	vadd.s32 v10, v12;
	v18 =	vld [tilespmem:s13+$0xFFFFFFA0]  }
.LBB2_5:
0xc3: {  	p1 =	slt.u32 s7, $0x7C;
	v27 =	vmov s8;
	[tilespmem:v26+s31+$0x0] =	vst.idx.msk $0xffff, v25;
	v25 =	vld [tilespmem:s18+$0xFFFFFFB0];
	v26 =	vadd.s32 v11, v14;
	v14 =	vmov v12;
	s18 =	smov.u32 s13  }
0xc4: {  	v12 =	vmov s20;
	v29 =	vadd.s32 v10, v15;
	s13 =	sadd.s32 $0x100, s13;
	v27 =	vand.u32 $0x7F, v27;
	v28 =	vld [tilespmem:s18+$0xFFFFFFE0];
	[tilespmem:v24+s31+$0x0] =	vst.idx.msk $0xffff, v23  }
0xc5: {  	s8 =	sadd.s32 $0x1, s20;
	v12 =	vand.u32 $0x7C, v12;
	v23 =	vld [tilespmem:s13+$0x40];
	v24 =	vadd.s32 v5, v27;
	[tilespmem:v22+s31+$0x0] =	vst.idx.msk $0xffff, v19  }
0xc6: {  	v30 =	vmov s8;
	s8 =	sadd.s32 $0x2, s20;
	s20 =	smov.u32 s7;
	v22 =	vadd.s32 v5, v12;
	v19 =	vld [tilespmem:s13+$0xFFFFFF80];
	[tilespmem:v20+s31+$0x0] =	vst.idx.msk $0xffff, v17  }
0xc7: {  	v17 =	vand.u32 $0x7D, v30;
	v20 =	vmov s8;
	[tilespmem:v21+s31+$0x0] =	vst.idx.msk $0xffff, v18;
	v18 =	vld [tilespmem:s18+$0x70];
	v21 =	vadd.s32 v11, v16;
	v16 =	vmovc v27  }
0xc8: {  	v30 =	vadd.s32 v5, v17;
	v20 =	vand.u32 $0x7E, v20;
	v27 =	vld [tilespmem:s13+$0xFFFFFFC0];
	[tilespmem:v26+s31+$0x0] =	vst.idx.msk $0xffff, v25  }
0xc9: {  	v32 =	vadd.s32 v5, v20;
	v31 =	vld [tilespmem:s13+$0x0];
	[tilespmem:v29+s31+$0x0] =	vst.idx.msk $0xffff, v28  }
0xca: {  	v29 =	vadd.s32 v10, v13;
	[tilespmem:v24+s31+$0x0] =	vst.idx.msk $0xffff, v23;
	v28 =	vld [tilespmem:s18+$0x20]  }
0xcb: {  	[tilespmem:v22+s31+$0x0] =	vst.idx.msk $0xffff, v19;
	v19 =	vld [tilespmem:s13+$0x50];
	v22 =	vadd.s32 v9, v16  }
0xcc: {  	v34 =	vadd.s32 v9, v12;
	v33 =	vld [tilespmem:s13+$0xFFFFFF90];
	[tilespmem:v21+s31+$0x0] =	vst.idx.msk $0xffff, v18  }
0xcd: {  	[tilespmem:v30+s31+$0x0] =	vst.idx.msk $0xffff, v27;
	v27 =	vld [tilespmem:s18+$0xFFFFFFF0];
	v30 =	vadd.s32 v11, v15;
	v15 =	vmov v17  }
.Ltmp1:
0xce: {  	v25 =	vld [tilespmem:s13+$0xFFFFFFD0];
	v26 =	vadd.s32 v9, v15;
	[tilespmem:v32+s31+$0x0] =	vst.idx.msk $0xffff, v31;
	(pc) =	sbr.rel @p1 .LBB2_5-.Ltmp1, $4  }
0xcf: {  	v24 =	vadd.s32 v9, v20;
	v23 =	vld [tilespmem:s13+$0x10];
	[tilespmem:v29+s31+$0x0] =	vst.idx.msk $0xffff, v28  }
0xd0: {  	[tilespmem:v22+s31+$0x0] =	vst.idx.msk $0xffff, v19;
	v19 =	vld [tilespmem:s18+$0x30];
	v22 =	vadd.s32 v11, v13;
	v13 =	vmov v20  }
0xd1: {  	v20 =	vadd.s32 v10, v16;
	[tilespmem:v34+s31+$0x0] =	vst.idx.msk $0xffff, v33;
	v17 =	vld [tilespmem:s13+$0x60]  }
0xd2: {  	s7 =	sadd.s32 $0x4, s7;
	s8 =	sadd.s32 $0x3, s20;
	v21 =	vadd.s32 v10, v12;
	v18 =	vld [tilespmem:s13+$0xFFFFFFA0];
	[tilespmem:v30+s31+$0x0] =	vst.idx.msk $0xffff, v27  }
0xd3: {  	_ =	sdelay $0x2  }
0xd4: {  	v27 =	vmov s8  }
0xd5: {  	s26 =	sadd.s32 $0x1, s20;
	[tilespmem:v26+s31+$0x0] =	vst.idx.msk $0xffff, v25;
	v59 =	vld [tilespmem:s18+$0xFFFFFFB0];
	v14 =	vadd.s32 v11, v14;
	s7 =	sadd.s32 $0x100, s13;
	v29 =	vmov s20;
	v60 =	vand.u32 $0x7F, v27  }
0xd6: {  	s29 =	sadd.s32 $0x2, s20;
	v61 =	vmov s26;
	[tilespmem:v24+s31+$0x0] =	vst.idx.msk $0xffff, v23;
	v62 =	vld [tilespmem:s7+$0x40];
	v29 =	vand.u32 $0x7C, v29;
	v63 =	vadd.s32 v5, v60  }
0xd7: {  	v28 =	vmov s29;
	v30 =	vld [tilespmem:s7+$0xFFFFFF80];
	v27 =	vand.u32 $0x7D, v61;
	[tilespmem:v22+s31+$0x0] =	vst.idx.msk $0xffff, v19;
	v37 =	vadd.s32 v5, v29  }
0xd8: {  	v33 =	vld [tilespmem:s7+$0xFFFFFFC0];
	v28 =	vand.u32 $0x7E, v28;
	v34 =	vadd.s32 v5, v27;
	[tilespmem:v20+s31+$0x0] =	vst.idx.msk $0xffff, v17  }
0xd9: {  	v35 =	vld [tilespmem:s7+$0x0];
	v36 =	vadd.s32 v5, v28;
	[tilespmem:v21+s31+$0x0] =	vst.idx.msk $0xffff, v18  }
0xda: {  	v39 =	vadd.s32 v10, v15;
	v38 =	vld [tilespmem:s13+$0xFFFFFFE0];
	[tilespmem:v14+s31+$0x0] =	vst.idx.msk $0xffff, v59  }
0xdb: {  	v47 =	vadd.s32 v10, v13;
	v46 =	vld [tilespmem:s13+$0x20];
	[tilespmem:v63+s31+$0x0] =	vst.idx.msk $0xffff, v62  }
0xdc: {  	v41 =	vadd.s32 v9, v60;
	[tilespmem:v37+s31+$0x0] =	vst.idx.msk $0xffff, v30;
	v23 =	vld [tilespmem:s7+$0x50]  }
0xdd: {  	v45 =	vadd.s32 v9, v29;
	[tilespmem:v34+s31+$0x0] =	vst.idx.msk $0xffff, v33;
	v44 =	vld [tilespmem:s7+$0xFFFFFF90]  }
0xde: {  	v42 =	vadd.s32 v9, v27;
	[tilespmem:v36+s31+$0x0] =	vst.idx.msk $0xffff, v35;
	v19 =	vld [tilespmem:s7+$0xFFFFFFD0]  }
0xdf: {  	v43 =	vadd.s32 v9, v28;
	[tilespmem:v39+s31+$0x0] =	vst.idx.msk $0xffff, v38;
	v17 =	vld [tilespmem:s7+$0x10]  }
0xe0: {  	v16 =	vadd.s32 v11, v16;
	v40 =	vld [tilespmem:s13+$0x70];
	[tilespmem:v47+s31+$0x0] =	vst.idx.msk $0xffff, v46  }
0xe1: {  	v12 =	vadd.s32 v11, v12;
	v57 =	vld [tilespmem:s13+$0xFFFFFFB0];
	[tilespmem:v41+s31+$0x0] =	vst.idx.msk $0xffff, v23  }
0xe2: {  	v50 =	vadd.s32 v10, v60;
	[tilespmem:v45+s31+$0x0] =	vst.idx.msk $0xffff, v44;
	v23 =	vld [tilespmem:s7+$0x60]  }
0xe3: {  	v55 =	vadd.s32 v10, v29;
	[tilespmem:v42+s31+$0x0] =	vst.idx.msk $0xffff, v19;
	v54 =	vld [tilespmem:s7+$0xFFFFFFA0]  }
0xe4: {  	v51 =	vadd.s32 v10, v27;
	[tilespmem:v43+s31+$0x0] =	vst.idx.msk $0xffff, v17;
	v19 =	vld [tilespmem:s7+$0xFFFFFFE0]  }
0xe5: {  	v53 =	vadd.s32 v10, v28;
	[tilespmem:v16+s31+$0x0] =	vst.idx.msk $0xffff, v40;
	v52 =	vld [tilespmem:s7+$0x20]  }
0xe6: {  	v49 =	vadd.s32 v11, v15;
	v48 =	vld [tilespmem:s13+$0xFFFFFFF0];
	[tilespmem:v12+s31+$0x0] =	vst.idx.msk $0xffff, v57  }
0xe7: {  	v56 =	vadd.s32 v11, v13;
	v21 =	vld [tilespmem:s13+$0x30];
	[tilespmem:v50+s31+$0x0] =	vst.idx.msk $0xffff, v23  }
0xe8: {  	v59 =	vadd.s32 v11, v60;
	[tilespmem:v55+s31+$0x0] =	vst.idx.msk $0xffff, v54;
	v58 =	vld [tilespmem:s7+$0x70]  }
0xe9: {  	v63 =	vadd.s32 v11, v29;
	[tilespmem:v51+s31+$0x0] =	vst.idx.msk $0xffff, v19;
	v62 =	vld [tilespmem:s7+$0xFFFFFFB0]  }
0xea: {  	v60 =	vadd.s32 v11, v27;
	[tilespmem:v53+s31+$0x0] =	vst.idx.msk $0xffff, v52;
	v19 =	vld [tilespmem:s7+$0xFFFFFFF0]  }
0xeb: {  	v61 =	vadd.s32 v11, v28;
	[tilespmem:v49+s31+$0x0] =	vst.idx.msk $0xffff, v48;
	v14 =	vld [tilespmem:s7+$0x30]  }
0xec: {  	s13 =	smul.u32 $0x180000, s12;
	[tilespmem:v56+s31+$0x0] =	vst.idx.msk $0xffff, v21  }
0xed: {  	[tilespmem:v59+s31+$0x0] =	vst.idx.msk $0xffff, v58  }
0xee: {  	s8 =	sor.u32 s6, s13;
	[tilespmem:v63+s31+$0x0] =	vst.idx.msk $0xffff, v62  }
0xef: {  	s18 =	sshrl.u32 s8, $0x3;
	[tilespmem:v60+s31+$0x0] =	vst.idx.msk $0xffff, v19  }
0xf0: {  	s9 =	simm.s32 $0xF500;
	s8 =	sadd.s32 s2, s18;
	[tilespmem:v61+s31+$0x0] =	vst.idx.msk $0xffff, v14  }
0xf1: {  	[hbm4b:s8+s3] =	stream.linear.scatter [tilespmem:s9], [sflag:$0x7], $0x80, $0x38;
	[tilespmem:$0x1C100] =	vst v63  }
0xf2: {  	s20 =	simm.s32 $0xF588;
	s9 =	sadd.s32 $0x10, s8  }
0xf3: {  	[hbm4b:s9+s3] =	stream.linear.scatter [tilespmem:s20], [sflag:$0x7], $0x80, $0x38;
	[tilespmem:$0x1C100] =	vst v63  }
0xf4: {  	s26 =	simm.s32 $0xF610;
	s29 =	sadd.s32 $0x20, s8  }
0xf5: {  	[hbm4b:s29+s3] =	stream.linear.scatter [tilespmem:s26], [sflag:$0x7], $0x80, $0x38;
	[tilespmem:$0x1C100] =	vst v63  }
0xf6: {  	s9 =	simm.s32 $0xF698;
	s20 =	sadd.s32 $0x30, s8  }
0xf7: {  	[hbm4b:s20+s3] =	stream.linear.scatter [tilespmem:s9], [sflag:$0x7], $0x80, $0x38;
	[tilespmem:$0x1C100] =	vst v63  }
0xf8: {  	s26 =	simm.s32 $0xF720;
	s29 =	sadd.s32 $0x40, s8  }
0xf9: {  	[hbm4b:s29+s3] =	stream.linear.scatter [tilespmem:s26], [sflag:$0x7], $0x80, $0x38;
	[tilespmem:$0x1C100] =	vst v63  }
0xfa: {  	s7 =	simm.s32 $0x440;
	s9 =	simm.s32 $0xF7A8;
	s20 =	sadd.s32 $0x50, s8  }
0xfb: {  	[hbm4b:s20+s3] =	stream.linear.scatter [tilespmem:s9], [sflag:$0x7], $0x80, $0x38;
	[tilespmem:$0x1C100] =	vst v63  }
0xfc: {  	s26 =	simm.s32 $0xF830;
	s29 =	sadd.s32 $0x60, s8;
	s20 =	simm.s32 $0x2200  }
0xfd: {  	[hbm4b:s29+s3] =	stream.linear.scatter [tilespmem:s26], [sflag:$0x7], $0x80, $0x38;
	[tilespmem:$0x1C100] =	vst v63  }
0xfe: {  	s9 =	simm.s32 $0xF8B8;
	s26 =	sadd.s32 $0x70, s8;
	s8 =	sadd.s32 $0x1000, s8  }
.LBB2_7:
0xff: {  	[hbm4b:s26+s3] =	stream.linear.scatter [tilespmem:s9], [sflag:$0x7], $0x80, $0x38;
	[tilespmem:$0x1C100] =	vst v63  }
0x100: {  	s9 =	smov.u32 s7;
	s7 =	smov.u32 s20  }
0x101: {  	s29 =	sadd.s32 $0x1100, s20;
	s7 =	sshra.s32 s7, $0x2;
	s26 =	sadd.s32 $0xF500, s9  }
0x102: {  	[hbm4b:s8+s3] =	stream.linear.scatter [tilespmem:s26], [sflag:$0x7], $0x80, $0x38;
	[tilespmem:$0x1C100] =	vst v63  }
0x103: {  	p1 =	sne.s32 s20, $0x7700;
	s20 =	sadd.s32 $0xF588, s9;
	s26 =	sadd.s32 $0x10, s8  }
0x104: {  	[hbm4b:s26+s3] =	stream.linear.scatter [tilespmem:s20], [sflag:$0x7], $0x80, $0x38;
	[tilespmem:$0x1C100] =	vst v63  }
0x105: {  	s20 =	sadd.s32 $0xF610, s9;
	s26 =	sadd.s32 $0x20, s8  }
0x106: {  	[hbm4b:s26+s3] =	stream.linear.scatter [tilespmem:s20], [sflag:$0x7], $0x80, $0x38;
	[tilespmem:$0x1C100] =	vst v63  }
0x107: {  	s20 =	sadd.s32 $0xF698, s9;
	s26 =	sadd.s32 $0x30, s8  }
0x108: {  	[hbm4b:s26+s3] =	stream.linear.scatter [tilespmem:s20], [sflag:$0x7], $0x80, $0x38;
	[tilespmem:$0x1C100] =	vst v63  }
0x109: {  	s20 =	sadd.s32 $0xF720, s9;
	s26 =	sadd.s32 $0x40, s8  }
0x10a: {  	[hbm4b:s26+s3] =	stream.linear.scatter [tilespmem:s20], [sflag:$0x7], $0x80, $0x38;
	[tilespmem:$0x1C100] =	vst v63  }
.Ltmp2:
0x10b: {  	s20 =	sadd.s32 $0xF7A8, s9;
	s26 =	sadd.s32 $0x50, s8;
	(pc) =	sbr.rel @p1 .LBB2_7-.Ltmp2, $4  }
0x10c: {  	[hbm4b:s26+s3] =	stream.linear.scatter [tilespmem:s20], [sflag:$0x7], $0x80, $0x38;
	[tilespmem:$0x1C100] =	vst v63  }
0x10d: {  	s20 =	sadd.s32 $0xF830, s9;
	s26 =	sadd.s32 $0x60, s8;
	s9 =	sadd.s32 $0xF8B8, s9  }
0x10e: {  	[hbm4b:s26+s3] =	stream.linear.scatter [tilespmem:s20], [sflag:$0x7], $0x80, $0x38;
	[tilespmem:$0x1C100] =	vst v63  }
0x10f: {  	s26 =	sadd.s32 $0x70, s8;
	s8 =	sadd.s32 $0x1000, s8;
	s20 =	smov.u32 s29  }
0x110: {  	[hbm4b:s26+s3] =	stream.linear.scatter [tilespmem:s9], [sflag:$0x7], $0x80, $0x38;
	[tilespmem:$0x1C100] =	vst v63  }
0x111: {  	s20 =	sadd.s32 $0xF500, s7  }
0x112: {  	[hbm4b:s8+s3] =	stream.linear.scatter [tilespmem:s20], [sflag:$0x7], $0x80, $0x38;
	[tilespmem:$0x1C100] =	vst v63  }
0x113: {  	s26 =	sadd.s32 $0xF588, s7;
	s20 =	sadd.s32 $0x10, s8  }
0x114: {  	[hbm4b:s20+s3] =	stream.linear.scatter [tilespmem:s26], [sflag:$0x7], $0x80, $0x38;
	[tilespmem:$0x1C100] =	vst v63  }
0x115: {  	s20 =	sadd.s32 $0xF610, s7;
	s26 =	sadd.s32 $0x20, s8  }
0x116: {  	[hbm4b:s26+s3] =	stream.linear.scatter [tilespmem:s20], [sflag:$0x7], $0x80, $0x38;
	[tilespmem:$0x1C100] =	vst v63  }
0x117: {  	s20 =	sadd.s32 $0xF698, s7;
	s26 =	sadd.s32 $0x30, s8  }
0x118: {  	[hbm4b:s26+s3] =	stream.linear.scatter [tilespmem:s20], [sflag:$0x7], $0x80, $0x38;
	[tilespmem:$0x1C100] =	vst v63  }
0x119: {  	s20 =	sadd.s32 $0xF720, s7;
	s26 =	sadd.s32 $0x40, s8  }
0x11a: {  	[hbm4b:s26+s3] =	stream.linear.scatter [tilespmem:s20], [sflag:$0x7], $0x80, $0x38;
	[tilespmem:$0x1C100] =	vst v63  }
0x11b: {  	s20 =	sadd.s32 $0xF7A8, s7;
	s26 =	sadd.s32 $0x50, s8  }
0x11c: {  	[hbm4b:s26+s3] =	stream.linear.scatter [tilespmem:s20], [sflag:$0x7], $0x80, $0x38;
	[tilespmem:$0x1C100] =	vst v63  }
0x11d: {  	s20 =	sadd.s32 $0xF830, s7;
	s26 =	sadd.s32 $0x60, s8  }
0x11e: {  	[hbm4b:s26+s3] =	stream.linear.scatter [tilespmem:s20], [sflag:$0x7], $0x80, $0x38;
	[tilespmem:$0x1C100] =	vst v63  }
0x11f: {  	s9 =	sadd.s32 $0xF8B8, s7;
	s20 =	sadd.s32 $0x70, s8;
	s26 =	smul.u32 $0xC00, s12  }
0x120: {  	[hbm4b:s20+s3] =	stream.linear.scatter [tilespmem:s9], [sflag:$0x7], $0x80, $0x38;
	[tilespmem:$0x1C100] =	vst v63  }
0x121: {  	s29 =	sshra.s32 s26, $0x2  }
0x122: {  	s20 =	simm.s32 $0x3500;
	s9 =	sadd.s32 $0x1F00, s29  }
0x123: {  	[tilespmem:s20], [sflag:$0x1] =	stream.indirect.gather [hbm4b:s4+s16], $0x40, s9, s16, $0xb8;
	[tilespmem:$0x1C100] =	vst v63  }
0x124: {  	_ =	swait.ge [sflag:s1], $0x2000  }
0x125: {  	[sflag:s1] =	ssyncset.done $0x0  }
0x126: {  	s7 =	simm.s32 @!p0 $0x8;
	[sflag:s1] =	ssyncadd.s32 $0xFFFFE000  }
0x127: {  	s26 =	simm.s32 $0x3;
	_ =	swait.ge @!p0 [sflag:s7], $0x2000  }
0x128: {  	v12 =	vmov s26;
	s9 =	simm.s32 $0x0;
	[sflag:s7] =	ssyncset.done @!p0 $0x0  }
0x129: {  	s26 =	simm.s32 $0x55F0;
	v13 =	vand.u32 $0x7F, v12;
	s20 =	simm.s32 $0x1;
	v12 =	vmov s9;
	[sflag:s7] =	ssyncadd.s32 @!p0 $0xFFFFE000  }
0x12a: {  	v16 =	vadd.s32 v5, v13;
	v14 =	vand.u32 $0x7C, v12;
	v12 =	vmov s20;
	v15 =	vld [tilespmem:s26+$0xFFFFFFD0]  }
0x12b: {  	v18 =	vadd.s32 v5, v14;
	v19 =	vand.u32 $0x7D, v12;
	v17 =	vld [tilespmem:s26+$0xFFFFFF10]  }
0x12c: {  	s8 =	simm.s32 $0x2;
	v20 =	vadd.s32 v5, v19;
	v12 =	vld [tilespmem:s26+$0xFFFFFF50]  }
0x12d: {  	v21 =	vmov s8  }
0x12e: {  	v21 =	vand.u32 $0x7E, v21  }
0x12f: {  	v23 =	vadd.s32 v5, v21;
	v22 =	vld [tilespmem:s26+$0xFFFFFF90];
	[tilespmem:v16+s0+$0x0] =	vst.idx.msk $0xffff, v15  }
0x130: {  	v16 =	vadd.s32 v9, v13;
	[tilespmem:v18+s0+$0x0] =	vst.idx.msk $0xffff, v17;
	v15 =	vld [tilespmem:s26+$0xFFFFFFE0]  }
0x131: {  	v18 =	vadd.s32 v9, v14;
	[tilespmem:v20+s0+$0x0] =	vst.idx.msk $0xffff, v12;
	v17 =	vld [tilespmem:s26+$0xFFFFFF20]  }
0x132: {  	v20 =	vadd.s32 v9, v19;
	v12 =	vld [tilespmem:s26+$0xFFFFFF60];
	_ =	sdelay $0x1  }
0x133: {  	[tilespmem:v23+s0+$0x0] =	vst.idx.msk $0xffff, v22  }
0x134: {  	v24 =	vadd.s32 v9, v21;
	v23 =	vld [tilespmem:s26+$0xFFFFFFA0];
	[tilespmem:v16+s0+$0x0] =	vst.idx.msk $0xffff, v15  }
0x135: {  	s9 =	simm.s32 $0x7;
	v22 =	vadd.s32 v10, v13;
	[tilespmem:v18+s0+$0x0] =	vst.idx.msk $0xffff, v17;
	v15 =	vld [tilespmem:s26+$0xFFFFFFF0]  }
0x136: {  	s20 =	simm.s32 $0x4;
	v18 =	vadd.s32 v10, v14;
	v16 =	vmov s9;
	[tilespmem:v20+s0+$0x0] =	vst.idx.msk $0xffff, v12;
	v17 =	vld [tilespmem:s26+$0xFFFFFF30]  }
0x137: {  	v25 =	vadd.s32 v10, v19;
	v12 =	vmov s20;
	s20 =	simm.s32 $0x56F0;
	v16 =	vand.u32 $0x7F, v16;
	v20 =	vld [tilespmem:s26+$0xFFFFFF70]  }
0x138: {  	v26 =	vld [tilespmem:s20+$0xFFFFFFD0];
	v27 =	vadd.s32 v5, v16  }
0x139: {  	s8 =	simm.s32 $0x5;
	[tilespmem:v24+s0+$0x0] =	vst.idx.msk $0xffff, v23  }
0x13a: {  	v30 =	vmov s8;
	v12 =	vand.u32 $0x7C, v12;
	[tilespmem:v22+s0+$0x0] =	vst.idx.msk $0xffff, v15  }
0x13b: {  	s9 =	simm.s32 $0x6;
	v28 =	vld [tilespmem:s20+$0xFFFFFF10];
	v29 =	vadd.s32 v5, v12;
	v15 =	vand.u32 $0x7D, v30;
	[tilespmem:v18+s0+$0x0] =	vst.idx.msk $0xffff, v17  }
0x13c: {  	v22 =	vmov s9;
	v17 =	vld [tilespmem:s20+$0xFFFFFF50];
	[tilespmem:v25+s0+$0x0] =	vst.idx.msk $0xffff, v20;
	v18 =	vadd.s32 v5, v15  }
0x13d: {  	v24 =	vadd.s32 v11, v13;
	v20 =	vld [tilespmem:s26+$0xFFFFFFB0];
	v13 =	vand.u32 $0x7E, v22;
	[tilespmem:v27+s0+$0x0] =	vst.idx.msk $0xffff, v26;
	v26 =	vadd.s32 v10, v21  }
0x13e: {  	v22 =	vld [tilespmem:s20+$0xFFFFFF90];
	v62 =	vadd.s32 v5, v13  }
0x13f: {  	v23 =	vld [tilespmem:s26+$0x0]  }
0x140: {  	v63 =	vadd.s32 v9, v16;
	[tilespmem:v29+s0+$0x0] =	vst.idx.msk $0xffff, v28;
	v27 =	vld [tilespmem:s20+$0xFFFFFFE0]  }
0x141: {  	v31 =	vadd.s32 v9, v12;
	v29 =	vld [tilespmem:s20+$0xFFFFFF20];
	[tilespmem:v18+s0+$0x0] =	vst.idx.msk $0xffff, v17  }
0x142: {  	v33 =	vadd.s32 v11, v19;
	v32 =	vld [tilespmem:s26+$0xFFFFFF80];
	[tilespmem:v26+s0+$0x0] =	vst.idx.msk $0xffff, v20  }
0x143: {  	v26 =	vadd.s32 v9, v15;
	v25 =	vld [tilespmem:s20+$0xFFFFFF60];
	[tilespmem:v62+s0+$0x0] =	vst.idx.msk $0xffff, v22  }
0x144: {  	[tilespmem:v24+s0+$0x0] =	vst.idx.msk $0xffff, v23;
	v24 =	vadd.s32 v9, v13;
	v23 =	vld [tilespmem:s20+$0xFFFFFFA0]  }
0x145: {  	[tilespmem:v63+s0+$0x0] =	vst.idx.msk $0xffff, v27;
	v19 =	vld [tilespmem:s26+$0xFFFFFFC0];
	v22 =	vadd.s32 v11, v21  }
0x146: {  	v20 =	vadd.s32 v10, v16;
	[tilespmem:v31+s0+$0x0] =	vst.idx.msk $0xffff, v29;
	v17 =	vld [tilespmem:s20+$0xFFFFFFF0]  }
0x147: {  	s8 =	simm.s32 $0xC;
	s7 =	simm.s32 $0x8;
	s9 =	simm.s32 $0xB;
	[tilespmem:v33+s0+$0x0] =	vst.idx.msk $0xffff, v32;
	v21 =	vadd.s32 v10, v12;
	v18 =	vld [tilespmem:s20+$0xFFFFFF30]  }
.LBB2_9:
0x148: {  	p1 =	slt.u32 s8, $0x7C;
	v27 =	vmov s9;
	[tilespmem:v26+s0+$0x0] =	vst.idx.msk $0xffff, v25;
	v25 =	vld [tilespmem:s26+$0xFFFFFF40];
	v26 =	vadd.s32 v11, v14;
	v14 =	vmov v12;
	s26 =	smov.u32 s20  }
0x149: {  	v12 =	vmov s7;
	v29 =	vadd.s32 v10, v15;
	s20 =	sadd.s32 $0x100, s20;
	v27 =	vand.u32 $0x7F, v27;
	v28 =	vld [tilespmem:s26+$0xFFFFFF70];
	[tilespmem:v24+s0+$0x0] =	vst.idx.msk $0xffff, v23  }
0x14a: {  	s9 =	sadd.s32 $0x1, s7;
	v12 =	vand.u32 $0x7C, v12;
	v23 =	vld [tilespmem:s20+$0xFFFFFFD0];
	v24 =	vadd.s32 v5, v27;
	[tilespmem:v22+s0+$0x0] =	vst.idx.msk $0xffff, v19  }
0x14b: {  	v30 =	vmov s9;
	s9 =	sadd.s32 $0x2, s7;
	s7 =	smov.u32 s8;
	v22 =	vadd.s32 v5, v12;
	v19 =	vld [tilespmem:s20+$0xFFFFFF10];
	[tilespmem:v20+s0+$0x0] =	vst.idx.msk $0xffff, v17  }
0x14c: {  	v17 =	vand.u32 $0x7D, v30;
	v20 =	vmov s9;
	[tilespmem:v21+s0+$0x0] =	vst.idx.msk $0xffff, v18;
	v18 =	vld [tilespmem:s26+$0x0];
	v21 =	vadd.s32 v11, v16;
	v16 =	vmovc v27  }
0x14d: {  	v30 =	vadd.s32 v5, v17;
	v20 =	vand.u32 $0x7E, v20;
	v27 =	vld [tilespmem:s20+$0xFFFFFF50];
	[tilespmem:v26+s0+$0x0] =	vst.idx.msk $0xffff, v25  }
0x14e: {  	v32 =	vadd.s32 v5, v20;
	v31 =	vld [tilespmem:s20+$0xFFFFFF90];
	[tilespmem:v29+s0+$0x0] =	vst.idx.msk $0xffff, v28  }
0x14f: {  	v29 =	vadd.s32 v10, v13;
	[tilespmem:v24+s0+$0x0] =	vst.idx.msk $0xffff, v23;
	v28 =	vld [tilespmem:s26+$0xFFFFFFB0]  }
0x150: {  	[tilespmem:v22+s0+$0x0] =	vst.idx.msk $0xffff, v19;
	v19 =	vld [tilespmem:s20+$0xFFFFFFE0];
	v22 =	vadd.s32 v9, v16  }
0x151: {  	v34 =	vadd.s32 v9, v12;
	v33 =	vld [tilespmem:s20+$0xFFFFFF20];
	[tilespmem:v21+s0+$0x0] =	vst.idx.msk $0xffff, v18  }
0x152: {  	[tilespmem:v30+s0+$0x0] =	vst.idx.msk $0xffff, v27;
	v27 =	vld [tilespmem:s26+$0xFFFFFF80];
	v30 =	vadd.s32 v11, v15;
	v15 =	vmov v17  }
.Ltmp3:
0x153: {  	v25 =	vld [tilespmem:s20+$0xFFFFFF60];
	v26 =	vadd.s32 v9, v15;
	[tilespmem:v32+s0+$0x0] =	vst.idx.msk $0xffff, v31;
	(pc) =	sbr.rel @p1 .LBB2_9-.Ltmp3, $4  }
0x154: {  	v24 =	vadd.s32 v9, v20;
	v23 =	vld [tilespmem:s20+$0xFFFFFFA0];
	[tilespmem:v29+s0+$0x0] =	vst.idx.msk $0xffff, v28  }
0x155: {  	[tilespmem:v22+s0+$0x0] =	vst.idx.msk $0xffff, v19;
	v19 =	vld [tilespmem:s26+$0xFFFFFFC0];
	v22 =	vadd.s32 v11, v13;
	v13 =	vmov v20  }
0x156: {  	v20 =	vadd.s32 v10, v16;
	[tilespmem:v34+s0+$0x0] =	vst.idx.msk $0xffff, v33;
	v17 =	vld [tilespmem:s20+$0xFFFFFFF0]  }
0x157: {  	s8 =	sadd.s32 $0x4, s8;
	s9 =	sadd.s32 $0x3, s7;
	v21 =	vadd.s32 v10, v12;
	v18 =	vld [tilespmem:s20+$0xFFFFFF30];
	[tilespmem:v30+s0+$0x0] =	vst.idx.msk $0xffff, v27  }
0x158: {  	_ =	sdelay $0x2  }
0x159: {  	v27 =	vmov s9  }
0x15a: {  	s9 =	sadd.s32 $0x1, s7;
	[tilespmem:v26+s0+$0x0] =	vst.idx.msk $0xffff, v25;
	v59 =	vld [tilespmem:s26+$0xFFFFFF40];
	v14 =	vadd.s32 v11, v14;
	s8 =	sadd.s32 $0x100, s20;
	v29 =	vmov s7;
	v60 =	vand.u32 $0x7F, v27  }
0x15b: {  	s26 =	sadd.s32 $0x2, s7;
	v61 =	vmov s9;
	[tilespmem:v24+s0+$0x0] =	vst.idx.msk $0xffff, v23;
	v62 =	vld [tilespmem:s8+$0xFFFFFFD0];
	v29 =	vand.u32 $0x7C, v29;
	v63 =	vadd.s32 v5, v60  }
0x15c: {  	v28 =	vmov s26;
	v30 =	vld [tilespmem:s8+$0xFFFFFF10];
	v27 =	vand.u32 $0x7D, v61;
	[tilespmem:v22+s0+$0x0] =	vst.idx.msk $0xffff, v19;
	v37 =	vadd.s32 v5, v29  }
0x15d: {  	v33 =	vld [tilespmem:s8+$0xFFFFFF50];
	v28 =	vand.u32 $0x7E, v28;
	v34 =	vadd.s32 v5, v27;
	[tilespmem:v20+s0+$0x0] =	vst.idx.msk $0xffff, v17  }
0x15e: {  	v35 =	vld [tilespmem:s8+$0xFFFFFF90];
	v36 =	vadd.s32 v5, v28;
	[tilespmem:v21+s0+$0x0] =	vst.idx.msk $0xffff, v18  }
0x15f: {  	v39 =	vadd.s32 v10, v15;
	v38 =	vld [tilespmem:s20+$0xFFFFFF70];
	[tilespmem:v14+s0+$0x0] =	vst.idx.msk $0xffff, v59  }
0x160: {  	v47 =	vadd.s32 v10, v13;
	v46 =	vld [tilespmem:s20+$0xFFFFFFB0];
	[tilespmem:v63+s0+$0x0] =	vst.idx.msk $0xffff, v62  }
0x161: {  	v41 =	vadd.s32 v9, v60;
	[tilespmem:v37+s0+$0x0] =	vst.idx.msk $0xffff, v30;
	v23 =	vld [tilespmem:s8+$0xFFFFFFE0]  }
0x162: {  	v45 =	vadd.s32 v9, v29;
	[tilespmem:v34+s0+$0x0] =	vst.idx.msk $0xffff, v33;
	v44 =	vld [tilespmem:s8+$0xFFFFFF20]  }
0x163: {  	v42 =	vadd.s32 v9, v27;
	[tilespmem:v36+s0+$0x0] =	vst.idx.msk $0xffff, v35;
	v19 =	vld [tilespmem:s8+$0xFFFFFF60]  }
0x164: {  	v43 =	vadd.s32 v9, v28;
	[tilespmem:v39+s0+$0x0] =	vst.idx.msk $0xffff, v38;
	v17 =	vld [tilespmem:s8+$0xFFFFFFA0]  }
0x165: {  	v16 =	vadd.s32 v11, v16;
	v40 =	vld [tilespmem:s20+$0x0];
	[tilespmem:v47+s0+$0x0] =	vst.idx.msk $0xffff, v46  }
0x166: {  	v12 =	vadd.s32 v11, v12;
	v57 =	vld [tilespmem:s20+$0xFFFFFF40];
	[tilespmem:v41+s0+$0x0] =	vst.idx.msk $0xffff, v23  }
0x167: {  	v50 =	vadd.s32 v10, v60;
	[tilespmem:v45+s0+$0x0] =	vst.idx.msk $0xffff, v44;
	v23 =	vld [tilespmem:s8+$0xFFFFFFF0]  }
0x168: {  	v55 =	vadd.s32 v10, v29;
	[tilespmem:v42+s0+$0x0] =	vst.idx.msk $0xffff, v19;
	v54 =	vld [tilespmem:s8+$0xFFFFFF30]  }
0x169: {  	v51 =	vadd.s32 v10, v27;
	[tilespmem:v43+s0+$0x0] =	vst.idx.msk $0xffff, v17;
	v19 =	vld [tilespmem:s8+$0xFFFFFF70]  }
0x16a: {  	v53 =	vadd.s32 v10, v28;
	[tilespmem:v16+s0+$0x0] =	vst.idx.msk $0xffff, v40;
	v52 =	vld [tilespmem:s8+$0xFFFFFFB0]  }
0x16b: {  	v49 =	vadd.s32 v11, v15;
	v48 =	vld [tilespmem:s20+$0xFFFFFF80];
	[tilespmem:v12+s0+$0x0] =	vst.idx.msk $0xffff, v57  }
0x16c: {  	v56 =	vadd.s32 v11, v13;
	v21 =	vld [tilespmem:s20+$0xFFFFFFC0];
	[tilespmem:v50+s0+$0x0] =	vst.idx.msk $0xffff, v23  }
0x16d: {  	v59 =	vadd.s32 v11, v60;
	[tilespmem:v55+s0+$0x0] =	vst.idx.msk $0xffff, v54;
	v58 =	vld [tilespmem:s8+$0x0]  }
0x16e: {  	v63 =	vadd.s32 v11, v29;
	[tilespmem:v51+s0+$0x0] =	vst.idx.msk $0xffff, v19;
	v62 =	vld [tilespmem:s8+$0xFFFFFF40]  }
0x16f: {  	v60 =	vadd.s32 v11, v27;
	[tilespmem:v53+s0+$0x0] =	vst.idx.msk $0xffff, v52;
	v19 =	vld [tilespmem:s8+$0xFFFFFF80]  }
0x170: {  	v61 =	vadd.s32 v11, v28;
	[tilespmem:v49+s0+$0x0] =	vst.idx.msk $0xffff, v48;
	v14 =	vld [tilespmem:s8+$0xFFFFFFC0]  }
0x171: {  	[tilespmem:v56+s0+$0x0] =	vst.idx.msk $0xffff, v21  }
0x172: {  	[tilespmem:v59+s0+$0x0] =	vst.idx.msk $0xffff, v58  }
0x173: {  	[tilespmem:v63+s0+$0x0] =	vst.idx.msk $0xffff, v62  }
0x174: {  	[tilespmem:v60+s0+$0x0] =	vst.idx.msk $0xffff, v19  }
0x175: {  	[tilespmem:v61+s0+$0x0] =	vst.idx.msk $0xffff, v14  }
0x176: {  	s20 =	rddreg [dreg:$0x4]  }
0x177: {  	s26 =	simm.s32 $0x11700;
	s8 =	sadd.s32 s18, s20  }
0x178: {  	[hbm4b:s8+s3] =	stream.linear.scatter [tilespmem:s26], [sflag:$0x8], $0x80, $0x38;
	[tilespmem:$0x1C100] =	vst v63  }
0x179: {  	s9 =	simm.s32 $0x11788;
	s18 =	sadd.s32 $0x10, s8  }
0x17a: {  	[hbm4b:s18+s3] =	stream.linear.scatter [tilespmem:s9], [sflag:$0x8], $0x80, $0x38;
	[tilespmem:$0x1C100] =	vst v63  }
0x17b: {  	s20 =	simm.s32 $0x11810;
	s26 =	sadd.s32 $0x20, s8  }
0x17c: {  	[hbm4b:s26+s3] =	stream.linear.scatter [tilespmem:s20], [sflag:$0x8], $0x80, $0x38;
	[tilespmem:$0x1C100] =	vst v63  }
0x17d: {  	s9 =	simm.s32 $0x11898;
	s18 =	sadd.s32 $0x30, s8  }
0x17e: {  	[hbm4b:s18+s3] =	stream.linear.scatter [tilespmem:s9], [sflag:$0x8], $0x80, $0x38;
	[tilespmem:$0x1C100] =	vst v63  }
0x17f: {  	s20 =	simm.s32 $0x11920;
	s26 =	sadd.s32 $0x40, s8  }
0x180: {  	[hbm4b:s26+s3] =	stream.linear.scatter [tilespmem:s20], [sflag:$0x8], $0x80, $0x38;
	[tilespmem:$0x1C100] =	vst v63  }
0x181: {  	s7 =	simm.s32 $0x440;
	s9 =	simm.s32 $0x119A8;
	s18 =	sadd.s32 $0x50, s8  }
0x182: {  	[hbm4b:s18+s3] =	stream.linear.scatter [tilespmem:s9], [sflag:$0x8], $0x80, $0x38;
	[tilespmem:$0x1C100] =	vst v63  }
0x183: {  	s20 =	simm.s32 $0x11A30;
	s26 =	sadd.s32 $0x60, s8;
	s18 =	simm.s32 $0x2200  }
0x184: {  	[hbm4b:s26+s3] =	stream.linear.scatter [tilespmem:s20], [sflag:$0x8], $0x80, $0x38;
	[tilespmem:$0x1C100] =	vst v63  }
0x185: {  	s9 =	simm.s32 $0x11AB8;
	s20 =	sadd.s32 $0x70, s8;
	s8 =	sadd.s32 $0x1000, s8  }
.LBB2_11:
0x186: {  	[hbm4b:s20+s3] =	stream.linear.scatter [tilespmem:s9], [sflag:$0x8], $0x80, $0x38;
	[tilespmem:$0x1C100] =	vst v63  }
0x187: {  	s9 =	smov.u32 s7;
	s7 =	smov.u32 s18  }
0x188: {  	s26 =	sadd.s32 $0x1100, s18;
	s7 =	sshra.s32 s7, $0x2;
	s20 =	sadd.s32 $0x11700, s9  }
0x189: {  	[hbm4b:s8+s3] =	stream.linear.scatter [tilespmem:s20], [sflag:$0x8], $0x80, $0x38;
	[tilespmem:$0x1C100] =	vst v63  }
0x18a: {  	p1 =	sne.s32 s18, $0x7700;
	s18 =	sadd.s32 $0x11788, s9;
	s20 =	sadd.s32 $0x10, s8  }
0x18b: {  	[hbm4b:s20+s3] =	stream.linear.scatter [tilespmem:s18], [sflag:$0x8], $0x80, $0x38;
	[tilespmem:$0x1C100] =	vst v63  }
0x18c: {  	s18 =	sadd.s32 $0x11810, s9;
	s20 =	sadd.s32 $0x20, s8  }
0x18d: {  	[hbm4b:s20+s3] =	stream.linear.scatter [tilespmem:s18], [sflag:$0x8], $0x80, $0x38;
	[tilespmem:$0x1C100] =	vst v63  }
0x18e: {  	s18 =	sadd.s32 $0x11898, s9;
	s20 =	sadd.s32 $0x30, s8  }
0x18f: {  	[hbm4b:s20+s3] =	stream.linear.scatter [tilespmem:s18], [sflag:$0x8], $0x80, $0x38;
	[tilespmem:$0x1C100] =	vst v63  }
0x190: {  	s18 =	sadd.s32 $0x11920, s9;
	s20 =	sadd.s32 $0x40, s8  }
0x191: {  	[hbm4b:s20+s3] =	stream.linear.scatter [tilespmem:s18], [sflag:$0x8], $0x80, $0x38;
	[tilespmem:$0x1C100] =	vst v63  }
.Ltmp4:
0x192: {  	s18 =	sadd.s32 $0x119A8, s9;
	s20 =	sadd.s32 $0x50, s8;
	(pc) =	sbr.rel @p1 .LBB2_11-.Ltmp4, $4  }
0x193: {  	[hbm4b:s20+s3] =	stream.linear.scatter [tilespmem:s18], [sflag:$0x8], $0x80, $0x38;
	[tilespmem:$0x1C100] =	vst v63  }
0x194: {  	s18 =	sadd.s32 $0x11A30, s9;
	s20 =	sadd.s32 $0x60, s8;
	s9 =	sadd.s32 $0x11AB8, s9  }
0x195: {  	[hbm4b:s20+s3] =	stream.linear.scatter [tilespmem:s18], [sflag:$0x8], $0x80, $0x38;
	[tilespmem:$0x1C100] =	vst v63  }
0x196: {  	s20 =	sadd.s32 $0x70, s8;
	s8 =	sadd.s32 $0x1000, s8;
	s18 =	smov.u32 s26  }
0x197: {  	[hbm4b:s20+s3] =	stream.linear.scatter [tilespmem:s9], [sflag:$0x8], $0x80, $0x38;
	[tilespmem:$0x1C100] =	vst v63  }
0x198: {  	s20 =	sadd.s32 $0x11700, s7  }
0x199: {  	[hbm4b:s8+s3] =	stream.linear.scatter [tilespmem:s20], [sflag:$0x8], $0x80, $0x38;
	[tilespmem:$0x1C100] =	vst v63  }
0x19a: {  	s26 =	sadd.s32 $0x11788, s7;
	s18 =	sadd.s32 $0x10, s8  }
0x19b: {  	[hbm4b:s18+s3] =	stream.linear.scatter [tilespmem:s26], [sflag:$0x8], $0x80, $0x38;
	[tilespmem:$0x1C100] =	vst v63  }
0x19c: {  	s20 =	sadd.s32 $0x11810, s7;
	s26 =	sadd.s32 $0x20, s8  }
0x19d: {  	[hbm4b:s26+s3] =	stream.linear.scatter [tilespmem:s20], [sflag:$0x8], $0x80, $0x38;
	[tilespmem:$0x1C100] =	vst v63  }
0x19e: {  	s20 =	sadd.s32 $0x11898, s7;
	s26 =	sadd.s32 $0x30, s8  }
0x19f: {  	[hbm4b:s26+s3] =	stream.linear.scatter [tilespmem:s20], [sflag:$0x8], $0x80, $0x38;
	[tilespmem:$0x1C100] =	vst v63  }
0x1a0: {  	s20 =	sadd.s32 $0x11920, s7;
	s26 =	sadd.s32 $0x40, s8  }
0x1a1: {  	[hbm4b:s26+s3] =	stream.linear.scatter [tilespmem:s20], [sflag:$0x8], $0x80, $0x38;
	[tilespmem:$0x1C100] =	vst v63  }
0x1a2: {  	s20 =	sadd.s32 $0x119A8, s7;
	s26 =	sadd.s32 $0x50, s8  }
0x1a3: {  	[hbm4b:s26+s3] =	stream.linear.scatter [tilespmem:s20], [sflag:$0x8], $0x80, $0x38;
	[tilespmem:$0x1C100] =	vst v63  }
0x1a4: {  	s20 =	sadd.s32 $0x11A30, s7;
	s26 =	sadd.s32 $0x60, s8  }
0x1a5: {  	[hbm4b:s26+s3] =	stream.linear.scatter [tilespmem:s20], [sflag:$0x8], $0x80, $0x38;
	[tilespmem:$0x1C100] =	vst v63  }
0x1a6: {  	s20 =	sadd.s32 $0x11AB8, s7;
	s26 =	sadd.s32 $0x70, s8  }
0x1a7: {  	[hbm4b:s26+s3] =	stream.linear.scatter [tilespmem:s20], [sflag:$0x8], $0x80, $0x38;
	[tilespmem:$0x1C100] =	vst v63  }
0x1a8: {  	s9 =	sadd.s32 $0x1F80, s29;
	s18 =	simm.s32 $0x5500  }
0x1a9: {  	[tilespmem:s18], [sflag:$0x2] =	stream.indirect.gather [hbm4b:s4+s16], $0x40, s9, s16, $0xb8;
	[tilespmem:$0x1C100] =	vst v63  }
0x1aa: {  	_ =	swait.ge [sflag:s17], $0x2000  }
0x1ab: {  	[sflag:s17] =	ssyncset.done $0x0  }
0x1ac: {  	s7 =	simm.s32 @!p0 $0x9;
	[sflag:s17] =	ssyncadd.s32 $0xFFFFE000  }
0x1ad: {  	s20 =	simm.s32 $0x3;
	_ =	swait.ge @!p0 [sflag:s7], $0x2000  }
0x1ae: {  	s26 =	simm.s32 $0x0;
	v12 =	vmov s20;
	[sflag:s7] =	ssyncset.done @!p0 $0x0  }
0x1af: {  	s8 =	simm.s32 $0x1;
	s20 =	simm.s32 $0x75F0;
	v13 =	vand.u32 $0x7F, v12;
	v12 =	vmov s26;
	[sflag:s7] =	ssyncadd.s32 @!p0 $0xFFFFE000  }
0x1b0: {  	v16 =	vadd.s32 v5, v13;
	v14 =	vand.u32 $0x7C, v12;
	v12 =	vmov s8;
	v15 =	vld [tilespmem:s20+$0xFFFFFFD0]  }
0x1b1: {  	v18 =	vadd.s32 v5, v14;
	v19 =	vand.u32 $0x7D, v12;
	v17 =	vld [tilespmem:s20+$0xFFFFFF10]  }
0x1b2: {  	s9 =	simm.s32 $0x2;
	v20 =	vadd.s32 v5, v19;
	v12 =	vld [tilespmem:s20+$0xFFFFFF50]  }
0x1b3: {  	v21 =	vmov s9  }
0x1b4: {  	v21 =	vand.u32 $0x7E, v21  }
0x1b5: {  	v23 =	vadd.s32 v5, v21;
	v22 =	vld [tilespmem:s20+$0xFFFFFF90];
	[tilespmem:v16+s21+$0x0] =	vst.idx.msk $0xffff, v15  }
0x1b6: {  	v16 =	vadd.s32 v9, v13;
	[tilespmem:v18+s21+$0x0] =	vst.idx.msk $0xffff, v17;
	v15 =	vld [tilespmem:s20+$0xFFFFFFE0]  }
0x1b7: {  	v18 =	vadd.s32 v9, v14;
	[tilespmem:v20+s21+$0x0] =	vst.idx.msk $0xffff, v12;
	v17 =	vld [tilespmem:s20+$0xFFFFFF20]  }
0x1b8: {  	v20 =	vadd.s32 v9, v19;
	v12 =	vld [tilespmem:s20+$0xFFFFFF60];
	_ =	sdelay $0x1  }
0x1b9: {  	[tilespmem:v23+s21+$0x0] =	vst.idx.msk $0xffff, v22  }
0x1ba: {  	v24 =	vadd.s32 v9, v21;
	v23 =	vld [tilespmem:s20+$0xFFFFFFA0];
	[tilespmem:v16+s21+$0x0] =	vst.idx.msk $0xffff, v15  }
0x1bb: {  	s18 =	simm.s32 $0x7;
	v22 =	vadd.s32 v10, v13;
	[tilespmem:v18+s21+$0x0] =	vst.idx.msk $0xffff, v17;
	v15 =	vld [tilespmem:s20+$0xFFFFFFF0]  }
0x1bc: {  	v18 =	vadd.s32 v10, v14;
	v16 =	vmov s18;
	[tilespmem:v20+s21+$0x0] =	vst.idx.msk $0xffff, v12;
	v17 =	vld [tilespmem:s20+$0xFFFFFF30]  }
0x1bd: {  	v25 =	vadd.s32 v10, v19;
	s18 =	simm.s32 $0x76F0;
	v16 =	vand.u32 $0x7F, v16;
	v20 =	vld [tilespmem:s20+$0xFFFFFF70]  }
0x1be: {  	s26 =	simm.s32 $0x4;
	v26 =	vld [tilespmem:s18+$0xFFFFFFD0];
	v27 =	vadd.s32 v5, v16  }
0x1bf: {  	s9 =	simm.s32 $0x5;
	v12 =	vmov s26;
	[tilespmem:v24+s21+$0x0] =	vst.idx.msk $0xffff, v23  }
0x1c0: {  	v30 =	vmov s9;
	v12 =	vand.u32 $0x7C, v12;
	[tilespmem:v22+s21+$0x0] =	vst.idx.msk $0xffff, v15  }
0x1c1: {  	s26 =	simm.s32 $0x6;
	v28 =	vld [tilespmem:s18+$0xFFFFFF10];
	v29 =	vadd.s32 v5, v12;
	v15 =	vand.u32 $0x7D, v30;
	[tilespmem:v18+s21+$0x0] =	vst.idx.msk $0xffff, v17  }
0x1c2: {  	v22 =	vmov s26;
	v17 =	vld [tilespmem:s18+$0xFFFFFF50];
	[tilespmem:v25+s21+$0x0] =	vst.idx.msk $0xffff, v20;
	v18 =	vadd.s32 v5, v15  }
0x1c3: {  	v24 =	vadd.s32 v11, v13;
	v20 =	vld [tilespmem:s20+$0xFFFFFFB0];
	v13 =	vand.u32 $0x7E, v22;
	[tilespmem:v27+s21+$0x0] =	vst.idx.msk $0xffff, v26;
	v26 =	vadd.s32 v10, v21  }
0x1c4: {  	v22 =	vld [tilespmem:s18+$0xFFFFFF90];
	v62 =	vadd.s32 v5, v13  }
0x1c5: {  	v23 =	vld [tilespmem:s20+$0x0]  }
0x1c6: {  	v63 =	vadd.s32 v9, v16;
	[tilespmem:v29+s21+$0x0] =	vst.idx.msk $0xffff, v28;
	v27 =	vld [tilespmem:s18+$0xFFFFFFE0]  }
0x1c7: {  	v31 =	vadd.s32 v9, v12;
	v29 =	vld [tilespmem:s18+$0xFFFFFF20];
	[tilespmem:v18+s21+$0x0] =	vst.idx.msk $0xffff, v17  }
0x1c8: {  	v33 =	vadd.s32 v11, v19;
	v32 =	vld [tilespmem:s20+$0xFFFFFF80];
	[tilespmem:v26+s21+$0x0] =	vst.idx.msk $0xffff, v20  }
0x1c9: {  	v26 =	vadd.s32 v9, v15;
	v25 =	vld [tilespmem:s18+$0xFFFFFF60];
	[tilespmem:v62+s21+$0x0] =	vst.idx.msk $0xffff, v22  }
0x1ca: {  	[tilespmem:v24+s21+$0x0] =	vst.idx.msk $0xffff, v23;
	v24 =	vadd.s32 v9, v13;
	v23 =	vld [tilespmem:s18+$0xFFFFFFA0]  }
0x1cb: {  	[tilespmem:v63+s21+$0x0] =	vst.idx.msk $0xffff, v27;
	v19 =	vld [tilespmem:s20+$0xFFFFFFC0];
	v22 =	vadd.s32 v11, v21  }
0x1cc: {  	v20 =	vadd.s32 v10, v16;
	[tilespmem:v31+s21+$0x0] =	vst.idx.msk $0xffff, v29;
	v17 =	vld [tilespmem:s18+$0xFFFFFFF0]  }
0x1cd: {  	s8 =	simm.s32 $0xC;
	s9 =	simm.s32 $0xB;
	s7 =	simm.s32 $0x8;
	[tilespmem:v33+s21+$0x0] =	vst.idx.msk $0xffff, v32;
	v21 =	vadd.s32 v10, v12;
	v18 =	vld [tilespmem:s18+$0xFFFFFF30]  }
.LBB2_13:
0x1ce: {  	p1 =	slt.u32 s8, $0x7C;
	v27 =	vmov s9;
	[tilespmem:v26+s21+$0x0] =	vst.idx.msk $0xffff, v25;
	v25 =	vld [tilespmem:s20+$0xFFFFFF40];
	v26 =	vadd.s32 v11, v14;
	v14 =	vmov v12;
	s20 =	smov.u32 s18  }
0x1cf: {  	v12 =	vmov s7;
	v29 =	vadd.s32 v10, v15;
	s18 =	sadd.s32 $0x100, s18;
	v27 =	vand.u32 $0x7F, v27;
	v28 =	vld [tilespmem:s20+$0xFFFFFF70];
	[tilespmem:v24+s21+$0x0] =	vst.idx.msk $0xffff, v23  }
0x1d0: {  	s9 =	sadd.s32 $0x1, s7;
	v12 =	vand.u32 $0x7C, v12;
	v23 =	vld [tilespmem:s18+$0xFFFFFFD0];
	v24 =	vadd.s32 v5, v27;
	[tilespmem:v22+s21+$0x0] =	vst.idx.msk $0xffff, v19  }
0x1d1: {  	v30 =	vmov s9;
	s9 =	sadd.s32 $0x2, s7;
	s7 =	smov.u32 s8;
	v22 =	vadd.s32 v5, v12;
	v19 =	vld [tilespmem:s18+$0xFFFFFF10];
	[tilespmem:v20+s21+$0x0] =	vst.idx.msk $0xffff, v17  }
0x1d2: {  	v17 =	vand.u32 $0x7D, v30;
	v20 =	vmov s9;
	[tilespmem:v21+s21+$0x0] =	vst.idx.msk $0xffff, v18;
	v18 =	vld [tilespmem:s20+$0x0];
	v21 =	vadd.s32 v11, v16;
	v16 =	vmovc v27  }
0x1d3: {  	v30 =	vadd.s32 v5, v17;
	v20 =	vand.u32 $0x7E, v20;
	v27 =	vld [tilespmem:s18+$0xFFFFFF50];
	[tilespmem:v26+s21+$0x0] =	vst.idx.msk $0xffff, v25  }
0x1d4: {  	v32 =	vadd.s32 v5, v20;
	v31 =	vld [tilespmem:s18+$0xFFFFFF90];
	[tilespmem:v29+s21+$0x0] =	vst.idx.msk $0xffff, v28  }
0x1d5: {  	v29 =	vadd.s32 v10, v13;
	[tilespmem:v24+s21+$0x0] =	vst.idx.msk $0xffff, v23;
	v28 =	vld [tilespmem:s20+$0xFFFFFFB0]  }
0x1d6: {  	[tilespmem:v22+s21+$0x0] =	vst.idx.msk $0xffff, v19;
	v19 =	vld [tilespmem:s18+$0xFFFFFFE0];
	v22 =	vadd.s32 v9, v16  }
0x1d7: {  	v34 =	vadd.s32 v9, v12;
	v33 =	vld [tilespmem:s18+$0xFFFFFF20];
	[tilespmem:v21+s21+$0x0] =	vst.idx.msk $0xffff, v18  }
0x1d8: {  	[tilespmem:v30+s21+$0x0] =	vst.idx.msk $0xffff, v27;
	v27 =	vld [tilespmem:s20+$0xFFFFFF80];
	v30 =	vadd.s32 v11, v15;
	v15 =	vmov v17  }
.Ltmp5:
0x1d9: {  	v25 =	vld [tilespmem:s18+$0xFFFFFF60];
	v26 =	vadd.s32 v9, v15;
	[tilespmem:v32+s21+$0x0] =	vst.idx.msk $0xffff, v31;
	(pc) =	sbr.rel @p1 .LBB2_13-.Ltmp5, $4  }
0x1da: {  	v24 =	vadd.s32 v9, v20;
	v23 =	vld [tilespmem:s18+$0xFFFFFFA0];
	[tilespmem:v29+s21+$0x0] =	vst.idx.msk $0xffff, v28  }
0x1db: {  	[tilespmem:v22+s21+$0x0] =	vst.idx.msk $0xffff, v19;
	v19 =	vld [tilespmem:s20+$0xFFFFFFC0];
	v22 =	vadd.s32 v11, v13;
	v13 =	vmov v20  }
0x1dc: {  	v20 =	vadd.s32 v10, v16;
	[tilespmem:v34+s21+$0x0] =	vst.idx.msk $0xffff, v33;
	v17 =	vld [tilespmem:s18+$0xFFFFFFF0]  }
0x1dd: {  	s8 =	sadd.s32 $0x4, s8;
	s9 =	sadd.s32 $0x3, s7;
	v21 =	vadd.s32 v10, v12;
	v18 =	vld [tilespmem:s18+$0xFFFFFF30];
	[tilespmem:v30+s21+$0x0] =	vst.idx.msk $0xffff, v27  }
0x1de: {  	_ =	sdelay $0x2  }
0x1df: {  	v27 =	vmov s9;
	s26 =	sadd.s32 $0x1, s7  }
0x1e0: {  	[tilespmem:v26+s21+$0x0] =	vst.idx.msk $0xffff, v25;
	v59 =	vld [tilespmem:s20+$0xFFFFFF40];
	v14 =	vadd.s32 v11, v14;
	s8 =	sadd.s32 $0x100, s18;
	v60 =	vand.u32 $0x7F, v27;
	v61 =	vmov s26  }
0x1e1: {  	[tilespmem:v24+s21+$0x0] =	vst.idx.msk $0xffff, v23;
	v62 =	vld [tilespmem:s8+$0xFFFFFFD0];
	v63 =	vadd.s32 v5, v60;
	v27 =	vand.u32 $0x7D, v61  }
0x1e2: {  	v29 =	vmov s7;
	s26 =	sadd.s32 $0x2, s7;
	v33 =	vld [tilespmem:s8+$0xFFFFFF50];
	[tilespmem:v22+s21+$0x0] =	vst.idx.msk $0xffff, v19;
	v34 =	vadd.s32 v5, v27  }
0x1e3: {  	v39 =	vadd.s32 v10, v15;
	v29 =	vand.u32 $0x7C, v29;
	v38 =	vld [tilespmem:s18+$0xFFFFFF70];
	v28 =	vmov s26;
	[tilespmem:v20+s21+$0x0] =	vst.idx.msk $0xffff, v17  }
0x1e4: {  	v30 =	vld [tilespmem:s8+$0xFFFFFF10];
	v37 =	vadd.s32 v5, v29;
	v28 =	vand.u32 $0x7E, v28;
	[tilespmem:v21+s21+$0x0] =	vst.idx.msk $0xffff, v18  }
0x1e5: {  	v35 =	vld [tilespmem:s8+$0xFFFFFF90];
	v36 =	vadd.s32 v5, v28;
	[tilespmem:v14+s21+$0x0] =	vst.idx.msk $0xffff, v59  }
0x1e6: {  	v47 =	vadd.s32 v10, v13;
	v46 =	vld [tilespmem:s18+$0xFFFFFFB0];
	[tilespmem:v63+s21+$0x0] =	vst.idx.msk $0xffff, v62  }
0x1e7: {  	v41 =	vadd.s32 v9, v60;
	v23 =	vld [tilespmem:s8+$0xFFFFFFE0];
	[tilespmem:v34+s21+$0x0] =	vst.idx.msk $0xffff, v33  }
0x1e8: {  	v42 =	vadd.s32 v9, v27;
	[tilespmem:v39+s21+$0x0] =	vst.idx.msk $0xffff, v38;
	v19 =	vld [tilespmem:s8+$0xFFFFFF60]  }
0x1e9: {  	v16 =	vadd.s32 v11, v16;
	v40 =	vld [tilespmem:s18+$0x0];
	[tilespmem:v37+s21+$0x0] =	vst.idx.msk $0xffff, v30  }
0x1ea: {  	v12 =	vadd.s32 v11, v12;
	v57 =	vld [tilespmem:s18+$0xFFFFFF40];
	[tilespmem:v36+s21+$0x0] =	vst.idx.msk $0xffff, v35  }
0x1eb: {  	v43 =	vadd.s32 v9, v28;
	[tilespmem:v47+s21+$0x0] =	vst.idx.msk $0xffff, v46;
	v17 =	vld [tilespmem:s8+$0xFFFFFFA0]  }
0x1ec: {  	v45 =	vadd.s32 v9, v29;
	v44 =	vld [tilespmem:s8+$0xFFFFFF20];
	[tilespmem:v41+s21+$0x0] =	vst.idx.msk $0xffff, v23  }
0x1ed: {  	v50 =	vadd.s32 v10, v60;
	v23 =	vld [tilespmem:s8+$0xFFFFFFF0];
	[tilespmem:v42+s21+$0x0] =	vst.idx.msk $0xffff, v19  }
0x1ee: {  	v51 =	vadd.s32 v10, v27;
	[tilespmem:v16+s21+$0x0] =	vst.idx.msk $0xffff, v40;
	v19 =	vld [tilespmem:s8+$0xFFFFFF70]  }
0x1ef: {  	v49 =	vadd.s32 v11, v15;
	v48 =	vld [tilespmem:s18+$0xFFFFFF80];
	[tilespmem:v12+s21+$0x0] =	vst.idx.msk $0xffff, v57  }
0x1f0: {  	v56 =	vadd.s32 v11, v13;
	v21 =	vld [tilespmem:s18+$0xFFFFFFC0];
	[tilespmem:v43+s21+$0x0] =	vst.idx.msk $0xffff, v17  }
0x1f1: {  	v53 =	vadd.s32 v10, v28;
	[tilespmem:v45+s21+$0x0] =	vst.idx.msk $0xffff, v44;
	v52 =	vld [tilespmem:s8+$0xFFFFFFB0]  }
0x1f2: {  	v55 =	vadd.s32 v10, v29;
	v54 =	vld [tilespmem:s8+$0xFFFFFF30];
	[tilespmem:v50+s21+$0x0] =	vst.idx.msk $0xffff, v23  }
0x1f3: {  	v59 =	vadd.s32 v11, v60;
	v58 =	vld [tilespmem:s8+$0x0];
	[tilespmem:v51+s21+$0x0] =	vst.idx.msk $0xffff, v19  }
0x1f4: {  	v60 =	vadd.s32 v11, v27;
	[tilespmem:v49+s21+$0x0] =	vst.idx.msk $0xffff, v48;
	v19 =	vld [tilespmem:s8+$0xFFFFFF80]  }
0x1f5: {  	[tilespmem:v56+s21+$0x0] =	vst.idx.msk $0xffff, v21  }
0x1f6: {  	[tilespmem:v53+s21+$0x0] =	vst.idx.msk $0xffff, v52  }
0x1f7: {  	v61 =	vadd.s32 v11, v28;
	[tilespmem:v55+s21+$0x0] =	vst.idx.msk $0xffff, v54;
	v14 =	vld [tilespmem:s8+$0xFFFFFFC0]  }
0x1f8: {  	v63 =	vadd.s32 v11, v29;
	v62 =	vld [tilespmem:s8+$0xFFFFFF40];
	[tilespmem:v59+s21+$0x0] =	vst.idx.msk $0xffff, v58  }
0x1f9: {  	[tilespmem:v60+s21+$0x0] =	vst.idx.msk $0xffff, v19  }
0x1fa: {  	s20 =	rddreg [dreg:$0x5]  }
0x1fb: {  	s7 =	sadd.s32 s20, s13  }
0x1fc: {  	[tilespmem:v61+s21+$0x0] =	vst.idx.msk $0xffff, v14;
	s7 =	sshrl.u32 s7, $0x3  }
0x1fd: {  	s26 =	simm.s32 $0x13900;
	[tilespmem:v63+s21+$0x0] =	vst.idx.msk $0xffff, v62;
	s8 =	sadd.s32 s2, s7  }
0x1fe: {  	[hbm4b:s8+s3] =	stream.linear.scatter [tilespmem:s26], [sflag:$0x9], $0x80, $0x38;
	[tilespmem:$0x1C100] =	vst v63  }
0x1ff: {  	s9 =	simm.s32 $0x13988;
	s18 =	sadd.s32 $0x10, s8  }
0x200: {  	[hbm4b:s18+s3] =	stream.linear.scatter [tilespmem:s9], [sflag:$0x9], $0x80, $0x38;
	[tilespmem:$0x1C100] =	vst v63  }
0x201: {  	s20 =	simm.s32 $0x13A10;
	s26 =	sadd.s32 $0x20, s8  }
0x202: {  	[hbm4b:s26+s3] =	stream.linear.scatter [tilespmem:s20], [sflag:$0x9], $0x80, $0x38;
	[tilespmem:$0x1C100] =	vst v63  }
0x203: {  	s9 =	simm.s32 $0x13A98;
	s18 =	sadd.s32 $0x30, s8  }
0x204: {  	[hbm4b:s18+s3] =	stream.linear.scatter [tilespmem:s9], [sflag:$0x9], $0x80, $0x38;
	[tilespmem:$0x1C100] =	vst v63  }
0x205: {  	s20 =	simm.s32 $0x13B20;
	s26 =	sadd.s32 $0x40, s8  }
0x206: {  	[hbm4b:s26+s3] =	stream.linear.scatter [tilespmem:s20], [sflag:$0x9], $0x80, $0x38;
	[tilespmem:$0x1C100] =	vst v63  }
0x207: {  	s7 =	simm.s32 $0x440;
	s9 =	simm.s32 $0x13BA8;
	s18 =	sadd.s32 $0x50, s8  }
0x208: {  	[hbm4b:s18+s3] =	stream.linear.scatter [tilespmem:s9], [sflag:$0x9], $0x80, $0x38;
	[tilespmem:$0x1C100] =	vst v63  }
0x209: {  	s20 =	simm.s32 $0x13C30;
	s26 =	sadd.s32 $0x60, s8;
	s18 =	simm.s32 $0x2200  }
0x20a: {  	[hbm4b:s26+s3] =	stream.linear.scatter [tilespmem:s20], [sflag:$0x9], $0x80, $0x38;
	[tilespmem:$0x1C100] =	vst v63  }
0x20b: {  	s9 =	simm.s32 $0x13CB8;
	s20 =	sadd.s32 $0x70, s8;
	s8 =	sadd.s32 $0x1000, s8  }
.LBB2_15:
0x20c: {  	[hbm4b:s20+s3] =	stream.linear.scatter [tilespmem:s9], [sflag:$0x9], $0x80, $0x38;
	[tilespmem:$0x1C100] =	vst v63  }
0x20d: {  	s9 =	smov.u32 s7;
	s7 =	smov.u32 s18  }
0x20e: {  	s26 =	sadd.s32 $0x1100, s18;
	s7 =	sshra.s32 s7, $0x2;
	s20 =	sadd.s32 $0x13900, s9  }
0x20f: {  	[hbm4b:s8+s3] =	stream.linear.scatter [tilespmem:s20], [sflag:$0x9], $0x80, $0x38;
	[tilespmem:$0x1C100] =	vst v63  }
0x210: {  	p1 =	sne.s32 s18, $0x7700;
	s18 =	sadd.s32 $0x13988, s9;
	s20 =	sadd.s32 $0x10, s8  }
0x211: {  	[hbm4b:s20+s3] =	stream.linear.scatter [tilespmem:s18], [sflag:$0x9], $0x80, $0x38;
	[tilespmem:$0x1C100] =	vst v63  }
0x212: {  	s18 =	sadd.s32 $0x13A10, s9;
	s20 =	sadd.s32 $0x20, s8  }
0x213: {  	[hbm4b:s20+s3] =	stream.linear.scatter [tilespmem:s18], [sflag:$0x9], $0x80, $0x38;
	[tilespmem:$0x1C100] =	vst v63  }
0x214: {  	s18 =	sadd.s32 $0x13A98, s9;
	s20 =	sadd.s32 $0x30, s8  }
0x215: {  	[hbm4b:s20+s3] =	stream.linear.scatter [tilespmem:s18], [sflag:$0x9], $0x80, $0x38;
	[tilespmem:$0x1C100] =	vst v63  }
0x216: {  	s18 =	sadd.s32 $0x13B20, s9;
	s20 =	sadd.s32 $0x40, s8  }
0x217: {  	[hbm4b:s20+s3] =	stream.linear.scatter [tilespmem:s18], [sflag:$0x9], $0x80, $0x38;
	[tilespmem:$0x1C100] =	vst v63  }
.Ltmp6:
0x218: {  	s18 =	sadd.s32 $0x13BA8, s9;
	s20 =	sadd.s32 $0x50, s8;
	(pc) =	sbr.rel @p1 .LBB2_15-.Ltmp6, $4  }
0x219: {  	[hbm4b:s20+s3] =	stream.linear.scatter [tilespmem:s18], [sflag:$0x9], $0x80, $0x38;
	[tilespmem:$0x1C100] =	vst v63  }
0x21a: {  	s18 =	sadd.s32 $0x13C30, s9;
	s20 =	sadd.s32 $0x60, s8;
	s9 =	sadd.s32 $0x13CB8, s9  }
0x21b: {  	[hbm4b:s20+s3] =	stream.linear.scatter [tilespmem:s18], [sflag:$0x9], $0x80, $0x38;
	[tilespmem:$0x1C100] =	vst v63  }
0x21c: {  	s20 =	sadd.s32 $0x70, s8;
	s8 =	sadd.s32 $0x1000, s8;
	s18 =	smov.u32 s26  }
0x21d: {  	[hbm4b:s20+s3] =	stream.linear.scatter [tilespmem:s9], [sflag:$0x9], $0x80, $0x38;
	[tilespmem:$0x1C100] =	vst v63  }
0x21e: {  	s20 =	sadd.s32 $0x13900, s7  }
0x21f: {  	[hbm4b:s8+s3] =	stream.linear.scatter [tilespmem:s20], [sflag:$0x9], $0x80, $0x38;
	[tilespmem:$0x1C100] =	vst v63  }
0x220: {  	s26 =	sadd.s32 $0x13988, s7;
	s18 =	sadd.s32 $0x10, s8  }
0x221: {  	[hbm4b:s18+s3] =	stream.linear.scatter [tilespmem:s26], [sflag:$0x9], $0x80, $0x38;
	[tilespmem:$0x1C100] =	vst v63  }
0x222: {  	s20 =	sadd.s32 $0x13A10, s7;
	s26 =	sadd.s32 $0x20, s8  }
0x223: {  	[hbm4b:s26+s3] =	stream.linear.scatter [tilespmem:s20], [sflag:$0x9], $0x80, $0x38;
	[tilespmem:$0x1C100] =	vst v63  }
0x224: {  	s20 =	sadd.s32 $0x13A98, s7;
	s26 =	sadd.s32 $0x30, s8  }
0x225: {  	[hbm4b:s26+s3] =	stream.linear.scatter [tilespmem:s20], [sflag:$0x9], $0x80, $0x38;
	[tilespmem:$0x1C100] =	vst v63  }
0x226: {  	s20 =	sadd.s32 $0x13B20, s7;
	s26 =	sadd.s32 $0x40, s8  }
0x227: {  	[hbm4b:s26+s3] =	stream.linear.scatter [tilespmem:s20], [sflag:$0x9], $0x80, $0x38;
	[tilespmem:$0x1C100] =	vst v63  }
0x228: {  	p1 =	sne.s32 s12, $0x7;
	s20 =	sadd.s32 $0x13BA8, s7;
	s26 =	sadd.s32 $0x50, s8  }
0x229: {  	[hbm4b:s26+s3] =	stream.linear.scatter [tilespmem:s20], [sflag:$0x9], $0x80, $0x38;
	[tilespmem:$0x1C100] =	vst v63  }
.Ltmp7:
0x22a: {  	_ = 	snop;
	(pc) =	sbr.rel @p1 .LBB2_18-.Ltmp7, $4  }
0x22b: {  	s20 =	sadd.s32 $0x13C30, s7;
	s26 =	sadd.s32 $0x60, s8  }
0x22c: {  	[hbm4b:s26+s3] =	stream.linear.scatter [tilespmem:s20], [sflag:$0x9], $0x80, $0x38;
	[tilespmem:$0x1C100] =	vst v63  }
0x22d: {  	s20 =	sadd.s32 $0x13CB8, s7;
	s26 =	sadd.s32 $0x70, s8  }
0x22e: {  	[hbm4b:s26+s3] =	stream.linear.scatter [tilespmem:s20], [sflag:$0x9], $0x80, $0x38;
	[tilespmem:$0x1C100] =	vst v63  }
.Ltmp8:
0x22f: {  	(pc) =	sbr.rel .LBB2_19-.Ltmp8, $4  }
0x230: {  	_ = 	snop  }
0x231: {  	_ =	swait.ge [sflag:s23], $0x2000  }
0x232: {  	[sflag:s23] =	ssyncset.done $0x0  }
0x233: {  	[sflag:s23] =	ssyncadd.s32 $0xFFFFE000  }
.LBB2_18:
.Ltmp9:
0x234: {  	s7 =	sadd.s32 $0x2000, s29;
	s8 =	simm.s32 $0x7500;
	(pc) =	sbr.rel @p0 .LBB2_20-.Ltmp9, $4  }
0x235: {  	[tilespmem:s8], [sflag:$0x3] =	stream.indirect.gather [hbm4b:s4+s16], $0x40, s7, s16, $0xb8;
	[tilespmem:$0x1C100] =	vst v63  }
0x236: {  	_ =	swait.ge [sflag:s23], $0x2000  }
0x237: {  	[sflag:s23] =	ssyncset.done $0x0  }
0x238: {  	[sflag:s23] =	ssyncadd.s32 $0xFFFFE000  }
.LBB2_19:
0x239: {  	_ =	swait.ge [sflag:s25], $0x2000  }
0x23a: {  	[sflag:s25] =	ssyncset.done $0x0  }
0x23b: {  	[sflag:s25] =	ssyncadd.s32 $0xFFFFE000  }
.LBB2_20:
0x23c: {  	s7 =	simm.s32 $0x3  }
0x23d: {  	s8 =	simm.s32 $0x0;
	v12 =	vmov s7  }
0x23e: {  	s20 =	simm.s32 $0x95F0;
	v13 =	vand.u32 $0x7F, v12;
	v12 =	vmov s8  }
0x23f: {  	s9 =	simm.s32 $0x1;
	v15 =	vld [tilespmem:s20+$0xFFFFFFD0];
	v16 =	vadd.s32 v5, v13;
	v14 =	vand.u32 $0x7C, v12  }
0x240: {  	v17 =	vld [tilespmem:s20+$0xFFFFFF10];
	v12 =	vmov s9;
	v18 =	vadd.s32 v5, v14  }
0x241: {  	s18 =	simm.s32 $0x2;
	v19 =	vand.u32 $0x7D, v12  }
0x242: {  	v21 =	vmov s18;
	v12 =	vld [tilespmem:s20+$0xFFFFFF50];
	v20 =	vadd.s32 v5, v19  }
0x243: {  	v21 =	vand.u32 $0x7E, v21  }
0x244: {  	v22 =	vld [tilespmem:s20+$0xFFFFFF90];
	v23 =	vadd.s32 v5, v21;
	[tilespmem:v16+s28+$0x0] =	vst.idx.msk $0xffff, v15  }
0x245: {  	v16 =	vadd.s32 v9, v13;
	v15 =	vld [tilespmem:s20+$0xFFFFFFE0];
	[tilespmem:v18+s28+$0x0] =	vst.idx.msk $0xffff, v17  }
0x246: {  	v18 =	vadd.s32 v9, v14;
	v17 =	vld [tilespmem:s20+$0xFFFFFF20]  }
0x247: {  	[tilespmem:v20+s28+$0x0] =	vst.idx.msk $0xffff, v12  }
0x248: {  	v20 =	vadd.s32 v9, v19;
	v12 =	vld [tilespmem:s20+$0xFFFFFF60]  }
0x249: {  	[tilespmem:v23+s28+$0x0] =	vst.idx.msk $0xffff, v22  }
0x24a: {  	s26 =	simm.s32 $0x7;
	v24 =	vadd.s32 v9, v21;
	v23 =	vld [tilespmem:s20+$0xFFFFFFA0];
	[tilespmem:v16+s28+$0x0] =	vst.idx.msk $0xffff, v15  }
0x24b: {  	v22 =	vadd.s32 v10, v13;
	v16 =	vmov s26;
	v15 =	vld [tilespmem:s20+$0xFFFFFFF0];
	[tilespmem:v18+s28+$0x0] =	vst.idx.msk $0xffff, v17  }
0x24c: {  	s18 =	simm.s32 $0x96F0;
	v18 =	vadd.s32 v10, v14;
	v16 =	vand.u32 $0x7F, v16;
	v17 =	vld [tilespmem:s20+$0xFFFFFF30]  }
0x24d: {  	s8 =	simm.s32 $0x4;
	v26 =	vld [tilespmem:s18+$0xFFFFFFD0];
	[tilespmem:v20+s28+$0x0] =	vst.idx.msk $0xffff, v12;
	v27 =	vadd.s32 v5, v16  }
0x24e: {  	s9 =	simm.s32 $0x5;
	v25 =	vadd.s32 v10, v19;
	v12 =	vmov s8;
	v20 =	vld [tilespmem:s20+$0xFFFFFF70]  }
0x24f: {  	v30 =	vmov s9;
	s26 =	simm.s32 $0x6;
	[tilespmem:v24+s28+$0x0] =	vst.idx.msk $0xffff, v23;
	v12 =	vand.u32 $0x7C, v12  }
0x250: {  	v28 =	vld [tilespmem:s18+$0xFFFFFF10];
	v29 =	vadd.s32 v5, v12;
	[tilespmem:v22+s28+$0x0] =	vst.idx.msk $0xffff, v15;
	v15 =	vand.u32 $0x7D, v30;
	v22 =	vmov s26  }
0x251: {  	v24 =	vadd.s32 v11, v13;
	[tilespmem:v18+s28+$0x0] =	vst.idx.msk $0xffff, v17;
	v17 =	vld [tilespmem:s18+$0xFFFFFF50];
	v18 =	vadd.s32 v5, v15;
	v13 =	vand.u32 $0x7E, v22  }
0x252: {  	v22 =	vld [tilespmem:s18+$0xFFFFFF90];
	[tilespmem:v27+s28+$0x0] =	vst.idx.msk $0xffff, v26;
	v62 =	vadd.s32 v5, v13  }
0x253: {  	v26 =	vadd.s32 v10, v21;
	[tilespmem:v25+s28+$0x0] =	vst.idx.msk $0xffff, v20;
	v20 =	vld [tilespmem:s20+$0xFFFFFFB0]  }
0x254: {  	v23 =	vld [tilespmem:s20+$0x0]  }
0x255: {  	v63 =	vadd.s32 v9, v16;
	v27 =	vld [tilespmem:s18+$0xFFFFFFE0];
	[tilespmem:v29+s28+$0x0] =	vst.idx.msk $0xffff, v28  }
0x256: {  	v31 =	vadd.s32 v9, v12;
	v29 =	vld [tilespmem:s18+$0xFFFFFF20];
	[tilespmem:v18+s28+$0x0] =	vst.idx.msk $0xffff, v17  }
0x257: {  	v33 =	vadd.s32 v11, v19;
	v32 =	vld [tilespmem:s20+$0xFFFFFF80];
	[tilespmem:v62+s28+$0x0] =	vst.idx.msk $0xffff, v22  }
0x258: {  	v25 =	vld [tilespmem:s18+$0xFFFFFF60];
	[tilespmem:v26+s28+$0x0] =	vst.idx.msk $0xffff, v20;
	v26 =	vadd.s32 v9, v15  }
0x259: {  	[tilespmem:v24+s28+$0x0] =	vst.idx.msk $0xffff, v23;
	v24 =	vadd.s32 v9, v13;
	v23 =	vld [tilespmem:s18+$0xFFFFFFA0]  }
0x25a: {  	[tilespmem:v63+s28+$0x0] =	vst.idx.msk $0xffff, v27;
	v22 =	vadd.s32 v11, v21;
	v19 =	vld [tilespmem:s20+$0xFFFFFFC0]  }
0x25b: {  	v20 =	vadd.s32 v10, v16;
	v17 =	vld [tilespmem:s18+$0xFFFFFFF0];
	[tilespmem:v31+s28+$0x0] =	vst.idx.msk $0xffff, v29  }
0x25c: {  	s7 =	simm.s32 $0x8;
	s9 =	simm.s32 $0xB;
	s8 =	simm.s32 $0xC;
	v21 =	vadd.s32 v10, v12;
	[tilespmem:v33+s28+$0x0] =	vst.idx.msk $0xffff, v32;
	v18 =	vld [tilespmem:s18+$0xFFFFFF30]  }
.LBB2_21:
0x25d: {  	p2 =	slt.u32 s8, $0x7C;
	v27 =	vmov s9;
	[tilespmem:v26+s28+$0x0] =	vst.idx.msk $0xffff, v25;
	v25 =	vld [tilespmem:s20+$0xFFFFFF40];
	v26 =	vadd.s32 v11, v14;
	v14 =	vmov v12;
	s20 =	smov.u32 s18  }
0x25e: {  	v12 =	vmov s7;
	v29 =	vadd.s32 v10, v15;
	s18 =	sadd.s32 $0x100, s18;
	v27 =	vand.u32 $0x7F, v27;
	v28 =	vld [tilespmem:s20+$0xFFFFFF70];
	[tilespmem:v24+s28+$0x0] =	vst.idx.msk $0xffff, v23  }
0x25f: {  	s9 =	sadd.s32 $0x1, s7;
	v12 =	vand.u32 $0x7C, v12;
	v23 =	vld [tilespmem:s18+$0xFFFFFFD0];
	v24 =	vadd.s32 v5, v27;
	[tilespmem:v22+s28+$0x0] =	vst.idx.msk $0xffff, v19  }
0x260: {  	v30 =	vmov s9;
	s9 =	sadd.s32 $0x2, s7;
	s7 =	smov.u32 s8;
	v22 =	vadd.s32 v5, v12;
	v19 =	vld [tilespmem:s18+$0xFFFFFF10];
	[tilespmem:v20+s28+$0x0] =	vst.idx.msk $0xffff, v17  }
0x261: {  	v17 =	vand.u32 $0x7D, v30;
	v20 =	vmov s9;
	[tilespmem:v21+s28+$0x0] =	vst.idx.msk $0xffff, v18;
	v18 =	vld [tilespmem:s20+$0x0];
	v21 =	vadd.s32 v11, v16;
	v16 =	vmovc v27  }
0x262: {  	v30 =	vadd.s32 v5, v17;
	v20 =	vand.u32 $0x7E, v20;
	v27 =	vld [tilespmem:s18+$0xFFFFFF50];
	[tilespmem:v26+s28+$0x0] =	vst.idx.msk $0xffff, v25  }
0x263: {  	v32 =	vadd.s32 v5, v20;
	v31 =	vld [tilespmem:s18+$0xFFFFFF90];
	[tilespmem:v29+s28+$0x0] =	vst.idx.msk $0xffff, v28  }
0x264: {  	v29 =	vadd.s32 v10, v13;
	[tilespmem:v24+s28+$0x0] =	vst.idx.msk $0xffff, v23;
	v28 =	vld [tilespmem:s20+$0xFFFFFFB0]  }
0x265: {  	[tilespmem:v22+s28+$0x0] =	vst.idx.msk $0xffff, v19;
	v19 =	vld [tilespmem:s18+$0xFFFFFFE0];
	v22 =	vadd.s32 v9, v16  }
0x266: {  	v34 =	vadd.s32 v9, v12;
	v33 =	vld [tilespmem:s18+$0xFFFFFF20];
	[tilespmem:v21+s28+$0x0] =	vst.idx.msk $0xffff, v18  }
0x267: {  	[tilespmem:v30+s28+$0x0] =	vst.idx.msk $0xffff, v27;
	v27 =	vld [tilespmem:s20+$0xFFFFFF80];
	v30 =	vadd.s32 v11, v15;
	v15 =	vmov v17  }
.Ltmp10:
0x268: {  	v25 =	vld [tilespmem:s18+$0xFFFFFF60];
	v26 =	vadd.s32 v9, v15;
	[tilespmem:v32+s28+$0x0] =	vst.idx.msk $0xffff, v31;
	(pc) =	sbr.rel @p2 .LBB2_21-.Ltmp10, $4  }
0x269: {  	v24 =	vadd.s32 v9, v20;
	v23 =	vld [tilespmem:s18+$0xFFFFFFA0];
	[tilespmem:v29+s28+$0x0] =	vst.idx.msk $0xffff, v28  }
0x26a: {  	[tilespmem:v22+s28+$0x0] =	vst.idx.msk $0xffff, v19;
	v19 =	vld [tilespmem:s20+$0xFFFFFFC0];
	v22 =	vadd.s32 v11, v13;
	v13 =	vmov v20  }
0x26b: {  	v20 =	vadd.s32 v10, v16;
	[tilespmem:v34+s28+$0x0] =	vst.idx.msk $0xffff, v33;
	v17 =	vld [tilespmem:s18+$0xFFFFFFF0]  }
0x26c: {  	s8 =	sadd.s32 $0x4, s8;
	s9 =	sadd.s32 $0x3, s7;
	v21 =	vadd.s32 v10, v12;
	v18 =	vld [tilespmem:s18+$0xFFFFFF30];
	[tilespmem:v30+s28+$0x0] =	vst.idx.msk $0xffff, v27  }
0x26d: {  	_ =	sdelay $0x2  }
0x26e: {  	v27 =	vmov s9;
	s26 =	sadd.s32 $0x1, s7  }
0x26f: {  	[tilespmem:v26+s28+$0x0] =	vst.idx.msk $0xffff, v25;
	v59 =	vld [tilespmem:s20+$0xFFFFFF40];
	v14 =	vadd.s32 v11, v14;
	s8 =	sadd.s32 $0x100, s18;
	v60 =	vand.u32 $0x7F, v27;
	v61 =	vmov s26  }
0x270: {  	[tilespmem:v24+s28+$0x0] =	vst.idx.msk $0xffff, v23;
	v62 =	vld [tilespmem:s8+$0xFFFFFFD0];
	v63 =	vadd.s32 v5, v60;
	v27 =	vand.u32 $0x7D, v61  }
0x271: {  	v29 =	vmov s7;
	s26 =	sadd.s32 $0x2, s7;
	v33 =	vld [tilespmem:s8+$0xFFFFFF50];
	[tilespmem:v22+s28+$0x0] =	vst.idx.msk $0xffff, v19;
	v34 =	vadd.s32 v5, v27  }
0x272: {  	v39 =	vadd.s32 v10, v15;
	v29 =	vand.u32 $0x7C, v29;
	v38 =	vld [tilespmem:s18+$0xFFFFFF70];
	v28 =	vmov s26;
	[tilespmem:v20+s28+$0x0] =	vst.idx.msk $0xffff, v17  }
0x273: {  	v30 =	vld [tilespmem:s8+$0xFFFFFF10];
	v37 =	vadd.s32 v5, v29;
	v28 =	vand.u32 $0x7E, v28;
	[tilespmem:v21+s28+$0x0] =	vst.idx.msk $0xffff, v18  }
0x274: {  	v35 =	vld [tilespmem:s8+$0xFFFFFF90];
	v36 =	vadd.s32 v5, v28;
	[tilespmem:v14+s28+$0x0] =	vst.idx.msk $0xffff, v59  }
0x275: {  	v47 =	vadd.s32 v10, v13;
	v46 =	vld [tilespmem:s18+$0xFFFFFFB0];
	[tilespmem:v63+s28+$0x0] =	vst.idx.msk $0xffff, v62  }
0x276: {  	v41 =	vadd.s32 v9, v60;
	v23 =	vld [tilespmem:s8+$0xFFFFFFE0];
	[tilespmem:v34+s28+$0x0] =	vst.idx.msk $0xffff, v33  }
0x277: {  	v42 =	vadd.s32 v9, v27;
	[tilespmem:v39+s28+$0x0] =	vst.idx.msk $0xffff, v38;
	v19 =	vld [tilespmem:s8+$0xFFFFFF60]  }
0x278: {  	v16 =	vadd.s32 v11, v16;
	v40 =	vld [tilespmem:s18+$0x0];
	[tilespmem:v37+s28+$0x0] =	vst.idx.msk $0xffff, v30  }
0x279: {  	v12 =	vadd.s32 v11, v12;
	v57 =	vld [tilespmem:s18+$0xFFFFFF40];
	[tilespmem:v36+s28+$0x0] =	vst.idx.msk $0xffff, v35  }
0x27a: {  	v43 =	vadd.s32 v9, v28;
	[tilespmem:v47+s28+$0x0] =	vst.idx.msk $0xffff, v46;
	v17 =	vld [tilespmem:s8+$0xFFFFFFA0]  }
0x27b: {  	v45 =	vadd.s32 v9, v29;
	v44 =	vld [tilespmem:s8+$0xFFFFFF20];
	[tilespmem:v41+s28+$0x0] =	vst.idx.msk $0xffff, v23  }
0x27c: {  	v50 =	vadd.s32 v10, v60;
	v23 =	vld [tilespmem:s8+$0xFFFFFFF0];
	[tilespmem:v42+s28+$0x0] =	vst.idx.msk $0xffff, v19  }
0x27d: {  	v51 =	vadd.s32 v10, v27;
	[tilespmem:v16+s28+$0x0] =	vst.idx.msk $0xffff, v40;
	v19 =	vld [tilespmem:s8+$0xFFFFFF70]  }
0x27e: {  	v49 =	vadd.s32 v11, v15;
	v48 =	vld [tilespmem:s18+$0xFFFFFF80];
	[tilespmem:v12+s28+$0x0] =	vst.idx.msk $0xffff, v57  }
0x27f: {  	v56 =	vadd.s32 v11, v13;
	v21 =	vld [tilespmem:s18+$0xFFFFFFC0];
	[tilespmem:v43+s28+$0x0] =	vst.idx.msk $0xffff, v17  }
0x280: {  	v53 =	vadd.s32 v10, v28;
	[tilespmem:v45+s28+$0x0] =	vst.idx.msk $0xffff, v44;
	v52 =	vld [tilespmem:s8+$0xFFFFFFB0]  }
0x281: {  	v55 =	vadd.s32 v10, v29;
	v54 =	vld [tilespmem:s8+$0xFFFFFF30];
	[tilespmem:v50+s28+$0x0] =	vst.idx.msk $0xffff, v23  }
0x282: {  	v59 =	vadd.s32 v11, v60;
	v58 =	vld [tilespmem:s8+$0x0];
	[tilespmem:v51+s28+$0x0] =	vst.idx.msk $0xffff, v19  }
0x283: {  	v60 =	vadd.s32 v11, v27;
	[tilespmem:v49+s28+$0x0] =	vst.idx.msk $0xffff, v48;
	v19 =	vld [tilespmem:s8+$0xFFFFFF80]  }
0x284: {  	[tilespmem:v56+s28+$0x0] =	vst.idx.msk $0xffff, v21  }
0x285: {  	[tilespmem:v53+s28+$0x0] =	vst.idx.msk $0xffff, v52  }
0x286: {  	v61 =	vadd.s32 v11, v28;
	[tilespmem:v55+s28+$0x0] =	vst.idx.msk $0xffff, v54;
	v14 =	vld [tilespmem:s8+$0xFFFFFFC0]  }
0x287: {  	v63 =	vadd.s32 v11, v29;
	v62 =	vld [tilespmem:s8+$0xFFFFFF40];
	[tilespmem:v59+s28+$0x0] =	vst.idx.msk $0xffff, v58  }
0x288: {  	[tilespmem:v60+s28+$0x0] =	vst.idx.msk $0xffff, v19  }
0x289: {  	s20 =	rddreg [dreg:$0x6]  }
0x28a: {  	s7 =	sadd.s32 s20, s13  }
0x28b: {  	[tilespmem:v61+s28+$0x0] =	vst.idx.msk $0xffff, v14;
	s7 =	sshrl.u32 s7, $0x3  }
0x28c: {  	s26 =	simm.s32 $0x15B00;
	[tilespmem:v63+s28+$0x0] =	vst.idx.msk $0xffff, v62;
	s8 =	sadd.s32 s2, s7  }
0x28d: {  	[hbm4b:s8+s3] =	stream.linear.scatter [tilespmem:s26], [sflag:$0xA], $0x80, $0x38;
	[tilespmem:$0x1C100] =	vst v63  }
0x28e: {  	s9 =	simm.s32 $0x15B88;
	s18 =	sadd.s32 $0x10, s8  }
0x28f: {  	[hbm4b:s18+s3] =	stream.linear.scatter [tilespmem:s9], [sflag:$0xA], $0x80, $0x38;
	[tilespmem:$0x1C100] =	vst v63  }
0x290: {  	s20 =	simm.s32 $0x15C10;
	s26 =	sadd.s32 $0x20, s8  }
0x291: {  	[hbm4b:s26+s3] =	stream.linear.scatter [tilespmem:s20], [sflag:$0xA], $0x80, $0x38;
	[tilespmem:$0x1C100] =	vst v63  }
0x292: {  	s9 =	simm.s32 $0x15C98;
	s18 =	sadd.s32 $0x30, s8  }
0x293: {  	[hbm4b:s18+s3] =	stream.linear.scatter [tilespmem:s9], [sflag:$0xA], $0x80, $0x38;
	[tilespmem:$0x1C100] =	vst v63  }
0x294: {  	s20 =	simm.s32 $0x15D20;
	s26 =	sadd.s32 $0x40, s8  }
0x295: {  	[hbm4b:s26+s3] =	stream.linear.scatter [tilespmem:s20], [sflag:$0xA], $0x80, $0x38;
	[tilespmem:$0x1C100] =	vst v63  }
0x296: {  	s7 =	simm.s32 $0x440;
	s9 =	simm.s32 $0x15DA8;
	s18 =	sadd.s32 $0x50, s8  }
0x297: {  	[hbm4b:s18+s3] =	stream.linear.scatter [tilespmem:s9], [sflag:$0xA], $0x80, $0x38;
	[tilespmem:$0x1C100] =	vst v63  }
0x298: {  	s20 =	simm.s32 $0x15E30;
	s26 =	sadd.s32 $0x60, s8;
	s18 =	simm.s32 $0x2200  }
0x299: {  	[hbm4b:s26+s3] =	stream.linear.scatter [tilespmem:s20], [sflag:$0xA], $0x80, $0x38;
	[tilespmem:$0x1C100] =	vst v63  }
0x29a: {  	s9 =	simm.s32 $0x15EB8;
	s20 =	sadd.s32 $0x70, s8;
	s8 =	sadd.s32 $0x1000, s8  }
.LBB2_23:
0x29b: {  	[hbm4b:s20+s3] =	stream.linear.scatter [tilespmem:s9], [sflag:$0xA], $0x80, $0x38;
	[tilespmem:$0x1C100] =	vst v63  }
0x29c: {  	s9 =	smov.u32 s7;
	s7 =	smov.u32 s18  }
0x29d: {  	s26 =	sadd.s32 $0x1100, s18;
	s7 =	sshra.s32 s7, $0x2;
	s20 =	sadd.s32 $0x15B00, s9  }
0x29e: {  	[hbm4b:s8+s3] =	stream.linear.scatter [tilespmem:s20], [sflag:$0xA], $0x80, $0x38;
	[tilespmem:$0x1C100] =	vst v63  }
0x29f: {  	p2 =	sne.s32 s18, $0x7700;
	s18 =	sadd.s32 $0x15B88, s9;
	s20 =	sadd.s32 $0x10, s8  }
0x2a0: {  	[hbm4b:s20+s3] =	stream.linear.scatter [tilespmem:s18], [sflag:$0xA], $0x80, $0x38;
	[tilespmem:$0x1C100] =	vst v63  }
0x2a1: {  	s18 =	sadd.s32 $0x15C10, s9;
	s20 =	sadd.s32 $0x20, s8  }
0x2a2: {  	[hbm4b:s20+s3] =	stream.linear.scatter [tilespmem:s18], [sflag:$0xA], $0x80, $0x38;
	[tilespmem:$0x1C100] =	vst v63  }
0x2a3: {  	s18 =	sadd.s32 $0x15C98, s9;
	s20 =	sadd.s32 $0x30, s8  }
0x2a4: {  	[hbm4b:s20+s3] =	stream.linear.scatter [tilespmem:s18], [sflag:$0xA], $0x80, $0x38;
	[tilespmem:$0x1C100] =	vst v63  }
0x2a5: {  	s18 =	sadd.s32 $0x15D20, s9;
	s20 =	sadd.s32 $0x40, s8  }
0x2a6: {  	[hbm4b:s20+s3] =	stream.linear.scatter [tilespmem:s18], [sflag:$0xA], $0x80, $0x38;
	[tilespmem:$0x1C100] =	vst v63  }
.Ltmp11:
0x2a7: {  	s18 =	sadd.s32 $0x15DA8, s9;
	s20 =	sadd.s32 $0x50, s8;
	(pc) =	sbr.rel @p2 .LBB2_23-.Ltmp11, $4  }
0x2a8: {  	[hbm4b:s20+s3] =	stream.linear.scatter [tilespmem:s18], [sflag:$0xA], $0x80, $0x38;
	[tilespmem:$0x1C100] =	vst v63  }
0x2a9: {  	s18 =	sadd.s32 $0x15E30, s9;
	s20 =	sadd.s32 $0x60, s8;
	s9 =	sadd.s32 $0x15EB8, s9  }
0x2aa: {  	[hbm4b:s20+s3] =	stream.linear.scatter [tilespmem:s18], [sflag:$0xA], $0x80, $0x38;
	[tilespmem:$0x1C100] =	vst v63  }
0x2ab: {  	s20 =	sadd.s32 $0x70, s8;
	s8 =	sadd.s32 $0x1000, s8;
	s18 =	smov.u32 s26  }
0x2ac: {  	[hbm4b:s20+s3] =	stream.linear.scatter [tilespmem:s9], [sflag:$0xA], $0x80, $0x38;
	[tilespmem:$0x1C100] =	vst v63  }
0x2ad: {  	s20 =	sadd.s32 $0x15B00, s7  }
0x2ae: {  	[hbm4b:s8+s3] =	stream.linear.scatter [tilespmem:s20], [sflag:$0xA], $0x80, $0x38;
	[tilespmem:$0x1C100] =	vst v63  }
0x2af: {  	s26 =	sadd.s32 $0x15B88, s7;
	s18 =	sadd.s32 $0x10, s8  }
0x2b0: {  	[hbm4b:s18+s3] =	stream.linear.scatter [tilespmem:s26], [sflag:$0xA], $0x80, $0x38;
	[tilespmem:$0x1C100] =	vst v63  }
0x2b1: {  	s20 =	sadd.s32 $0x15C10, s7;
	s26 =	sadd.s32 $0x20, s8  }
0x2b2: {  	[hbm4b:s26+s3] =	stream.linear.scatter [tilespmem:s20], [sflag:$0xA], $0x80, $0x38;
	[tilespmem:$0x1C100] =	vst v63  }
0x2b3: {  	s20 =	sadd.s32 $0x15C98, s7;
	s26 =	sadd.s32 $0x30, s8  }
0x2b4: {  	[hbm4b:s26+s3] =	stream.linear.scatter [tilespmem:s20], [sflag:$0xA], $0x80, $0x38;
	[tilespmem:$0x1C100] =	vst v63  }
0x2b5: {  	s20 =	sadd.s32 $0x15D20, s7;
	s26 =	sadd.s32 $0x40, s8  }
0x2b6: {  	[hbm4b:s26+s3] =	stream.linear.scatter [tilespmem:s20], [sflag:$0xA], $0x80, $0x38;
	[tilespmem:$0x1C100] =	vst v63  }
0x2b7: {  	s20 =	sadd.s32 $0x15DA8, s7;
	s26 =	sadd.s32 $0x50, s8  }
0x2b8: {  	[hbm4b:s26+s3] =	stream.linear.scatter [tilespmem:s20], [sflag:$0xA], $0x80, $0x38;
	[tilespmem:$0x1C100] =	vst v63  }
.Ltmp12:
0x2b9: {  	_ = 	snop;
	(pc) =	sbr.rel @p1 .LBB2_26-.Ltmp12, $4  }
0x2ba: {  	s20 =	sadd.s32 $0x15E30, s7;
	s26 =	sadd.s32 $0x60, s8  }
0x2bb: {  	[hbm4b:s26+s3] =	stream.linear.scatter [tilespmem:s20], [sflag:$0xA], $0x80, $0x38;
	[tilespmem:$0x1C100] =	vst v63  }
0x2bc: {  	s20 =	sadd.s32 $0x15EB8, s7;
	s26 =	sadd.s32 $0x70, s8  }
0x2bd: {  	[hbm4b:s26+s3] =	stream.linear.scatter [tilespmem:s20], [sflag:$0xA], $0x80, $0x38;
	[tilespmem:$0x1C100] =	vst v63  }
.Ltmp13:
0x2be: {  	(pc) =	sbr.rel .LBB2_27-.Ltmp13, $4  }
0x2bf: {  	_ = 	snop  }
0x2c0: {  	_ =	swait.ge [sflag:s5], $0x2000  }
0x2c1: {  	[sflag:s5] =	ssyncset.done $0x0  }
0x2c2: {  	[sflag:s5] =	ssyncadd.s32 $0xFFFFE000  }
.LBB2_26:
.Ltmp14:
0x2c3: {  	s7 =	sadd.s32 $0x2080, s29;
	s8 =	simm.s32 $0x9500;
	(pc) =	sbr.rel @p0 .LBB2_28-.Ltmp14, $4  }
0x2c4: {  	[tilespmem:s8], [sflag:$0x4] =	stream.indirect.gather [hbm4b:s4+s16], $0x40, s7, s16, $0xb8;
	[tilespmem:$0x1C100] =	vst v63  }
0x2c5: {  	_ =	swait.ge [sflag:s5], $0x2000  }
0x2c6: {  	[sflag:s5] =	ssyncset.done $0x0  }
0x2c7: {  	[sflag:s5] =	ssyncadd.s32 $0xFFFFE000  }
.LBB2_27:
0x2c8: {  	_ =	swait.ge [sflag:s14], $0x2000  }
0x2c9: {  	[sflag:s14] =	ssyncset.done $0x0  }
0x2ca: {  	[sflag:s14] =	ssyncadd.s32 $0xFFFFE000  }
.LBB2_28:
0x2cb: {  	s7 =	simm.s32 $0x3  }
0x2cc: {  	s8 =	simm.s32 $0x0;
	v12 =	vmov s7  }
0x2cd: {  	s20 =	simm.s32 $0xB5F0;
	v13 =	vand.u32 $0x7F, v12;
	v12 =	vmov s8  }
0x2ce: {  	s9 =	simm.s32 $0x1;
	v15 =	vld [tilespmem:s20+$0xFFFFFFD0];
	v16 =	vadd.s32 v5, v13;
	v14 =	vand.u32 $0x7C, v12  }
0x2cf: {  	v17 =	vld [tilespmem:s20+$0xFFFFFF10];
	v12 =	vmov s9;
	v18 =	vadd.s32 v5, v14  }
0x2d0: {  	s18 =	simm.s32 $0x2;
	v19 =	vand.u32 $0x7D, v12  }
0x2d1: {  	v21 =	vmov s18;
	v12 =	vld [tilespmem:s20+$0xFFFFFF50];
	v20 =	vadd.s32 v5, v19  }
0x2d2: {  	v21 =	vand.u32 $0x7E, v21  }
0x2d3: {  	v22 =	vld [tilespmem:s20+$0xFFFFFF90];
	v23 =	vadd.s32 v5, v21;
	[tilespmem:v16+s15+$0x0] =	vst.idx.msk $0xffff, v15  }
0x2d4: {  	v16 =	vadd.s32 v9, v13;
	v15 =	vld [tilespmem:s20+$0xFFFFFFE0];
	[tilespmem:v18+s15+$0x0] =	vst.idx.msk $0xffff, v17  }
0x2d5: {  	v18 =	vadd.s32 v9, v14;
	v17 =	vld [tilespmem:s20+$0xFFFFFF20]  }
0x2d6: {  	[tilespmem:v20+s15+$0x0] =	vst.idx.msk $0xffff, v12  }
0x2d7: {  	v20 =	vadd.s32 v9, v19;
	v12 =	vld [tilespmem:s20+$0xFFFFFF60]  }
0x2d8: {  	[tilespmem:v23+s15+$0x0] =	vst.idx.msk $0xffff, v22  }
0x2d9: {  	s26 =	simm.s32 $0x7;
	v24 =	vadd.s32 v9, v21;
	v23 =	vld [tilespmem:s20+$0xFFFFFFA0];
	[tilespmem:v16+s15+$0x0] =	vst.idx.msk $0xffff, v15  }
0x2da: {  	v22 =	vadd.s32 v10, v13;
	v16 =	vmov s26;
	v15 =	vld [tilespmem:s20+$0xFFFFFFF0];
	[tilespmem:v18+s15+$0x0] =	vst.idx.msk $0xffff, v17  }
0x2db: {  	s18 =	simm.s32 $0xB6F0;
	v18 =	vadd.s32 v10, v14;
	v16 =	vand.u32 $0x7F, v16;
	v17 =	vld [tilespmem:s20+$0xFFFFFF30]  }
0x2dc: {  	s8 =	simm.s32 $0x4;
	v26 =	vld [tilespmem:s18+$0xFFFFFFD0];
	[tilespmem:v20+s15+$0x0] =	vst.idx.msk $0xffff, v12;
	v27 =	vadd.s32 v5, v16  }
0x2dd: {  	s9 =	simm.s32 $0x5;
	v25 =	vadd.s32 v10, v19;
	v12 =	vmov s8;
	v20 =	vld [tilespmem:s20+$0xFFFFFF70]  }
0x2de: {  	v30 =	vmov s9;
	s26 =	simm.s32 $0x6;
	[tilespmem:v24+s15+$0x0] =	vst.idx.msk $0xffff, v23;
	v12 =	vand.u32 $0x7C, v12  }
0x2df: {  	v28 =	vld [tilespmem:s18+$0xFFFFFF10];
	v29 =	vadd.s32 v5, v12;
	[tilespmem:v22+s15+$0x0] =	vst.idx.msk $0xffff, v15;
	v15 =	vand.u32 $0x7D, v30;
	v22 =	vmov s26  }
0x2e0: {  	v24 =	vadd.s32 v11, v13;
	[tilespmem:v18+s15+$0x0] =	vst.idx.msk $0xffff, v17;
	v17 =	vld [tilespmem:s18+$0xFFFFFF50];
	v18 =	vadd.s32 v5, v15;
	v13 =	vand.u32 $0x7E, v22  }
0x2e1: {  	v22 =	vld [tilespmem:s18+$0xFFFFFF90];
	[tilespmem:v27+s15+$0x0] =	vst.idx.msk $0xffff, v26;
	v62 =	vadd.s32 v5, v13  }
0x2e2: {  	v26 =	vadd.s32 v10, v21;
	[tilespmem:v25+s15+$0x0] =	vst.idx.msk $0xffff, v20;
	v20 =	vld [tilespmem:s20+$0xFFFFFFB0]  }
0x2e3: {  	v23 =	vld [tilespmem:s20+$0x0]  }
0x2e4: {  	v63 =	vadd.s32 v9, v16;
	v27 =	vld [tilespmem:s18+$0xFFFFFFE0];
	[tilespmem:v29+s15+$0x0] =	vst.idx.msk $0xffff, v28  }
0x2e5: {  	v31 =	vadd.s32 v9, v12;
	v29 =	vld [tilespmem:s18+$0xFFFFFF20];
	[tilespmem:v18+s15+$0x0] =	vst.idx.msk $0xffff, v17  }
0x2e6: {  	v33 =	vadd.s32 v11, v19;
	v32 =	vld [tilespmem:s20+$0xFFFFFF80];
	[tilespmem:v62+s15+$0x0] =	vst.idx.msk $0xffff, v22  }
0x2e7: {  	v25 =	vld [tilespmem:s18+$0xFFFFFF60];
	[tilespmem:v26+s15+$0x0] =	vst.idx.msk $0xffff, v20;
	v26 =	vadd.s32 v9, v15  }
0x2e8: {  	[tilespmem:v24+s15+$0x0] =	vst.idx.msk $0xffff, v23;
	v24 =	vadd.s32 v9, v13;
	v23 =	vld [tilespmem:s18+$0xFFFFFFA0]  }
0x2e9: {  	[tilespmem:v63+s15+$0x0] =	vst.idx.msk $0xffff, v27;
	v22 =	vadd.s32 v11, v21;
	v19 =	vld [tilespmem:s20+$0xFFFFFFC0]  }
0x2ea: {  	v20 =	vadd.s32 v10, v16;
	v17 =	vld [tilespmem:s18+$0xFFFFFFF0];
	[tilespmem:v31+s15+$0x0] =	vst.idx.msk $0xffff, v29  }
0x2eb: {  	s7 =	simm.s32 $0x8;
	s9 =	simm.s32 $0xB;
	s8 =	simm.s32 $0xC;
	v21 =	vadd.s32 v10, v12;
	[tilespmem:v33+s15+$0x0] =	vst.idx.msk $0xffff, v32;
	v18 =	vld [tilespmem:s18+$0xFFFFFF30]  }
.LBB2_29:
0x2ec: {  	p2 =	slt.u32 s8, $0x7C;
	v27 =	vmov s9;
	[tilespmem:v26+s15+$0x0] =	vst.idx.msk $0xffff, v25;
	v25 =	vld [tilespmem:s20+$0xFFFFFF40];
	v26 =	vadd.s32 v11, v14;
	v14 =	vmov v12;
	s20 =	smov.u32 s18  }
0x2ed: {  	v12 =	vmov s7;
	v29 =	vadd.s32 v10, v15;
	s18 =	sadd.s32 $0x100, s18;
	v27 =	vand.u32 $0x7F, v27;
	v28 =	vld [tilespmem:s20+$0xFFFFFF70];
	[tilespmem:v24+s15+$0x0] =	vst.idx.msk $0xffff, v23  }
0x2ee: {  	s9 =	sadd.s32 $0x1, s7;
	v12 =	vand.u32 $0x7C, v12;
	v23 =	vld [tilespmem:s18+$0xFFFFFFD0];
	v24 =	vadd.s32 v5, v27;
	[tilespmem:v22+s15+$0x0] =	vst.idx.msk $0xffff, v19  }
0x2ef: {  	v30 =	vmov s9;
	s9 =	sadd.s32 $0x2, s7;
	s7 =	smov.u32 s8;
	v22 =	vadd.s32 v5, v12;
	v19 =	vld [tilespmem:s18+$0xFFFFFF10];
	[tilespmem:v20+s15+$0x0] =	vst.idx.msk $0xffff, v17  }
0x2f0: {  	v17 =	vand.u32 $0x7D, v30;
	v20 =	vmov s9;
	[tilespmem:v21+s15+$0x0] =	vst.idx.msk $0xffff, v18;
	v18 =	vld [tilespmem:s20+$0x0];
	v21 =	vadd.s32 v11, v16;
	v16 =	vmovc v27  }
0x2f1: {  	v30 =	vadd.s32 v5, v17;
	v20 =	vand.u32 $0x7E, v20;
	v27 =	vld [tilespmem:s18+$0xFFFFFF50];
	[tilespmem:v26+s15+$0x0] =	vst.idx.msk $0xffff, v25  }
0x2f2: {  	v32 =	vadd.s32 v5, v20;
	v31 =	vld [tilespmem:s18+$0xFFFFFF90];
	[tilespmem:v29+s15+$0x0] =	vst.idx.msk $0xffff, v28  }
0x2f3: {  	v29 =	vadd.s32 v10, v13;
	[tilespmem:v24+s15+$0x0] =	vst.idx.msk $0xffff, v23;
	v28 =	vld [tilespmem:s20+$0xFFFFFFB0]  }
0x2f4: {  	[tilespmem:v22+s15+$0x0] =	vst.idx.msk $0xffff, v19;
	v19 =	vld [tilespmem:s18+$0xFFFFFFE0];
	v22 =	vadd.s32 v9, v16  }
0x2f5: {  	v34 =	vadd.s32 v9, v12;
	v33 =	vld [tilespmem:s18+$0xFFFFFF20];
	[tilespmem:v21+s15+$0x0] =	vst.idx.msk $0xffff, v18  }
0x2f6: {  	[tilespmem:v30+s15+$0x0] =	vst.idx.msk $0xffff, v27;
	v27 =	vld [tilespmem:s20+$0xFFFFFF80];
	v30 =	vadd.s32 v11, v15;
	v15 =	vmov v17  }
.Ltmp15:
0x2f7: {  	v25 =	vld [tilespmem:s18+$0xFFFFFF60];
	v26 =	vadd.s32 v9, v15;
	[tilespmem:v32+s15+$0x0] =	vst.idx.msk $0xffff, v31;
	(pc) =	sbr.rel @p2 .LBB2_29-.Ltmp15, $4  }
0x2f8: {  	v24 =	vadd.s32 v9, v20;
	v23 =	vld [tilespmem:s18+$0xFFFFFFA0];
	[tilespmem:v29+s15+$0x0] =	vst.idx.msk $0xffff, v28  }
0x2f9: {  	[tilespmem:v22+s15+$0x0] =	vst.idx.msk $0xffff, v19;
	v19 =	vld [tilespmem:s20+$0xFFFFFFC0];
	v22 =	vadd.s32 v11, v13;
	v13 =	vmov v20  }
0x2fa: {  	v20 =	vadd.s32 v10, v16;
	[tilespmem:v34+s15+$0x0] =	vst.idx.msk $0xffff, v33;
	v17 =	vld [tilespmem:s18+$0xFFFFFFF0]  }
0x2fb: {  	s8 =	sadd.s32 $0x4, s8;
	s9 =	sadd.s32 $0x3, s7;
	v21 =	vadd.s32 v10, v12;
	v18 =	vld [tilespmem:s18+$0xFFFFFF30];
	[tilespmem:v30+s15+$0x0] =	vst.idx.msk $0xffff, v27  }
0x2fc: {  	_ =	sdelay $0x2  }
0x2fd: {  	v27 =	vmov s9  }
0x2fe: {  	s26 =	sadd.s32 $0x1, s7;
	[tilespmem:v26+s15+$0x0] =	vst.idx.msk $0xffff, v25;
	v59 =	vld [tilespmem:s20+$0xFFFFFF40];
	v14 =	vadd.s32 v11, v14;
	s8 =	sadd.s32 $0x100, s18;
	v29 =	vmov s7;
	v60 =	vand.u32 $0x7F, v27  }
0x2ff: {  	v61 =	vmov s26;
	s26 =	sadd.s32 $0x2, s7;
	[tilespmem:v24+s15+$0x0] =	vst.idx.msk $0xffff, v23;
	v62 =	vld [tilespmem:s8+$0xFFFFFFD0];
	v29 =	vand.u32 $0x7C, v29;
	v63 =	vadd.s32 v5, v60  }
0x300: {  	v30 =	vld [tilespmem:s8+$0xFFFFFF10];
	v27 =	vand.u32 $0x7D, v61;
	v28 =	vmov s26;
	[tilespmem:v22+s15+$0x0] =	vst.idx.msk $0xffff, v19;
	v37 =	vadd.s32 v5, v29  }
0x301: {  	v33 =	vld [tilespmem:s8+$0xFFFFFF50];
	v34 =	vadd.s32 v5, v27;
	v28 =	vand.u32 $0x7E, v28;
	[tilespmem:v20+s15+$0x0] =	vst.idx.msk $0xffff, v17  }
0x302: {  	v35 =	vld [tilespmem:s8+$0xFFFFFF90];
	v36 =	vadd.s32 v5, v28;
	[tilespmem:v21+s15+$0x0] =	vst.idx.msk $0xffff, v18  }
0x303: {  	v39 =	vadd.s32 v10, v15;
	v38 =	vld [tilespmem:s18+$0xFFFFFF70];
	[tilespmem:v14+s15+$0x0] =	vst.idx.msk $0xffff, v59  }
0x304: {  	v47 =	vadd.s32 v10, v13;
	v46 =	vld [tilespmem:s18+$0xFFFFFFB0];
	[tilespmem:v63+s15+$0x0] =	vst.idx.msk $0xffff, v62  }
0x305: {  	v41 =	vadd.s32 v9, v60;
	[tilespmem:v37+s15+$0x0] =	vst.idx.msk $0xffff, v30;
	v23 =	vld [tilespmem:s8+$0xFFFFFFE0]  }
0x306: {  	v45 =	vadd.s32 v9, v29;
	[tilespmem:v34+s15+$0x0] =	vst.idx.msk $0xffff, v33;
	v44 =	vld [tilespmem:s8+$0xFFFFFF20]  }
0x307: {  	v42 =	vadd.s32 v9, v27;
	v19 =	vld [tilespmem:s8+$0xFFFFFF60];
	[tilespmem:v36+s15+$0x0] =	vst.idx.msk $0xffff, v35  }
0x308: {  	v43 =	vadd.s32 v9, v28;
	[tilespmem:v39+s15+$0x0] =	vst.idx.msk $0xffff, v38;
	v17 =	vld [tilespmem:s8+$0xFFFFFFA0]  }
0x309: {  	v16 =	vadd.s32 v11, v16;
	v40 =	vld [tilespmem:s18+$0x0];
	[tilespmem:v47+s15+$0x0] =	vst.idx.msk $0xffff, v46  }
0x30a: {  	v12 =	vadd.s32 v11, v12;
	v57 =	vld [tilespmem:s18+$0xFFFFFF40];
	[tilespmem:v41+s15+$0x0] =	vst.idx.msk $0xffff, v23  }
0x30b: {  	v50 =	vadd.s32 v10, v60;
	[tilespmem:v45+s15+$0x0] =	vst.idx.msk $0xffff, v44;
	v23 =	vld [tilespmem:s8+$0xFFFFFFF0]  }
0x30c: {  	v55 =	vadd.s32 v10, v29;
	[tilespmem:v42+s15+$0x0] =	vst.idx.msk $0xffff, v19;
	v54 =	vld [tilespmem:s8+$0xFFFFFF30]  }
0x30d: {  	v51 =	vadd.s32 v10, v27;
	v19 =	vld [tilespmem:s8+$0xFFFFFF70];
	[tilespmem:v43+s15+$0x0] =	vst.idx.msk $0xffff, v17  }
0x30e: {  	v53 =	vadd.s32 v10, v28;
	[tilespmem:v16+s15+$0x0] =	vst.idx.msk $0xffff, v40;
	v52 =	vld [tilespmem:s8+$0xFFFFFFB0]  }
0x30f: {  	v49 =	vadd.s32 v11, v15;
	v48 =	vld [tilespmem:s18+$0xFFFFFF80];
	[tilespmem:v12+s15+$0x0] =	vst.idx.msk $0xffff, v57  }
0x310: {  	v56 =	vadd.s32 v11, v13;
	v21 =	vld [tilespmem:s18+$0xFFFFFFC0];
	[tilespmem:v50+s15+$0x0] =	vst.idx.msk $0xffff, v23  }
0x311: {  	v59 =	vadd.s32 v11, v60;
	[tilespmem:v55+s15+$0x0] =	vst.idx.msk $0xffff, v54;
	v58 =	vld [tilespmem:s8+$0x0]  }
0x312: {  	v63 =	vadd.s32 v11, v29;
	[tilespmem:v51+s15+$0x0] =	vst.idx.msk $0xffff, v19;
	v62 =	vld [tilespmem:s8+$0xFFFFFF40]  }
0x313: {  	v60 =	vadd.s32 v11, v27;
	v19 =	vld [tilespmem:s8+$0xFFFFFF80];
	[tilespmem:v53+s15+$0x0] =	vst.idx.msk $0xffff, v52  }
0x314: {  	v61 =	vadd.s32 v11, v28;
	[tilespmem:v49+s15+$0x0] =	vst.idx.msk $0xffff, v48;
	v14 =	vld [tilespmem:s8+$0xFFFFFFC0]  }
0x315: {  	[tilespmem:v56+s15+$0x0] =	vst.idx.msk $0xffff, v21  }
0x316: {  	[tilespmem:v59+s15+$0x0] =	vst.idx.msk $0xffff, v58  }
0x317: {  	s20 =	sadd.s32 s10, s13;
	[tilespmem:v63+s15+$0x0] =	vst.idx.msk $0xffff, v62  }
0x318: {  	s7 =	sshrl.u32 s20, $0x3;
	[tilespmem:v60+s15+$0x0] =	vst.idx.msk $0xffff, v19  }
0x319: {  	s26 =	simm.s32 $0x17D00;
	s8 =	sadd.s32 s2, s7;
	[tilespmem:v61+s15+$0x0] =	vst.idx.msk $0xffff, v14  }
0x31a: {  	[hbm4b:s8+s3] =	stream.linear.scatter [tilespmem:s26], [sflag:$0xB], $0x80, $0x38;
	[tilespmem:$0x1C100] =	vst v63  }
0x31b: {  	s9 =	simm.s32 $0x17D88;
	s18 =	sadd.s32 $0x10, s8  }
0x31c: {  	[hbm4b:s18+s3] =	stream.linear.scatter [tilespmem:s9], [sflag:$0xB], $0x80, $0x38;
	[tilespmem:$0x1C100] =	vst v63  }
0x31d: {  	s20 =	simm.s32 $0x17E10;
	s26 =	sadd.s32 $0x20, s8  }
0x31e: {  	[hbm4b:s26+s3] =	stream.linear.scatter [tilespmem:s20], [sflag:$0xB], $0x80, $0x38;
	[tilespmem:$0x1C100] =	vst v63  }
0x31f: {  	s9 =	simm.s32 $0x17E98;
	s18 =	sadd.s32 $0x30, s8  }
0x320: {  	[hbm4b:s18+s3] =	stream.linear.scatter [tilespmem:s9], [sflag:$0xB], $0x80, $0x38;
	[tilespmem:$0x1C100] =	vst v63  }
0x321: {  	s20 =	simm.s32 $0x17F20;
	s26 =	sadd.s32 $0x40, s8  }
0x322: {  	[hbm4b:s26+s3] =	stream.linear.scatter [tilespmem:s20], [sflag:$0xB], $0x80, $0x38;
	[tilespmem:$0x1C100] =	vst v63  }
0x323: {  	s7 =	simm.s32 $0x440;
	s9 =	simm.s32 $0x17FA8;
	s18 =	sadd.s32 $0x50, s8  }
0x324: {  	[hbm4b:s18+s3] =	stream.linear.scatter [tilespmem:s9], [sflag:$0xB], $0x80, $0x38;
	[tilespmem:$0x1C100] =	vst v63  }
0x325: {  	s20 =	simm.s32 $0x18030;
	s26 =	sadd.s32 $0x60, s8;
	s18 =	simm.s32 $0x2200  }
0x326: {  	[hbm4b:s26+s3] =	stream.linear.scatter [tilespmem:s20], [sflag:$0xB], $0x80, $0x38;
	[tilespmem:$0x1C100] =	vst v63  }
0x327: {  	s9 =	simm.s32 $0x180B8;
	s20 =	sadd.s32 $0x70, s8;
	s8 =	sadd.s32 $0x1000, s8  }
.LBB2_31:
0x328: {  	[hbm4b:s20+s3] =	stream.linear.scatter [tilespmem:s9], [sflag:$0xB], $0x80, $0x38;
	[tilespmem:$0x1C100] =	vst v63  }
0x329: {  	s9 =	smov.u32 s7;
	s7 =	smov.u32 s18  }
0x32a: {  	s26 =	sadd.s32 $0x1100, s18;
	s7 =	sshra.s32 s7, $0x2;
	s20 =	sadd.s32 $0x17D00, s9  }
0x32b: {  	[hbm4b:s8+s3] =	stream.linear.scatter [tilespmem:s20], [sflag:$0xB], $0x80, $0x38;
	[tilespmem:$0x1C100] =	vst v63  }
0x32c: {  	p2 =	sne.s32 s18, $0x7700;
	s18 =	sadd.s32 $0x17D88, s9;
	s20 =	sadd.s32 $0x10, s8  }
0x32d: {  	[hbm4b:s20+s3] =	stream.linear.scatter [tilespmem:s18], [sflag:$0xB], $0x80, $0x38;
	[tilespmem:$0x1C100] =	vst v63  }
0x32e: {  	s18 =	sadd.s32 $0x17E10, s9;
	s20 =	sadd.s32 $0x20, s8  }
0x32f: {  	[hbm4b:s20+s3] =	stream.linear.scatter [tilespmem:s18], [sflag:$0xB], $0x80, $0x38;
	[tilespmem:$0x1C100] =	vst v63  }
0x330: {  	s18 =	sadd.s32 $0x17E98, s9;
	s20 =	sadd.s32 $0x30, s8  }
0x331: {  	[hbm4b:s20+s3] =	stream.linear.scatter [tilespmem:s18], [sflag:$0xB], $0x80, $0x38;
	[tilespmem:$0x1C100] =	vst v63  }
0x332: {  	s18 =	sadd.s32 $0x17F20, s9;
	s20 =	sadd.s32 $0x40, s8  }
0x333: {  	[hbm4b:s20+s3] =	stream.linear.scatter [tilespmem:s18], [sflag:$0xB], $0x80, $0x38;
	[tilespmem:$0x1C100] =	vst v63  }
.Ltmp16:
0x334: {  	s18 =	sadd.s32 $0x17FA8, s9;
	s20 =	sadd.s32 $0x50, s8;
	(pc) =	sbr.rel @p2 .LBB2_31-.Ltmp16, $4  }
0x335: {  	[hbm4b:s20+s3] =	stream.linear.scatter [tilespmem:s18], [sflag:$0xB], $0x80, $0x38;
	[tilespmem:$0x1C100] =	vst v63  }
0x336: {  	s18 =	sadd.s32 $0x18030, s9;
	s20 =	sadd.s32 $0x60, s8;
	s9 =	sadd.s32 $0x180B8, s9  }
0x337: {  	[hbm4b:s20+s3] =	stream.linear.scatter [tilespmem:s18], [sflag:$0xB], $0x80, $0x38;
	[tilespmem:$0x1C100] =	vst v63  }
0x338: {  	s20 =	sadd.s32 $0x70, s8;
	s8 =	sadd.s32 $0x1000, s8;
	s18 =	smov.u32 s26  }
0x339: {  	[hbm4b:s20+s3] =	stream.linear.scatter [tilespmem:s9], [sflag:$0xB], $0x80, $0x38;
	[tilespmem:$0x1C100] =	vst v63  }
0x33a: {  	s20 =	sadd.s32 $0x17D00, s7  }
0x33b: {  	[hbm4b:s8+s3] =	stream.linear.scatter [tilespmem:s20], [sflag:$0xB], $0x80, $0x38;
	[tilespmem:$0x1C100] =	vst v63  }
0x33c: {  	s26 =	sadd.s32 $0x17D88, s7;
	s18 =	sadd.s32 $0x10, s8  }
0x33d: {  	[hbm4b:s18+s3] =	stream.linear.scatter [tilespmem:s26], [sflag:$0xB], $0x80, $0x38;
	[tilespmem:$0x1C100] =	vst v63  }
0x33e: {  	s20 =	sadd.s32 $0x17E10, s7;
	s26 =	sadd.s32 $0x20, s8  }
0x33f: {  	[hbm4b:s26+s3] =	stream.linear.scatter [tilespmem:s20], [sflag:$0xB], $0x80, $0x38;
	[tilespmem:$0x1C100] =	vst v63  }
0x340: {  	s20 =	sadd.s32 $0x17E98, s7;
	s26 =	sadd.s32 $0x30, s8  }
0x341: {  	[hbm4b:s26+s3] =	stream.linear.scatter [tilespmem:s20], [sflag:$0xB], $0x80, $0x38;
	[tilespmem:$0x1C100] =	vst v63  }
0x342: {  	s20 =	sadd.s32 $0x17F20, s7;
	s26 =	sadd.s32 $0x40, s8  }
0x343: {  	[hbm4b:s26+s3] =	stream.linear.scatter [tilespmem:s20], [sflag:$0xB], $0x80, $0x38;
	[tilespmem:$0x1C100] =	vst v63  }
0x344: {  	s20 =	sadd.s32 $0x17FA8, s7;
	s26 =	sadd.s32 $0x50, s8  }
0x345: {  	[hbm4b:s26+s3] =	stream.linear.scatter [tilespmem:s20], [sflag:$0xB], $0x80, $0x38;
	[tilespmem:$0x1C100] =	vst v63  }
.Ltmp17:
0x346: {  	_ = 	snop;
	(pc) =	sbr.rel @p1 .LBB2_34-.Ltmp17, $4  }
0x347: {  	s20 =	sadd.s32 $0x18030, s7;
	s26 =	sadd.s32 $0x60, s8  }
0x348: {  	[hbm4b:s26+s3] =	stream.linear.scatter [tilespmem:s20], [sflag:$0xB], $0x80, $0x38;
	[tilespmem:$0x1C100] =	vst v63  }
0x349: {  	s20 =	sadd.s32 $0x180B8, s7;
	s26 =	sadd.s32 $0x70, s8  }
0x34a: {  	[hbm4b:s26+s3] =	stream.linear.scatter [tilespmem:s20], [sflag:$0xB], $0x80, $0x38;
	[tilespmem:$0x1C100] =	vst v63  }
.Ltmp18:
0x34b: {  	(pc) =	sbr.rel .LBB2_35-.Ltmp18, $4  }
0x34c: {  	_ = 	snop  }
0x34d: {  	_ =	swait.ge [sflag:s19], $0x2000  }
0x34e: {  	[sflag:s19] =	ssyncset.done $0x0  }
0x34f: {  	[sflag:s19] =	ssyncadd.s32 $0xFFFFE000  }
.LBB2_34:
.Ltmp19:
0x350: {  	s7 =	sadd.s32 $0x2100, s29;
	s8 =	simm.s32 $0xB500;
	(pc) =	sbr.rel @p0 .LBB2_36-.Ltmp19, $4  }
0x351: {  	[tilespmem:s8], [sflag:$0x5] =	stream.indirect.gather [hbm4b:s4+s16], $0x40, s7, s16, $0xb8;
	[tilespmem:$0x1C100] =	vst v63  }
0x352: {  	_ =	swait.ge [sflag:s19], $0x2000  }
0x353: {  	[sflag:s19] =	ssyncset.done $0x0  }
0x354: {  	[sflag:s19] =	ssyncadd.s32 $0xFFFFE000  }
.LBB2_35:
0x355: {  	_ =	swait.ge [sflag:s22], $0x2000  }
0x356: {  	[sflag:s22] =	ssyncset.done $0x0  }
0x357: {  	[sflag:s22] =	ssyncadd.s32 $0xFFFFE000  }
.LBB2_36:
0x358: {  	s7 =	simm.s32 $0x3  }
0x359: {  	s8 =	simm.s32 $0x0;
	v12 =	vmov s7  }
0x35a: {  	s20 =	simm.s32 $0xD5F0;
	v13 =	vand.u32 $0x7F, v12;
	v12 =	vmov s8  }
0x35b: {  	s9 =	simm.s32 $0x1;
	v15 =	vld [tilespmem:s20+$0xFFFFFFD0];
	v16 =	vadd.s32 v5, v13;
	v14 =	vand.u32 $0x7C, v12  }
0x35c: {  	v17 =	vld [tilespmem:s20+$0xFFFFFF10];
	v12 =	vmov s9;
	v18 =	vadd.s32 v5, v14  }
0x35d: {  	s18 =	simm.s32 $0x2;
	v19 =	vand.u32 $0x7D, v12  }
0x35e: {  	v21 =	vmov s18;
	v12 =	vld [tilespmem:s20+$0xFFFFFF50];
	v20 =	vadd.s32 v5, v19  }
0x35f: {  	v21 =	vand.u32 $0x7E, v21  }
0x360: {  	v22 =	vld [tilespmem:s20+$0xFFFFFF90];
	v23 =	vadd.s32 v5, v21;
	[tilespmem:v16+s24+$0x0] =	vst.idx.msk $0xffff, v15  }
0x361: {  	v16 =	vadd.s32 v9, v13;
	v15 =	vld [tilespmem:s20+$0xFFFFFFE0];
	[tilespmem:v18+s24+$0x0] =	vst.idx.msk $0xffff, v17  }
0x362: {  	v18 =	vadd.s32 v9, v14;
	v17 =	vld [tilespmem:s20+$0xFFFFFF20]  }
0x363: {  	[tilespmem:v20+s24+$0x0] =	vst.idx.msk $0xffff, v12  }
0x364: {  	v20 =	vadd.s32 v9, v19;
	v12 =	vld [tilespmem:s20+$0xFFFFFF60]  }
0x365: {  	[tilespmem:v23+s24+$0x0] =	vst.idx.msk $0xffff, v22  }
0x366: {  	s26 =	simm.s32 $0x7;
	v24 =	vadd.s32 v9, v21;
	v23 =	vld [tilespmem:s20+$0xFFFFFFA0];
	[tilespmem:v16+s24+$0x0] =	vst.idx.msk $0xffff, v15  }
0x367: {  	v22 =	vadd.s32 v10, v13;
	v16 =	vmov s26;
	v15 =	vld [tilespmem:s20+$0xFFFFFFF0];
	[tilespmem:v18+s24+$0x0] =	vst.idx.msk $0xffff, v17  }
0x368: {  	s18 =	simm.s32 $0xD6F0;
	v18 =	vadd.s32 v10, v14;
	v16 =	vand.u32 $0x7F, v16;
	v17 =	vld [tilespmem:s20+$0xFFFFFF30]  }
0x369: {  	s8 =	simm.s32 $0x4;
	v26 =	vld [tilespmem:s18+$0xFFFFFFD0];
	[tilespmem:v20+s24+$0x0] =	vst.idx.msk $0xffff, v12;
	v27 =	vadd.s32 v5, v16  }
0x36a: {  	s9 =	simm.s32 $0x5;
	v25 =	vadd.s32 v10, v19;
	v12 =	vmov s8;
	v20 =	vld [tilespmem:s20+$0xFFFFFF70]  }
0x36b: {  	v30 =	vmov s9;
	s26 =	simm.s32 $0x6;
	[tilespmem:v24+s24+$0x0] =	vst.idx.msk $0xffff, v23;
	v12 =	vand.u32 $0x7C, v12  }
0x36c: {  	v28 =	vld [tilespmem:s18+$0xFFFFFF10];
	v29 =	vadd.s32 v5, v12;
	[tilespmem:v22+s24+$0x0] =	vst.idx.msk $0xffff, v15;
	v15 =	vand.u32 $0x7D, v30;
	v22 =	vmov s26  }
0x36d: {  	v24 =	vadd.s32 v11, v13;
	[tilespmem:v18+s24+$0x0] =	vst.idx.msk $0xffff, v17;
	v17 =	vld [tilespmem:s18+$0xFFFFFF50];
	v18 =	vadd.s32 v5, v15;
	v13 =	vand.u32 $0x7E, v22  }
0x36e: {  	v22 =	vld [tilespmem:s18+$0xFFFFFF90];
	[tilespmem:v27+s24+$0x0] =	vst.idx.msk $0xffff, v26;
	v62 =	vadd.s32 v5, v13  }
0x36f: {  	v26 =	vadd.s32 v10, v21;
	[tilespmem:v25+s24+$0x0] =	vst.idx.msk $0xffff, v20;
	v20 =	vld [tilespmem:s20+$0xFFFFFFB0]  }
0x370: {  	v23 =	vld [tilespmem:s20+$0x0]  }
0x371: {  	v63 =	vadd.s32 v9, v16;
	v27 =	vld [tilespmem:s18+$0xFFFFFFE0];
	[tilespmem:v29+s24+$0x0] =	vst.idx.msk $0xffff, v28  }
0x372: {  	v31 =	vadd.s32 v9, v12;
	v29 =	vld [tilespmem:s18+$0xFFFFFF20];
	[tilespmem:v18+s24+$0x0] =	vst.idx.msk $0xffff, v17  }
0x373: {  	v33 =	vadd.s32 v11, v19;
	v32 =	vld [tilespmem:s20+$0xFFFFFF80];
	[tilespmem:v62+s24+$0x0] =	vst.idx.msk $0xffff, v22  }
0x374: {  	v25 =	vld [tilespmem:s18+$0xFFFFFF60];
	[tilespmem:v26+s24+$0x0] =	vst.idx.msk $0xffff, v20;
	v26 =	vadd.s32 v9, v15  }
0x375: {  	[tilespmem:v24+s24+$0x0] =	vst.idx.msk $0xffff, v23;
	v24 =	vadd.s32 v9, v13;
	v23 =	vld [tilespmem:s18+$0xFFFFFFA0]  }
0x376: {  	[tilespmem:v63+s24+$0x0] =	vst.idx.msk $0xffff, v27;
	v22 =	vadd.s32 v11, v21;
	v19 =	vld [tilespmem:s20+$0xFFFFFFC0]  }
0x377: {  	v20 =	vadd.s32 v10, v16;
	v17 =	vld [tilespmem:s18+$0xFFFFFFF0];
	[tilespmem:v31+s24+$0x0] =	vst.idx.msk $0xffff, v29  }
0x378: {  	s7 =	simm.s32 $0x8;
	s9 =	simm.s32 $0xB;
	s8 =	simm.s32 $0xC;
	v21 =	vadd.s32 v10, v12;
	[tilespmem:v33+s24+$0x0] =	vst.idx.msk $0xffff, v32;
	v18 =	vld [tilespmem:s18+$0xFFFFFF30]  }
.LBB2_37:
0x379: {  	p0 =	slt.u32 s8, $0x7C;
	v27 =	vmov s9;
	[tilespmem:v26+s24+$0x0] =	vst.idx.msk $0xffff, v25;
	v25 =	vld [tilespmem:s20+$0xFFFFFF40];
	v26 =	vadd.s32 v11, v14;
	v14 =	vmov v12;
	s20 =	smov.u32 s18  }
0x37a: {  	v12 =	vmov s7;
	v29 =	vadd.s32 v10, v15;
	s18 =	sadd.s32 $0x100, s18;
	v27 =	vand.u32 $0x7F, v27;
	v28 =	vld [tilespmem:s20+$0xFFFFFF70];
	[tilespmem:v24+s24+$0x0] =	vst.idx.msk $0xffff, v23  }
0x37b: {  	s9 =	sadd.s32 $0x1, s7;
	v12 =	vand.u32 $0x7C, v12;
	v23 =	vld [tilespmem:s18+$0xFFFFFFD0];
	v24 =	vadd.s32 v5, v27;
	[tilespmem:v22+s24+$0x0] =	vst.idx.msk $0xffff, v19  }
0x37c: {  	v30 =	vmov s9;
	s9 =	sadd.s32 $0x2, s7;
	s7 =	smov.u32 s8;
	v22 =	vadd.s32 v5, v12;
	v19 =	vld [tilespmem:s18+$0xFFFFFF10];
	[tilespmem:v20+s24+$0x0] =	vst.idx.msk $0xffff, v17  }
0x37d: {  	v17 =	vand.u32 $0x7D, v30;
	v20 =	vmov s9;
	[tilespmem:v21+s24+$0x0] =	vst.idx.msk $0xffff, v18;
	v18 =	vld [tilespmem:s20+$0x0];
	v21 =	vadd.s32 v11, v16;
	v16 =	vmovc v27  }
0x37e: {  	v30 =	vadd.s32 v5, v17;
	v20 =	vand.u32 $0x7E, v20;
	v27 =	vld [tilespmem:s18+$0xFFFFFF50];
	[tilespmem:v26+s24+$0x0] =	vst.idx.msk $0xffff, v25  }
0x37f: {  	v32 =	vadd.s32 v5, v20;
	v31 =	vld [tilespmem:s18+$0xFFFFFF90];
	[tilespmem:v29+s24+$0x0] =	vst.idx.msk $0xffff, v28  }
0x380: {  	v29 =	vadd.s32 v10, v13;
	[tilespmem:v24+s24+$0x0] =	vst.idx.msk $0xffff, v23;
	v28 =	vld [tilespmem:s20+$0xFFFFFFB0]  }
0x381: {  	[tilespmem:v22+s24+$0x0] =	vst.idx.msk $0xffff, v19;
	v19 =	vld [tilespmem:s18+$0xFFFFFFE0];
	v22 =	vadd.s32 v9, v16  }
0x382: {  	v34 =	vadd.s32 v9, v12;
	v33 =	vld [tilespmem:s18+$0xFFFFFF20];
	[tilespmem:v21+s24+$0x0] =	vst.idx.msk $0xffff, v18  }
0x383: {  	[tilespmem:v30+s24+$0x0] =	vst.idx.msk $0xffff, v27;
	v27 =	vld [tilespmem:s20+$0xFFFFFF80];
	v30 =	vadd.s32 v11, v15;
	v15 =	vmov v17  }
.Ltmp20:
0x384: {  	v25 =	vld [tilespmem:s18+$0xFFFFFF60];
	v26 =	vadd.s32 v9, v15;
	[tilespmem:v32+s24+$0x0] =	vst.idx.msk $0xffff, v31;
	(pc) =	sbr.rel @p0 .LBB2_37-.Ltmp20, $4  }
0x385: {  	v24 =	vadd.s32 v9, v20;
	v23 =	vld [tilespmem:s18+$0xFFFFFFA0];
	[tilespmem:v29+s24+$0x0] =	vst.idx.msk $0xffff, v28  }
0x386: {  	[tilespmem:v22+s24+$0x0] =	vst.idx.msk $0xffff, v19;
	v19 =	vld [tilespmem:s20+$0xFFFFFFC0];
	v22 =	vadd.s32 v11, v13;
	v13 =	vmov v20  }
0x387: {  	v20 =	vadd.s32 v10, v16;
	[tilespmem:v34+s24+$0x0] =	vst.idx.msk $0xffff, v33;
	v17 =	vld [tilespmem:s18+$0xFFFFFFF0]  }
0x388: {  	s8 =	sadd.s32 $0x4, s8;
	s9 =	sadd.s32 $0x3, s7;
	v21 =	vadd.s32 v10, v12;
	v18 =	vld [tilespmem:s18+$0xFFFFFF30];
	[tilespmem:v30+s24+$0x0] =	vst.idx.msk $0xffff, v27  }
0x389: {  	_ =	sdelay $0x2  }
0x38a: {  	v27 =	vmov s9  }
0x38b: {  	s26 =	sadd.s32 $0x1, s7;
	[tilespmem:v26+s24+$0x0] =	vst.idx.msk $0xffff, v25;
	v59 =	vld [tilespmem:s20+$0xFFFFFF40];
	v14 =	vadd.s32 v11, v14;
	s8 =	sadd.s32 $0x100, s18;
	v29 =	vmov s7;
	v60 =	vand.u32 $0x7F, v27  }
0x38c: {  	v61 =	vmov s26;
	s26 =	sadd.s32 $0x2, s7;
	[tilespmem:v24+s24+$0x0] =	vst.idx.msk $0xffff, v23;
	v62 =	vld [tilespmem:s8+$0xFFFFFFD0];
	v29 =	vand.u32 $0x7C, v29;
	v63 =	vadd.s32 v5, v60  }
0x38d: {  	v30 =	vld [tilespmem:s8+$0xFFFFFF10];
	v27 =	vand.u32 $0x7D, v61;
	v28 =	vmov s26;
	[tilespmem:v22+s24+$0x0] =	vst.idx.msk $0xffff, v19;
	v37 =	vadd.s32 v5, v29  }
0x38e: {  	v33 =	vld [tilespmem:s8+$0xFFFFFF50];
	v34 =	vadd.s32 v5, v27;
	v28 =	vand.u32 $0x7E, v28;
	[tilespmem:v20+s24+$0x0] =	vst.idx.msk $0xffff, v17  }
0x38f: {  	v35 =	vld [tilespmem:s8+$0xFFFFFF90];
	v36 =	vadd.s32 v5, v28;
	[tilespmem:v21+s24+$0x0] =	vst.idx.msk $0xffff, v18  }
0x390: {  	v39 =	vadd.s32 v10, v15;
	v38 =	vld [tilespmem:s18+$0xFFFFFF70];
	[tilespmem:v14+s24+$0x0] =	vst.idx.msk $0xffff, v59  }
0x391: {  	v47 =	vadd.s32 v10, v13;
	v46 =	vld [tilespmem:s18+$0xFFFFFFB0];
	[tilespmem:v63+s24+$0x0] =	vst.idx.msk $0xffff, v62  }
0x392: {  	v41 =	vadd.s32 v9, v60;
	[tilespmem:v37+s24+$0x0] =	vst.idx.msk $0xffff, v30;
	v23 =	vld [tilespmem:s8+$0xFFFFFFE0]  }
0x393: {  	v45 =	vadd.s32 v9, v29;
	[tilespmem:v34+s24+$0x0] =	vst.idx.msk $0xffff, v33;
	v44 =	vld [tilespmem:s8+$0xFFFFFF20]  }
0x394: {  	v42 =	vadd.s32 v9, v27;
	v19 =	vld [tilespmem:s8+$0xFFFFFF60];
	[tilespmem:v36+s24+$0x0] =	vst.idx.msk $0xffff, v35  }
0x395: {  	v43 =	vadd.s32 v9, v28;
	[tilespmem:v39+s24+$0x0] =	vst.idx.msk $0xffff, v38;
	v17 =	vld [tilespmem:s8+$0xFFFFFFA0]  }
0x396: {  	v16 =	vadd.s32 v11, v16;
	v40 =	vld [tilespmem:s18+$0x0];
	[tilespmem:v47+s24+$0x0] =	vst.idx.msk $0xffff, v46  }
0x397: {  	v12 =	vadd.s32 v11, v12;
	v57 =	vld [tilespmem:s18+$0xFFFFFF40];
	[tilespmem:v41+s24+$0x0] =	vst.idx.msk $0xffff, v23  }
0x398: {  	v50 =	vadd.s32 v10, v60;
	[tilespmem:v45+s24+$0x0] =	vst.idx.msk $0xffff, v44;
	v23 =	vld [tilespmem:s8+$0xFFFFFFF0]  }
0x399: {  	v55 =	vadd.s32 v10, v29;
	[tilespmem:v42+s24+$0x0] =	vst.idx.msk $0xffff, v19;
	v54 =	vld [tilespmem:s8+$0xFFFFFF30]  }
0x39a: {  	v51 =	vadd.s32 v10, v27;
	v19 =	vld [tilespmem:s8+$0xFFFFFF70];
	[tilespmem:v43+s24+$0x0] =	vst.idx.msk $0xffff, v17  }
0x39b: {  	v53 =	vadd.s32 v10, v28;
	[tilespmem:v16+s24+$0x0] =	vst.idx.msk $0xffff, v40;
	v52 =	vld [tilespmem:s8+$0xFFFFFFB0]  }
0x39c: {  	v49 =	vadd.s32 v11, v15;
	v48 =	vld [tilespmem:s18+$0xFFFFFF80];
	[tilespmem:v12+s24+$0x0] =	vst.idx.msk $0xffff, v57  }
0x39d: {  	v56 =	vadd.s32 v11, v13;
	v21 =	vld [tilespmem:s18+$0xFFFFFFC0];
	[tilespmem:v50+s24+$0x0] =	vst.idx.msk $0xffff, v23  }
0x39e: {  	v59 =	vadd.s32 v11, v60;
	[tilespmem:v55+s24+$0x0] =	vst.idx.msk $0xffff, v54;
	v58 =	vld [tilespmem:s8+$0x0]  }
0x39f: {  	v63 =	vadd.s32 v11, v29;
	[tilespmem:v51+s24+$0x0] =	vst.idx.msk $0xffff, v19;
	v62 =	vld [tilespmem:s8+$0xFFFFFF40]  }
0x3a0: {  	v60 =	vadd.s32 v11, v27;
	v19 =	vld [tilespmem:s8+$0xFFFFFF80];
	[tilespmem:v53+s24+$0x0] =	vst.idx.msk $0xffff, v52  }
0x3a1: {  	v61 =	vadd.s32 v11, v28;
	[tilespmem:v49+s24+$0x0] =	vst.idx.msk $0xffff, v48;
	v14 =	vld [tilespmem:s8+$0xFFFFFFC0]  }
0x3a2: {  	[tilespmem:v56+s24+$0x0] =	vst.idx.msk $0xffff, v21  }
0x3a3: {  	[tilespmem:v59+s24+$0x0] =	vst.idx.msk $0xffff, v58  }
0x3a4: {  	s8 =	sadd.s32 s11, s13;
	[tilespmem:v63+s24+$0x0] =	vst.idx.msk $0xffff, v62  }
0x3a5: {  	s7 =	sshrl.u32 s8, $0x3;
	[tilespmem:v60+s24+$0x0] =	vst.idx.msk $0xffff, v19  }
0x3a6: {  	s9 =	simm.s32 $0x19F00;
	s8 =	sadd.s32 s2, s7;
	[tilespmem:v61+s24+$0x0] =	vst.idx.msk $0xffff, v14  }
0x3a7: {  	[hbm4b:s8+s3] =	stream.linear.scatter [tilespmem:s9], [sflag:$0xC], $0x80, $0x38;
	[tilespmem:$0x1C100] =	vst v63  }
0x3a8: {  	s13 =	simm.s32 $0x19F88;
	s18 =	sadd.s32 $0x10, s8  }
0x3a9: {  	[hbm4b:s18+s3] =	stream.linear.scatter [tilespmem:s13], [sflag:$0xC], $0x80, $0x38;
	[tilespmem:$0x1C100] =	vst v63  }
0x3aa: {  	s20 =	simm.s32 $0x1A010;
	s7 =	simm.s32 $0x440;
	s26 =	sadd.s32 $0x20, s8  }
0x3ab: {  	[hbm4b:s26+s3] =	stream.linear.scatter [tilespmem:s20], [sflag:$0xC], $0x80, $0x38;
	[tilespmem:$0x1C100] =	vst v63  }
0x3ac: {  	s9 =	simm.s32 $0x1A2B8;
	s13 =	simm.s32 $0x1A098;
	s18 =	sadd.s32 $0x30, s8  }
0x3ad: {  	[hbm4b:s18+s3] =	stream.linear.scatter [tilespmem:s13], [sflag:$0xC], $0x80, $0x38;
	[tilespmem:$0x1C100] =	vst v63  }
0x3ae: {  	s20 =	simm.s32 $0x1A120;
	s26 =	sadd.s32 $0x40, s8;
	s13 =	simm.s32 $0x1A1A8  }
0x3af: {  	[hbm4b:s26+s3] =	stream.linear.scatter [tilespmem:s20], [sflag:$0xC], $0x80, $0x38;
	[tilespmem:$0x1C100] =	vst v63  }
0x3b0: {  	s18 =	sadd.s32 $0x50, s8;
	s20 =	simm.s32 $0x1A230;
	s26 =	sadd.s32 $0x60, s8  }
0x3b1: {  	[hbm4b:s18+s3] =	stream.linear.scatter [tilespmem:s13], [sflag:$0xC], $0x80, $0x38;
	[tilespmem:$0x1C100] =	vst v63  }
0x3b2: {  	s13 =	simm.s32 $0x2200;
	s18 =	sadd.s32 $0x70, s8;
	s8 =	sadd.s32 $0x1000, s8  }
0x3b3: {  	[hbm4b:s26+s3] =	stream.linear.scatter [tilespmem:s20], [sflag:$0xC], $0x80, $0x38;
	[tilespmem:$0x1C100] =	vst v63  }
.LBB2_39:
0x3b4: {  	[hbm4b:s18+s3] =	stream.linear.scatter [tilespmem:s9], [sflag:$0xC], $0x80, $0x38;
	[tilespmem:$0x1C100] =	vst v63  }
0x3b5: {  	s9 =	smov.u32 s7;
	s7 =	smov.u32 s13  }
0x3b6: {  	s20 =	sadd.s32 $0x1100, s13;
	s7 =	sshra.s32 s7, $0x2;
	s18 =	sadd.s32 $0x19F00, s9  }
0x3b7: {  	[hbm4b:s8+s3] =	stream.linear.scatter [tilespmem:s18], [sflag:$0xC], $0x80, $0x38;
	[tilespmem:$0x1C100] =	vst v63  }
0x3b8: {  	p0 =	sne.s32 s13, $0x7700;
	s13 =	sadd.s32 $0x19F88, s9;
	s18 =	sadd.s32 $0x10, s8  }
0x3b9: {  	[hbm4b:s18+s3] =	stream.linear.scatter [tilespmem:s13], [sflag:$0xC], $0x80, $0x38;
	[tilespmem:$0x1C100] =	vst v63  }
0x3ba: {  	s13 =	sadd.s32 $0x1A010, s9;
	s18 =	sadd.s32 $0x20, s8  }
0x3bb: {  	[hbm4b:s18+s3] =	stream.linear.scatter [tilespmem:s13], [sflag:$0xC], $0x80, $0x38;
	[tilespmem:$0x1C100] =	vst v63  }
0x3bc: {  	s13 =	sadd.s32 $0x1A098, s9;
	s18 =	sadd.s32 $0x30, s8  }
0x3bd: {  	[hbm4b:s18+s3] =	stream.linear.scatter [tilespmem:s13], [sflag:$0xC], $0x80, $0x38;
	[tilespmem:$0x1C100] =	vst v63  }
0x3be: {  	s13 =	sadd.s32 $0x1A120, s9;
	s18 =	sadd.s32 $0x40, s8  }
0x3bf: {  	[hbm4b:s18+s3] =	stream.linear.scatter [tilespmem:s13], [sflag:$0xC], $0x80, $0x38;
	[tilespmem:$0x1C100] =	vst v63  }
.Ltmp21:
0x3c0: {  	s13 =	sadd.s32 $0x1A1A8, s9;
	s18 =	sadd.s32 $0x50, s8;
	(pc) =	sbr.rel @p0 .LBB2_39-.Ltmp21, $4  }
0x3c1: {  	[hbm4b:s18+s3] =	stream.linear.scatter [tilespmem:s13], [sflag:$0xC], $0x80, $0x38;
	[tilespmem:$0x1C100] =	vst v63  }
0x3c2: {  	s13 =	sadd.s32 $0x1A230, s9;
	s18 =	sadd.s32 $0x60, s8;
	s9 =	sadd.s32 $0x1A2B8, s9  }
0x3c3: {  	[hbm4b:s18+s3] =	stream.linear.scatter [tilespmem:s13], [sflag:$0xC], $0x80, $0x38;
	[tilespmem:$0x1C100] =	vst v63  }
0x3c4: {  	s18 =	sadd.s32 $0x70, s8;
	s8 =	sadd.s32 $0x1000, s8;
	s13 =	smov.u32 s20  }
0x3c5: {  	[hbm4b:s18+s3] =	stream.linear.scatter [tilespmem:s9], [sflag:$0xC], $0x80, $0x38;
	[tilespmem:$0x1C100] =	vst v63  }
0x3c6: {  	s20 =	sadd.s32 $0x19F00, s7  }
0x3c7: {  	[hbm4b:s8+s3] =	stream.linear.scatter [tilespmem:s20], [sflag:$0xC], $0x80, $0x38;
	[tilespmem:$0x1C100] =	vst v63  }
0x3c8: {  	s26 =	sadd.s32 $0x19F88, s7;
	s13 =	sadd.s32 $0x10, s8  }
0x3c9: {  	[hbm4b:s13+s3] =	stream.linear.scatter [tilespmem:s26], [sflag:$0xC], $0x80, $0x38;
	[tilespmem:$0x1C100] =	vst v63  }
0x3ca: {  	s18 =	sadd.s32 $0x20, s8;
	s13 =	sadd.s32 $0x1A010, s7  }
0x3cb: {  	[hbm4b:s18+s3] =	stream.linear.scatter [tilespmem:s13], [sflag:$0xC], $0x80, $0x38;
	[tilespmem:$0x1C100] =	vst v63  }
0x3cc: {  	s20 =	sadd.s32 $0x1A098, s7;
	s26 =	sadd.s32 $0x30, s8  }
0x3cd: {  	[hbm4b:s26+s3] =	stream.linear.scatter [tilespmem:s20], [sflag:$0xC], $0x80, $0x38;
	[tilespmem:$0x1C100] =	vst v63  }
0x3ce: {  	s13 =	sadd.s32 $0x1A120, s7;
	s18 =	sadd.s32 $0x40, s8  }
0x3cf: {  	[hbm4b:s18+s3] =	stream.linear.scatter [tilespmem:s13], [sflag:$0xC], $0x80, $0x38;
	[tilespmem:$0x1C100] =	vst v63  }
0x3d0: {  	p0 =	seq.s32 s12, $0x7;
	s20 =	sadd.s32 $0x1A1A8, s7;
	s26 =	sadd.s32 $0x50, s8  }
0x3d1: {  	[hbm4b:s26+s3] =	stream.linear.scatter [tilespmem:s20], [sflag:$0xC], $0x80, $0x38;
	[tilespmem:$0x1C100] =	vst v63  }
.Ltmp22:
0x3d2: {  	_ = 	snop;
	(pc) =	sbr.rel @p0 .LBB2_42-.Ltmp22, $4  }
0x3d3: {  	s13 =	sadd.s32 $0x1A230, s7;
	s18 =	sadd.s32 $0x60, s8  }
0x3d4: {  	[hbm4b:s18+s3] =	stream.linear.scatter [tilespmem:s13], [sflag:$0xC], $0x80, $0x38;
	[tilespmem:$0x1C100] =	vst v63  }
0x3d5: {  	s20 =	sadd.s32 $0x1A2B8, s7;
	s26 =	sadd.s32 $0x70, s8  }
0x3d6: {  	[hbm4b:s26+s3] =	stream.linear.scatter [tilespmem:s20], [sflag:$0xC], $0x80, $0x38;
	[tilespmem:$0x1C100] =	vst v63  }
.Ltmp23:
0x3d7: {  	(pc) =	sbr.rel .LBB2_4-.Ltmp23, $3  }
0x3d8: {  	_ =	sdelay $0x1  }
0x3d9: {  	s7 =	sadd.s32 $0x2180, s29;
	s8 =	simm.s32 $0xD500;
	s12 =	sadd.s32 $0x1, s12  }
0x3da: {  	[tilespmem:s8], [sflag:$0x6] =	stream.indirect.gather [hbm4b:s4+s16], $0x40, s7, s16, $0xb8;
	[tilespmem:$0x1C100] =	vst v63  }
.LBB2_42:
0x3db: {  	_ =	swait.ge [sflag:s30], $0x2000  }
0x3dc: {  	[sflag:s30] =	ssyncset.done $0x0  }
0x3dd: {  	s20 =	simm.s32 $0x7;
	[sflag:s30] =	ssyncadd.s32 $0xFFFFE000  }
0x3de: {  	s7 =	simm.s32 $0x3;
	_ =	swait.ge [sflag:s20], $0x2000  }
0x3df: {  	s8 =	simm.s32 $0x0;
	v12 =	vmov s7;
	[sflag:s20] =	ssyncset.done $0x0  }
0x3e0: {  	s13 =	simm.s32 $0x3580;
	s9 =	simm.s32 $0x1;
	v13 =	vand.u32 $0x7F, v12;
	v12 =	vmov s8;
	[sflag:s20] =	ssyncadd.s32 $0xFFFFE000  }
0x3e1: {  	v16 =	vadd.s32 v5, v13;
	v14 =	vand.u32 $0x7C, v12;
	v12 =	vmov s9;
	v15 =	vld [tilespmem:s13+$0x40]  }
0x3e2: {  	v18 =	vadd.s32 v5, v14;
	v19 =	vand.u32 $0x7D, v12;
	v17 =	vld [tilespmem:s13+$0xFFFFFF80]  }
0x3e3: {  	s12 =	simm.s32 $0x2;
	v20 =	vadd.s32 v5, v19;
	v12 =	vld [tilespmem:s13+$0xFFFFFFC0]  }
0x3e4: {  	v21 =	vmov s12  }
0x3e5: {  	v21 =	vand.u32 $0x7E, v21  }
0x3e6: {  	v23 =	vadd.s32 v5, v21;
	v22 =	vld [tilespmem:s13+$0x0];
	[tilespmem:v16+s31+$0x0] =	vst.idx.msk $0xffff, v15  }
0x3e7: {  	v16 =	vadd.s32 v9, v13;
	[tilespmem:v18+s31+$0x0] =	vst.idx.msk $0xffff, v17;
	v15 =	vld [tilespmem:s13+$0x50]  }
0x3e8: {  	v18 =	vadd.s32 v9, v14;
	[tilespmem:v20+s31+$0x0] =	vst.idx.msk $0xffff, v12;
	v17 =	vld [tilespmem:s13+$0xFFFFFF90]  }
0x3e9: {  	v20 =	vadd.s32 v9, v19;
	v12 =	vld [tilespmem:s13+$0xFFFFFFD0];
	_ =	sdelay $0x1  }
0x3ea: {  	[tilespmem:v23+s31+$0x0] =	vst.idx.msk $0xffff, v22  }
0x3eb: {  	v24 =	vadd.s32 v9, v21;
	v23 =	vld [tilespmem:s13+$0x10];
	[tilespmem:v16+s31+$0x0] =	vst.idx.msk $0xffff, v15  }
0x3ec: {  	s18 =	simm.s32 $0x7;
	v22 =	vadd.s32 v10, v13;
	[tilespmem:v18+s31+$0x0] =	vst.idx.msk $0xffff, v17;
	v15 =	vld [tilespmem:s13+$0x60]  }
0x3ed: {  	v18 =	vadd.s32 v10, v14;
	v16 =	vmov s18;
	[tilespmem:v20+s31+$0x0] =	vst.idx.msk $0xffff, v12;
	v17 =	vld [tilespmem:s13+$0xFFFFFFA0]  }
0x3ee: {  	s12 =	simm.s32 $0x3680;
	v25 =	vadd.s32 v10, v19;
	v16 =	vand.u32 $0x7F, v16;
	v20 =	vld [tilespmem:s13+$0xFFFFFFE0]  }
0x3ef: {  	s8 =	simm.s32 $0x4;
	v26 =	vld [tilespmem:s12+$0x40];
	v27 =	vadd.s32 v5, v16  }
0x3f0: {  	s26 =	simm.s32 $0x5;
	v12 =	vmov s8;
	[tilespmem:v24+s31+$0x0] =	vst.idx.msk $0xffff, v23  }
0x3f1: {  	v30 =	vmov s26;
	v12 =	vand.u32 $0x7C, v12;
	[tilespmem:v22+s31+$0x0] =	vst.idx.msk $0xffff, v15  }
0x3f2: {  	s29 =	simm.s32 $0x6;
	v28 =	vld [tilespmem:s12+$0xFFFFFF80];
	v29 =	vadd.s32 v5, v12;
	v15 =	vand.u32 $0x7D, v30;
	[tilespmem:v18+s31+$0x0] =	vst.idx.msk $0xffff, v17  }
0x3f3: {  	v22 =	vmov s29;
	v17 =	vld [tilespmem:s12+$0xFFFFFFC0];
	[tilespmem:v25+s31+$0x0] =	vst.idx.msk $0xffff, v20;
	v18 =	vadd.s32 v5, v15  }
0x3f4: {  	v24 =	vadd.s32 v11, v13;
	v20 =	vld [tilespmem:s13+$0x20];
	v13 =	vand.u32 $0x7E, v22;
	[tilespmem:v27+s31+$0x0] =	vst.idx.msk $0xffff, v26;
	v26 =	vadd.s32 v10, v21  }
0x3f5: {  	v22 =	vld [tilespmem:s12+$0x0];
	v62 =	vadd.s32 v5, v13  }
0x3f6: {  	v23 =	vld [tilespmem:s13+$0x70]  }
0x3f7: {  	v63 =	vadd.s32 v9, v16;
	[tilespmem:v29+s31+$0x0] =	vst.idx.msk $0xffff, v28;
	v27 =	vld [tilespmem:s12+$0x50]  }
0x3f8: {  	v31 =	vadd.s32 v9, v12;
	v29 =	vld [tilespmem:s12+$0xFFFFFF90];
	[tilespmem:v18+s31+$0x0] =	vst.idx.msk $0xffff, v17  }
0x3f9: {  	v33 =	vadd.s32 v11, v19;
	v32 =	vld [tilespmem:s13+$0xFFFFFFF0];
	[tilespmem:v26+s31+$0x0] =	vst.idx.msk $0xffff, v20  }
0x3fa: {  	v26 =	vadd.s32 v9, v15;
	v25 =	vld [tilespmem:s12+$0xFFFFFFD0];
	[tilespmem:v62+s31+$0x0] =	vst.idx.msk $0xffff, v22  }
0x3fb: {  	[tilespmem:v24+s31+$0x0] =	vst.idx.msk $0xffff, v23;
	v24 =	vadd.s32 v9, v13;
	v23 =	vld [tilespmem:s12+$0x10]  }
0x3fc: {  	[tilespmem:v63+s31+$0x0] =	vst.idx.msk $0xffff, v27;
	v19 =	vld [tilespmem:s13+$0x30];
	v22 =	vadd.s32 v11, v21  }
0x3fd: {  	v20 =	vadd.s32 v10, v16;
	[tilespmem:v31+s31+$0x0] =	vst.idx.msk $0xffff, v29;
	v17 =	vld [tilespmem:s12+$0x60]  }
0x3fe: {  	s7 =	simm.s32 $0x8;
	s9 =	simm.s32 $0xB;
	s8 =	simm.s32 $0xC;
	[tilespmem:v33+s31+$0x0] =	vst.idx.msk $0xffff, v32;
	v21 =	vadd.s32 v10, v12;
	v18 =	vld [tilespmem:s12+$0xFFFFFFA0]  }
.LBB2_43:
0x3ff: {  	p0 =	slt.u32 s8, $0x7C;
	v27 =	vmov s9;
	[tilespmem:v26+s31+$0x0] =	vst.idx.msk $0xffff, v25;
	v25 =	vld [tilespmem:s13+$0xFFFFFFB0];
	v26 =	vadd.s32 v11, v14;
	v14 =	vmov v12;
	s13 =	smov.u32 s12  }
0x400: {  	v12 =	vmov s7;
	v29 =	vadd.s32 v10, v15;
	s12 =	sadd.s32 $0x100, s12;
	v27 =	vand.u32 $0x7F, v27;
	v28 =	vld [tilespmem:s13+$0xFFFFFFE0];
	[tilespmem:v24+s31+$0x0] =	vst.idx.msk $0xffff, v23  }
0x401: {  	s9 =	sadd.s32 $0x1, s7;
	v12 =	vand.u32 $0x7C, v12;
	v23 =	vld [tilespmem:s12+$0x40];
	v24 =	vadd.s32 v5, v27;
	[tilespmem:v22+s31+$0x0] =	vst.idx.msk $0xffff, v19  }
0x402: {  	v30 =	vmov s9;
	s9 =	sadd.s32 $0x2, s7;
	s7 =	smov.u32 s8;
	v22 =	vadd.s32 v5, v12;
	v19 =	vld [tilespmem:s12+$0xFFFFFF80];
	[tilespmem:v20+s31+$0x0] =	vst.idx.msk $0xffff, v17  }
0x403: {  	v17 =	vand.u32 $0x7D, v30;
	v20 =	vmov s9;
	[tilespmem:v21+s31+$0x0] =	vst.idx.msk $0xffff, v18;
	v18 =	vld [tilespmem:s13+$0x70];
	v21 =	vadd.s32 v11, v16;
	v16 =	vmovc v27  }
0x404: {  	v30 =	vadd.s32 v5, v17;
	v20 =	vand.u32 $0x7E, v20;
	v27 =	vld [tilespmem:s12+$0xFFFFFFC0];
	[tilespmem:v26+s31+$0x0] =	vst.idx.msk $0xffff, v25  }
0x405: {  	v32 =	vadd.s32 v5, v20;
	v31 =	vld [tilespmem:s12+$0x0];
	[tilespmem:v29+s31+$0x0] =	vst.idx.msk $0xffff, v28  }
0x406: {  	v29 =	vadd.s32 v10, v13;
	[tilespmem:v24+s31+$0x0] =	vst.idx.msk $0xffff, v23;
	v28 =	vld [tilespmem:s13+$0x20]  }
0x407: {  	[tilespmem:v22+s31+$0x0] =	vst.idx.msk $0xffff, v19;
	v19 =	vld [tilespmem:s12+$0x50];
	v22 =	vadd.s32 v9, v16  }
0x408: {  	v34 =	vadd.s32 v9, v12;
	v33 =	vld [tilespmem:s12+$0xFFFFFF90];
	[tilespmem:v21+s31+$0x0] =	vst.idx.msk $0xffff, v18  }
0x409: {  	[tilespmem:v30+s31+$0x0] =	vst.idx.msk $0xffff, v27;
	v27 =	vld [tilespmem:s13+$0xFFFFFFF0];
	v30 =	vadd.s32 v11, v15;
	v15 =	vmov v17  }
.Ltmp24:
0x40a: {  	v25 =	vld [tilespmem:s12+$0xFFFFFFD0];
	v26 =	vadd.s32 v9, v15;
	[tilespmem:v32+s31+$0x0] =	vst.idx.msk $0xffff, v31;
	(pc) =	sbr.rel @p0 .LBB2_43-.Ltmp24, $4  }
0x40b: {  	v24 =	vadd.s32 v9, v20;
	v23 =	vld [tilespmem:s12+$0x10];
	[tilespmem:v29+s31+$0x0] =	vst.idx.msk $0xffff, v28  }
0x40c: {  	[tilespmem:v22+s31+$0x0] =	vst.idx.msk $0xffff, v19;
	v19 =	vld [tilespmem:s13+$0x30];
	v22 =	vadd.s32 v11, v13;
	v13 =	vmov v20  }
0x40d: {  	v20 =	vadd.s32 v10, v16;
	[tilespmem:v34+s31+$0x0] =	vst.idx.msk $0xffff, v33;
	v17 =	vld [tilespmem:s12+$0x60]  }
0x40e: {  	s8 =	sadd.s32 $0x4, s8;
	s9 =	sadd.s32 $0x3, s7;
	v21 =	vadd.s32 v10, v12;
	v18 =	vld [tilespmem:s12+$0xFFFFFFA0];
	[tilespmem:v30+s31+$0x0] =	vst.idx.msk $0xffff, v27  }
0x40f: {  	_ =	sdelay $0x2  }
0x410: {  	v27 =	vmov s9  }
0x411: {  	s18 =	sadd.s32 $0x1, s7;
	[tilespmem:v26+s31+$0x0] =	vst.idx.msk $0xffff, v25;
	v59 =	vld [tilespmem:s13+$0xFFFFFFB0];
	v14 =	vadd.s32 v11, v14;
	s8 =	sadd.s32 $0x100, s12;
	v29 =	vmov s7;
	v60 =	vand.u32 $0x7F, v27  }
0x412: {  	s26 =	sadd.s32 $0x2, s7;
	v61 =	vmov s18;
	[tilespmem:v24+s31+$0x0] =	vst.idx.msk $0xffff, v23;
	v62 =	vld [tilespmem:s8+$0x40];
	v29 =	vand.u32 $0x7C, v29;
	v63 =	vadd.s32 v5, v60  }
0x413: {  	v28 =	vmov s26;
	v30 =	vld [tilespmem:s8+$0xFFFFFF80];
	v27 =	vand.u32 $0x7D, v61;
	[tilespmem:v22+s31+$0x0] =	vst.idx.msk $0xffff, v19;
	v37 =	vadd.s32 v5, v29  }
0x414: {  	v33 =	vld [tilespmem:s8+$0xFFFFFFC0];
	v28 =	vand.u32 $0x7E, v28;
	v34 =	vadd.s32 v5, v27;
	[tilespmem:v20+s31+$0x0] =	vst.idx.msk $0xffff, v17  }
0x415: {  	v35 =	vld [tilespmem:s8+$0x0];
	v36 =	vadd.s32 v5, v28;
	[tilespmem:v21+s31+$0x0] =	vst.idx.msk $0xffff, v18  }
0x416: {  	v39 =	vadd.s32 v10, v15;
	v38 =	vld [tilespmem:s12+$0xFFFFFFE0];
	[tilespmem:v14+s31+$0x0] =	vst.idx.msk $0xffff, v59  }
0x417: {  	v47 =	vadd.s32 v10, v13;
	v46 =	vld [tilespmem:s12+$0x20];
	[tilespmem:v63+s31+$0x0] =	vst.idx.msk $0xffff, v62  }
0x418: {  	v41 =	vadd.s32 v9, v60;
	[tilespmem:v37+s31+$0x0] =	vst.idx.msk $0xffff, v30;
	v23 =	vld [tilespmem:s8+$0x50]  }
0x419: {  	v45 =	vadd.s32 v9, v29;
	[tilespmem:v34+s31+$0x0] =	vst.idx.msk $0xffff, v33;
	v44 =	vld [tilespmem:s8+$0xFFFFFF90]  }
0x41a: {  	v42 =	vadd.s32 v9, v27;
	[tilespmem:v36+s31+$0x0] =	vst.idx.msk $0xffff, v35;
	v19 =	vld [tilespmem:s8+$0xFFFFFFD0]  }
0x41b: {  	v43 =	vadd.s32 v9, v28;
	[tilespmem:v39+s31+$0x0] =	vst.idx.msk $0xffff, v38;
	v17 =	vld [tilespmem:s8+$0x10]  }
0x41c: {  	v16 =	vadd.s32 v11, v16;
	v40 =	vld [tilespmem:s12+$0x70];
	[tilespmem:v47+s31+$0x0] =	vst.idx.msk $0xffff, v46  }
0x41d: {  	v12 =	vadd.s32 v11, v12;
	v57 =	vld [tilespmem:s12+$0xFFFFFFB0];
	[tilespmem:v41+s31+$0x0] =	vst.idx.msk $0xffff, v23  }
0x41e: {  	v50 =	vadd.s32 v10, v60;
	[tilespmem:v45+s31+$0x0] =	vst.idx.msk $0xffff, v44;
	v23 =	vld [tilespmem:s8+$0x60]  }
0x41f: {  	v55 =	vadd.s32 v10, v29;
	[tilespmem:v42+s31+$0x0] =	vst.idx.msk $0xffff, v19;
	v54 =	vld [tilespmem:s8+$0xFFFFFFA0]  }
0x420: {  	v51 =	vadd.s32 v10, v27;
	[tilespmem:v43+s31+$0x0] =	vst.idx.msk $0xffff, v17;
	v19 =	vld [tilespmem:s8+$0xFFFFFFE0]  }
0x421: {  	v53 =	vadd.s32 v10, v28;
	[tilespmem:v16+s31+$0x0] =	vst.idx.msk $0xffff, v40;
	v52 =	vld [tilespmem:s8+$0x20]  }
0x422: {  	v49 =	vadd.s32 v11, v15;
	v48 =	vld [tilespmem:s12+$0xFFFFFFF0];
	[tilespmem:v12+s31+$0x0] =	vst.idx.msk $0xffff, v57  }
0x423: {  	v56 =	vadd.s32 v11, v13;
	v21 =	vld [tilespmem:s12+$0x30];
	[tilespmem:v50+s31+$0x0] =	vst.idx.msk $0xffff, v23  }
0x424: {  	v59 =	vadd.s32 v11, v60;
	[tilespmem:v55+s31+$0x0] =	vst.idx.msk $0xffff, v54;
	v58 =	vld [tilespmem:s8+$0x70]  }
0x425: {  	v63 =	vadd.s32 v11, v29;
	[tilespmem:v51+s31+$0x0] =	vst.idx.msk $0xffff, v19;
	v62 =	vld [tilespmem:s8+$0xFFFFFFB0]  }
0x426: {  	v60 =	vadd.s32 v11, v27;
	[tilespmem:v53+s31+$0x0] =	vst.idx.msk $0xffff, v52;
	v19 =	vld [tilespmem:s8+$0xFFFFFFF0]  }
0x427: {  	v61 =	vadd.s32 v11, v28;
	[tilespmem:v49+s31+$0x0] =	vst.idx.msk $0xffff, v48;
	v14 =	vld [tilespmem:s8+$0x30]  }
0x428: {  	[tilespmem:v56+s31+$0x0] =	vst.idx.msk $0xffff, v21  }
0x429: {  	[tilespmem:v59+s31+$0x0] =	vst.idx.msk $0xffff, v58  }
0x42a: {  	[tilespmem:v63+s31+$0x0] =	vst.idx.msk $0xffff, v62  }
0x42b: {  	[tilespmem:v60+s31+$0x0] =	vst.idx.msk $0xffff, v19  }
0x42c: {  	[tilespmem:v61+s31+$0x0] =	vst.idx.msk $0xffff, v14  }
0x42d: {  	s29 =	simm.s32 $0xF500;
	s18 =	rddreg [dreg:$0x7]  }
0x42e: {  	[hbm4b:s18+s3] =	stream.linear.scatter [tilespmem:s29], [sflag:$0x7], $0x80, $0x38;
	[tilespmem:$0x1C100] =	vst v63  }
0x42f: {  	s8 =	simm.s32 $0xF588;
	s9 =	sadd.s32 $0x10, s18  }
0x430: {  	[hbm4b:s9+s3] =	stream.linear.scatter [tilespmem:s8], [sflag:$0x7], $0x80, $0x38;
	[tilespmem:$0x1C100] =	vst v63  }
0x431: {  	s12 =	simm.s32 $0xF610;
	s13 =	sadd.s32 $0x20, s18  }
0x432: {  	[hbm4b:s13+s3] =	stream.linear.scatter [tilespmem:s12], [sflag:$0x7], $0x80, $0x38;
	[tilespmem:$0x1C100] =	vst v63  }
0x433: {  	s26 =	simm.s32 $0xF698;
	s29 =	sadd.s32 $0x30, s18  }
0x434: {  	[hbm4b:s29+s3] =	stream.linear.scatter [tilespmem:s26], [sflag:$0x7], $0x80, $0x38;
	[tilespmem:$0x1C100] =	vst v63  }
0x435: {  	s7 =	simm.s32 $0x440;
	s8 =	simm.s32 $0xF720;
	s9 =	sadd.s32 $0x40, s18  }
0x436: {  	[hbm4b:s9+s3] =	stream.linear.scatter [tilespmem:s8], [sflag:$0x7], $0x80, $0x38;
	[tilespmem:$0x1C100] =	vst v63  }
0x437: {  	s12 =	simm.s32 $0xF7A8;
	s13 =	sadd.s32 $0x50, s18;
	s26 =	simm.s32 $0xF830  }
0x438: {  	[hbm4b:s13+s3] =	stream.linear.scatter [tilespmem:s12], [sflag:$0x7], $0x80, $0x38;
	[tilespmem:$0x1C100] =	vst v63  }
0x439: {  	s29 =	sadd.s32 $0x60, s18;
	s9 =	simm.s32 $0xF8B8;
	s8 =	sadd.s32 $0x1000, s18  }
0x43a: {  	[hbm4b:s29+s3] =	stream.linear.scatter [tilespmem:s26], [sflag:$0x7], $0x80, $0x38;
	[tilespmem:$0x1C100] =	vst v63  }
0x43b: {  	s12 =	simm.s32 $0x2200;
	s13 =	sadd.s32 $0x70, s18;
	s26 =	simm.s32 $0x8  }
.LBB2_45:
0x43c: {  	[hbm4b:s13+s3] =	stream.linear.scatter [tilespmem:s9], [sflag:$0x7], $0x80, $0x38;
	[tilespmem:$0x1C100] =	vst v63  }
0x43d: {  	s9 =	smov.u32 s7;
	s7 =	smov.u32 s12  }
0x43e: {  	s18 =	sadd.s32 $0x1100, s12;
	s7 =	sshra.s32 s7, $0x2;
	s13 =	sadd.s32 $0xF500, s9  }
0x43f: {  	[hbm4b:s8+s3] =	stream.linear.scatter [tilespmem:s13], [sflag:$0x7], $0x80, $0x38;
	[tilespmem:$0x1C100] =	vst v63  }
0x440: {  	p0 =	sne.s32 s12, $0x7700;
	s12 =	sadd.s32 $0xF588, s9;
	s13 =	sadd.s32 $0x10, s8  }
0x441: {  	[hbm4b:s13+s3] =	stream.linear.scatter [tilespmem:s12], [sflag:$0x7], $0x80, $0x38;
	[tilespmem:$0x1C100] =	vst v63  }
0x442: {  	s12 =	sadd.s32 $0xF610, s9;
	s13 =	sadd.s32 $0x20, s8  }
0x443: {  	[hbm4b:s13+s3] =	stream.linear.scatter [tilespmem:s12], [sflag:$0x7], $0x80, $0x38;
	[tilespmem:$0x1C100] =	vst v63  }
0x444: {  	s12 =	sadd.s32 $0xF698, s9;
	s13 =	sadd.s32 $0x30, s8  }
0x445: {  	[hbm4b:s13+s3] =	stream.linear.scatter [tilespmem:s12], [sflag:$0x7], $0x80, $0x38;
	[tilespmem:$0x1C100] =	vst v63  }
0x446: {  	s12 =	sadd.s32 $0xF720, s9;
	s13 =	sadd.s32 $0x40, s8  }
0x447: {  	[hbm4b:s13+s3] =	stream.linear.scatter [tilespmem:s12], [sflag:$0x7], $0x80, $0x38;
	[tilespmem:$0x1C100] =	vst v63  }
.Ltmp25:
0x448: {  	s12 =	sadd.s32 $0xF7A8, s9;
	s13 =	sadd.s32 $0x50, s8;
	(pc) =	sbr.rel @p0 .LBB2_45-.Ltmp25, $4  }
0x449: {  	[hbm4b:s13+s3] =	stream.linear.scatter [tilespmem:s12], [sflag:$0x7], $0x80, $0x38;
	[tilespmem:$0x1C100] =	vst v63  }
0x44a: {  	s12 =	sadd.s32 $0xF830, s9;
	s13 =	sadd.s32 $0x60, s8;
	s9 =	sadd.s32 $0xF8B8, s9  }
0x44b: {  	[hbm4b:s13+s3] =	stream.linear.scatter [tilespmem:s12], [sflag:$0x7], $0x80, $0x38;
	[tilespmem:$0x1C100] =	vst v63  }
0x44c: {  	s13 =	sadd.s32 $0x70, s8;
	s8 =	sadd.s32 $0x1000, s8;
	s12 =	smov.u32 s18  }
0x44d: {  	[hbm4b:s13+s3] =	stream.linear.scatter [tilespmem:s9], [sflag:$0x7], $0x80, $0x38;
	[tilespmem:$0x1C100] =	vst v63  }
0x44e: {  	s12 =	sadd.s32 $0xF500, s7  }
0x44f: {  	[hbm4b:s8+s3] =	stream.linear.scatter [tilespmem:s12], [sflag:$0x7], $0x80, $0x38;
	[tilespmem:$0x1C100] =	vst v63  }
0x450: {  	s13 =	sadd.s32 $0xF588, s7;
	s12 =	sadd.s32 $0x10, s8  }
0x451: {  	[hbm4b:s12+s3] =	stream.linear.scatter [tilespmem:s13], [sflag:$0x7], $0x80, $0x38;
	[tilespmem:$0x1C100] =	vst v63  }
0x452: {  	s18 =	sadd.s32 $0xF610, s7;
	s29 =	sadd.s32 $0x20, s8  }
0x453: {  	[hbm4b:s29+s3] =	stream.linear.scatter [tilespmem:s18], [sflag:$0x7], $0x80, $0x38;
	[tilespmem:$0x1C100] =	vst v63  }
0x454: {  	s12 =	sadd.s32 $0xF698, s7;
	s13 =	sadd.s32 $0x30, s8  }
0x455: {  	[hbm4b:s13+s3] =	stream.linear.scatter [tilespmem:s12], [sflag:$0x7], $0x80, $0x38;
	[tilespmem:$0x1C100] =	vst v63  }
0x456: {  	s18 =	sadd.s32 $0xF720, s7;
	s29 =	sadd.s32 $0x40, s8  }
0x457: {  	[hbm4b:s29+s3] =	stream.linear.scatter [tilespmem:s18], [sflag:$0x7], $0x80, $0x38;
	[tilespmem:$0x1C100] =	vst v63  }
0x458: {  	s12 =	sadd.s32 $0xF7A8, s7;
	s13 =	sadd.s32 $0x50, s8  }
0x459: {  	[hbm4b:s13+s3] =	stream.linear.scatter [tilespmem:s12], [sflag:$0x7], $0x80, $0x38;
	[tilespmem:$0x1C100] =	vst v63  }
0x45a: {  	s18 =	sadd.s32 $0xF830, s7;
	s29 =	sadd.s32 $0x60, s8  }
0x45b: {  	[hbm4b:s29+s3] =	stream.linear.scatter [tilespmem:s18], [sflag:$0x7], $0x80, $0x38;
	[tilespmem:$0x1C100] =	vst v63  }
0x45c: {  	s9 =	sadd.s32 $0xF8B8, s7;
	s12 =	sadd.s32 $0x70, s8  }
0x45d: {  	[hbm4b:s12+s3] =	stream.linear.scatter [tilespmem:s9], [sflag:$0x7], $0x80, $0x38;
	[tilespmem:$0x1C100] =	vst v63  }
0x45e: {  	_ =	swait.ge [sflag:s1], $0x2000  }
0x45f: {  	[sflag:s1] =	ssyncset.done $0x0  }
0x460: {  	[sflag:s1] =	ssyncadd.s32 $0xFFFFE000  }
0x461: {  	s13 =	simm.s32 $0x3;
	_ =	swait.ge [sflag:s26], $0x2000  }
0x462: {  	v12 =	vmov s13;
	s18 =	simm.s32 $0x0;
	[sflag:s26] =	ssyncset.done $0x0  }
0x463: {  	s13 =	simm.s32 $0x55F0;
	v13 =	vand.u32 $0x7F, v12;
	s29 =	simm.s32 $0x1;
	v12 =	vmov s18;
	[sflag:s26] =	ssyncadd.s32 $0xFFFFE000  }
0x464: {  	v16 =	vadd.s32 v5, v13;
	v14 =	vand.u32 $0x7C, v12;
	v12 =	vmov s29;
	v15 =	vld [tilespmem:s13+$0xFFFFFFD0]  }
0x465: {  	v18 =	vadd.s32 v5, v14;
	v19 =	vand.u32 $0x7D, v12;
	v17 =	vld [tilespmem:s13+$0xFFFFFF10]  }
0x466: {  	s8 =	simm.s32 $0x2;
	v20 =	vadd.s32 v5, v19;
	v12 =	vld [tilespmem:s13+$0xFFFFFF50]  }
0x467: {  	v21 =	vmov s8  }
0x468: {  	v21 =	vand.u32 $0x7E, v21  }
0x469: {  	v23 =	vadd.s32 v5, v21;
	v22 =	vld [tilespmem:s13+$0xFFFFFF90];
	[tilespmem:v16+s0+$0x0] =	vst.idx.msk $0xffff, v15  }
0x46a: {  	v16 =	vadd.s32 v9, v13;
	[tilespmem:v18+s0+$0x0] =	vst.idx.msk $0xffff, v17;
	v15 =	vld [tilespmem:s13+$0xFFFFFFE0]  }
0x46b: {  	v18 =	vadd.s32 v9, v14;
	[tilespmem:v20+s0+$0x0] =	vst.idx.msk $0xffff, v12;
	v17 =	vld [tilespmem:s13+$0xFFFFFF20]  }
0x46c: {  	v20 =	vadd.s32 v9, v19;
	v12 =	vld [tilespmem:s13+$0xFFFFFF60];
	_ =	sdelay $0x1  }
0x46d: {  	[tilespmem:v23+s0+$0x0] =	vst.idx.msk $0xffff, v22  }
0x46e: {  	v24 =	vadd.s32 v9, v21;
	v23 =	vld [tilespmem:s13+$0xFFFFFFA0];
	[tilespmem:v16+s0+$0x0] =	vst.idx.msk $0xffff, v15  }
0x46f: {  	s9 =	simm.s32 $0x7;
	v22 =	vadd.s32 v10, v13;
	[tilespmem:v18+s0+$0x0] =	vst.idx.msk $0xffff, v17;
	v15 =	vld [tilespmem:s13+$0xFFFFFFF0]  }
0x470: {  	s12 =	simm.s32 $0x4;
	v18 =	vadd.s32 v10, v14;
	v16 =	vmov s9;
	[tilespmem:v20+s0+$0x0] =	vst.idx.msk $0xffff, v12;
	v17 =	vld [tilespmem:s13+$0xFFFFFF30]  }
0x471: {  	v25 =	vadd.s32 v10, v19;
	v12 =	vmov s12;
	s12 =	simm.s32 $0x56F0;
	v16 =	vand.u32 $0x7F, v16;
	v20 =	vld [tilespmem:s13+$0xFFFFFF70]  }
0x472: {  	v26 =	vld [tilespmem:s12+$0xFFFFFFD0];
	v27 =	vadd.s32 v5, v16  }
0x473: {  	s18 =	simm.s32 $0x5;
	[tilespmem:v24+s0+$0x0] =	vst.idx.msk $0xffff, v23  }
0x474: {  	v30 =	vmov s18;
	v12 =	vand.u32 $0x7C, v12;
	[tilespmem:v22+s0+$0x0] =	vst.idx.msk $0xffff, v15  }
0x475: {  	s29 =	simm.s32 $0x6;
	v28 =	vld [tilespmem:s12+$0xFFFFFF10];
	v29 =	vadd.s32 v5, v12;
	v15 =	vand.u32 $0x7D, v30;
	[tilespmem:v18+s0+$0x0] =	vst.idx.msk $0xffff, v17  }
0x476: {  	v22 =	vmov s29;
	v17 =	vld [tilespmem:s12+$0xFFFFFF50];
	[tilespmem:v25+s0+$0x0] =	vst.idx.msk $0xffff, v20;
	v18 =	vadd.s32 v5, v15  }
0x477: {  	v24 =	vadd.s32 v11, v13;
	v20 =	vld [tilespmem:s13+$0xFFFFFFB0];
	v13 =	vand.u32 $0x7E, v22;
	[tilespmem:v27+s0+$0x0] =	vst.idx.msk $0xffff, v26;
	v26 =	vadd.s32 v10, v21  }
0x478: {  	v22 =	vld [tilespmem:s12+$0xFFFFFF90];
	v62 =	vadd.s32 v5, v13  }
0x479: {  	v23 =	vld [tilespmem:s13+$0x0]  }
0x47a: {  	v63 =	vadd.s32 v9, v16;
	[tilespmem:v29+s0+$0x0] =	vst.idx.msk $0xffff, v28;
	v27 =	vld [tilespmem:s12+$0xFFFFFFE0]  }
0x47b: {  	v31 =	vadd.s32 v9, v12;
	v29 =	vld [tilespmem:s12+$0xFFFFFF20];
	[tilespmem:v18+s0+$0x0] =	vst.idx.msk $0xffff, v17  }
0x47c: {  	v33 =	vadd.s32 v11, v19;
	v32 =	vld [tilespmem:s13+$0xFFFFFF80];
	[tilespmem:v26+s0+$0x0] =	vst.idx.msk $0xffff, v20  }
0x47d: {  	v26 =	vadd.s32 v9, v15;
	v25 =	vld [tilespmem:s12+$0xFFFFFF60];
	[tilespmem:v62+s0+$0x0] =	vst.idx.msk $0xffff, v22  }
0x47e: {  	[tilespmem:v24+s0+$0x0] =	vst.idx.msk $0xffff, v23;
	v24 =	vadd.s32 v9, v13;
	v23 =	vld [tilespmem:s12+$0xFFFFFFA0]  }
0x47f: {  	[tilespmem:v63+s0+$0x0] =	vst.idx.msk $0xffff, v27;
	v19 =	vld [tilespmem:s13+$0xFFFFFFC0];
	v22 =	vadd.s32 v11, v21  }
0x480: {  	v20 =	vadd.s32 v10, v16;
	[tilespmem:v31+s0+$0x0] =	vst.idx.msk $0xffff, v29;
	v17 =	vld [tilespmem:s12+$0xFFFFFFF0]  }
0x481: {  	s7 =	simm.s32 $0x8;
	s8 =	simm.s32 $0xC;
	s9 =	simm.s32 $0xB;
	[tilespmem:v33+s0+$0x0] =	vst.idx.msk $0xffff, v32;
	v21 =	vadd.s32 v10, v12;
	v18 =	vld [tilespmem:s12+$0xFFFFFF30]  }
.LBB2_47:
0x482: {  	p0 =	slt.u32 s8, $0x7C;
	v27 =	vmov s9;
	[tilespmem:v26+s0+$0x0] =	vst.idx.msk $0xffff, v25;
	v25 =	vld [tilespmem:s13+$0xFFFFFF40];
	v26 =	vadd.s32 v11, v14;
	v14 =	vmov v12;
	s13 =	smov.u32 s12  }
0x483: {  	v12 =	vmov s7;
	v29 =	vadd.s32 v10, v15;
	s12 =	sadd.s32 $0x100, s12;
	v27 =	vand.u32 $0x7F, v27;
	v28 =	vld [tilespmem:s13+$0xFFFFFF70];
	[tilespmem:v24+s0+$0x0] =	vst.idx.msk $0xffff, v23  }
0x484: {  	s9 =	sadd.s32 $0x1, s7;
	v12 =	vand.u32 $0x7C, v12;
	v23 =	vld [tilespmem:s12+$0xFFFFFFD0];
	v24 =	vadd.s32 v5, v27;
	[tilespmem:v22+s0+$0x0] =	vst.idx.msk $0xffff, v19  }
0x485: {  	v30 =	vmov s9;
	s9 =	sadd.s32 $0x2, s7;
	s7 =	smov.u32 s8;
	v22 =	vadd.s32 v5, v12;
	v19 =	vld [tilespmem:s12+$0xFFFFFF10];
	[tilespmem:v20+s0+$0x0] =	vst.idx.msk $0xffff, v17  }
0x486: {  	v17 =	vand.u32 $0x7D, v30;
	v20 =	vmov s9;
	[tilespmem:v21+s0+$0x0] =	vst.idx.msk $0xffff, v18;
	v18 =	vld [tilespmem:s13+$0x0];
	v21 =	vadd.s32 v11, v16;
	v16 =	vmovc v27  }
0x487: {  	v30 =	vadd.s32 v5, v17;
	v20 =	vand.u32 $0x7E, v20;
	v27 =	vld [tilespmem:s12+$0xFFFFFF50];
	[tilespmem:v26+s0+$0x0] =	vst.idx.msk $0xffff, v25  }
0x488: {  	v32 =	vadd.s32 v5, v20;
	v31 =	vld [tilespmem:s12+$0xFFFFFF90];
	[tilespmem:v29+s0+$0x0] =	vst.idx.msk $0xffff, v28  }
0x489: {  	v29 =	vadd.s32 v10, v13;
	[tilespmem:v24+s0+$0x0] =	vst.idx.msk $0xffff, v23;
	v28 =	vld [tilespmem:s13+$0xFFFFFFB0]  }
0x48a: {  	[tilespmem:v22+s0+$0x0] =	vst.idx.msk $0xffff, v19;
	v19 =	vld [tilespmem:s12+$0xFFFFFFE0];
	v22 =	vadd.s32 v9, v16  }
0x48b: {  	v34 =	vadd.s32 v9, v12;
	v33 =	vld [tilespmem:s12+$0xFFFFFF20];
	[tilespmem:v21+s0+$0x0] =	vst.idx.msk $0xffff, v18  }
0x48c: {  	[tilespmem:v30+s0+$0x0] =	vst.idx.msk $0xffff, v27;
	v27 =	vld [tilespmem:s13+$0xFFFFFF80];
	v30 =	vadd.s32 v11, v15;
	v15 =	vmov v17  }
.Ltmp26:
0x48d: {  	v25 =	vld [tilespmem:s12+$0xFFFFFF60];
	v26 =	vadd.s32 v9, v15;
	[tilespmem:v32+s0+$0x0] =	vst.idx.msk $0xffff, v31;
	(pc) =	sbr.rel @p0 .LBB2_47-.Ltmp26, $4  }
0x48e: {  	v24 =	vadd.s32 v9, v20;
	v23 =	vld [tilespmem:s12+$0xFFFFFFA0];
	[tilespmem:v29+s0+$0x0] =	vst.idx.msk $0xffff, v28  }
0x48f: {  	[tilespmem:v22+s0+$0x0] =	vst.idx.msk $0xffff, v19;
	v19 =	vld [tilespmem:s13+$0xFFFFFFC0];
	v22 =	vadd.s32 v11, v13;
	v13 =	vmov v20  }
0x490: {  	v20 =	vadd.s32 v10, v16;
	[tilespmem:v34+s0+$0x0] =	vst.idx.msk $0xffff, v33;
	v17 =	vld [tilespmem:s12+$0xFFFFFFF0]  }
0x491: {  	s8 =	sadd.s32 $0x4, s8;
	s9 =	sadd.s32 $0x3, s7;
	v21 =	vadd.s32 v10, v12;
	v18 =	vld [tilespmem:s12+$0xFFFFFF30];
	[tilespmem:v30+s0+$0x0] =	vst.idx.msk $0xffff, v27  }
0x492: {  	_ =	sdelay $0x2  }
0x493: {  	v27 =	vmov s9  }
0x494: {  	s18 =	sadd.s32 $0x1, s7;
	[tilespmem:v26+s0+$0x0] =	vst.idx.msk $0xffff, v25;
	v59 =	vld [tilespmem:s13+$0xFFFFFF40];
	v14 =	vadd.s32 v11, v14;
	s8 =	sadd.s32 $0x100, s12;
	v29 =	vmov s7;
	v60 =	vand.u32 $0x7F, v27  }
0x495: {  	s29 =	sadd.s32 $0x2, s7;
	v61 =	vmov s18;
	[tilespmem:v24+s0+$0x0] =	vst.idx.msk $0xffff, v23;
	v62 =	vld [tilespmem:s8+$0xFFFFFFD0];
	v29 =	vand.u32 $0x7C, v29;
	v63 =	vadd.s32 v5, v60  }
0x496: {  	v28 =	vmov s29;
	v30 =	vld [tilespmem:s8+$0xFFFFFF10];
	v27 =	vand.u32 $0x7D, v61;
	[tilespmem:v22+s0+$0x0] =	vst.idx.msk $0xffff, v19;
	v37 =	vadd.s32 v5, v29  }
0x497: {  	v33 =	vld [tilespmem:s8+$0xFFFFFF50];
	v28 =	vand.u32 $0x7E, v28;
	v34 =	vadd.s32 v5, v27;
	[tilespmem:v20+s0+$0x0] =	vst.idx.msk $0xffff, v17  }
0x498: {  	v35 =	vld [tilespmem:s8+$0xFFFFFF90];
	v36 =	vadd.s32 v5, v28;
	[tilespmem:v21+s0+$0x0] =	vst.idx.msk $0xffff, v18  }
0x499: {  	v39 =	vadd.s32 v10, v15;
	v38 =	vld [tilespmem:s12+$0xFFFFFF70];
	[tilespmem:v14+s0+$0x0] =	vst.idx.msk $0xffff, v59  }
0x49a: {  	v47 =	vadd.s32 v10, v13;
	v46 =	vld [tilespmem:s12+$0xFFFFFFB0];
	[tilespmem:v63+s0+$0x0] =	vst.idx.msk $0xffff, v62  }
0x49b: {  	v41 =	vadd.s32 v9, v60;
	[tilespmem:v37+s0+$0x0] =	vst.idx.msk $0xffff, v30;
	v23 =	vld [tilespmem:s8+$0xFFFFFFE0]  }
0x49c: {  	v45 =	vadd.s32 v9, v29;
	[tilespmem:v34+s0+$0x0] =	vst.idx.msk $0xffff, v33;
	v44 =	vld [tilespmem:s8+$0xFFFFFF20]  }
0x49d: {  	v42 =	vadd.s32 v9, v27;
	[tilespmem:v36+s0+$0x0] =	vst.idx.msk $0xffff, v35;
	v19 =	vld [tilespmem:s8+$0xFFFFFF60]  }
0x49e: {  	v43 =	vadd.s32 v9, v28;
	[tilespmem:v39+s0+$0x0] =	vst.idx.msk $0xffff, v38;
	v17 =	vld [tilespmem:s8+$0xFFFFFFA0]  }
0x49f: {  	v16 =	vadd.s32 v11, v16;
	v40 =	vld [tilespmem:s12+$0x0];
	[tilespmem:v47+s0+$0x0] =	vst.idx.msk $0xffff, v46  }
0x4a0: {  	v12 =	vadd.s32 v11, v12;
	v57 =	vld [tilespmem:s12+$0xFFFFFF40];
	[tilespmem:v41+s0+$0x0] =	vst.idx.msk $0xffff, v23  }
0x4a1: {  	v50 =	vadd.s32 v10, v60;
	[tilespmem:v45+s0+$0x0] =	vst.idx.msk $0xffff, v44;
	v23 =	vld [tilespmem:s8+$0xFFFFFFF0]  }
0x4a2: {  	v55 =	vadd.s32 v10, v29;
	[tilespmem:v42+s0+$0x0] =	vst.idx.msk $0xffff, v19;
	v54 =	vld [tilespmem:s8+$0xFFFFFF30]  }
0x4a3: {  	v51 =	vadd.s32 v10, v27;
	[tilespmem:v43+s0+$0x0] =	vst.idx.msk $0xffff, v17;
	v19 =	vld [tilespmem:s8+$0xFFFFFF70]  }
0x4a4: {  	v53 =	vadd.s32 v10, v28;
	[tilespmem:v16+s0+$0x0] =	vst.idx.msk $0xffff, v40;
	v52 =	vld [tilespmem:s8+$0xFFFFFFB0]  }
0x4a5: {  	v49 =	vadd.s32 v11, v15;
	v48 =	vld [tilespmem:s12+$0xFFFFFF80];
	[tilespmem:v12+s0+$0x0] =	vst.idx.msk $0xffff, v57  }
0x4a6: {  	v56 =	vadd.s32 v11, v13;
	v21 =	vld [tilespmem:s12+$0xFFFFFFC0];
	[tilespmem:v50+s0+$0x0] =	vst.idx.msk $0xffff, v23  }
0x4a7: {  	v59 =	vadd.s32 v11, v60;
	[tilespmem:v55+s0+$0x0] =	vst.idx.msk $0xffff, v54;
	v58 =	vld [tilespmem:s8+$0x0]  }
0x4a8: {  	v63 =	vadd.s32 v11, v29;
	[tilespmem:v51+s0+$0x0] =	vst.idx.msk $0xffff, v19;
	v62 =	vld [tilespmem:s8+$0xFFFFFF40]  }
0x4a9: {  	v60 =	vadd.s32 v11, v27;
	[tilespmem:v53+s0+$0x0] =	vst.idx.msk $0xffff, v52;
	v19 =	vld [tilespmem:s8+$0xFFFFFF80]  }
0x4aa: {  	v61 =	vadd.s32 v11, v28;
	[tilespmem:v49+s0+$0x0] =	vst.idx.msk $0xffff, v48;
	v14 =	vld [tilespmem:s8+$0xFFFFFFC0]  }
0x4ab: {  	[tilespmem:v56+s0+$0x0] =	vst.idx.msk $0xffff, v21  }
0x4ac: {  	[tilespmem:v59+s0+$0x0] =	vst.idx.msk $0xffff, v58  }
0x4ad: {  	[tilespmem:v63+s0+$0x0] =	vst.idx.msk $0xffff, v62  }
0x4ae: {  	[tilespmem:v60+s0+$0x0] =	vst.idx.msk $0xffff, v19  }
0x4af: {  	[tilespmem:v61+s0+$0x0] =	vst.idx.msk $0xffff, v14  }
0x4b0: {  	s8 =	simm.s32 $0x11700;
	s18 =	rddreg [dreg:$0x8]  }
0x4b1: {  	[hbm4b:s18+s3] =	stream.linear.scatter [tilespmem:s8], [sflag:$0x8], $0x80, $0x38;
	[tilespmem:$0x1C100] =	vst v63  }
0x4b2: {  	s9 =	simm.s32 $0x11788;
	s12 =	sadd.s32 $0x10, s18  }
0x4b3: {  	[hbm4b:s12+s3] =	stream.linear.scatter [tilespmem:s9], [sflag:$0x8], $0x80, $0x38;
	[tilespmem:$0x1C100] =	vst v63  }
0x4b4: {  	s13 =	simm.s32 $0x11810;
	s29 =	sadd.s32 $0x20, s18  }
0x4b5: {  	[hbm4b:s29+s3] =	stream.linear.scatter [tilespmem:s13], [sflag:$0x8], $0x80, $0x38;
	[tilespmem:$0x1C100] =	vst v63  }
0x4b6: {  	s9 =	simm.s32 $0x11898;
	s12 =	sadd.s32 $0x30, s18  }
0x4b7: {  	[hbm4b:s12+s3] =	stream.linear.scatter [tilespmem:s9], [sflag:$0x8], $0x80, $0x38;
	[tilespmem:$0x1C100] =	vst v63  }
0x4b8: {  	s13 =	simm.s32 $0x11920;
	s29 =	sadd.s32 $0x40, s18  }
0x4b9: {  	[hbm4b:s29+s3] =	stream.linear.scatter [tilespmem:s13], [sflag:$0x8], $0x80, $0x38;
	[tilespmem:$0x1C100] =	vst v63  }
0x4ba: {  	s7 =	simm.s32 $0x440;
	s9 =	simm.s32 $0x119A8;
	s12 =	sadd.s32 $0x50, s18  }
0x4bb: {  	[hbm4b:s12+s3] =	stream.linear.scatter [tilespmem:s9], [sflag:$0x8], $0x80, $0x38;
	[tilespmem:$0x1C100] =	vst v63  }
0x4bc: {  	s8 =	sadd.s32 $0x1000, s18;
	s13 =	simm.s32 $0x11A30;
	s29 =	sadd.s32 $0x60, s18  }
0x4bd: {  	[hbm4b:s29+s3] =	stream.linear.scatter [tilespmem:s13], [sflag:$0x8], $0x80, $0x38;
	[tilespmem:$0x1C100] =	vst v63  }
0x4be: {  	s12 =	simm.s32 $0x2200;
	s9 =	simm.s32 $0x11AB8;
	s13 =	sadd.s32 $0x70, s18  }
.LBB2_49:
0x4bf: {  	[hbm4b:s13+s3] =	stream.linear.scatter [tilespmem:s9], [sflag:$0x8], $0x80, $0x38;
	[tilespmem:$0x1C100] =	vst v63  }
0x4c0: {  	s9 =	smov.u32 s7;
	s7 =	smov.u32 s12  }
0x4c1: {  	s18 =	sadd.s32 $0x1100, s12;
	s7 =	sshra.s32 s7, $0x2;
	s13 =	sadd.s32 $0x11700, s9  }
0x4c2: {  	[hbm4b:s8+s3] =	stream.linear.scatter [tilespmem:s13], [sflag:$0x8], $0x80, $0x38;
	[tilespmem:$0x1C100] =	vst v63  }
0x4c3: {  	p0 =	sne.s32 s12, $0x7700;
	s12 =	sadd.s32 $0x11788, s9;
	s13 =	sadd.s32 $0x10, s8  }
0x4c4: {  	[hbm4b:s13+s3] =	stream.linear.scatter [tilespmem:s12], [sflag:$0x8], $0x80, $0x38;
	[tilespmem:$0x1C100] =	vst v63  }
0x4c5: {  	s12 =	sadd.s32 $0x11810, s9;
	s13 =	sadd.s32 $0x20, s8  }
0x4c6: {  	[hbm4b:s13+s3] =	stream.linear.scatter [tilespmem:s12], [sflag:$0x8], $0x80, $0x38;
	[tilespmem:$0x1C100] =	vst v63  }
0x4c7: {  	s12 =	sadd.s32 $0x11898, s9;
	s13 =	sadd.s32 $0x30, s8  }
0x4c8: {  	[hbm4b:s13+s3] =	stream.linear.scatter [tilespmem:s12], [sflag:$0x8], $0x80, $0x38;
	[tilespmem:$0x1C100] =	vst v63  }
0x4c9: {  	s12 =	sadd.s32 $0x11920, s9;
	s13 =	sadd.s32 $0x40, s8  }
0x4ca: {  	[hbm4b:s13+s3] =	stream.linear.scatter [tilespmem:s12], [sflag:$0x8], $0x80, $0x38;
	[tilespmem:$0x1C100] =	vst v63  }
.Ltmp27:
0x4cb: {  	s12 =	sadd.s32 $0x119A8, s9;
	s13 =	sadd.s32 $0x50, s8;
	(pc) =	sbr.rel @p0 .LBB2_49-.Ltmp27, $4  }
0x4cc: {  	[hbm4b:s13+s3] =	stream.linear.scatter [tilespmem:s12], [sflag:$0x8], $0x80, $0x38;
	[tilespmem:$0x1C100] =	vst v63  }
0x4cd: {  	s12 =	sadd.s32 $0x11A30, s9;
	s13 =	sadd.s32 $0x60, s8;
	s9 =	sadd.s32 $0x11AB8, s9  }
0x4ce: {  	[hbm4b:s13+s3] =	stream.linear.scatter [tilespmem:s12], [sflag:$0x8], $0x80, $0x38;
	[tilespmem:$0x1C100] =	vst v63  }
0x4cf: {  	s13 =	sadd.s32 $0x70, s8;
	s8 =	sadd.s32 $0x1000, s8;
	s12 =	smov.u32 s18  }
0x4d0: {  	[hbm4b:s13+s3] =	stream.linear.scatter [tilespmem:s9], [sflag:$0x8], $0x80, $0x38;
	[tilespmem:$0x1C100] =	vst v63  }
0x4d1: {  	s12 =	sadd.s32 $0x11700, s7  }
0x4d2: {  	[hbm4b:s8+s3] =	stream.linear.scatter [tilespmem:s12], [sflag:$0x8], $0x80, $0x38;
	[tilespmem:$0x1C100] =	vst v63  }
0x4d3: {  	s13 =	sadd.s32 $0x11788, s7;
	s12 =	sadd.s32 $0x10, s8  }
0x4d4: {  	[hbm4b:s12+s3] =	stream.linear.scatter [tilespmem:s13], [sflag:$0x8], $0x80, $0x38;
	[tilespmem:$0x1C100] =	vst v63  }
0x4d5: {  	s18 =	sadd.s32 $0x11810, s7;
	s29 =	sadd.s32 $0x20, s8  }
0x4d6: {  	[hbm4b:s29+s3] =	stream.linear.scatter [tilespmem:s18], [sflag:$0x8], $0x80, $0x38;
	[tilespmem:$0x1C100] =	vst v63  }
0x4d7: {  	s12 =	sadd.s32 $0x11898, s7;
	s13 =	sadd.s32 $0x30, s8  }
0x4d8: {  	[hbm4b:s13+s3] =	stream.linear.scatter [tilespmem:s12], [sflag:$0x8], $0x80, $0x38;
	[tilespmem:$0x1C100] =	vst v63  }
0x4d9: {  	s18 =	sadd.s32 $0x11920, s7;
	s29 =	sadd.s32 $0x40, s8  }
0x4da: {  	[hbm4b:s29+s3] =	stream.linear.scatter [tilespmem:s18], [sflag:$0x8], $0x80, $0x38;
	[tilespmem:$0x1C100] =	vst v63  }
0x4db: {  	s12 =	sadd.s32 $0x119A8, s7;
	s13 =	sadd.s32 $0x50, s8  }
0x4dc: {  	[hbm4b:s13+s3] =	stream.linear.scatter [tilespmem:s12], [sflag:$0x8], $0x80, $0x38;
	[tilespmem:$0x1C100] =	vst v63  }
0x4dd: {  	s18 =	sadd.s32 $0x11A30, s7;
	s29 =	sadd.s32 $0x60, s8  }
0x4de: {  	[hbm4b:s29+s3] =	stream.linear.scatter [tilespmem:s18], [sflag:$0x8], $0x80, $0x38;
	[tilespmem:$0x1C100] =	vst v63  }
0x4df: {  	s13 =	sadd.s32 $0x11AB8, s7;
	s18 =	sadd.s32 $0x70, s8  }
0x4e0: {  	[hbm4b:s18+s3] =	stream.linear.scatter [tilespmem:s13], [sflag:$0x8], $0x80, $0x38;
	[tilespmem:$0x1C100] =	vst v63  }
0x4e1: {  	_ =	swait.ge [sflag:s20], $0x2000  }
0x4e2: {  	[sflag:s20] =	ssyncset.done $0x0  }
0x4e3: {  	[sflag:s20] =	ssyncadd.s32 $0xFFFFE000  }
0x4e4: {  	_ =	swait.ge [sflag:s26], $0x2000  }
0x4e5: {  	[sflag:s26] =	ssyncset.done $0x0  }
0x4e6: {  	s20 =	simm.s32 $0x9;
	[sflag:s26] =	ssyncadd.s32 $0xFFFFE000  }
0x4e7: {  	_ =	swait.ge [sflag:s20], $0x2000  }
0x4e8: {  	[sflag:s20] =	ssyncset.done $0x0  }
0x4e9: {  	[sflag:s20] =	ssyncadd.s32 $0xFFFFE000  }
0x4ea: {  	_ =	swait.ge [sflag:s25], $0x2000  }
0x4eb: {  	[sflag:s25] =	ssyncset.done $0x0  }
0x4ec: {  	[sflag:s25] =	ssyncadd.s32 $0xFFFFE000  }
0x4ed: {  	_ =	swait.ge [sflag:s14], $0x2000  }
0x4ee: {  	[sflag:s14] =	ssyncset.done $0x0  }
0x4ef: {  	[sflag:s14] =	ssyncadd.s32 $0xFFFFE000  }
0x4f0: {  	_ =	swait.ge [sflag:s22], $0x2000  }
0x4f1: {  	s26 =	rddreg [dreg:$0xa]  }
0x4f2: {  	s29 =	rddreg [dreg:$0x9];
	s8 =	sadd.s32 $0x1, s26  }
0x4f3: {  	p0 =	sne.s32 s8, s29  }
.Ltmp28:
0x4f4: {  	_ = 	snop;
	(pc) =	sbr.rel @p0 .LBB2_1-.Ltmp28, $3  }
0x4f5: {  	_ =	sdelay $0x1  }
0x4f6: {  	[sflag:s22] =	ssyncset.done $0x0  }
0x4f7: {  	s9 =	simm.s32 $0x1C80;
	[sflag:s22] =	ssyncadd.s32 $0xFFFFE000  }
0x4f8: {  	_ =	sfence.sel $0x180000  }
0x4f9: {  	[bflag:$0x0] =	sbarrier.arrive $0xFFFF  }
0x4fa: {  	_ =	strace $0x90000047  }
0x4fb: {  	s0 =	stileid.u32;
	[bflag:$0x2] =	sbarrier.arrive $0xFFFF  }
0x4fc: {  	p0 =	sne.s32 s0, $0x0;
	s0 =	rddreg [dreg:$0x2]  }
0x4fd: {  	s0 =	sadd.s32 @!p0 $0x100000, s0  }
0x4fe: {  	[sflag:s0] =	ssyncadd.tile.s32 @!p0 $0x1;
	_ =	shalt  }
.Lfunc_end2:
_tile_overlayer_lowered:
.L_overlay_start_2:
0x4ff: {  	(tag) =	ssettag $0x2  }
0x500: {  	s0 =	rddreg [dreg:$0x0];
	s2 =	stileid.u32  }
0x501: {  	s1 =	rddreg [dreg:$0x1];
	p0 =	sne.s32 s2, $0x0  }
0x502: {  	s3 =	rddreg [dreg:$0x2];
	[bflag:$0x3] =	sbarrier.arrive $0xFFFF;
	s2 =	simm.s32 @!p0 $0x1C0D  }
0x503: {  	[timem:s3], [sflag:s2] =	dma.local @!p0 [hbm:s0], s1  }
0x504: {  	s0 =	simm.s32 @!p0 $0xD  }
0x505: {  	_ =	swait.ge @!p0 [sflag:s0], s1  }
0x506: {  	s1 =	ssub.s32 @!p0 $0x0, s1;
	[sflag:s0] =	ssyncset.done @!p0 $0x0  }
0x507: {  	[sflag:s0] =	ssyncadd.s32 @!p0 s1  }
0x508: {  	[bflag:$0x3] =	sbarrier.arrive $0xFFFF  }
0x509: {  	_ =	shalt  }

</sc_bundles>
